<compile_context>
chip_gen: v7x
topology: tpu7x:2x2x1
jax: 0.10.2.dev20260603
libtpu: 0.0.44.dev20260713+nightly
codegen_flags: <defaults>
</compile_context>

<pallas_src>
import functools

import jax
import jax.numpy as jnp
from jax import lax
from jax.experimental import pallas as pl
from jax.experimental.pallas import tpu as pltpu
from jax.experimental.pallas import tpu_sc as plsc


N = 10000
E = 160000
D_IN = 256
D_MID = 256
D_EMB = 64

_NC, _NS = 2, 16
_NW = _NC * _NS



def _mm_body(x_ref, w_ref, o_ref, *, relu_in):
    x = x_ref[...]
    if relu_in:
        x = jnp.maximum(x, 0.0)
    o_ref[...] = jax.lax.dot_general(
        x, w_ref[...], (((1,), (0,)), ((), ())),
        preferred_element_type=jnp.float32)


def _matmul(x, w, relu_in=False, br=1000):
    m, k = x.shape
    k2, n = w.shape
    grid = m // br
    return pl.pallas_call(
        functools.partial(_mm_body, relu_in=relu_in),
        grid=(grid,),
        in_specs=[
            pl.BlockSpec((br, k), lambda i: (i, 0)),
            pl.BlockSpec((k, n), lambda i: (0, 0)),
        ],
        out_specs=pl.BlockSpec((br, n), lambda i: (i, 0)),
        out_shape=jax.ShapeDtypeStruct((m, n), jnp.float32),
    )(x, w)



def _make_spmm_sc(n, d, e, splits, chunk, sub):
    g_groups = d // 8
    assert g_groups * splits == _NW
    ept = e // splits
    nchunks = ept // chunk
    nsub = chunk // sub
    assert nchunks * chunk == ept and nsub * sub == chunk and sub % 16 == 0
    assert nchunks % 2 == 0
    mesh = plsc.VectorSubcoreMesh(core_axis_name="c", subcore_axis_name="s",
                                  num_cores=_NC, num_subcores=_NS)

    @functools.partial(
        pl.kernel,
        out_type=jax.ShapeDtypeStruct((splits, n, d), jnp.float32),
        mesh=mesh,
        scratch_types=[
            pltpu.VMEM((2, chunk), jnp.int32),
            pltpu.VMEM((2, chunk), jnp.int32),
            pltpu.VMEM((2, chunk, 8), jnp.float32),
            pltpu.VMEM((2, chunk * 8), jnp.int32),
            pltpu.VMEM((2, chunk * 8), jnp.float32),
            pltpu.VMEM((n, 8), jnp.float32),
            pltpu.SemaphoreType.DMA,
            pltpu.SemaphoreType.DMA,
            pltpu.SemaphoreType.DMA,
            pltpu.SemaphoreType.DMA,
            pltpu.SemaphoreType.DMA,
            pltpu.SemaphoreType.DMA,
            pltpu.SemaphoreType.DMA,
            pltpu.SemaphoreType.DMA,
        ],
        compiler_params=pltpu.CompilerParams(use_tc_tiling_on_sc=False,
                                             needs_layout_passes=False),
    )
    def spmm(m_hbm, srcg_hbm, dstr_hbm, wx_hbm, out_hbm,
             srcg_v, gidx_v, rows_v, dstr_v, wx_v, acc_v,
             ssem0, ssem1, lsem0, lsem1, gsem0, gsem1, _sem6, _sem7):
        wid = lax.axis_index("s") * _NC + lax.axis_index("c")
        g = wid % g_groups
        sp = wid // g_groups
        ebase = sp * ept
        zero16 = jnp.zeros((16,), jnp.float32)
        gsplat = jnp.full((16,), g, jnp.int32)
        col16 = lax.iota(jnp.int32, 16) & 7
        pair16 = lax.iota(jnp.int32, 16) >> 3
        ssems = (ssem0, ssem1)
        lsems = (lsem0, lsem1)
        gsems = (gsem0, gsem1)

        def issue_srcg(ci, slot):
            eb = ebase + ci * chunk
            cp = pltpu.make_async_copy(
                srcg_hbm.at[pl.ds(eb, chunk)], srcg_v.at[slot], ssems[slot])
            cp.start()
            return cp

        def issue_linear(ci, slot):
            eb = ebase + ci * chunk
            cpd = pltpu.make_async_copy(
                dstr_hbm.at[pl.ds(eb * 8, chunk * 8)], dstr_v.at[slot],
                lsems[slot])
            cpd.start()
            cpw = pltpu.make_async_copy(
                wx_hbm.at[pl.ds(eb * 8, chunk * 8)], wx_v.at[slot],
                lsems[slot])
            cpw.start()
            return (cpd, cpw)

        def issue_gathers(slot):
            srcg_s = srcg_v.at[slot]
            gidx_s = gidx_v.at[slot]

            @plsc.parallel_loop(0, chunk // 16, unroll=8)
            def _(q):
                sl16 = pl.ds(q * 16, 16)
                gidx_s[sl16] = srcg_s[sl16] + gsplat
            gcps = []
            for j in range(nsub):
                gcp = pltpu.make_async_copy(
                    m_hbm.at[gidx_s.at[pl.ds(j * sub, sub)]],
                    rows_v.at[slot].at[pl.ds(j * sub, sub)], gsems[slot])
                gcp.start()
                gcps.append(gcp)
            return gcps

        def compute(slot, gcps, lcps):
            for gcp in gcps:
                gcp.wait()
            for lcp in lcps:
                lcp.wait()
            rows_s = rows_v.at[slot]
            dstr_s = dstr_v.at[slot]
            wx_s = wx_v.at[slot]

            @plsc.parallel_loop(0, chunk // 2, unroll=16)
            def _(p):
                sl = pl.ds(p * 16, 16)
                x = plsc.load_gather(rows_s, [pair16 + 2 * p, col16])
                x = x * wx_s[sl]
                plsc.addupdate_scatter(acc_v, [dstr_s[sl], col16], x)

        @plsc.parallel_loop(0, n // 2, unroll=8)
        def _(i):
            plsc.store_scatter(acc_v, [pair16 + 2 * i, col16], zero16)

        def wait_srcg(slot):
            pltpu.make_async_copy(
                srcg_hbm.at[pl.ds(ebase, chunk)], srcg_v.at[slot],
                ssems[slot]).wait()

        def slot_cps(slot):
            gcps = [pltpu.make_async_copy(
                        m_hbm.at[gidx_v.at[slot].at[pl.ds(j * sub, sub)]],
                        rows_v.at[slot].at[pl.ds(j * sub, sub)], gsems[slot])
                    for j in range(nsub)]
            lcps = [pltpu.make_async_copy(
                        dstr_hbm.at[pl.ds(ebase * 8, chunk * 8)],
                        dstr_v.at[slot], lsems[slot]),
                    pltpu.make_async_copy(
                        wx_hbm.at[pl.ds(ebase * 8, chunk * 8)],
                        wx_v.at[slot], lsems[slot])]
            return gcps, lcps

        issue_srcg(0, 0)
        issue_linear(0, 0)
        wait_srcg(0)
        issue_gathers(0)
        issue_srcg(1, 1)
        issue_linear(1, 1)

        def body(i, _):
            ca = 2 * i
            cb = 2 * i + 1

            @pl.when(ca + 2 < nchunks)
            def _():
                issue_srcg(ca + 2, 0)

            wait_srcg(1)
            gcpsB = issue_gathers(1)

            @pl.when(cb + 2 < nchunks)
            def _():
                issue_srcg(cb + 2, 1)

            gcpsA, lcpsA = slot_cps(0)
            compute(0, gcpsA, lcpsA)

            @pl.when(ca + 2 < nchunks)
            def _():
                issue_linear(ca + 2, 0)
                wait_srcg(0)
                issue_gathers(0)

            _, lcpsB = slot_cps(1)
            compute(1, gcpsB, lcpsB)

            @pl.when(cb + 2 < nchunks)
            def _():
                issue_linear(cb + 2, 1)
            return ()

        lax.fori_loop(0, nchunks // 2, body, ())

        pltpu.sync_copy(acc_v, out_hbm.at[sp].at[:, pl.ds(g * 8, 8)])

    return spmm


_spmm1 = _make_spmm_sc(N, D_MID, E, splits=1, chunk=800, sub=80)
_spmm2 = _make_spmm_sc(N, D_EMB, E, splits=4, chunk=800, sub=80)



def _merge_body(x_ref, o_ref):
    o_ref[...] = jnp.sum(x_ref[...], axis=0)


def _merge(parts, br=1000):
    s, n, d = parts.shape
    return pl.pallas_call(
        _merge_body,
        grid=(n // br,),
        in_specs=[pl.BlockSpec((s, br, d), lambda i: (0, i, 0))],
        out_specs=pl.BlockSpec((br, d), lambda i: (i, 0)),
        out_shape=jax.ShapeDtypeStruct((n, d), jnp.float32),
    )(parts)



def _dist_body(eb_ref, ea_ref, o_ref):
    eb = eb_ref[...]
    ea = ea_ref[...]
    sqa = jnp.sum(ea * ea, axis=1, keepdims=True)
    onesa = jnp.ones((ea.shape[0], 1), jnp.float32)
    ea_aug = jnp.concatenate([ea, -sqa, -onesa], axis=1)
    sqb = jnp.sum(eb * eb, axis=1, keepdims=True)
    onesb = jnp.ones((eb.shape[0], 1), jnp.float32)
    eb_aug = jnp.concatenate([2.0 * eb, onesb, sqb], axis=1)
    t0 = jax.lax.dot_general(
        eb_aug, ea_aug, (((1,), (1,)), ((), ())),
        preferred_element_type=jnp.float32)
    ex = jnp.exp(jnp.minimum(t0, 0.0))
    s = jnp.sum(ex, axis=1, keepdims=True)
    o_ref[...] = ex * (1.0 / s) + 1e-10


def _dist_softmax(emb, br=400):
    n, d = emb.shape
    grid = n // br
    return pl.pallas_call(
        _dist_body,
        grid=(grid,),
        in_specs=[
            pl.BlockSpec((br, d), lambda i: (i, 0)),
            pl.BlockSpec((n, d), lambda i: (0, 0)),
        ],
        out_specs=pl.BlockSpec((br, n), lambda i: (i, 0)),
        out_shape=jax.ShapeDtypeStruct((n, n), jnp.float32),
        compiler_params=pltpu.CompilerParams(
            vmem_limit_bytes=100 * 1024 * 1024),
    )(emb, emb)


def kernel(X, edge_index, edge_weight, W1, W2):
    src = edge_index[0]
    dst = edge_index[1]
    dstr = jnp.repeat(dst, 8)
    wx = jnp.repeat(edge_weight, 8)

    xw1 = _matmul(X, W1)
    h = _spmm1(xw1.reshape(N * (D_MID // 8), 8), src * (D_MID // 8),
               dstr, wx)[0]
    hw2 = _matmul(h, W2, relu_in=True)
    emb_parts = _spmm2(hw2.reshape(N * (D_EMB // 8), 8), src * (D_EMB // 8),
                       dstr, wx)
    emb = _merge(emb_parts)
    return _dist_softmax(emb)

# --- scband reference (transcript-rebuilt; emitter-appended) ---
"""Pipeline reference for scband-ada-gae-39127152066566 (READ-ONLY COPY).

The authoritative reference and input builder live on the scoring server;
editing this copy changes nothing except your own understanding.
"""

import jax, jax.numpy as jnp
import numpy as np

N = 10000
E = 160000
D_IN = 256
D_MID = 256
D_EMB = 64


def _init_weight(key, shape):
    bound = np.sqrt(6.0 / (shape[0] + shape[1]))
    return jax.random.uniform(key, shape, dtype=jnp.float32) * 2.0 * bound - bound


def setup_inputs(seed: int = 0):
    key = jax.random.key(seed)
    k1, k2, k3, k4, k5 = jax.random.split(key, 5)
    X = jax.random.normal(k1, (N, D_IN), dtype=jnp.float32)
    edge_index = jax.random.randint(k2, (2, E), 0, N, dtype=jnp.int32)
    edge_weight = jax.random.uniform(k3, (E,), dtype=jnp.float32)
    W1 = _init_weight(k4, (D_IN, D_MID))
    W2 = _init_weight(k5, (D_MID, D_EMB))
    return {"X": X, "edge_index": edge_index, "edge_weight": edge_weight, "W1": W1, "W2": W2}


def _spmm(edge_index, edge_weight, M):
    # sparse Laplacian @ M via gather + scatter-add (SparseCore-friendly)
    src = edge_index[0]
    dst = edge_index[1]
    msgs = jnp.take(M, src, axis=0) * edge_weight[:, None]
    return jnp.zeros((N, M.shape[1]), dtype=M.dtype).at[dst].add(msgs)


def reference(X, edge_index, edge_weight, W1, W2):
    # embedding = relu(L @ (X @ W1))
    h = _spmm(edge_index, edge_weight, X @ W1)
    h = jax.nn.relu(h)
    # embedding = L @ (h @ W2)
    emb = _spmm(edge_index, edge_weight, h @ W2)
    # pairwise squared Euclidean distances between rows of emb (= columns of emb.T)
    sq = jnp.sum(emb * emb, axis=1)
    dist = sq[:, None] + sq[None, :] - 2.0 * (emb @ emb.T)
    dist = jnp.maximum(dist, 0.0)
    recons_w = jax.nn.softmax(-dist, axis=1)
    return recons_w + 1e-10

if __name__ == "__main__":
    import jax
    _d = setup_inputs()
    print(jax.jit(kernel)(*tuple(_d.values())))

</pallas_src>

<mosaic_0001>
#map = affine_map<(d0, d1) -> (0, 0)>
#map1 = affine_map<(d0, d1) -> (0)>
#map2 = affine_map<(d0, d1) -> (0, 0, 0)>
module attributes {stable_mosaic.version = 14 : i64} {
  func.func @spmm(%arg0: i32, %arg1: i32, %arg2: memref<320000x8xf32, #tpu.memory_space<hbm>>, %arg3: memref<160000xi32, #tpu.memory_space<hbm>>, %arg4: memref<1280000xi32, #tpu.memory_space<hbm>>, %arg5: memref<1280000xf32, #tpu.memory_space<hbm>>, %arg6: memref<1x10000x256xf32, #tpu.memory_space<hbm>>, %arg7: memref<2x800xi32, #tpu.memory_space<vmem>>, %arg8: memref<2x800xi32, #tpu.memory_space<vmem>>, %arg9: memref<2x800x8xf32, #tpu.memory_space<vmem>>, %arg10: memref<2x6400xi32, #tpu.memory_space<vmem>>, %arg11: memref<2x6400xf32, #tpu.memory_space<vmem>>, %arg12: memref<10000x8xf32, #tpu.memory_space<vmem>>, %arg13: memref<!tpu.dma_semaphore, #tpu.memory_space<semaphore_mem>>, %arg14: memref<!tpu.dma_semaphore, #tpu.memory_space<semaphore_mem>>, %arg15: memref<!tpu.dma_semaphore, #tpu.memory_space<semaphore_mem>>, %arg16: memref<!tpu.dma_semaphore, #tpu.memory_space<semaphore_mem>>, %arg17: memref<!tpu.dma_semaphore, #tpu.memory_space<semaphore_mem>>, %arg18: memref<!tpu.dma_semaphore, #tpu.memory_space<semaphore_mem>>, %arg19: memref<!tpu.dma_semaphore, #tpu.memory_space<semaphore_mem>>, %arg20: memref<!tpu.dma_semaphore, #tpu.memory_space<semaphore_mem>>) attributes {dimension_semantics = [#tpu.dimension_semantics<core_parallel>, #tpu.dimension_semantics<subcore_parallel>], iteration_bounds = array<i64: 2, 16>, scalar_prefetch = 0 : i64, scratch_operands = 14 : i64, tpu.core_type = #tpu.core_type<sc_vector_subcore>, window_params = [{transform_indices = #map}, {transform_indices = #map1}, {transform_indices = #map1}, {transform_indices = #map1}, {transform_indices = #map2}]} {
    %mul3A = arith.constant 2 : i32
    %mul3A_0 = arith.muli %arg1, %mul3A : i32
    %add3A = arith.addi %mul3A_0, %arg0 : i32
    %jit3A = arith.constant 32 : i32
    %eq3A = arith.constant 0 : i32
    %eq3A_1 = arith.cmpi eq, %jit3A, %eq3A : i32
    %jit3A_2 = arith.constant 1 : i32
    %select_n3A = arith.select %eq3A_1, %jit3A_2, %jit3A : i32
    %rem3A = arith.remsi %add3A, %select_n3A : i32
    %ne3A = arith.constant 0 : i32
    %ne3A_3 = arith.cmpi ne, %rem3A, %ne3A : i32
    %lt3A = arith.constant 0 : i32
    %lt3A_4 = arith.cmpi slt, %rem3A, %lt3A : i32
    %lt3A_5 = arith.constant 0 : i32
    %lt3A_6 = arith.cmpi slt, %select_n3A, %lt3A_5 : i32
    %ne3A_7 = arith.xori %lt3A_4, %lt3A_6 : i1
    %and3A = arith.andi %ne3A_7, %ne3A_3 : i1
    %add3A_8 = arith.addi %rem3A, %select_n3A : i32
    %select_n3A_9 = arith.select %and3A, %add3A_8, %rem3A : i32
    %jit3A_10 = arith.constant 32 : i32
    %div3A = arith.divsi %add3A, %jit3A_10 : i32
    %sign3A = arith.constant 0 : i32
    %sign3A_11 = arith.cmpi sgt, %add3A, %sign3A : i32
    %sign3A_12 = arith.extui %sign3A_11 : i1 to i32
    %sign3A_13 = arith.constant 0 : i32
    %sign3A_14 = arith.cmpi slt, %add3A, %sign3A_13 : i32
    %sign3A_15 = arith.extui %sign3A_14 : i1 to i32
    %sign3A_16 = arith.subi %sign3A_12, %sign3A_15 : i32
    %sign3A_17 = arith.constant 0 : i32
    %sign3A_18 = arith.cmpi sgt, %jit3A_10, %sign3A_17 : i32
    %sign3A_19 = arith.extui %sign3A_18 : i1 to i32
    %sign3A_20 = arith.constant 0 : i32
    %sign3A_21 = arith.cmpi slt, %jit3A_10, %sign3A_20 : i32
    %sign3A_22 = arith.extui %sign3A_21 : i1 to i32
    %sign3A_23 = arith.subi %sign3A_19, %sign3A_22 : i32
    %ne3A_24 = arith.cmpi ne, %sign3A_16, %sign3A_23 : i32
    %rem3A_25 = arith.remsi %add3A, %jit3A_10 : i32
    %ne3A_26 = arith.constant 0 : i32
    %ne3A_27 = arith.cmpi ne, %rem3A_25, %ne3A_26 : i32
    %and3A_28 = arith.andi %ne3A_24, %ne3A_27 : i1
    %sub3A = arith.constant 1 : i32
    %sub3A_29 = arith.subi %div3A, %sub3A : i32
    %select_n3A_30 = arith.select %and3A_28, %sub3A_29, %div3A : i32
    %mul3A_31 = arith.constant 160000 : i32
    %mul3A_32 = arith.muli %select_n3A_30, %mul3A_31 : i32
    %broadcast_in_dim3A = arith.constant 0.000000e+00 : f32
    %broadcast_in_dim3A_33 = vector.broadcast %broadcast_in_dim3A : f32 to vector<16xf32>
    %broadcast_in_dim3A_34 = vector.broadcast %select_n3A_9 : i32 to vector<16xi32>
    %iota3A = tpu.iota {dimensions = array<i32: 0>} : vector<16xi32>
    %and3A_35 = arith.constant 7 : i32
    %and3A_36 = vector.broadcast %and3A_35 : i32 to vector<16xi32>
    %and3A_37 = arith.andi %iota3A, %and3A_36 : vector<16xi32>
    %iota3A_38 = tpu.iota {dimensions = array<i32: 0>} : vector<16xi32>
    %shift_right_arithmetic3A = arith.constant 3 : i32
    %shift_right_arithmetic3A_39 = vector.broadcast %shift_right_arithmetic3A : i32 to vector<16xi32>
    %shift_right_arithmetic3A_40 = arith.shrsi %iota3A_38, %shift_right_arithmetic3A_39 : vector<16xi32>
    %parallel_loop3A = arith.constant 0 : i32
    %parallel_loop3A_41 = arith.constant 5000 : i32
    %parallel_loop3A_42 = arith.constant 1 : i32
    scf.for %parallel_loop3A_301 = %parallel_loop3A to %parallel_loop3A_41 step %parallel_loop3A_42  : i32 {
      %parallel_loop3A_302 = arith.constant 2 : i32
      %parallel_loop3A_303 = arith.muli %parallel_loop3A_302, %parallel_loop3A_301 : i32
      %parallel_loop3A_304 = vector.broadcast %parallel_loop3A_303 : i32 to vector<16xi32>
      %parallel_loop3A_305 = arith.addi %shift_right_arithmetic3A_40, %parallel_loop3A_304 : vector<16xi32>
      tpu.vector_store_idx %arg12[%parallel_loop3A_305, %and3A_37], %broadcast_in_dim3A_33 : memref<10000x8xf32, #tpu.memory_space<vmem>>[vector<16xi32>, vector<16xi32>], vector<16xf32>,
    } {sc.loop_unroll_factor = 8 : i64, sc.parallel_access}
    %add3A_43 = arith.constant 0 : i32
    %add3A_44 = arith.addi %mul3A_32, %add3A_43 : i32
    %dma_start3A = arith.constant 0 : i32
    %dma_start3A_45 = arith.constant 0 : i32
    %dma_start3A_46 = tpu.memref_slice %arg7[%dma_start3A, %dma_start3A_45] : memref<2x800xi32, #tpu.memory_space<vmem>> -> memref<1x800xi32, #tpu.memory_space<vmem>>
    %dma_start3A_47 = tpu.memref_squeeze %dma_start3A_46 : memref<1x800xi32, #tpu.memory_space<vmem>> -> memref<800xi32, #tpu.memory_space<vmem>>
    %dma_start3A_48 = tpu.memref_slice %arg3[%add3A_44] : memref<160000xi32, #tpu.memory_space<hbm>> -> memref<800xi32, #tpu.memory_space<hbm>>
    %dma_start3A_49 = arith.constant 0 : i32
    %dma_start3A_50 = tpu.memref_slice %arg7[%dma_start3A, %dma_start3A_49] : memref<2x800xi32, #tpu.memory_space<vmem>> -> memref<1x800xi32, #tpu.memory_space<vmem>>
    %dma_start3A_51 = tpu.memref_squeeze %dma_start3A_50 : memref<1x800xi32, #tpu.memory_space<vmem>> -> memref<800xi32, #tpu.memory_space<vmem>>
    %dma_start3A_52 = tpu.memref_slice %arg3[%add3A_44] : memref<160000xi32, #tpu.memory_space<hbm>> -> memref<800xi32, #tpu.memory_space<hbm>>
    tpu.enqueue_dma source(%dma_start3A_52 : memref<800xi32, #tpu.memory_space<hbm>>) target(%dma_start3A_51 : memref<800xi32, #tpu.memory_space<vmem>>) target_semaphore(%arg13 : memref<!tpu.dma_semaphore, #tpu.memory_space<semaphore_mem>>)
    %add3A_53 = arith.constant 0 : i32
    %add3A_54 = arith.addi %mul3A_32, %add3A_53 : i32
    %mul3A_55 = arith.constant 8 : i32
    %mul3A_56 = arith.muli %add3A_54, %mul3A_55 : i32
    %dma_start3A_57 = arith.constant 0 : i32
    %dma_start3A_58 = arith.constant 0 : i32
    %dma_start3A_59 = tpu.memref_slice %arg10[%dma_start3A_57, %dma_start3A_58] : memref<2x6400xi32, #tpu.memory_space<vmem>> -> memref<1x6400xi32, #tpu.memory_space<vmem>>
    %dma_start3A_60 = tpu.memref_squeeze %dma_start3A_59 : memref<1x6400xi32, #tpu.memory_space<vmem>> -> memref<6400xi32, #tpu.memory_space<vmem>>
    %dma_start3A_61 = tpu.memref_slice %arg4[%mul3A_56] : memref<1280000xi32, #tpu.memory_space<hbm>> -> memref<6400xi32, #tpu.memory_space<hbm>>
    %dma_start3A_62 = arith.constant 0 : i32
    %dma_start3A_63 = tpu.memref_slice %arg10[%dma_start3A_57, %dma_start3A_62] : memref<2x6400xi32, #tpu.memory_space<vmem>> -> memref<1x6400xi32, #tpu.memory_space<vmem>>
    %dma_start3A_64 = tpu.memref_squeeze %dma_start3A_63 : memref<1x6400xi32, #tpu.memory_space<vmem>> -> memref<6400xi32, #tpu.memory_space<vmem>>
    %dma_start3A_65 = tpu.memref_slice %arg4[%mul3A_56] : memref<1280000xi32, #tpu.memory_space<hbm>> -> memref<6400xi32, #tpu.memory_space<hbm>>
    tpu.enqueue_dma source(%dma_start3A_65 : memref<6400xi32, #tpu.memory_space<hbm>>) target(%dma_start3A_64 : memref<6400xi32, #tpu.memory_space<vmem>>) target_semaphore(%arg15 : memref<!tpu.dma_semaphore, #tpu.memory_space<semaphore_mem>>)
    %mul3A_66 = arith.constant 8 : i32
    %mul3A_67 = arith.muli %add3A_54, %mul3A_66 : i32
    %dma_start3A_68 = arith.constant 0 : i32
    %dma_start3A_69 = arith.constant 0 : i32
    %dma_start3A_70 = tpu.memref_slice %arg11[%dma_start3A_68, %dma_start3A_69] : memref<2x6400xf32, #tpu.memory_space<vmem>> -> memref<1x6400xf32, #tpu.memory_space<vmem>>
    %dma_start3A_71 = tpu.memref_squeeze %dma_start3A_70 : memref<1x6400xf32, #tpu.memory_space<vmem>> -> memref<6400xf32, #tpu.memory_space<vmem>>
    %dma_start3A_72 = tpu.memref_slice %arg5[%mul3A_67] : memref<1280000xf32, #tpu.memory_space<hbm>> -> memref<6400xf32, #tpu.memory_space<hbm>>
    %dma_start3A_73 = arith.constant 0 : i32
    %dma_start3A_74 = tpu.memref_slice %arg11[%dma_start3A_68, %dma_start3A_73] : memref<2x6400xf32, #tpu.memory_space<vmem>> -> memref<1x6400xf32, #tpu.memory_space<vmem>>
    %dma_start3A_75 = tpu.memref_squeeze %dma_start3A_74 : memref<1x6400xf32, #tpu.memory_space<vmem>> -> memref<6400xf32, #tpu.memory_space<vmem>>
    %dma_start3A_76 = tpu.memref_slice %arg5[%mul3A_67] : memref<1280000xf32, #tpu.memory_space<hbm>> -> memref<6400xf32, #tpu.memory_space<hbm>>
    tpu.enqueue_dma source(%dma_start3A_76 : memref<6400xf32, #tpu.memory_space<hbm>>) target(%dma_start3A_75 : memref<6400xf32, #tpu.memory_space<vmem>>) target_semaphore(%arg15 : memref<!tpu.dma_semaphore, #tpu.memory_space<semaphore_mem>>)
    %dma_wait3A = arith.constant 0 : i32
    %dma_wait3A_77 = arith.constant 0 : i32
    %dma_wait3A_78 = tpu.memref_slice %arg7[%dma_wait3A, %dma_wait3A_77] : memref<2x800xi32, #tpu.memory_space<vmem>> -> memref<1x800xi32, #tpu.memory_space<vmem>>
    %dma_wait3A_79 = tpu.memref_squeeze %dma_wait3A_78 : memref<1x800xi32, #tpu.memory_space<vmem>> -> memref<800xi32, #tpu.memory_space<vmem>>
    %dma_wait3A_80 = tpu.memref_slice %arg3[%mul3A_32] : memref<160000xi32, #tpu.memory_space<hbm>> -> memref<800xi32, #tpu.memory_space<hbm>>
    %dma_wait3A_81 = arith.constant 0 : i32
    %dma_wait3A_82 = tpu.memref_slice %arg7[%dma_wait3A, %dma_wait3A_81] : memref<2x800xi32, #tpu.memory_space<vmem>> -> memref<1x800xi32, #tpu.memory_space<vmem>>
    %dma_wait3A_83 = tpu.memref_squeeze %dma_wait3A_82 : memref<1x800xi32, #tpu.memory_space<vmem>> -> memref<800xi32, #tpu.memory_space<vmem>>
    %dma_wait3A_84 = tpu.memref_slice %arg3[%mul3A_32] : memref<160000xi32, #tpu.memory_space<hbm>> -> memref<800xi32, #tpu.memory_space<hbm>>
    tpu.wait_dma2 semaphore(%arg13 : memref<!tpu.dma_semaphore, #tpu.memory_space<semaphore_mem>>) src(%dma_wait3A_84 : memref<800xi32, #tpu.memory_space<hbm>>) dst(%dma_wait3A_83 : memref<800xi32, #tpu.memory_space<vmem>>)
    %parallel_loop3A_85 = arith.constant 0 : i32
    %parallel_loop3A_86 = arith.constant 50 : i32
    %parallel_loop3A_87 = arith.constant 1 : i32
    %parallel_loop3A_88 = arith.constant 0 : i32
    %parallel_loop3A_89 = arith.constant 0 : i32
    scf.for %parallel_loop3A_301 = %parallel_loop3A_85 to %parallel_loop3A_86 step %parallel_loop3A_87  : i32 {
      %parallel_loop3A_302 = arith.constant 16 : i32
      %parallel_loop3A_303 = arith.muli %parallel_loop3A_301, %parallel_loop3A_302 : i32
      %parallel_loop3A_304 = arith.constant 0 : i32
      %parallel_loop3A_305 = tpu.memref_slice %arg7[%parallel_loop3A_88, %parallel_loop3A_304] : memref<2x800xi32, #tpu.memory_space<vmem>> -> memref<1x800xi32, #tpu.memory_space<vmem>>
      %parallel_loop3A_306 = tpu.memref_squeeze %parallel_loop3A_305 : memref<1x800xi32, #tpu.memory_space<vmem>> -> memref<800xi32, #tpu.memory_space<vmem>>
      %parallel_loop3A_307 = arith.index_cast %parallel_loop3A_303 : i32 to index
      %parallel_loop3A_308 = tpu.vector_load %parallel_loop3A_306[%parallel_loop3A_307] {strides = array<i32>} : memref<800xi32, #tpu.memory_space<vmem>>, vector<16xi32>,
      %parallel_loop3A_309 = arith.addi %parallel_loop3A_308, %broadcast_in_dim3A_34 : vector<16xi32>
      %parallel_loop3A_310 = arith.constant 0 : i32
      %parallel_loop3A_311 = tpu.memref_slice %arg8[%parallel_loop3A_89, %parallel_loop3A_310] : memref<2x800xi32, #tpu.memory_space<vmem>> -> memref<1x800xi32, #tpu.memory_space<vmem>>
      %parallel_loop3A_312 = tpu.memref_squeeze %parallel_loop3A_311 : memref<1x800xi32, #tpu.memory_space<vmem>> -> memref<800xi32, #tpu.memory_space<vmem>>
      %parallel_loop3A_313 = arith.index_cast %parallel_loop3A_303 : i32 to index
      %parallel_loop3A_314 = tpu.vector_load %parallel_loop3A_312[%parallel_loop3A_313] {strides = array<i32>} : memref<800xi32, #tpu.memory_space<vmem>>, vector<16xi32>,
      tpu.vector_store %parallel_loop3A_312[%parallel_loop3A_313], %parallel_loop3A_309 {strides = array<i32>} : memref<800xi32, #tpu.memory_space<vmem>>, vector<16xi32>,
    } {sc.loop_unroll_factor = 8 : i64, sc.parallel_access}
    %dma_start3A_90 = arith.constant 0 : i32
    %dma_start3A_91 = arith.constant 0 : i32
    %dma_start3A_92 = arith.constant 0 : i32
    %dma_start3A_93 = arith.constant 0 : i32
    %dma_start3A_94 = tpu.memref_slice %arg9[%dma_start3A_91, %dma_start3A_92, %dma_start3A_93] : memref<2x800x8xf32, #tpu.memory_space<vmem>> -> memref<1x800x8xf32, #tpu.memory_space<vmem>>
    %dma_start3A_95 = tpu.memref_squeeze %dma_start3A_94 : memref<1x800x8xf32, #tpu.memory_space<vmem>> -> memref<800x8xf32, #tpu.memory_space<vmem>>
    %dma_start3A_96 = arith.constant 0 : i32
    %dma_start3A_97 = arith.constant 0 : i32
    %dma_start3A_98 = tpu.memref_slice %dma_start3A_95[%dma_start3A_96, %dma_start3A_97] : memref<800x8xf32, #tpu.memory_space<vmem>> -> memref<80x8xf32, #tpu.memory_space<vmem>>
    %dma_start3A_99 = arith.constant 0 : i32
    %dma_start3A_100 = tpu.memref_slice %arg8[%dma_start3A_90, %dma_start3A_99] : memref<2x800xi32, #tpu.memory_space<vmem>> -> memref<1x800xi32, #tpu.memory_space<vmem>>
    %dma_start3A_101 = tpu.memref_squeeze %dma_start3A_100 : memref<1x800xi32, #tpu.memory_space<vmem>> -> memref<800xi32, #tpu.memory_space<vmem>>
    %dma_start3A_102 = arith.constant 0 : i32
    %dma_start3A_103 = tpu.memref_slice %dma_start3A_101[%dma_start3A_102] : memref<800xi32, #tpu.memory_space<vmem>> -> memref<80xi32, #tpu.memory_space<vmem>>
    %dma_start3A_104 = arith.constant 0 : i32
    %dma_start3A_105 = arith.constant 0 : i32
    %dma_start3A_106 = tpu.memref_slice %arg2[%dma_start3A_104, %dma_start3A_105] : memref<320000x8xf32, #tpu.memory_space<hbm>> -> memref<320000x8xf32, #tpu.memory_space<hbm>>
    tpu.enqueue_indirect_dma source(%dma_start3A_106 : memref<320000x8xf32, #tpu.memory_space<hbm>>) target(%dma_start3A_98 : memref<80x8xf32, #tpu.memory_space<vmem>>) offsets(%dma_start3A_103 : memref<80xi32, #tpu.memory_space<vmem>>) semaphore(%arg17 : memref<!tpu.dma_semaphore, #tpu.memory_space<semaphore_mem>>)
    %dma_start3A_107 = arith.constant 0 : i32
    %dma_start3A_108 = arith.constant 0 : i32
    %dma_start3A_109 = arith.constant 0 : i32
    %dma_start3A_110 = arith.constant 0 : i32
    %dma_start3A_111 = tpu.memref_slice %arg9[%dma_start3A_108, %dma_start3A_109, %dma_start3A_110] : memref<2x800x8xf32, #tpu.memory_space<vmem>> -> memref<1x800x8xf32, #tpu.memory_space<vmem>>
    %dma_start3A_112 = tpu.memref_squeeze %dma_start3A_111 : memref<1x800x8xf32, #tpu.memory_space<vmem>> -> memref<800x8xf32, #tpu.memory_space<vmem>>
    %dma_start3A_113 = arith.constant 80 : i32
    %dma_start3A_114 = arith.constant 0 : i32
    %dma_start3A_115 = tpu.memref_slice %dma_start3A_112[%dma_start3A_113, %dma_start3A_114] : memref<800x8xf32, #tpu.memory_space<vmem>> -> memref<80x8xf32, #tpu.memory_space<vmem>>
    %dma_start3A_116 = arith.constant 0 : i32
    %dma_start3A_117 = tpu.memref_slice %arg8[%dma_start3A_107, %dma_start3A_116] : memref<2x800xi32, #tpu.memory_space<vmem>> -> memref<1x800xi32, #tpu.memory_space<vmem>>
    %dma_start3A_118 = tpu.memref_squeeze %dma_start3A_117 : memref<1x800xi32, #tpu.memory_space<vmem>> -> memref<800xi32, #tpu.memory_space<vmem>>
    %dma_start3A_119 = arith.constant 80 : i32
    %dma_start3A_120 = tpu.memref_slice %dma_start3A_118[%dma_start3A_119] : memref<800xi32, #tpu.memory_space<vmem>> -> memref<80xi32, #tpu.memory_space<vmem>>
    %dma_start3A_121 = arith.constant 0 : i32
    %dma_start3A_122 = arith.constant 0 : i32
    %dma_start3A_123 = tpu.memref_slice %arg2[%dma_start3A_121, %dma_start3A_122] : memref<320000x8xf32, #tpu.memory_space<hbm>> -> memref<320000x8xf32, #tpu.memory_space<hbm>>
    tpu.enqueue_indirect_dma source(%dma_start3A_123 : memref<320000x8xf32, #tpu.memory_space<hbm>>) target(%dma_start3A_115 : memref<80x8xf32, #tpu.memory_space<vmem>>) offsets(%dma_start3A_120 : memref<80xi32, #tpu.memory_space<vmem>>) semaphore(%arg17 : memref<!tpu.dma_semaphore, #tpu.memory_space<semaphore_mem>>)
    %dma_start3A_124 = arith.constant 0 : i32
    %dma_start3A_125 = arith.constant 0 : i32
    %dma_start3A_126 = arith.constant 0 : i32
    %dma_start3A_127 = arith.constant 0 : i32
    %dma_start3A_128 = tpu.memref_slice %arg9[%dma_start3A_125, %dma_start3A_126, %dma_start3A_127] : memref<2x800x8xf32, #tpu.memory_space<vmem>> -> memref<1x800x8xf32, #tpu.memory_space<vmem>>
    %dma_start3A_129 = tpu.memref_squeeze %dma_start3A_128 : memref<1x800x8xf32, #tpu.memory_space<vmem>> -> memref<800x8xf32, #tpu.memory_space<vmem>>
    %dma_start3A_130 = arith.constant 160 : i32
    %dma_start3A_131 = arith.constant 0 : i32
    %dma_start3A_132 = tpu.memref_slice %dma_start3A_129[%dma_start3A_130, %dma_start3A_131] : memref<800x8xf32, #tpu.memory_space<vmem>> -> memref<80x8xf32, #tpu.memory_space<vmem>>
    %dma_start3A_133 = arith.constant 0 : i32
    %dma_start3A_134 = tpu.memref_slice %arg8[%dma_start3A_124, %dma_start3A_133] : memref<2x800xi32, #tpu.memory_space<vmem>> -> memref<1x800xi32, #tpu.memory_space<vmem>>
    %dma_start3A_135 = tpu.memref_squeeze %dma_start3A_134 : memref<1x800xi32, #tpu.memory_space<vmem>> -> memref<800xi32, #tpu.memory_space<vmem>>
    %dma_start3A_136 = arith.constant 160 : i32
    %dma_start3A_137 = tpu.memref_slice %dma_start3A_135[%dma_start3A_136] : memref<800xi32, #tpu.memory_space<vmem>> -> memref<80xi32, #tpu.memory_space<vmem>>
    %dma_start3A_138 = arith.constant 0 : i32
    %dma_start3A_139 = arith.constant 0 : i32
    %dma_start3A_140 = tpu.memref_slice %arg2[%dma_start3A_138, %dma_start3A_139] : memref<320000x8xf32, #tpu.memory_space<hbm>> -> memref<320000x8xf32, #tpu.memory_space<hbm>>
    tpu.enqueue_indirect_dma source(%dma_start3A_140 : memref<320000x8xf32, #tpu.memory_space<hbm>>) target(%dma_start3A_132 : memref<80x8xf32, #tpu.memory_space<vmem>>) offsets(%dma_start3A_137 : memref<80xi32, #tpu.memory_space<vmem>>) semaphore(%arg17 : memref<!tpu.dma_semaphore, #tpu.memory_space<semaphore_mem>>)
    %dma_start3A_141 = arith.constant 0 : i32
    %dma_start3A_142 = arith.constant 0 : i32
    %dma_start3A_143 = arith.constant 0 : i32
    %dma_start3A_144 = arith.constant 0 : i32
    %dma_start3A_145 = tpu.memref_slice %arg9[%dma_start3A_142, %dma_start3A_143, %dma_start3A_144] : memref<2x800x8xf32, #tpu.memory_space<vmem>> -> memref<1x800x8xf32, #tpu.memory_space<vmem>>
    %dma_start3A_146 = tpu.memref_squeeze %dma_start3A_145 : memref<1x800x8xf32, #tpu.memory_space<vmem>> -> memref<800x8xf32, #tpu.memory_space<vmem>>
    %dma_start3A_147 = arith.constant 240 : i32
    %dma_start3A_148 = arith.constant 0 : i32
    %dma_start3A_149 = tpu.memref_slice %dma_start3A_146[%dma_start3A_147, %dma_start3A_148] : memref<800x8xf32, #tpu.memory_space<vmem>> -> memref<80x8xf32, #tpu.memory_space<vmem>>
    %dma_start3A_150 = arith.constant 0 : i32
    %dma_start3A_151 = tpu.memref_slice %arg8[%dma_start3A_141, %dma_start3A_150] : memref<2x800xi32, #tpu.memory_space<vmem>> -> memref<1x800xi32, #tpu.memory_space<vmem>>
    %dma_start3A_152 = tpu.memref_squeeze %dma_start3A_151 : memref<1x800xi32, #tpu.memory_space<vmem>> -> memref<800xi32, #tpu.memory_space<vmem>>
    %dma_start3A_153 = arith.constant 240 : i32
    %dma_start3A_154 = tpu.memref_slice %dma_start3A_152[%dma_start3A_153] : memref<800xi32, #tpu.memory_space<vmem>> -> memref<80xi32, #tpu.memory_space<vmem>>
    %dma_start3A_155 = arith.constant 0 : i32
    %dma_start3A_156 = arith.constant 0 : i32
    %dma_start3A_157 = tpu.memref_slice %arg2[%dma_start3A_155, %dma_start3A_156] : memref<320000x8xf32, #tpu.memory_space<hbm>> -> memref<320000x8xf32, #tpu.memory_space<hbm>>
    tpu.enqueue_indirect_dma source(%dma_start3A_157 : memref<320000x8xf32, #tpu.memory_space<hbm>>) target(%dma_start3A_149 : memref<80x8xf32, #tpu.memory_space<vmem>>) offsets(%dma_start3A_154 : memref<80xi32, #tpu.memory_space<vmem>>) semaphore(%arg17 : memref<!tpu.dma_semaphore, #tpu.memory_space<semaphore_mem>>)
    %dma_start3A_158 = arith.constant 0 : i32
    %dma_start3A_159 = arith.constant 0 : i32
    %dma_start3A_160 = arith.constant 0 : i32
    %dma_start3A_161 = arith.constant 0 : i32
    %dma_start3A_162 = tpu.memref_slice %arg9[%dma_start3A_159, %dma_start3A_160, %dma_start3A_161] : memref<2x800x8xf32, #tpu.memory_space<vmem>> -> memref<1x800x8xf32, #tpu.memory_space<vmem>>
    %dma_start3A_163 = tpu.memref_squeeze %dma_start3A_162 : memref<1x800x8xf32, #tpu.memory_space<vmem>> -> memref<800x8xf32, #tpu.memory_space<vmem>>
    %dma_start3A_164 = arith.constant 320 : i32
    %dma_start3A_165 = arith.constant 0 : i32
    %dma_start3A_166 = tpu.memref_slice %dma_start3A_163[%dma_start3A_164, %dma_start3A_165] : memref<800x8xf32, #tpu.memory_space<vmem>> -> memref<80x8xf32, #tpu.memory_space<vmem>>
    %dma_start3A_167 = arith.constant 0 : i32
    %dma_start3A_168 = tpu.memref_slice %arg8[%dma_start3A_158, %dma_start3A_167] : memref<2x800xi32, #tpu.memory_space<vmem>> -> memref<1x800xi32, #tpu.memory_space<vmem>>
    %dma_start3A_169 = tpu.memref_squeeze %dma_start3A_168 : memref<1x800xi32, #tpu.memory_space<vmem>> -> memref<800xi32, #tpu.memory_space<vmem>>
    %dma_start3A_170 = arith.constant 320 : i32
    %dma_start3A_171 = tpu.memref_slice %dma_start3A_169[%dma_start3A_170] : memref<800xi32, #tpu.memory_space<vmem>> -> memref<80xi32, #tpu.memory_space<vmem>>
    %dma_start3A_172 = arith.constant 0 : i32
    %dma_start3A_173 = arith.constant 0 : i32
    %dma_start3A_174 = tpu.memref_slice %arg2[%dma_start3A_172, %dma_start3A_173] : memref<320000x8xf32, #tpu.memory_space<hbm>> -> memref<320000x8xf32, #tpu.memory_space<hbm>>
    tpu.enqueue_indirect_dma source(%dma_start3A_174 : memref<320000x8xf32, #tpu.memory_space<hbm>>) target(%dma_start3A_166 : memref<80x8xf32, #tpu.memory_space<vmem>>) offsets(%dma_start3A_171 : memref<80xi32, #tpu.memory_space<vmem>>) semaphore(%arg17 : memref<!tpu.dma_semaphore, #tpu.memory_space<semaphore_mem>>)
    %dma_start3A_175 = arith.constant 0 : i32
    %dma_start3A_176 = arith.constant 0 : i32
    %dma_start3A_177 = arith.constant 0 : i32
    %dma_start3A_178 = arith.constant 0 : i32
    %dma_start3A_179 = tpu.memref_slice %arg9[%dma_start3A_176, %dma_start3A_177, %dma_start3A_178] : memref<2x800x8xf32, #tpu.memory_space<vmem>> -> memref<1x800x8xf32, #tpu.memory_space<vmem>>
    %dma_start3A_180 = tpu.memref_squeeze %dma_start3A_179 : memref<1x800x8xf32, #tpu.memory_space<vmem>> -> memref<800x8xf32, #tpu.memory_space<vmem>>
    %dma_start3A_181 = arith.constant 400 : i32
    %dma_start3A_182 = arith.constant 0 : i32
    %dma_start3A_183 = tpu.memref_slice %dma_start3A_180[%dma_start3A_181, %dma_start3A_182] : memref<800x8xf32, #tpu.memory_space<vmem>> -> memref<80x8xf32, #tpu.memory_space<vmem>>
    %dma_start3A_184 = arith.constant 0 : i32
    %dma_start3A_185 = tpu.memref_slice %arg8[%dma_start3A_175, %dma_start3A_184] : memref<2x800xi32, #tpu.memory_space<vmem>> -> memref<1x800xi32, #tpu.memory_space<vmem>>
    %dma_start3A_186 = tpu.memref_squeeze %dma_start3A_185 : memref<1x800xi32, #tpu.memory_space<vmem>> -> memref<800xi32, #tpu.memory_space<vmem>>
    %dma_start3A_187 = arith.constant 400 : i32
    %dma_start3A_188 = tpu.memref_slice %dma_start3A_186[%dma_start3A_187] : memref<800xi32, #tpu.memory_space<vmem>> -> memref<80xi32, #tpu.memory_space<vmem>>
    %dma_start3A_189 = arith.constant 0 : i32
    %dma_start3A_190 = arith.constant 0 : i32
    %dma_start3A_191 = tpu.memref_slice %arg2[%dma_start3A_189, %dma_start3A_190] : memref<320000x8xf32, #tpu.memory_space<hbm>> -> memref<320000x8xf32, #tpu.memory_space<hbm>>
    tpu.enqueue_indirect_dma source(%dma_start3A_191 : memref<320000x8xf32, #tpu.memory_space<hbm>>) target(%dma_start3A_183 : memref<80x8xf32, #tpu.memory_space<vmem>>) offsets(%dma_start3A_188 : memref<80xi32, #tpu.memory_space<vmem>>) semaphore(%arg17 : memref<!tpu.dma_semaphore, #tpu.memory_space<semaphore_mem>>)
    %dma_start3A_192 = arith.constant 0 : i32
    %dma_start3A_193 = arith.constant 0 : i32
    %dma_start3A_194 = arith.constant 0 : i32
    %dma_start3A_195 = arith.constant 0 : i32
    %dma_start3A_196 = tpu.memref_slice %arg9[%dma_start3A_193, %dma_start3A_194, %dma_start3A_195] : memref<2x800x8xf32, #tpu.memory_space<vmem>> -> memref<1x800x8xf32, #tpu.memory_space<vmem>>
    %dma_start3A_197 = tpu.memref_squeeze %dma_start3A_196 : memref<1x800x8xf32, #tpu.memory_space<vmem>> -> memref<800x8xf32, #tpu.memory_space<vmem>>
    %dma_start3A_198 = arith.constant 480 : i32
    %dma_start3A_199 = arith.constant 0 : i32
    %dma_start3A_200 = tpu.memref_slice %dma_start3A_197[%dma_start3A_198, %dma_start3A_199] : memref<800x8xf32, #tpu.memory_space<vmem>> -> memref<80x8xf32, #tpu.memory_space<vmem>>
    %dma_start3A_201 = arith.constant 0 : i32
    %dma_start3A_202 = tpu.memref_slice %arg8[%dma_start3A_192, %dma_start3A_201] : memref<2x800xi32, #tpu.memory_space<vmem>> -> memref<1x800xi32, #tpu.memory_space<vmem>>
    %dma_start3A_203 = tpu.memref_squeeze %dma_start3A_202 : memref<1x800xi32, #tpu.memory_space<vmem>> -> memref<800xi32, #tpu.memory_space<vmem>>
    %dma_start3A_204 = arith.constant 480 : i32
    %dma_start3A_205 = tpu.memref_slice %dma_start3A_203[%dma_start3A_204] : memref<800xi32, #tpu.memory_space<vmem>> -> memref<80xi32, #tpu.memory_space<vmem>>
    %dma_start3A_206 = arith.constant 0 : i32
    %dma_start3A_207 = arith.constant 0 : i32
    %dma_start3A_208 = tpu.memref_slice %arg2[%dma_start3A_206, %dma_start3A_207] : memref<320000x8xf32, #tpu.memory_space<hbm>> -> memref<320000x8xf32, #tpu.memory_space<hbm>>
    tpu.enqueue_indirect_dma source(%dma_start3A_208 : memref<320000x8xf32, #tpu.memory_space<hbm>>) target(%dma_start3A_200 : memref<80x8xf32, #tpu.memory_space<vmem>>) offsets(%dma_start3A_205 : memref<80xi32, #tpu.memory_space<vmem>>) semaphore(%arg17 : memref<!tpu.dma_semaphore, #tpu.memory_space<semaphore_mem>>)
    %dma_start3A_209 = arith.constant 0 : i32
    %dma_start3A_210 = arith.constant 0 : i32
    %dma_start3A_211 = arith.constant 0 : i32
    %dma_start3A_212 = arith.constant 0 : i32
    %dma_start3A_213 = tpu.memref_slice %arg9[%dma_start3A_210, %dma_start3A_211, %dma_start3A_212] : memref<2x800x8xf32, #tpu.memory_space<vmem>> -> memref<1x800x8xf32, #tpu.memory_space<vmem>>
    %dma_start3A_214 = tpu.memref_squeeze %dma_start3A_213 : memref<1x800x8xf32, #tpu.memory_space<vmem>> -> memref<800x8xf32, #tpu.memory_space<vmem>>
    %dma_start3A_215 = arith.constant 560 : i32
    %dma_start3A_216 = arith.constant 0 : i32
    %dma_start3A_217 = tpu.memref_slice %dma_start3A_214[%dma_start3A_215, %dma_start3A_216] : memref<800x8xf32, #tpu.memory_space<vmem>> -> memref<80x8xf32, #tpu.memory_space<vmem>>
    %dma_start3A_218 = arith.constant 0 : i32
    %dma_start3A_219 = tpu.memref_slice %arg8[%dma_start3A_209, %dma_start3A_218] : memref<2x800xi32, #tpu.memory_space<vmem>> -> memref<1x800xi32, #tpu.memory_space<vmem>>
    %dma_start3A_220 = tpu.memref_squeeze %dma_start3A_219 : memref<1x800xi32, #tpu.memory_space<vmem>> -> memref<800xi32, #tpu.memory_space<vmem>>
    %dma_start3A_221 = arith.constant 560 : i32
    %dma_start3A_222 = tpu.memref_slice %dma_start3A_220[%dma_start3A_221] : memref<800xi32, #tpu.memory_space<vmem>> -> memref<80xi32, #tpu.memory_space<vmem>>
    %dma_start3A_223 = arith.constant 0 : i32
    %dma_start3A_224 = arith.constant 0 : i32
    %dma_start3A_225 = tpu.memref_slice %arg2[%dma_start3A_223, %dma_start3A_224] : memref<320000x8xf32, #tpu.memory_space<hbm>> -> memref<320000x8xf32, #tpu.memory_space<hbm>>
    tpu.enqueue_indirect_dma source(%dma_start3A_225 : memref<320000x8xf32, #tpu.memory_space<hbm>>) target(%dma_start3A_217 : memref<80x8xf32, #tpu.memory_space<vmem>>) offsets(%dma_start3A_222 : memref<80xi32, #tpu.memory_space<vmem>>) semaphore(%arg17 : memref<!tpu.dma_semaphore, #tpu.memory_space<semaphore_mem>>)
    %dma_start3A_226 = arith.constant 0 : i32
    %dma_start3A_227 = arith.constant 0 : i32
    %dma_start3A_228 = arith.constant 0 : i32
    %dma_start3A_229 = arith.constant 0 : i32
    %dma_start3A_230 = tpu.memref_slice %arg9[%dma_start3A_227, %dma_start3A_228, %dma_start3A_229] : memref<2x800x8xf32, #tpu.memory_space<vmem>> -> memref<1x800x8xf32, #tpu.memory_space<vmem>>
    %dma_start3A_231 = tpu.memref_squeeze %dma_start3A_230 : memref<1x800x8xf32, #tpu.memory_space<vmem>> -> memref<800x8xf32, #tpu.memory_space<vmem>>
    %dma_start3A_232 = arith.constant 640 : i32
    %dma_start3A_233 = arith.constant 0 : i32
    %dma_start3A_234 = tpu.memref_slice %dma_start3A_231[%dma_start3A_232, %dma_start3A_233] : memref<800x8xf32, #tpu.memory_space<vmem>> -> memref<80x8xf32, #tpu.memory_space<vmem>>
    %dma_start3A_235 = arith.constant 0 : i32
    %dma_start3A_236 = tpu.memref_slice %arg8[%dma_start3A_226, %dma_start3A_235] : memref<2x800xi32, #tpu.memory_space<vmem>> -> memref<1x800xi32, #tpu.memory_space<vmem>>
    %dma_start3A_237 = tpu.memref_squeeze %dma_start3A_236 : memref<1x800xi32, #tpu.memory_space<vmem>> -> memref<800xi32, #tpu.memory_space<vmem>>
    %dma_start3A_238 = arith.constant 640 : i32
    %dma_start3A_239 = tpu.memref_slice %dma_start3A_237[%dma_start3A_238] : memref<800xi32, #tpu.memory_space<vmem>> -> memref<80xi32, #tpu.memory_space<vmem>>
    %dma_start3A_240 = arith.constant 0 : i32
    %dma_start3A_241 = arith.constant 0 : i32
    %dma_start3A_242 = tpu.memref_slice %arg2[%dma_start3A_240, %dma_start3A_241] : memref<320000x8xf32, #tpu.memory_space<hbm>> -> memref<320000x8xf32, #tpu.memory_space<hbm>>
    tpu.enqueue_indirect_dma source(%dma_start3A_242 : memref<320000x8xf32, #tpu.memory_space<hbm>>) target(%dma_start3A_234 : memref<80x8xf32, #tpu.memory_space<vmem>>) offsets(%dma_start3A_239 : memref<80xi32, #tpu.memory_space<vmem>>) semaphore(%arg17 : memref<!tpu.dma_semaphore, #tpu.memory_space<semaphore_mem>>)
    %dma_start3A_243 = arith.constant 0 : i32
    %dma_start3A_244 = arith.constant 0 : i32
    %dma_start3A_245 = arith.constant 0 : i32
    %dma_start3A_246 = arith.constant 0 : i32
    %dma_start3A_247 = tpu.memref_slice %arg9[%dma_start3A_244, %dma_start3A_245, %dma_start3A_246] : memref<2x800x8xf32, #tpu.memory_space<vmem>> -> memref<1x800x8xf32, #tpu.memory_space<vmem>>
    %dma_start3A_248 = tpu.memref_squeeze %dma_start3A_247 : memref<1x800x8xf32, #tpu.memory_space<vmem>> -> memref<800x8xf32, #tpu.memory_space<vmem>>
    %dma_start3A_249 = arith.constant 720 : i32
    %dma_start3A_250 = arith.constant 0 : i32
    %dma_start3A_251 = tpu.memref_slice %dma_start3A_248[%dma_start3A_249, %dma_start3A_250] : memref<800x8xf32, #tpu.memory_space<vmem>> -> memref<80x8xf32, #tpu.memory_space<vmem>>
    %dma_start3A_252 = arith.constant 0 : i32
    %dma_start3A_253 = tpu.memref_slice %arg8[%dma_start3A_243, %dma_start3A_252] : memref<2x800xi32, #tpu.memory_space<vmem>> -> memref<1x800xi32, #tpu.memory_space<vmem>>
    %dma_start3A_254 = tpu.memref_squeeze %dma_start3A_253 : memref<1x800xi32, #tpu.memory_space<vmem>> -> memref<800xi32, #tpu.memory_space<vmem>>
    %dma_start3A_255 = arith.constant 720 : i32
    %dma_start3A_256 = tpu.memref_slice %dma_start3A_254[%dma_start3A_255] : memref<800xi32, #tpu.memory_space<vmem>> -> memref<80xi32, #tpu.memory_space<vmem>>
    %dma_start3A_257 = arith.constant 0 : i32
    %dma_start3A_258 = arith.constant 0 : i32
    %dma_start3A_259 = tpu.memref_slice %arg2[%dma_start3A_257, %dma_start3A_258] : memref<320000x8xf32, #tpu.memory_space<hbm>> -> memref<320000x8xf32, #tpu.memory_space<hbm>>
    tpu.enqueue_indirect_dma source(%dma_start3A_259 : memref<320000x8xf32, #tpu.memory_space<hbm>>) target(%dma_start3A_251 : memref<80x8xf32, #tpu.memory_space<vmem>>) offsets(%dma_start3A_256 : memref<80xi32, #tpu.memory_space<vmem>>) semaphore(%arg17 : memref<!tpu.dma_semaphore, #tpu.memory_space<semaphore_mem>>)
    %add3A_260 = arith.constant 800 : i32
    %add3A_261 = arith.addi %mul3A_32, %add3A_260 : i32
    %dma_start3A_262 = arith.constant 1 : i32
    %dma_start3A_263 = arith.constant 0 : i32
    %dma_start3A_264 = tpu.memref_slice %arg7[%dma_start3A_262, %dma_start3A_263] : memref<2x800xi32, #tpu.memory_space<vmem>> -> memref<1x800xi32, #tpu.memory_space<vmem>>
    %dma_start3A_265 = tpu.memref_squeeze %dma_start3A_264 : memref<1x800xi32, #tpu.memory_space<vmem>> -> memref<800xi32, #tpu.memory_space<vmem>>
    %dma_start3A_266 = tpu.memref_slice %arg3[%add3A_261] : memref<160000xi32, #tpu.memory_space<hbm>> -> memref<800xi32, #tpu.memory_space<hbm>>
    %dma_start3A_267 = arith.constant 0 : i32
    %dma_start3A_268 = tpu.memref_slice %arg7[%dma_start3A_262, %dma_start3A_267] : memref<2x800xi32, #tpu.memory_space<vmem>> -> memref<1x800xi32, #tpu.memory_space<vmem>>
    %dma_start3A_269 = tpu.memref_squeeze %dma_start3A_268 : memref<1x800xi32, #tpu.memory_space<vmem>> -> memref<800xi32, #tpu.memory_space<vmem>>
    %dma_start3A_270 = tpu.memref_slice %arg3[%add3A_261] : memref<160000xi32, #tpu.memory_space<hbm>> -> memref<800xi32, #tpu.memory_space<hbm>>
    tpu.enqueue_dma source(%dma_start3A_270 : memref<800xi32, #tpu.memory_space<hbm>>) target(%dma_start3A_269 : memref<800xi32, #tpu.memory_space<vmem>>) target_semaphore(%arg14 : memref<!tpu.dma_semaphore, #tpu.memory_space<semaphore_mem>>)
    %add3A_271 = arith.constant 800 : i32
    %add3A_272 = arith.addi %mul3A_32, %add3A_271 : i32
    %mul3A_273 = arith.constant 8 : i32
    %mul3A_274 = arith.muli %add3A_272, %mul3A_273 : i32
    %dma_start3A_275 = arith.constant 1 : i32
    %dma_start3A_276 = arith.constant 0 : i32
    %dma_start3A_277 = tpu.memref_slice %arg10[%dma_start3A_275, %dma_start3A_276] : memref<2x6400xi32, #tpu.memory_space<vmem>> -> memref<1x6400xi32, #tpu.memory_space<vmem>>
    %dma_start3A_278 = tpu.memref_squeeze %dma_start3A_277 : memref<1x6400xi32, #tpu.memory_space<vmem>> -> memref<6400xi32, #tpu.memory_space<vmem>>
    %dma_start3A_279 = tpu.memref_slice %arg4[%mul3A_274] : memref<1280000xi32, #tpu.memory_space<hbm>> -> memref<6400xi32, #tpu.memory_space<hbm>>
    %dma_start3A_280 = arith.constant 0 : i32
    %dma_start3A_281 = tpu.memref_slice %arg10[%dma_start3A_275, %dma_start3A_280] : memref<2x6400xi32, #tpu.memory_space<vmem>> -> memref<1x6400xi32, #tpu.memory_space<vmem>>
    %dma_start3A_282 = tpu.memref_squeeze %dma_start3A_281 : memref<1x6400xi32, #tpu.memory_space<vmem>> -> memref<6400xi32, #tpu.memory_space<vmem>>
    %dma_start3A_283 = tpu.memref_slice %arg4[%mul3A_274] : memref<1280000xi32, #tpu.memory_space<hbm>> -> memref<6400xi32, #tpu.memory_space<hbm>>
    tpu.enqueue_dma source(%dma_start3A_283 : memref<6400xi32, #tpu.memory_space<hbm>>) target(%dma_start3A_282 : memref<6400xi32, #tpu.memory_space<vmem>>) target_semaphore(%arg16 : memref<!tpu.dma_semaphore, #tpu.memory_space<semaphore_mem>>)
    %mul3A_284 = arith.constant 8 : i32
    %mul3A_285 = arith.muli %add3A_272, %mul3A_284 : i32
    %dma_start3A_286 = arith.constant 1 : i32
    %dma_start3A_287 = arith.constant 0 : i32
    %dma_start3A_288 = tpu.memref_slice %arg11[%dma_start3A_286, %dma_start3A_287] : memref<2x6400xf32, #tpu.memory_space<vmem>> -> memref<1x6400xf32, #tpu.memory_space<vmem>>
    %dma_start3A_289 = tpu.memref_squeeze %dma_start3A_288 : memref<1x6400xf32, #tpu.memory_space<vmem>> -> memref<6400xf32, #tpu.memory_space<vmem>>
    %dma_start3A_290 = tpu.memref_slice %arg5[%mul3A_285] : memref<1280000xf32, #tpu.memory_space<hbm>> -> memref<6400xf32, #tpu.memory_space<hbm>>
    %dma_start3A_291 = arith.constant 0 : i32
    %dma_start3A_292 = tpu.memref_slice %arg11[%dma_start3A_286, %dma_start3A_291] : memref<2x6400xf32, #tpu.memory_space<vmem>> -> memref<1x6400xf32, #tpu.memory_space<vmem>>
    %dma_start3A_293 = tpu.memref_squeeze %dma_start3A_292 : memref<1x6400xf32, #tpu.memory_space<vmem>> -> memref<6400xf32, #tpu.memory_space<vmem>>
    %dma_start3A_294 = tpu.memref_slice %arg5[%mul3A_285] : memref<1280000xf32, #tpu.memory_space<hbm>> -> memref<6400xf32, #tpu.memory_space<hbm>>
    tpu.enqueue_dma source(%dma_start3A_294 : memref<6400xf32, #tpu.memory_space<hbm>>) target(%dma_start3A_293 : memref<6400xf32, #tpu.memory_space<vmem>>) target_semaphore(%arg16 : memref<!tpu.dma_semaphore, #tpu.memory_space<semaphore_mem>>)
    %scan3A = arith.constant 0 : i32
    %scan3A_295 = arith.constant 100 : i32
    %scan3A_296 = arith.addi %scan3A, %scan3A_295 : i32
    %scan3A_297 = arith.constant 1 : i32
    scf.for %scan3A_301 = %scan3A to %scan3A_296 step %scan3A_297  : i32 {
      %mul3A_302 = arith.constant 2 : i32
      %mul3A_303 = arith.muli %mul3A_302, %scan3A_301 : i32
      %mul3A_304 = arith.constant 2 : i32
      %mul3A_305 = arith.muli %mul3A_304, %scan3A_301 : i32
      %add3A_306 = arith.constant 1 : i32
      %add3A_307 = arith.addi %mul3A_305, %add3A_306 : i32
      %add3A_308 = arith.constant 2 : i32
      %add3A_309 = arith.addi %mul3A_303, %add3A_308 : i32
      %lt3A_310 = arith.constant 200 : i32
      %lt3A_311 = arith.cmpi slt, %add3A_309, %lt3A_310 : i32
      %convert_element_type3A = arith.extui %lt3A_311 : i1 to i32
      %cond3A = arith.constant 0 : i32
      %cond3A_312 = arith.cmpi ne, %convert_element_type3A, %cond3A : i32
      scf.if %cond3A_312 {
        %add3A_914 = arith.constant 2 : i32
        %add3A_915 = arith.addi %mul3A_303, %add3A_914 : i32
        %mul3A_916 = arith.constant 800 : i32
        %mul3A_917 = arith.muli %add3A_915, %mul3A_916 : i32
        %add3A_918 = arith.addi %mul3A_32, %mul3A_917 : i32
        %dma_start3A_919 = arith.constant 0 : i32
        %dma_start3A_920 = arith.constant 0 : i32
        %dma_start3A_921 = tpu.memref_slice %arg7[%dma_start3A_919, %dma_start3A_920] : memref<2x800xi32, #tpu.memory_space<vmem>> -> memref<1x800xi32, #tpu.memory_space<vmem>>
        %dma_start3A_922 = tpu.memref_squeeze %dma_start3A_921 : memref<1x800xi32, #tpu.memory_space<vmem>> -> memref<800xi32, #tpu.memory_space<vmem>>
        %dma_start3A_923 = tpu.memref_slice %arg3[%add3A_918] : memref<160000xi32, #tpu.memory_space<hbm>> -> memref<800xi32, #tpu.memory_space<hbm>>
        %dma_start3A_924 = arith.constant 0 : i32
        %dma_start3A_925 = tpu.memref_slice %arg7[%dma_start3A_919, %dma_start3A_924] : memref<2x800xi32, #tpu.memory_space<vmem>> -> memref<1x800xi32, #tpu.memory_space<vmem>>
        %dma_start3A_926 = tpu.memref_squeeze %dma_start3A_925 : memref<1x800xi32, #tpu.memory_space<vmem>> -> memref<800xi32, #tpu.memory_space<vmem>>
        %dma_start3A_927 = tpu.memref_slice %arg3[%add3A_918] : memref<160000xi32, #tpu.memory_space<hbm>> -> memref<800xi32, #tpu.memory_space<hbm>>
        tpu.enqueue_dma source(%dma_start3A_927 : memref<800xi32, #tpu.memory_space<hbm>>) target(%dma_start3A_926 : memref<800xi32, #tpu.memory_space<vmem>>) target_semaphore(%arg13 : memref<!tpu.dma_semaphore, #tpu.memory_space<semaphore_mem>>)
      } else {
      }
      %dma_wait3A_313 = arith.constant 1 : i32
      %dma_wait3A_314 = arith.constant 0 : i32
      %dma_wait3A_315 = tpu.memref_slice %arg7[%dma_wait3A_313, %dma_wait3A_314] : memref<2x800xi32, #tpu.memory_space<vmem>> -> memref<1x800xi32, #tpu.memory_space<vmem>>
      %dma_wait3A_316 = tpu.memref_squeeze %dma_wait3A_315 : memref<1x800xi32, #tpu.memory_space<vmem>> -> memref<800xi32, #tpu.memory_space<vmem>>
      %dma_wait3A_317 = tpu.memref_slice %arg3[%mul3A_32] : memref<160000xi32, #tpu.memory_space<hbm>> -> memref<800xi32, #tpu.memory_space<hbm>>
      %dma_wait3A_318 = arith.constant 0 : i32
      %dma_wait3A_319 = tpu.memref_slice %arg7[%dma_wait3A_313, %dma_wait3A_318] : memref<2x800xi32, #tpu.memory_space<vmem>> -> memref<1x800xi32, #tpu.memory_space<vmem>>
      %dma_wait3A_320 = tpu.memref_squeeze %dma_wait3A_319 : memref<1x800xi32, #tpu.memory_space<vmem>> -> memref<800xi32, #tpu.memory_space<vmem>>
      %dma_wait3A_321 = tpu.memref_slice %arg3[%mul3A_32] : memref<160000xi32, #tpu.memory_space<hbm>> -> memref<800xi32, #tpu.memory_space<hbm>>
      tpu.wait_dma2 semaphore(%arg14 : memref<!tpu.dma_semaphore, #tpu.memory_space<semaphore_mem>>) src(%dma_wait3A_321 : memref<800xi32, #tpu.memory_space<hbm>>) dst(%dma_wait3A_320 : memref<800xi32, #tpu.memory_space<vmem>>)
      %parallel_loop3A_322 = arith.constant 0 : i32
      %parallel_loop3A_323 = arith.constant 50 : i32
      %parallel_loop3A_324 = arith.constant 1 : i32
      %parallel_loop3A_325 = arith.constant 1 : i32
      %parallel_loop3A_326 = arith.constant 1 : i32
      scf.for %parallel_loop3A_914 = %parallel_loop3A_322 to %parallel_loop3A_323 step %parallel_loop3A_324  : i32 {
        %parallel_loop3A_915 = arith.constant 16 : i32
        %parallel_loop3A_916 = arith.muli %parallel_loop3A_914, %parallel_loop3A_915 : i32
        %parallel_loop3A_917 = arith.constant 0 : i32
        %parallel_loop3A_918 = tpu.memref_slice %arg7[%parallel_loop3A_325, %parallel_loop3A_917] : memref<2x800xi32, #tpu.memory_space<vmem>> -> memref<1x800xi32, #tpu.memory_space<vmem>>
        %parallel_loop3A_919 = tpu.memref_squeeze %parallel_loop3A_918 : memref<1x800xi32, #tpu.memory_space<vmem>> -> memref<800xi32, #tpu.memory_space<vmem>>
        %parallel_loop3A_920 = arith.index_cast %parallel_loop3A_916 : i32 to index
        %parallel_loop3A_921 = tpu.vector_load %parallel_loop3A_919[%parallel_loop3A_920] {strides = array<i32>} : memref<800xi32, #tpu.memory_space<vmem>>, vector<16xi32>,
        %parallel_loop3A_922 = arith.addi %parallel_loop3A_921, %broadcast_in_dim3A_34 : vector<16xi32>
        %parallel_loop3A_923 = arith.constant 0 : i32
        %parallel_loop3A_924 = tpu.memref_slice %arg8[%parallel_loop3A_326, %parallel_loop3A_923] : memref<2x800xi32, #tpu.memory_space<vmem>> -> memref<1x800xi32, #tpu.memory_space<vmem>>
        %parallel_loop3A_925 = tpu.memref_squeeze %parallel_loop3A_924 : memref<1x800xi32, #tpu.memory_space<vmem>> -> memref<800xi32, #tpu.memory_space<vmem>>
        %parallel_loop3A_926 = arith.index_cast %parallel_loop3A_916 : i32 to index
        %parallel_loop3A_927 = tpu.vector_load %parallel_loop3A_925[%parallel_loop3A_926] {strides = array<i32>} : memref<800xi32, #tpu.memory_space<vmem>>, vector<16xi32>,
        tpu.vector_store %parallel_loop3A_925[%parallel_loop3A_926], %parallel_loop3A_922 {strides = array<i32>} : memref<800xi32, #tpu.memory_space<vmem>>, vector<16xi32>,
      } {sc.loop_unroll_factor = 8 : i64, sc.parallel_access}
      %dma_start3A_327 = arith.constant 1 : i32
      %dma_start3A_328 = arith.constant 1 : i32
      %dma_start3A_329 = arith.constant 0 : i32
      %dma_start3A_330 = arith.constant 0 : i32
      %dma_start3A_331 = tpu.memref_slice %arg9[%dma_start3A_328, %dma_start3A_329, %dma_start3A_330] : memref<2x800x8xf32, #tpu.memory_space<vmem>> -> memref<1x800x8xf32, #tpu.memory_space<vmem>>
      %dma_start3A_332 = tpu.memref_squeeze %dma_start3A_331 : memref<1x800x8xf32, #tpu.memory_space<vmem>> -> memref<800x8xf32, #tpu.memory_space<vmem>>
      %dma_start3A_333 = arith.constant 0 : i32
      %dma_start3A_334 = arith.constant 0 : i32
      %dma_start3A_335 = tpu.memref_slice %dma_start3A_332[%dma_start3A_333, %dma_start3A_334] : memref<800x8xf32, #tpu.memory_space<vmem>> -> memref<80x8xf32, #tpu.memory_space<vmem>>
      %dma_start3A_336 = arith.constant 0 : i32
      %dma_start3A_337 = tpu.memref_slice %arg8[%dma_start3A_327, %dma_start3A_336] : memref<2x800xi32, #tpu.memory_space<vmem>> -> memref<1x800xi32, #tpu.memory_space<vmem>>
      %dma_start3A_338 = tpu.memref_squeeze %dma_start3A_337 : memref<1x800xi32, #tpu.memory_space<vmem>> -> memref<800xi32, #tpu.memory_space<vmem>>
      %dma_start3A_339 = arith.constant 0 : i32
      %dma_start3A_340 = tpu.memref_slice %dma_start3A_338[%dma_start3A_339] : memref<800xi32, #tpu.memory_space<vmem>> -> memref<80xi32, #tpu.memory_space<vmem>>
      %dma_start3A_341 = arith.constant 0 : i32
      %dma_start3A_342 = arith.constant 0 : i32
      %dma_start3A_343 = tpu.memref_slice %arg2[%dma_start3A_341, %dma_start3A_342] : memref<320000x8xf32, #tpu.memory_space<hbm>> -> memref<320000x8xf32, #tpu.memory_space<hbm>>
      tpu.enqueue_indirect_dma source(%dma_start3A_343 : memref<320000x8xf32, #tpu.memory_space<hbm>>) target(%dma_start3A_335 : memref<80x8xf32, #tpu.memory_space<vmem>>) offsets(%dma_start3A_340 : memref<80xi32, #tpu.memory_space<vmem>>) semaphore(%arg18 : memref<!tpu.dma_semaphore, #tpu.memory_space<semaphore_mem>>)
      %dma_start3A_344 = arith.constant 1 : i32
      %dma_start3A_345 = arith.constant 1 : i32
      %dma_start3A_346 = arith.constant 0 : i32
      %dma_start3A_347 = arith.constant 0 : i32
      %dma_start3A_348 = tpu.memref_slice %arg9[%dma_start3A_345, %dma_start3A_346, %dma_start3A_347] : memref<2x800x8xf32, #tpu.memory_space<vmem>> -> memref<1x800x8xf32, #tpu.memory_space<vmem>>
      %dma_start3A_349 = tpu.memref_squeeze %dma_start3A_348 : memref<1x800x8xf32, #tpu.memory_space<vmem>> -> memref<800x8xf32, #tpu.memory_space<vmem>>
      %dma_start3A_350 = arith.constant 80 : i32
      %dma_start3A_351 = arith.constant 0 : i32
      %dma_start3A_352 = tpu.memref_slice %dma_start3A_349[%dma_start3A_350, %dma_start3A_351] : memref<800x8xf32, #tpu.memory_space<vmem>> -> memref<80x8xf32, #tpu.memory_space<vmem>>
      %dma_start3A_353 = arith.constant 0 : i32
      %dma_start3A_354 = tpu.memref_slice %arg8[%dma_start3A_344, %dma_start3A_353] : memref<2x800xi32, #tpu.memory_space<vmem>> -> memref<1x800xi32, #tpu.memory_space<vmem>>
      %dma_start3A_355 = tpu.memref_squeeze %dma_start3A_354 : memref<1x800xi32, #tpu.memory_space<vmem>> -> memref<800xi32, #tpu.memory_space<vmem>>
      %dma_start3A_356 = arith.constant 80 : i32
      %dma_start3A_357 = tpu.memref_slice %dma_start3A_355[%dma_start3A_356] : memref<800xi32, #tpu.memory_space<vmem>> -> memref<80xi32, #tpu.memory_space<vmem>>
      %dma_start3A_358 = arith.constant 0 : i32
      %dma_start3A_359 = arith.constant 0 : i32
      %dma_start3A_360 = tpu.memref_slice %arg2[%dma_start3A_358, %dma_start3A_359] : memref<320000x8xf32, #tpu.memory_space<hbm>> -> memref<320000x8xf32, #tpu.memory_space<hbm>>
      tpu.enqueue_indirect_dma source(%dma_start3A_360 : memref<320000x8xf32, #tpu.memory_space<hbm>>) target(%dma_start3A_352 : memref<80x8xf32, #tpu.memory_space<vmem>>) offsets(%dma_start3A_357 : memref<80xi32, #tpu.memory_space<vmem>>) semaphore(%arg18 : memref<!tpu.dma_semaphore, #tpu.memory_space<semaphore_mem>>)
      %dma_start3A_361 = arith.constant 1 : i32
      %dma_start3A_362 = arith.constant 1 : i32
      %dma_start3A_363 = arith.constant 0 : i32
      %dma_start3A_364 = arith.constant 0 : i32
      %dma_start3A_365 = tpu.memref_slice %arg9[%dma_start3A_362, %dma_start3A_363, %dma_start3A_364] : memref<2x800x8xf32, #tpu.memory_space<vmem>> -> memref<1x800x8xf32, #tpu.memory_space<vmem>>
      %dma_start3A_366 = tpu.memref_squeeze %dma_start3A_365 : memref<1x800x8xf32, #tpu.memory_space<vmem>> -> memref<800x8xf32, #tpu.memory_space<vmem>>
      %dma_start3A_367 = arith.constant 160 : i32
      %dma_start3A_368 = arith.constant 0 : i32
      %dma_start3A_369 = tpu.memref_slice %dma_start3A_366[%dma_start3A_367, %dma_start3A_368] : memref<800x8xf32, #tpu.memory_space<vmem>> -> memref<80x8xf32, #tpu.memory_space<vmem>>
      %dma_start3A_370 = arith.constant 0 : i32
      %dma_start3A_371 = tpu.memref_slice %arg8[%dma_start3A_361, %dma_start3A_370] : memref<2x800xi32, #tpu.memory_space<vmem>> -> memref<1x800xi32, #tpu.memory_space<vmem>>
      %dma_start3A_372 = tpu.memref_squeeze %dma_start3A_371 : memref<1x800xi32, #tpu.memory_space<vmem>> -> memref<800xi32, #tpu.memory_space<vmem>>
      %dma_start3A_373 = arith.constant 160 : i32
      %dma_start3A_374 = tpu.memref_slice %dma_start3A_372[%dma_start3A_373] : memref<800xi32, #tpu.memory_space<vmem>> -> memref<80xi32, #tpu.memory_space<vmem>>
      %dma_start3A_375 = arith.constant 0 : i32
      %dma_start3A_376 = arith.constant 0 : i32
      %dma_start3A_377 = tpu.memref_slice %arg2[%dma_start3A_375, %dma_start3A_376] : memref<320000x8xf32, #tpu.memory_space<hbm>> -> memref<320000x8xf32, #tpu.memory_space<hbm>>
      tpu.enqueue_indirect_dma source(%dma_start3A_377 : memref<320000x8xf32, #tpu.memory_space<hbm>>) target(%dma_start3A_369 : memref<80x8xf32, #tpu.memory_space<vmem>>) offsets(%dma_start3A_374 : memref<80xi32, #tpu.memory_space<vmem>>) semaphore(%arg18 : memref<!tpu.dma_semaphore, #tpu.memory_space<semaphore_mem>>)
      %dma_start3A_378 = arith.constant 1 : i32
      %dma_start3A_379 = arith.constant 1 : i32
      %dma_start3A_380 = arith.constant 0 : i32
      %dma_start3A_381 = arith.constant 0 : i32
      %dma_start3A_382 = tpu.memref_slice %arg9[%dma_start3A_379, %dma_start3A_380, %dma_start3A_381] : memref<2x800x8xf32, #tpu.memory_space<vmem>> -> memref<1x800x8xf32, #tpu.memory_space<vmem>>
      %dma_start3A_383 = tpu.memref_squeeze %dma_start3A_382 : memref<1x800x8xf32, #tpu.memory_space<vmem>> -> memref<800x8xf32, #tpu.memory_space<vmem>>
      %dma_start3A_384 = arith.constant 240 : i32
      %dma_start3A_385 = arith.constant 0 : i32
      %dma_start3A_386 = tpu.memref_slice %dma_start3A_383[%dma_start3A_384, %dma_start3A_385] : memref<800x8xf32, #tpu.memory_space<vmem>> -> memref<80x8xf32, #tpu.memory_space<vmem>>
      %dma_start3A_387 = arith.constant 0 : i32
      %dma_start3A_388 = tpu.memref_slice %arg8[%dma_start3A_378, %dma_start3A_387] : memref<2x800xi32, #tpu.memory_space<vmem>> -> memref<1x800xi32, #tpu.memory_space<vmem>>
      %dma_start3A_389 = tpu.memref_squeeze %dma_start3A_388 : memref<1x800xi32, #tpu.memory_space<vmem>> -> memref<800xi32, #tpu.memory_space<vmem>>
      %dma_start3A_390 = arith.constant 240 : i32
      %dma_start3A_391 = tpu.memref_slice %dma_start3A_389[%dma_start3A_390] : memref<800xi32, #tpu.memory_space<vmem>> -> memref<80xi32, #tpu.memory_space<vmem>>
      %dma_start3A_392 = arith.constant 0 : i32
      %dma_start3A_393 = arith.constant 0 : i32
      %dma_start3A_394 = tpu.memref_slice %arg2[%dma_start3A_392, %dma_start3A_393] : memref<320000x8xf32, #tpu.memory_space<hbm>> -> memref<320000x8xf32, #tpu.memory_space<hbm>>
      tpu.enqueue_indirect_dma source(%dma_start3A_394 : memref<320000x8xf32, #tpu.memory_space<hbm>>) target(%dma_start3A_386 : memref<80x8xf32, #tpu.memory_space<vmem>>) offsets(%dma_start3A_391 : memref<80xi32, #tpu.memory_space<vmem>>) semaphore(%arg18 : memref<!tpu.dma_semaphore, #tpu.memory_space<semaphore_mem>>)
      %dma_start3A_395 = arith.constant 1 : i32
      %dma_start3A_396 = arith.constant 1 : i32
      %dma_start3A_397 = arith.constant 0 : i32
      %dma_start3A_398 = arith.constant 0 : i32
      %dma_start3A_399 = tpu.memref_slice %arg9[%dma_start3A_396, %dma_start3A_397, %dma_start3A_398] : memref<2x800x8xf32, #tpu.memory_space<vmem>> -> memref<1x800x8xf32, #tpu.memory_space<vmem>>
      %dma_start3A_400 = tpu.memref_squeeze %dma_start3A_399 : memref<1x800x8xf32, #tpu.memory_space<vmem>> -> memref<800x8xf32, #tpu.memory_space<vmem>>
      %dma_start3A_401 = arith.constant 320 : i32
      %dma_start3A_402 = arith.constant 0 : i32
      %dma_start3A_403 = tpu.memref_slice %dma_start3A_400[%dma_start3A_401, %dma_start3A_402] : memref<800x8xf32, #tpu.memory_space<vmem>> -> memref<80x8xf32, #tpu.memory_space<vmem>>
      %dma_start3A_404 = arith.constant 0 : i32
      %dma_start3A_405 = tpu.memref_slice %arg8[%dma_start3A_395, %dma_start3A_404] : memref<2x800xi32, #tpu.memory_space<vmem>> -> memref<1x800xi32, #tpu.memory_space<vmem>>
      %dma_start3A_406 = tpu.memref_squeeze %dma_start3A_405 : memref<1x800xi32, #tpu.memory_space<vmem>> -> memref<800xi32, #tpu.memory_space<vmem>>
      %dma_start3A_407 = arith.constant 320 : i32
      %dma_start3A_408 = tpu.memref_slice %dma_start3A_406[%dma_start3A_407] : memref<800xi32, #tpu.memory_space<vmem>> -> memref<80xi32, #tpu.memory_space<vmem>>
      %dma_start3A_409 = arith.constant 0 : i32
      %dma_start3A_410 = arith.constant 0 : i32
      %dma_start3A_411 = tpu.memref_slice %arg2[%dma_start3A_409, %dma_start3A_410] : memref<320000x8xf32, #tpu.memory_space<hbm>> -> memref<320000x8xf32, #tpu.memory_space<hbm>>
      tpu.enqueue_indirect_dma source(%dma_start3A_411 : memref<320000x8xf32, #tpu.memory_space<hbm>>) target(%dma_start3A_403 : memref<80x8xf32, #tpu.memory_space<vmem>>) offsets(%dma_start3A_408 : memref<80xi32, #tpu.memory_space<vmem>>) semaphore(%arg18 : memref<!tpu.dma_semaphore, #tpu.memory_space<semaphore_mem>>)
      %dma_start3A_412 = arith.constant 1 : i32
      %dma_start3A_413 = arith.constant 1 : i32
      %dma_start3A_414 = arith.constant 0 : i32
      %dma_start3A_415 = arith.constant 0 : i32
      %dma_start3A_416 = tpu.memref_slice %arg9[%dma_start3A_413, %dma_start3A_414, %dma_start3A_415] : memref<2x800x8xf32, #tpu.memory_space<vmem>> -> memref<1x800x8xf32, #tpu.memory_space<vmem>>
      %dma_start3A_417 = tpu.memref_squeeze %dma_start3A_416 : memref<1x800x8xf32, #tpu.memory_space<vmem>> -> memref<800x8xf32, #tpu.memory_space<vmem>>
      %dma_start3A_418 = arith.constant 400 : i32
      %dma_start3A_419 = arith.constant 0 : i32
      %dma_start3A_420 = tpu.memref_slice %dma_start3A_417[%dma_start3A_418, %dma_start3A_419] : memref<800x8xf32, #tpu.memory_space<vmem>> -> memref<80x8xf32, #tpu.memory_space<vmem>>
      %dma_start3A_421 = arith.constant 0 : i32
      %dma_start3A_422 = tpu.memref_slice %arg8[%dma_start3A_412, %dma_start3A_421] : memref<2x800xi32, #tpu.memory_space<vmem>> -> memref<1x800xi32, #tpu.memory_space<vmem>>
      %dma_start3A_423 = tpu.memref_squeeze %dma_start3A_422 : memref<1x800xi32, #tpu.memory_space<vmem>> -> memref<800xi32, #tpu.memory_space<vmem>>
      %dma_start3A_424 = arith.constant 400 : i32
      %dma_start3A_425 = tpu.memref_slice %dma_start3A_423[%dma_start3A_424] : memref<800xi32, #tpu.memory_space<vmem>> -> memref<80xi32, #tpu.memory_space<vmem>>
      %dma_start3A_426 = arith.constant 0 : i32
      %dma_start3A_427 = arith.constant 0 : i32
      %dma_start3A_428 = tpu.memref_slice %arg2[%dma_start3A_426, %dma_start3A_427] : memref<320000x8xf32, #tpu.memory_space<hbm>> -> memref<320000x8xf32, #tpu.memory_space<hbm>>
      tpu.enqueue_indirect_dma source(%dma_start3A_428 : memref<320000x8xf32, #tpu.memory_space<hbm>>) target(%dma_start3A_420 : memref<80x8xf32, #tpu.memory_space<vmem>>) offsets(%dma_start3A_425 : memref<80xi32, #tpu.memory_space<vmem>>) semaphore(%arg18 : memref<!tpu.dma_semaphore, #tpu.memory_space<semaphore_mem>>)
      %dma_start3A_429 = arith.constant 1 : i32
      %dma_start3A_430 = arith.constant 1 : i32
      %dma_start3A_431 = arith.constant 0 : i32
      %dma_start3A_432 = arith.constant 0 : i32
      %dma_start3A_433 = tpu.memref_slice %arg9[%dma_start3A_430, %dma_start3A_431, %dma_start3A_432] : memref<2x800x8xf32, #tpu.memory_space<vmem>> -> memref<1x800x8xf32, #tpu.memory_space<vmem>>
      %dma_start3A_434 = tpu.memref_squeeze %dma_start3A_433 : memref<1x800x8xf32, #tpu.memory_space<vmem>> -> memref<800x8xf32, #tpu.memory_space<vmem>>
      %dma_start3A_435 = arith.constant 480 : i32
      %dma_start3A_436 = arith.constant 0 : i32
      %dma_start3A_437 = tpu.memref_slice %dma_start3A_434[%dma_start3A_435, %dma_start3A_436] : memref<800x8xf32, #tpu.memory_space<vmem>> -> memref<80x8xf32, #tpu.memory_space<vmem>>
      %dma_start3A_438 = arith.constant 0 : i32
      %dma_start3A_439 = tpu.memref_slice %arg8[%dma_start3A_429, %dma_start3A_438] : memref<2x800xi32, #tpu.memory_space<vmem>> -> memref<1x800xi32, #tpu.memory_space<vmem>>
      %dma_start3A_440 = tpu.memref_squeeze %dma_start3A_439 : memref<1x800xi32, #tpu.memory_space<vmem>> -> memref<800xi32, #tpu.memory_space<vmem>>
      %dma_start3A_441 = arith.constant 480 : i32
      %dma_start3A_442 = tpu.memref_slice %dma_start3A_440[%dma_start3A_441] : memref<800xi32, #tpu.memory_space<vmem>> -> memref<80xi32, #tpu.memory_space<vmem>>
      %dma_start3A_443 = arith.constant 0 : i32
      %dma_start3A_444 = arith.constant 0 : i32
      %dma_start3A_445 = tpu.memref_slice %arg2[%dma_start3A_443, %dma_start3A_444] : memref<320000x8xf32, #tpu.memory_space<hbm>> -> memref<320000x8xf32, #tpu.memory_space<hbm>>
      tpu.enqueue_indirect_dma source(%dma_start3A_445 : memref<320000x8xf32, #tpu.memory_space<hbm>>) target(%dma_start3A_437 : memref<80x8xf32, #tpu.memory_space<vmem>>) offsets(%dma_start3A_442 : memref<80xi32, #tpu.memory_space<vmem>>) semaphore(%arg18 : memref<!tpu.dma_semaphore, #tpu.memory_space<semaphore_mem>>)
      %dma_start3A_446 = arith.constant 1 : i32
      %dma_start3A_447 = arith.constant 1 : i32
      %dma_start3A_448 = arith.constant 0 : i32
      %dma_start3A_449 = arith.constant 0 : i32
      %dma_start3A_450 = tpu.memref_slice %arg9[%dma_start3A_447, %dma_start3A_448, %dma_start3A_449] : memref<2x800x8xf32, #tpu.memory_space<vmem>> -> memref<1x800x8xf32, #tpu.memory_space<vmem>>
      %dma_start3A_451 = tpu.memref_squeeze %dma_start3A_450 : memref<1x800x8xf32, #tpu.memory_space<vmem>> -> memref<800x8xf32, #tpu.memory_space<vmem>>
      %dma_start3A_452 = arith.constant 560 : i32
      %dma_start3A_453 = arith.constant 0 : i32
      %dma_start3A_454 = tpu.memref_slice %dma_start3A_451[%dma_start3A_452, %dma_start3A_453] : memref<800x8xf32, #tpu.memory_space<vmem>> -> memref<80x8xf32, #tpu.memory_space<vmem>>
      %dma_start3A_455 = arith.constant 0 : i32
      %dma_start3A_456 = tpu.memref_slice %arg8[%dma_start3A_446, %dma_start3A_455] : memref<2x800xi32, #tpu.memory_space<vmem>> -> memref<1x800xi32, #tpu.memory_space<vmem>>
      %dma_start3A_457 = tpu.memref_squeeze %dma_start3A_456 : memref<1x800xi32, #tpu.memory_space<vmem>> -> memref<800xi32, #tpu.memory_space<vmem>>
      %dma_start3A_458 = arith.constant 560 : i32
      %dma_start3A_459 = tpu.memref_slice %dma_start3A_457[%dma_start3A_458] : memref<800xi32, #tpu.memory_space<vmem>> -> memref<80xi32, #tpu.memory_space<vmem>>
      %dma_start3A_460 = arith.constant 0 : i32
      %dma_start3A_461 = arith.constant 0 : i32
      %dma_start3A_462 = tpu.memref_slice %arg2[%dma_start3A_460, %dma_start3A_461] : memref<320000x8xf32, #tpu.memory_space<hbm>> -> memref<320000x8xf32, #tpu.memory_space<hbm>>
      tpu.enqueue_indirect_dma source(%dma_start3A_462 : memref<320000x8xf32, #tpu.memory_space<hbm>>) target(%dma_start3A_454 : memref<80x8xf32, #tpu.memory_space<vmem>>) offsets(%dma_start3A_459 : memref<80xi32, #tpu.memory_space<vmem>>) semaphore(%arg18 : memref<!tpu.dma_semaphore, #tpu.memory_space<semaphore_mem>>)
      %dma_start3A_463 = arith.constant 1 : i32
      %dma_start3A_464 = arith.constant 1 : i32
      %dma_start3A_465 = arith.constant 0 : i32
      %dma_start3A_466 = arith.constant 0 : i32
      %dma_start3A_467 = tpu.memref_slice %arg9[%dma_start3A_464, %dma_start3A_465, %dma_start3A_466] : memref<2x800x8xf32, #tpu.memory_space<vmem>> -> memref<1x800x8xf32, #tpu.memory_space<vmem>>
      %dma_start3A_468 = tpu.memref_squeeze %dma_start3A_467 : memref<1x800x8xf32, #tpu.memory_space<vmem>> -> memref<800x8xf32, #tpu.memory_space<vmem>>
      %dma_start3A_469 = arith.constant 640 : i32
      %dma_start3A_470 = arith.constant 0 : i32
      %dma_start3A_471 = tpu.memref_slice %dma_start3A_468[%dma_start3A_469, %dma_start3A_470] : memref<800x8xf32, #tpu.memory_space<vmem>> -> memref<80x8xf32, #tpu.memory_space<vmem>>
      %dma_start3A_472 = arith.constant 0 : i32
      %dma_start3A_473 = tpu.memref_slice %arg8[%dma_start3A_463, %dma_start3A_472] : memref<2x800xi32, #tpu.memory_space<vmem>> -> memref<1x800xi32, #tpu.memory_space<vmem>>
      %dma_start3A_474 = tpu.memref_squeeze %dma_start3A_473 : memref<1x800xi32, #tpu.memory_space<vmem>> -> memref<800xi32, #tpu.memory_space<vmem>>
      %dma_start3A_475 = arith.constant 640 : i32
      %dma_start3A_476 = tpu.memref_slice %dma_start3A_474[%dma_start3A_475] : memref<800xi32, #tpu.memory_space<vmem>> -> memref<80xi32, #tpu.memory_space<vmem>>
      %dma_start3A_477 = arith.constant 0 : i32
      %dma_start3A_478 = arith.constant 0 : i32
      %dma_start3A_479 = tpu.memref_slice %arg2[%dma_start3A_477, %dma_start3A_478] : memref<320000x8xf32, #tpu.memory_space<hbm>> -> memref<320000x8xf32, #tpu.memory_space<hbm>>
      tpu.enqueue_indirect_dma source(%dma_start3A_479 : memref<320000x8xf32, #tpu.memory_space<hbm>>) target(%dma_start3A_471 : memref<80x8xf32, #tpu.memory_space<vmem>>) offsets(%dma_start3A_476 : memref<80xi32, #tpu.memory_space<vmem>>) semaphore(%arg18 : memref<!tpu.dma_semaphore, #tpu.memory_space<semaphore_mem>>)
      %dma_start3A_480 = arith.constant 1 : i32
      %dma_start3A_481 = arith.constant 1 : i32
      %dma_start3A_482 = arith.constant 0 : i32
      %dma_start3A_483 = arith.constant 0 : i32
      %dma_start3A_484 = tpu.memref_slice %arg9[%dma_start3A_481, %dma_start3A_482, %dma_start3A_483] : memref<2x800x8xf32, #tpu.memory_space<vmem>> -> memref<1x800x8xf32, #tpu.memory_space<vmem>>
      %dma_start3A_485 = tpu.memref_squeeze %dma_start3A_484 : memref<1x800x8xf32, #tpu.memory_space<vmem>> -> memref<800x8xf32, #tpu.memory_space<vmem>>
      %dma_start3A_486 = arith.constant 720 : i32
      %dma_start3A_487 = arith.constant 0 : i32
      %dma_start3A_488 = tpu.memref_slice %dma_start3A_485[%dma_start3A_486, %dma_start3A_487] : memref<800x8xf32, #tpu.memory_space<vmem>> -> memref<80x8xf32, #tpu.memory_space<vmem>>
      %dma_start3A_489 = arith.constant 0 : i32
      %dma_start3A_490 = tpu.memref_slice %arg8[%dma_start3A_480, %dma_start3A_489] : memref<2x800xi32, #tpu.memory_space<vmem>> -> memref<1x800xi32, #tpu.memory_space<vmem>>
      %dma_start3A_491 = tpu.memref_squeeze %dma_start3A_490 : memref<1x800xi32, #tpu.memory_space<vmem>> -> memref<800xi32, #tpu.memory_space<vmem>>
      %dma_start3A_492 = arith.constant 720 : i32
      %dma_start3A_493 = tpu.memref_slice %dma_start3A_491[%dma_start3A_492] : memref<800xi32, #tpu.memory_space<vmem>> -> memref<80xi32, #tpu.memory_space<vmem>>
      %dma_start3A_494 = arith.constant 0 : i32
      %dma_start3A_495 = arith.constant 0 : i32
      %dma_start3A_496 = tpu.memref_slice %arg2[%dma_start3A_494, %dma_start3A_495] : memref<320000x8xf32, #tpu.memory_space<hbm>> -> memref<320000x8xf32, #tpu.memory_space<hbm>>
      tpu.enqueue_indirect_dma source(%dma_start3A_496 : memref<320000x8xf32, #tpu.memory_space<hbm>>) target(%dma_start3A_488 : memref<80x8xf32, #tpu.memory_space<vmem>>) offsets(%dma_start3A_493 : memref<80xi32, #tpu.memory_space<vmem>>) semaphore(%arg18 : memref<!tpu.dma_semaphore, #tpu.memory_space<semaphore_mem>>)
      %add3A_497 = arith.constant 2 : i32
      %add3A_498 = arith.addi %add3A_307, %add3A_497 : i32
      %lt3A_499 = arith.constant 200 : i32
      %lt3A_500 = arith.cmpi slt, %add3A_498, %lt3A_499 : i32
      %convert_element_type3A_501 = arith.extui %lt3A_500 : i1 to i32
      %cond3A_502 = arith.constant 0 : i32
      %cond3A_503 = arith.cmpi ne, %convert_element_type3A_501, %cond3A_502 : i32
      scf.if %cond3A_503 {
        %add3A_914 = arith.constant 2 : i32
        %add3A_915 = arith.addi %add3A_307, %add3A_914 : i32
        %mul3A_916 = arith.constant 800 : i32
        %mul3A_917 = arith.muli %add3A_915, %mul3A_916 : i32
        %add3A_918 = arith.addi %mul3A_32, %mul3A_917 : i32
        %dma_start3A_919 = arith.constant 1 : i32
        %dma_start3A_920 = arith.constant 0 : i32
        %dma_start3A_921 = tpu.memref_slice %arg7[%dma_start3A_919, %dma_start3A_920] : memref<2x800xi32, #tpu.memory_space<vmem>> -> memref<1x800xi32, #tpu.memory_space<vmem>>
        %dma_start3A_922 = tpu.memref_squeeze %dma_start3A_921 : memref<1x800xi32, #tpu.memory_space<vmem>> -> memref<800xi32, #tpu.memory_space<vmem>>
        %dma_start3A_923 = tpu.memref_slice %arg3[%add3A_918] : memref<160000xi32, #tpu.memory_space<hbm>> -> memref<800xi32, #tpu.memory_space<hbm>>
        %dma_start3A_924 = arith.constant 0 : i32
        %dma_start3A_925 = tpu.memref_slice %arg7[%dma_start3A_919, %dma_start3A_924] : memref<2x800xi32, #tpu.memory_space<vmem>> -> memref<1x800xi32, #tpu.memory_space<vmem>>
        %dma_start3A_926 = tpu.memref_squeeze %dma_start3A_925 : memref<1x800xi32, #tpu.memory_space<vmem>> -> memref<800xi32, #tpu.memory_space<vmem>>
        %dma_start3A_927 = tpu.memref_slice %arg3[%add3A_918] : memref<160000xi32, #tpu.memory_space<hbm>> -> memref<800xi32, #tpu.memory_space<hbm>>
        tpu.enqueue_dma source(%dma_start3A_927 : memref<800xi32, #tpu.memory_space<hbm>>) target(%dma_start3A_926 : memref<800xi32, #tpu.memory_space<vmem>>) target_semaphore(%arg14 : memref<!tpu.dma_semaphore, #tpu.memory_space<semaphore_mem>>)
      } else {
      }
      %mul3A_504 = arith.constant 8 : i32
      %mul3A_505 = arith.muli %mul3A_32, %mul3A_504 : i32
      %mul3A_506 = arith.constant 8 : i32
      %mul3A_507 = arith.muli %mul3A_32, %mul3A_506 : i32
      %dma_wait3A_508 = arith.constant 0 : i32
      %dma_wait3A_509 = arith.constant 0 : i32
      %dma_wait3A_510 = arith.constant 0 : i32
      %dma_wait3A_511 = arith.constant 0 : i32
      %dma_wait3A_512 = tpu.memref_slice %arg9[%dma_wait3A_509, %dma_wait3A_510, %dma_wait3A_511] : memref<2x800x8xf32, #tpu.memory_space<vmem>> -> memref<1x800x8xf32, #tpu.memory_space<vmem>>
      %dma_wait3A_513 = tpu.memref_squeeze %dma_wait3A_512 : memref<1x800x8xf32, #tpu.memory_space<vmem>> -> memref<800x8xf32, #tpu.memory_space<vmem>>
      %dma_wait3A_514 = arith.constant 0 : i32
      %dma_wait3A_515 = arith.constant 0 : i32
      %dma_wait3A_516 = tpu.memref_slice %dma_wait3A_513[%dma_wait3A_514, %dma_wait3A_515] : memref<800x8xf32, #tpu.memory_space<vmem>> -> memref<80x8xf32, #tpu.memory_space<vmem>>
      %dma_wait3A_517 = arith.constant 0 : i32
      %dma_wait3A_518 = tpu.memref_slice %arg8[%dma_wait3A_508, %dma_wait3A_517] : memref<2x800xi32, #tpu.memory_space<vmem>> -> memref<1x800xi32, #tpu.memory_space<vmem>>
      %dma_wait3A_519 = tpu.memref_squeeze %dma_wait3A_518 : memref<1x800xi32, #tpu.memory_space<vmem>> -> memref<800xi32, #tpu.memory_space<vmem>>
      %dma_wait3A_520 = arith.constant 0 : i32
      %dma_wait3A_521 = tpu.memref_slice %dma_wait3A_519[%dma_wait3A_520] : memref<800xi32, #tpu.memory_space<vmem>> -> memref<80xi32, #tpu.memory_space<vmem>>
      %dma_wait3A_522 = arith.constant 0 : i32
      %dma_wait3A_523 = arith.constant 0 : i32
      %dma_wait3A_524 = tpu.memref_slice %arg2[%dma_wait3A_522, %dma_wait3A_523] : memref<320000x8xf32, #tpu.memory_space<hbm>> -> memref<320000x8xf32, #tpu.memory_space<hbm>>
      tpu.wait_indirect_dma semaphore(%arg17 : memref<!tpu.dma_semaphore, #tpu.memory_space<semaphore_mem>>) src(%dma_wait3A_524 : memref<320000x8xf32, #tpu.memory_space<hbm>>) dst(%dma_wait3A_516 : memref<80x8xf32, #tpu.memory_space<vmem>>)
      %dma_wait3A_525 = arith.constant 0 : i32
      %dma_wait3A_526 = arith.constant 0 : i32
      %dma_wait3A_527 = arith.constant 0 : i32
      %dma_wait3A_528 = arith.constant 0 : i32
      %dma_wait3A_529 = tpu.memref_slice %arg9[%dma_wait3A_526, %dma_wait3A_527, %dma_wait3A_528] : memref<2x800x8xf32, #tpu.memory_space<vmem>> -> memref<1x800x8xf32, #tpu.memory_space<vmem>>
      %dma_wait3A_530 = tpu.memref_squeeze %dma_wait3A_529 : memref<1x800x8xf32, #tpu.memory_space<vmem>> -> memref<800x8xf32, #tpu.memory_space<vmem>>
      %dma_wait3A_531 = arith.constant 80 : i32
      %dma_wait3A_532 = arith.constant 0 : i32
      %dma_wait3A_533 = tpu.memref_slice %dma_wait3A_530[%dma_wait3A_531, %dma_wait3A_532] : memref<800x8xf32, #tpu.memory_space<vmem>> -> memref<80x8xf32, #tpu.memory_space<vmem>>
      %dma_wait3A_534 = arith.constant 0 : i32
      %dma_wait3A_535 = tpu.memref_slice %arg8[%dma_wait3A_525, %dma_wait3A_534] : memref<2x800xi32, #tpu.memory_space<vmem>> -> memref<1x800xi32, #tpu.memory_space<vmem>>
      %dma_wait3A_536 = tpu.memref_squeeze %dma_wait3A_535 : memref<1x800xi32, #tpu.memory_space<vmem>> -> memref<800xi32, #tpu.memory_space<vmem>>
      %dma_wait3A_537 = arith.constant 80 : i32
      %dma_wait3A_538 = tpu.memref_slice %dma_wait3A_536[%dma_wait3A_537] : memref<800xi32, #tpu.memory_space<vmem>> -> memref<80xi32, #tpu.memory_space<vmem>>
      %dma_wait3A_539 = arith.constant 0 : i32
      %dma_wait3A_540 = arith.constant 0 : i32
      %dma_wait3A_541 = tpu.memref_slice %arg2[%dma_wait3A_539, %dma_wait3A_540] : memref<320000x8xf32, #tpu.memory_space<hbm>> -> memref<320000x8xf32, #tpu.memory_space<hbm>>
      tpu.wait_indirect_dma semaphore(%arg17 : memref<!tpu.dma_semaphore, #tpu.memory_space<semaphore_mem>>) src(%dma_wait3A_541 : memref<320000x8xf32, #tpu.memory_space<hbm>>) dst(%dma_wait3A_533 : memref<80x8xf32, #tpu.memory_space<vmem>>)
      %dma_wait3A_542 = arith.constant 0 : i32
      %dma_wait3A_543 = arith.constant 0 : i32
      %dma_wait3A_544 = arith.constant 0 : i32
      %dma_wait3A_545 = arith.constant 0 : i32
      %dma_wait3A_546 = tpu.memref_slice %arg9[%dma_wait3A_543, %dma_wait3A_544, %dma_wait3A_545] : memref<2x800x8xf32, #tpu.memory_space<vmem>> -> memref<1x800x8xf32, #tpu.memory_space<vmem>>
      %dma_wait3A_547 = tpu.memref_squeeze %dma_wait3A_546 : memref<1x800x8xf32, #tpu.memory_space<vmem>> -> memref<800x8xf32, #tpu.memory_space<vmem>>
      %dma_wait3A_548 = arith.constant 160 : i32
      %dma_wait3A_549 = arith.constant 0 : i32
      %dma_wait3A_550 = tpu.memref_slice %dma_wait3A_547[%dma_wait3A_548, %dma_wait3A_549] : memref<800x8xf32, #tpu.memory_space<vmem>> -> memref<80x8xf32, #tpu.memory_space<vmem>>
      %dma_wait3A_551 = arith.constant 0 : i32
      %dma_wait3A_552 = tpu.memref_slice %arg8[%dma_wait3A_542, %dma_wait3A_551] : memref<2x800xi32, #tpu.memory_space<vmem>> -> memref<1x800xi32, #tpu.memory_space<vmem>>
      %dma_wait3A_553 = tpu.memref_squeeze %dma_wait3A_552 : memref<1x800xi32, #tpu.memory_space<vmem>> -> memref<800xi32, #tpu.memory_space<vmem>>
      %dma_wait3A_554 = arith.constant 160 : i32
      %dma_wait3A_555 = tpu.memref_slice %dma_wait3A_553[%dma_wait3A_554] : memref<800xi32, #tpu.memory_space<vmem>> -> memref<80xi32, #tpu.memory_space<vmem>>
      %dma_wait3A_556 = arith.constant 0 : i32
      %dma_wait3A_557 = arith.constant 0 : i32
      %dma_wait3A_558 = tpu.memref_slice %arg2[%dma_wait3A_556, %dma_wait3A_557] : memref<320000x8xf32, #tpu.memory_space<hbm>> -> memref<320000x8xf32, #tpu.memory_space<hbm>>
      tpu.wait_indirect_dma semaphore(%arg17 : memref<!tpu.dma_semaphore, #tpu.memory_space<semaphore_mem>>) src(%dma_wait3A_558 : memref<320000x8xf32, #tpu.memory_space<hbm>>) dst(%dma_wait3A_550 : memref<80x8xf32, #tpu.memory_space<vmem>>)
      %dma_wait3A_559 = arith.constant 0 : i32
      %dma_wait3A_560 = arith.constant 0 : i32
      %dma_wait3A_561 = arith.constant 0 : i32
      %dma_wait3A_562 = arith.constant 0 : i32
      %dma_wait3A_563 = tpu.memref_slice %arg9[%dma_wait3A_560, %dma_wait3A_561, %dma_wait3A_562] : memref<2x800x8xf32, #tpu.memory_space<vmem>> -> memref<1x800x8xf32, #tpu.memory_space<vmem>>
      %dma_wait3A_564 = tpu.memref_squeeze %dma_wait3A_563 : memref<1x800x8xf32, #tpu.memory_space<vmem>> -> memref<800x8xf32, #tpu.memory_space<vmem>>
      %dma_wait3A_565 = arith.constant 240 : i32
      %dma_wait3A_566 = arith.constant 0 : i32
      %dma_wait3A_567 = tpu.memref_slice %dma_wait3A_564[%dma_wait3A_565, %dma_wait3A_566] : memref<800x8xf32, #tpu.memory_space<vmem>> -> memref<80x8xf32, #tpu.memory_space<vmem>>
      %dma_wait3A_568 = arith.constant 0 : i32
      %dma_wait3A_569 = tpu.memref_slice %arg8[%dma_wait3A_559, %dma_wait3A_568] : memref<2x800xi32, #tpu.memory_space<vmem>> -> memref<1x800xi32, #tpu.memory_space<vmem>>
      %dma_wait3A_570 = tpu.memref_squeeze %dma_wait3A_569 : memref<1x800xi32, #tpu.memory_space<vmem>> -> memref<800xi32, #tpu.memory_space<vmem>>
      %dma_wait3A_571 = arith.constant 240 : i32
      %dma_wait3A_572 = tpu.memref_slice %dma_wait3A_570[%dma_wait3A_571] : memref<800xi32, #tpu.memory_space<vmem>> -> memref<80xi32, #tpu.memory_space<vmem>>
      %dma_wait3A_573 = arith.constant 0 : i32
      %dma_wait3A_574 = arith.constant 0 : i32
      %dma_wait3A_575 = tpu.memref_slice %arg2[%dma_wait3A_573, %dma_wait3A_574] : memref<320000x8xf32, #tpu.memory_space<hbm>> -> memref<320000x8xf32, #tpu.memory_space<hbm>>
      tpu.wait_indirect_dma semaphore(%arg17 : memref<!tpu.dma_semaphore, #tpu.memory_space<semaphore_mem>>) src(%dma_wait3A_575 : memref<320000x8xf32, #tpu.memory_space<hbm>>) dst(%dma_wait3A_567 : memref<80x8xf32, #tpu.memory_space<vmem>>)
      %dma_wait3A_576 = arith.constant 0 : i32
      %dma_wait3A_577 = arith.constant 0 : i32
      %dma_wait3A_578 = arith.constant 0 : i32
      %dma_wait3A_579 = arith.constant 0 : i32
      %dma_wait3A_580 = tpu.memref_slice %arg9[%dma_wait3A_577, %dma_wait3A_578, %dma_wait3A_579] : memref<2x800x8xf32, #tpu.memory_space<vmem>> -> memref<1x800x8xf32, #tpu.memory_space<vmem>>
      %dma_wait3A_581 = tpu.memref_squeeze %dma_wait3A_580 : memref<1x800x8xf32, #tpu.memory_space<vmem>> -> memref<800x8xf32, #tpu.memory_space<vmem>>
      %dma_wait3A_582 = arith.constant 320 : i32
      %dma_wait3A_583 = arith.constant 0 : i32
      %dma_wait3A_584 = tpu.memref_slice %dma_wait3A_581[%dma_wait3A_582, %dma_wait3A_583] : memref<800x8xf32, #tpu.memory_space<vmem>> -> memref<80x8xf32, #tpu.memory_space<vmem>>
      %dma_wait3A_585 = arith.constant 0 : i32
      %dma_wait3A_586 = tpu.memref_slice %arg8[%dma_wait3A_576, %dma_wait3A_585] : memref<2x800xi32, #tpu.memory_space<vmem>> -> memref<1x800xi32, #tpu.memory_space<vmem>>
      %dma_wait3A_587 = tpu.memref_squeeze %dma_wait3A_586 : memref<1x800xi32, #tpu.memory_space<vmem>> -> memref<800xi32, #tpu.memory_space<vmem>>
      %dma_wait3A_588 = arith.constant 320 : i32
      %dma_wait3A_589 = tpu.memref_slice %dma_wait3A_587[%dma_wait3A_588] : memref<800xi32, #tpu.memory_space<vmem>> -> memref<80xi32, #tpu.memory_space<vmem>>
      %dma_wait3A_590 = arith.constant 0 : i32
      %dma_wait3A_591 = arith.constant 0 : i32
      %dma_wait3A_592 = tpu.memref_slice %arg2[%dma_wait3A_590, %dma_wait3A_591] : memref<320000x8xf32, #tpu.memory_space<hbm>> -> memref<320000x8xf32, #tpu.memory_space<hbm>>
      tpu.wait_indirect_dma semaphore(%arg17 : memref<!tpu.dma_semaphore, #tpu.memory_space<semaphore_mem>>) src(%dma_wait3A_592 : memref<320000x8xf32, #tpu.memory_space<hbm>>) dst(%dma_wait3A_584 : memref<80x8xf32, #tpu.memory_space<vmem>>)
      %dma_wait3A_593 = arith.constant 0 : i32
      %dma_wait3A_594 = arith.constant 0 : i32
      %dma_wait3A_595 = arith.constant 0 : i32
      %dma_wait3A_596 = arith.constant 0 : i32
      %dma_wait3A_597 = tpu.memref_slice %arg9[%dma_wait3A_594, %dma_wait3A_595, %dma_wait3A_596] : memref<2x800x8xf32, #tpu.memory_space<vmem>> -> memref<1x800x8xf32, #tpu.memory_space<vmem>>
      %dma_wait3A_598 = tpu.memref_squeeze %dma_wait3A_597 : memref<1x800x8xf32, #tpu.memory_space<vmem>> -> memref<800x8xf32, #tpu.memory_space<vmem>>
      %dma_wait3A_599 = arith.constant 400 : i32
      %dma_wait3A_600 = arith.constant 0 : i32
      %dma_wait3A_601 = tpu.memref_slice %dma_wait3A_598[%dma_wait3A_599, %dma_wait3A_600] : memref<800x8xf32, #tpu.memory_space<vmem>> -> memref<80x8xf32, #tpu.memory_space<vmem>>
      %dma_wait3A_602 = arith.constant 0 : i32
      %dma_wait3A_603 = tpu.memref_slice %arg8[%dma_wait3A_593, %dma_wait3A_602] : memref<2x800xi32, #tpu.memory_space<vmem>> -> memref<1x800xi32, #tpu.memory_space<vmem>>
      %dma_wait3A_604 = tpu.memref_squeeze %dma_wait3A_603 : memref<1x800xi32, #tpu.memory_space<vmem>> -> memref<800xi32, #tpu.memory_space<vmem>>
      %dma_wait3A_605 = arith.constant 400 : i32
      %dma_wait3A_606 = tpu.memref_slice %dma_wait3A_604[%dma_wait3A_605] : memref<800xi32, #tpu.memory_space<vmem>> -> memref<80xi32, #tpu.memory_space<vmem>>
      %dma_wait3A_607 = arith.constant 0 : i32
      %dma_wait3A_608 = arith.constant 0 : i32
      %dma_wait3A_609 = tpu.memref_slice %arg2[%dma_wait3A_607, %dma_wait3A_608] : memref<320000x8xf32, #tpu.memory_space<hbm>> -> memref<320000x8xf32, #tpu.memory_space<hbm>>
      tpu.wait_indirect_dma semaphore(%arg17 : memref<!tpu.dma_semaphore, #tpu.memory_space<semaphore_mem>>) src(%dma_wait3A_609 : memref<320000x8xf32, #tpu.memory_space<hbm>>) dst(%dma_wait3A_601 : memref<80x8xf32, #tpu.memory_space<vmem>>)
      %dma_wait3A_610 = arith.constant 0 : i32
      %dma_wait3A_611 = arith.constant 0 : i32
      %dma_wait3A_612 = arith.constant 0 : i32
      %dma_wait3A_613 = arith.constant 0 : i32
      %dma_wait3A_614 = tpu.memref_slice %arg9[%dma_wait3A_611, %dma_wait3A_612, %dma_wait3A_613] : memref<2x800x8xf32, #tpu.memory_space<vmem>> -> memref<1x800x8xf32, #tpu.memory_space<vmem>>
      %dma_wait3A_615 = tpu.memref_squeeze %dma_wait3A_614 : memref<1x800x8xf32, #tpu.memory_space<vmem>> -> memref<800x8xf32, #tpu.memory_space<vmem>>
      %dma_wait3A_616 = arith.constant 480 : i32
      %dma_wait3A_617 = arith.constant 0 : i32
      %dma_wait3A_618 = tpu.memref_slice %dma_wait3A_615[%dma_wait3A_616, %dma_wait3A_617] : memref<800x8xf32, #tpu.memory_space<vmem>> -> memref<80x8xf32, #tpu.memory_space<vmem>>
      %dma_wait3A_619 = arith.constant 0 : i32
      %dma_wait3A_620 = tpu.memref_slice %arg8[%dma_wait3A_610, %dma_wait3A_619] : memref<2x800xi32, #tpu.memory_space<vmem>> -> memref<1x800xi32, #tpu.memory_space<vmem>>
      %dma_wait3A_621 = tpu.memref_squeeze %dma_wait3A_620 : memref<1x800xi32, #tpu.memory_space<vmem>> -> memref<800xi32, #tpu.memory_space<vmem>>
      %dma_wait3A_622 = arith.constant 480 : i32
      %dma_wait3A_623 = tpu.memref_slice %dma_wait3A_621[%dma_wait3A_622] : memref<800xi32, #tpu.memory_space<vmem>> -> memref<80xi32, #tpu.memory_space<vmem>>
      %dma_wait3A_624 = arith.constant 0 : i32
      %dma_wait3A_625 = arith.constant 0 : i32
      %dma_wait3A_626 = tpu.memref_slice %arg2[%dma_wait3A_624, %dma_wait3A_625] : memref<320000x8xf32, #tpu.memory_space<hbm>> -> memref<320000x8xf32, #tpu.memory_space<hbm>>
      tpu.wait_indirect_dma semaphore(%arg17 : memref<!tpu.dma_semaphore, #tpu.memory_space<semaphore_mem>>) src(%dma_wait3A_626 : memref<320000x8xf32, #tpu.memory_space<hbm>>) dst(%dma_wait3A_618 : memref<80x8xf32, #tpu.memory_space<vmem>>)
      %dma_wait3A_627 = arith.constant 0 : i32
      %dma_wait3A_628 = arith.constant 0 : i32
      %dma_wait3A_629 = arith.constant 0 : i32
      %dma_wait3A_630 = arith.constant 0 : i32
      %dma_wait3A_631 = tpu.memref_slice %arg9[%dma_wait3A_628, %dma_wait3A_629, %dma_wait3A_630] : memref<2x800x8xf32, #tpu.memory_space<vmem>> -> memref<1x800x8xf32, #tpu.memory_space<vmem>>
      %dma_wait3A_632 = tpu.memref_squeeze %dma_wait3A_631 : memref<1x800x8xf32, #tpu.memory_space<vmem>> -> memref<800x8xf32, #tpu.memory_space<vmem>>
      %dma_wait3A_633 = arith.constant 560 : i32
      %dma_wait3A_634 = arith.constant 0 : i32
      %dma_wait3A_635 = tpu.memref_slice %dma_wait3A_632[%dma_wait3A_633, %dma_wait3A_634] : memref<800x8xf32, #tpu.memory_space<vmem>> -> memref<80x8xf32, #tpu.memory_space<vmem>>
      %dma_wait3A_636 = arith.constant 0 : i32
      %dma_wait3A_637 = tpu.memref_slice %arg8[%dma_wait3A_627, %dma_wait3A_636] : memref<2x800xi32, #tpu.memory_space<vmem>> -> memref<1x800xi32, #tpu.memory_space<vmem>>
      %dma_wait3A_638 = tpu.memref_squeeze %dma_wait3A_637 : memref<1x800xi32, #tpu.memory_space<vmem>> -> memref<800xi32, #tpu.memory_space<vmem>>
      %dma_wait3A_639 = arith.constant 560 : i32
      %dma_wait3A_640 = tpu.memref_slice %dma_wait3A_638[%dma_wait3A_639] : memref<800xi32, #tpu.memory_space<vmem>> -> memref<80xi32, #tpu.memory_space<vmem>>
      %dma_wait3A_641 = arith.constant 0 : i32
      %dma_wait3A_642 = arith.constant 0 : i32
      %dma_wait3A_643 = tpu.memref_slice %arg2[%dma_wait3A_641, %dma_wait3A_642] : memref<320000x8xf32, #tpu.memory_space<hbm>> -> memref<320000x8xf32, #tpu.memory_space<hbm>>
      tpu.wait_indirect_dma semaphore(%arg17 : memref<!tpu.dma_semaphore, #tpu.memory_space<semaphore_mem>>) src(%dma_wait3A_643 : memref<320000x8xf32, #tpu.memory_space<hbm>>) dst(%dma_wait3A_635 : memref<80x8xf32, #tpu.memory_space<vmem>>)
      %dma_wait3A_644 = arith.constant 0 : i32
      %dma_wait3A_645 = arith.constant 0 : i32
      %dma_wait3A_646 = arith.constant 0 : i32
      %dma_wait3A_647 = arith.constant 0 : i32
      %dma_wait3A_648 = tpu.memref_slice %arg9[%dma_wait3A_645, %dma_wait3A_646, %dma_wait3A_647] : memref<2x800x8xf32, #tpu.memory_space<vmem>> -> memref<1x800x8xf32, #tpu.memory_space<vmem>>
      %dma_wait3A_649 = tpu.memref_squeeze %dma_wait3A_648 : memref<1x800x8xf32, #tpu.memory_space<vmem>> -> memref<800x8xf32, #tpu.memory_space<vmem>>
      %dma_wait3A_650 = arith.constant 640 : i32
      %dma_wait3A_651 = arith.constant 0 : i32
      %dma_wait3A_652 = tpu.memref_slice %dma_wait3A_649[%dma_wait3A_650, %dma_wait3A_651] : memref<800x8xf32, #tpu.memory_space<vmem>> -> memref<80x8xf32, #tpu.memory_space<vmem>>
      %dma_wait3A_653 = arith.constant 0 : i32
      %dma_wait3A_654 = tpu.memref_slice %arg8[%dma_wait3A_644, %dma_wait3A_653] : memref<2x800xi32, #tpu.memory_space<vmem>> -> memref<1x800xi32, #tpu.memory_space<vmem>>
      %dma_wait3A_655 = tpu.memref_squeeze %dma_wait3A_654 : memref<1x800xi32, #tpu.memory_space<vmem>> -> memref<800xi32, #tpu.memory_space<vmem>>
      %dma_wait3A_656 = arith.constant 640 : i32
      %dma_wait3A_657 = tpu.memref_slice %dma_wait3A_655[%dma_wait3A_656] : memref<800xi32, #tpu.memory_space<vmem>> -> memref<80xi32, #tpu.memory_space<vmem>>
      %dma_wait3A_658 = arith.constant 0 : i32
      %dma_wait3A_659 = arith.constant 0 : i32
      %dma_wait3A_660 = tpu.memref_slice %arg2[%dma_wait3A_658, %dma_wait3A_659] : memref<320000x8xf32, #tpu.memory_space<hbm>> -> memref<320000x8xf32, #tpu.memory_space<hbm>>
      tpu.wait_indirect_dma semaphore(%arg17 : memref<!tpu.dma_semaphore, #tpu.memory_space<semaphore_mem>>) src(%dma_wait3A_660 : memref<320000x8xf32, #tpu.memory_space<hbm>>) dst(%dma_wait3A_652 : memref<80x8xf32, #tpu.memory_space<vmem>>)
      %dma_wait3A_661 = arith.constant 0 : i32
      %dma_wait3A_662 = arith.constant 0 : i32
      %dma_wait3A_663 = arith.constant 0 : i32
      %dma_wait3A_664 = arith.constant 0 : i32
      %dma_wait3A_665 = tpu.memref_slice %arg9[%dma_wait3A_662, %dma_wait3A_663, %dma_wait3A_664] : memref<2x800x8xf32, #tpu.memory_space<vmem>> -> memref<1x800x8xf32, #tpu.memory_space<vmem>>
      %dma_wait3A_666 = tpu.memref_squeeze %dma_wait3A_665 : memref<1x800x8xf32, #tpu.memory_space<vmem>> -> memref<800x8xf32, #tpu.memory_space<vmem>>
      %dma_wait3A_667 = arith.constant 720 : i32
      %dma_wait3A_668 = arith.constant 0 : i32
      %dma_wait3A_669 = tpu.memref_slice %dma_wait3A_666[%dma_wait3A_667, %dma_wait3A_668] : memref<800x8xf32, #tpu.memory_space<vmem>> -> memref<80x8xf32, #tpu.memory_space<vmem>>
      %dma_wait3A_670 = arith.constant 0 : i32
      %dma_wait3A_671 = tpu.memref_slice %arg8[%dma_wait3A_661, %dma_wait3A_670] : memref<2x800xi32, #tpu.memory_space<vmem>> -> memref<1x800xi32, #tpu.memory_space<vmem>>
      %dma_wait3A_672 = tpu.memref_squeeze %dma_wait3A_671 : memref<1x800xi32, #tpu.memory_space<vmem>> -> memref<800xi32, #tpu.memory_space<vmem>>
      %dma_wait3A_673 = arith.constant 720 : i32
      %dma_wait3A_674 = tpu.memref_slice %dma_wait3A_672[%dma_wait3A_673] : memref<800xi32, #tpu.memory_space<vmem>> -> memref<80xi32, #tpu.memory_space<vmem>>
      %dma_wait3A_675 = arith.constant 0 : i32
      %dma_wait3A_676 = arith.constant 0 : i32
      %dma_wait3A_677 = tpu.memref_slice %arg2[%dma_wait3A_675, %dma_wait3A_676] : memref<320000x8xf32, #tpu.memory_space<hbm>> -> memref<320000x8xf32, #tpu.memory_space<hbm>>
      tpu.wait_indirect_dma semaphore(%arg17 : memref<!tpu.dma_semaphore, #tpu.memory_space<semaphore_mem>>) src(%dma_wait3A_677 : memref<320000x8xf32, #tpu.memory_space<hbm>>) dst(%dma_wait3A_669 : memref<80x8xf32, #tpu.memory_space<vmem>>)
      %dma_wait3A_678 = arith.constant 0 : i32
      %dma_wait3A_679 = arith.constant 0 : i32
      %dma_wait3A_680 = tpu.memref_slice %arg10[%dma_wait3A_678, %dma_wait3A_679] : memref<2x6400xi32, #tpu.memory_space<vmem>> -> memref<1x6400xi32, #tpu.memory_space<vmem>>
      %dma_wait3A_681 = tpu.memref_squeeze %dma_wait3A_680 : memref<1x6400xi32, #tpu.memory_space<vmem>> -> memref<6400xi32, #tpu.memory_space<vmem>>
      %dma_wait3A_682 = tpu.memref_slice %arg4[%mul3A_505] : memref<1280000xi32, #tpu.memory_space<hbm>> -> memref<6400xi32, #tpu.memory_space<hbm>>
      %dma_wait3A_683 = arith.constant 0 : i32
      %dma_wait3A_684 = tpu.memref_slice %arg10[%dma_wait3A_678, %dma_wait3A_683] : memref<2x6400xi32, #tpu.memory_space<vmem>> -> memref<1x6400xi32, #tpu.memory_space<vmem>>
      %dma_wait3A_685 = tpu.memref_squeeze %dma_wait3A_684 : memref<1x6400xi32, #tpu.memory_space<vmem>> -> memref<6400xi32, #tpu.memory_space<vmem>>
      %dma_wait3A_686 = tpu.memref_slice %arg4[%mul3A_505] : memref<1280000xi32, #tpu.memory_space<hbm>> -> memref<6400xi32, #tpu.memory_space<hbm>>
      tpu.wait_dma2 semaphore(%arg15 : memref<!tpu.dma_semaphore, #tpu.memory_space<semaphore_mem>>) src(%dma_wait3A_686 : memref<6400xi32, #tpu.memory_space<hbm>>) dst(%dma_wait3A_685 : memref<6400xi32, #tpu.memory_space<vmem>>)
      %dma_wait3A_687 = arith.constant 0 : i32
      %dma_wait3A_688 = arith.constant 0 : i32
      %dma_wait3A_689 = tpu.memref_slice %arg11[%dma_wait3A_687, %dma_wait3A_688] : memref<2x6400xf32, #tpu.memory_space<vmem>> -> memref<1x6400xf32, #tpu.memory_space<vmem>>
      %dma_wait3A_690 = tpu.memref_squeeze %dma_wait3A_689 : memref<1x6400xf32, #tpu.memory_space<vmem>> -> memref<6400xf32, #tpu.memory_space<vmem>>
      %dma_wait3A_691 = tpu.memref_slice %arg5[%mul3A_507] : memref<1280000xf32, #tpu.memory_space<hbm>> -> memref<6400xf32, #tpu.memory_space<hbm>>
      %dma_wait3A_692 = arith.constant 0 : i32
      %dma_wait3A_693 = tpu.memref_slice %arg11[%dma_wait3A_687, %dma_wait3A_692] : memref<2x6400xf32, #tpu.memory_space<vmem>> -> memref<1x6400xf32, #tpu.memory_space<vmem>>
      %dma_wait3A_694 = tpu.memref_squeeze %dma_wait3A_693 : memref<1x6400xf32, #tpu.memory_space<vmem>> -> memref<6400xf32, #tpu.memory_space<vmem>>
      %dma_wait3A_695 = tpu.memref_slice %arg5[%mul3A_507] : memref<1280000xf32, #tpu.memory_space<hbm>> -> memref<6400xf32, #tpu.memory_space<hbm>>
      tpu.wait_dma2 semaphore(%arg15 : memref<!tpu.dma_semaphore, #tpu.memory_space<semaphore_mem>>) src(%dma_wait3A_695 : memref<6400xf32, #tpu.memory_space<hbm>>) dst(%dma_wait3A_694 : memref<6400xf32, #tpu.memory_space<vmem>>)
      %parallel_loop3A_696 = arith.constant 0 : i32
      %parallel_loop3A_697 = arith.constant 400 : i32
      %parallel_loop3A_698 = arith.constant 1 : i32
      %parallel_loop3A_699 = arith.constant 0 : i32
      %parallel_loop3A_700 = arith.constant 0 : i32
      %parallel_loop3A_701 = arith.constant 0 : i32
      scf.for %parallel_loop3A_914 = %parallel_loop3A_696 to %parallel_loop3A_697 step %parallel_loop3A_698  : i32 {
        %parallel_loop3A_915 = arith.constant 16 : i32
        %parallel_loop3A_916 = arith.muli %parallel_loop3A_914, %parallel_loop3A_915 : i32
        %parallel_loop3A_917 = arith.constant 2 : i32
        %parallel_loop3A_918 = arith.muli %parallel_loop3A_917, %parallel_loop3A_914 : i32
        %parallel_loop3A_919 = vector.broadcast %parallel_loop3A_918 : i32 to vector<16xi32>
        %parallel_loop3A_920 = arith.addi %shift_right_arithmetic3A_40, %parallel_loop3A_919 : vector<16xi32>
        %parallel_loop3A_921 = arith.constant 0 : i32
        %parallel_loop3A_922 = arith.constant 0 : i32
        %parallel_loop3A_923 = tpu.memref_slice %arg9[%parallel_loop3A_699, %parallel_loop3A_921, %parallel_loop3A_922] : memref<2x800x8xf32, #tpu.memory_space<vmem>> -> memref<1x800x8xf32, #tpu.memory_space<vmem>>
        %parallel_loop3A_924 = tpu.memref_squeeze %parallel_loop3A_923 : memref<1x800x8xf32, #tpu.memory_space<vmem>> -> memref<800x8xf32, #tpu.memory_space<vmem>>
        %parallel_loop3A_925 = tpu.vector_load_idx %parallel_loop3A_924[%parallel_loop3A_920, %and3A_37] : memref<800x8xf32, #tpu.memory_space<vmem>>[vector<16xi32>, vector<16xi32>], vector<16xf32>,
        %parallel_loop3A_926 = arith.constant 0 : i32
        %parallel_loop3A_927 = tpu.memref_slice %arg11[%parallel_loop3A_700, %parallel_loop3A_926] : memref<2x6400xf32, #tpu.memory_space<vmem>> -> memref<1x6400xf32, #tpu.memory_space<vmem>>
        %parallel_loop3A_928 = tpu.memref_squeeze %parallel_loop3A_927 : memref<1x6400xf32, #tpu.memory_space<vmem>> -> memref<6400xf32, #tpu.memory_space<vmem>>
        %parallel_loop3A_929 = arith.index_cast %parallel_loop3A_916 : i32 to index
        %parallel_loop3A_930 = tpu.vector_load %parallel_loop3A_928[%parallel_loop3A_929] {strides = array<i32>} : memref<6400xf32, #tpu.memory_space<vmem>>, vector<16xf32>,
        %parallel_loop3A_931 = arith.mulf %parallel_loop3A_925, %parallel_loop3A_930 : vector<16xf32>
        %parallel_loop3A_932 = arith.constant 0 : i32
        %parallel_loop3A_933 = tpu.memref_slice %arg10[%parallel_loop3A_701, %parallel_loop3A_932] : memref<2x6400xi32, #tpu.memory_space<vmem>> -> memref<1x6400xi32, #tpu.memory_space<vmem>>
        %parallel_loop3A_934 = tpu.memref_squeeze %parallel_loop3A_933 : memref<1x6400xi32, #tpu.memory_space<vmem>> -> memref<6400xi32, #tpu.memory_space<vmem>>
        %parallel_loop3A_935 = arith.index_cast %parallel_loop3A_916 : i32 to index
        %parallel_loop3A_936 = tpu.vector_load %parallel_loop3A_934[%parallel_loop3A_935] {strides = array<i32>} : memref<6400xi32, #tpu.memory_space<vmem>>, vector<16xi32>,
        tpu.vector_store_idx %arg12[%parallel_loop3A_936, %and3A_37], %parallel_loop3A_931 {add = true} : memref<10000x8xf32, #tpu.memory_space<vmem>>[vector<16xi32>, vector<16xi32>], vector<16xf32>,
      } {sc.loop_unroll_factor = 16 : i64, sc.parallel_access}
      %add3A_702 = arith.constant 2 : i32
      %add3A_703 = arith.addi %mul3A_303, %add3A_702 : i32
      %lt3A_704 = arith.constant 200 : i32
      %lt3A_705 = arith.cmpi slt, %add3A_703, %lt3A_704 : i32
      %convert_element_type3A_706 = arith.extui %lt3A_705 : i1 to i32
      %cond3A_707 = arith.constant 0 : i32
      %cond3A_708 = arith.cmpi ne, %convert_element_type3A_706, %cond3A_707 : i32
      scf.if %cond3A_708 {
        %add3A_914 = arith.constant 2 : i32
        %add3A_915 = arith.addi %mul3A_303, %add3A_914 : i32
        %mul3A_916 = arith.constant 800 : i32
        %mul3A_917 = arith.muli %add3A_915, %mul3A_916 : i32
        %add3A_918 = arith.addi %mul3A_32, %mul3A_917 : i32
        %mul3A_919 = arith.constant 8 : i32
        %mul3A_920 = arith.muli %add3A_918, %mul3A_919 : i32
        %dma_start3A_921 = arith.constant 0 : i32
        %dma_start3A_922 = arith.constant 0 : i32
        %dma_start3A_923 = tpu.memref_slice %arg10[%dma_start3A_921, %dma_start3A_922] : memref<2x6400xi32, #tpu.memory_space<vmem>> -> memref<1x6400xi32, #tpu.memory_space<vmem>>
        %dma_start3A_924 = tpu.memref_squeeze %dma_start3A_923 : memref<1x6400xi32, #tpu.memory_space<vmem>> -> memref<6400xi32, #tpu.memory_space<vmem>>
        %dma_start3A_925 = tpu.memref_slice %arg4[%mul3A_920] : memref<1280000xi32, #tpu.memory_space<hbm>> -> memref<6400xi32, #tpu.memory_space<hbm>>
        %dma_start3A_926 = arith.constant 0 : i32
        %dma_start3A_927 = tpu.memref_slice %arg10[%dma_start3A_921, %dma_start3A_926] : memref<2x6400xi32, #tpu.memory_space<vmem>> -> memref<1x6400xi32, #tpu.memory_space<vmem>>
        %dma_start3A_928 = tpu.memref_squeeze %dma_start3A_927 : memref<1x6400xi32, #tpu.memory_space<vmem>> -> memref<6400xi32, #tpu.memory_space<vmem>>
        %dma_start3A_929 = tpu.memref_slice %arg4[%mul3A_920] : memref<1280000xi32, #tpu.memory_space<hbm>> -> memref<6400xi32, #tpu.memory_space<hbm>>
        tpu.enqueue_dma source(%dma_start3A_929 : memref<6400xi32, #tpu.memory_space<hbm>>) target(%dma_start3A_928 : memref<6400xi32, #tpu.memory_space<vmem>>) target_semaphore(%arg15 : memref<!tpu.dma_semaphore, #tpu.memory_space<semaphore_mem>>)
        %mul3A_930 = arith.constant 8 : i32
        %mul3A_931 = arith.muli %add3A_918, %mul3A_930 : i32
        %dma_start3A_932 = arith.constant 0 : i32
        %dma_start3A_933 = arith.constant 0 : i32
        %dma_start3A_934 = tpu.memref_slice %arg11[%dma_start3A_932, %dma_start3A_933] : memref<2x6400xf32, #tpu.memory_space<vmem>> -> memref<1x6400xf32, #tpu.memory_space<vmem>>
        %dma_start3A_935 = tpu.memref_squeeze %dma_start3A_934 : memref<1x6400xf32, #tpu.memory_space<vmem>> -> memref<6400xf32, #tpu.memory_space<vmem>>
        %dma_start3A_936 = tpu.memref_slice %arg5[%mul3A_931] : memref<1280000xf32, #tpu.memory_space<hbm>> -> memref<6400xf32, #tpu.memory_space<hbm>>
        %dma_start3A_937 = arith.constant 0 : i32
        %dma_start3A_938 = tpu.memref_slice %arg11[%dma_start3A_932, %dma_start3A_937] : memref<2x6400xf32, #tpu.memory_space<vmem>> -> memref<1x6400xf32, #tpu.memory_space<vmem>>
        %dma_start3A_939 = tpu.memref_squeeze %dma_start3A_938 : memref<1x6400xf32, #tpu.memory_space<vmem>> -> memref<6400xf32, #tpu.memory_space<vmem>>
        %dma_start3A_940 = tpu.memref_slice %arg5[%mul3A_931] : memref<1280000xf32, #tpu.memory_space<hbm>> -> memref<6400xf32, #tpu.memory_space<hbm>>
        tpu.enqueue_dma source(%dma_start3A_940 : memref<6400xf32, #tpu.memory_space<hbm>>) target(%dma_start3A_939 : memref<6400xf32, #tpu.memory_space<vmem>>) target_semaphore(%arg15 : memref<!tpu.dma_semaphore, #tpu.memory_space<semaphore_mem>>)
        %dma_wait3A_941 = arith.constant 0 : i32
        %dma_wait3A_942 = arith.constant 0 : i32
        %dma_wait3A_943 = tpu.memref_slice %arg7[%dma_wait3A_941, %dma_wait3A_942] : memref<2x800xi32, #tpu.memory_space<vmem>> -> memref<1x800xi32, #tpu.memory_space<vmem>>
        %dma_wait3A_944 = tpu.memref_squeeze %dma_wait3A_943 : memref<1x800xi32, #tpu.memory_space<vmem>> -> memref<800xi32, #tpu.memory_space<vmem>>
        %dma_wait3A_945 = tpu.memref_slice %arg3[%mul3A_32] : memref<160000xi32, #tpu.memory_space<hbm>> -> memref<800xi32, #tpu.memory_space<hbm>>
        %dma_wait3A_946 = arith.constant 0 : i32
        %dma_wait3A_947 = tpu.memref_slice %arg7[%dma_wait3A_941, %dma_wait3A_946] : memref<2x800xi32, #tpu.memory_space<vmem>> -> memref<1x800xi32, #tpu.memory_space<vmem>>
        %dma_wait3A_948 = tpu.memref_squeeze %dma_wait3A_947 : memref<1x800xi32, #tpu.memory_space<vmem>> -> memref<800xi32, #tpu.memory_space<vmem>>
        %dma_wait3A_949 = tpu.memref_slice %arg3[%mul3A_32] : memref<160000xi32, #tpu.memory_space<hbm>> -> memref<800xi32, #tpu.memory_space<hbm>>
        tpu.wait_dma2 semaphore(%arg13 : memref<!tpu.dma_semaphore, #tpu.memory_space<semaphore_mem>>) src(%dma_wait3A_949 : memref<800xi32, #tpu.memory_space<hbm>>) dst(%dma_wait3A_948 : memref<800xi32, #tpu.memory_space<vmem>>)
        %parallel_loop3A_950 = arith.constant 0 : i32
        %parallel_loop3A_951 = arith.constant 50 : i32
        %parallel_loop3A_952 = arith.constant 1 : i32
        %parallel_loop3A_953 = arith.constant 0 : i32
        %parallel_loop3A_954 = arith.constant 0 : i32
        scf.for %parallel_loop3A_1125 = %parallel_loop3A_950 to %parallel_loop3A_951 step %parallel_loop3A_952  : i32 {
          %parallel_loop3A_1126 = arith.constant 16 : i32
          %parallel_loop3A_1127 = arith.muli %parallel_loop3A_1125, %parallel_loop3A_1126 : i32
          %parallel_loop3A_1128 = arith.constant 0 : i32
          %parallel_loop3A_1129 = tpu.memref_slice %arg7[%parallel_loop3A_953, %parallel_loop3A_1128] : memref<2x800xi32, #tpu.memory_space<vmem>> -> memref<1x800xi32, #tpu.memory_space<vmem>>
          %parallel_loop3A_1130 = tpu.memref_squeeze %parallel_loop3A_1129 : memref<1x800xi32, #tpu.memory_space<vmem>> -> memref<800xi32, #tpu.memory_space<vmem>>
          %parallel_loop3A_1131 = arith.index_cast %parallel_loop3A_1127 : i32 to index
          %parallel_loop3A_1132 = tpu.vector_load %parallel_loop3A_1130[%parallel_loop3A_1131] {strides = array<i32>} : memref<800xi32, #tpu.memory_space<vmem>>, vector<16xi32>,
          %parallel_loop3A_1133 = arith.addi %parallel_loop3A_1132, %broadcast_in_dim3A_34 : vector<16xi32>
          %parallel_loop3A_1134 = arith.constant 0 : i32
          %parallel_loop3A_1135 = tpu.memref_slice %arg8[%parallel_loop3A_954, %parallel_loop3A_1134] : memref<2x800xi32, #tpu.memory_space<vmem>> -> memref<1x800xi32, #tpu.memory_space<vmem>>
          %parallel_loop3A_1136 = tpu.memref_squeeze %parallel_loop3A_1135 : memref<1x800xi32, #tpu.memory_space<vmem>> -> memref<800xi32, #tpu.memory_space<vmem>>
          %parallel_loop3A_1137 = arith.index_cast %parallel_loop3A_1127 : i32 to index
          %parallel_loop3A_1138 = tpu.vector_load %parallel_loop3A_1136[%parallel_loop3A_1137] {strides = array<i32>} : memref<800xi32, #tpu.memory_space<vmem>>, vector<16xi32>,
          tpu.vector_store %parallel_loop3A_1136[%parallel_loop3A_1137], %parallel_loop3A_1133 {strides = array<i32>} : memref<800xi32, #tpu.memory_space<vmem>>, vector<16xi32>,
        } {sc.loop_unroll_factor = 8 : i64, sc.parallel_access}
        %dma_start3A_955 = arith.constant 0 : i32
        %dma_start3A_956 = arith.constant 0 : i32
        %dma_start3A_957 = arith.constant 0 : i32
        %dma_start3A_958 = arith.constant 0 : i32
        %dma_start3A_959 = tpu.memref_slice %arg9[%dma_start3A_956, %dma_start3A_957, %dma_start3A_958] : memref<2x800x8xf32, #tpu.memory_space<vmem>> -> memref<1x800x8xf32, #tpu.memory_space<vmem>>
        %dma_start3A_960 = tpu.memref_squeeze %dma_start3A_959 : memref<1x800x8xf32, #tpu.memory_space<vmem>> -> memref<800x8xf32, #tpu.memory_space<vmem>>
        %dma_start3A_961 = arith.constant 0 : i32
        %dma_start3A_962 = arith.constant 0 : i32
        %dma_start3A_963 = tpu.memref_slice %dma_start3A_960[%dma_start3A_961, %dma_start3A_962] : memref<800x8xf32, #tpu.memory_space<vmem>> -> memref<80x8xf32, #tpu.memory_space<vmem>>
        %dma_start3A_964 = arith.constant 0 : i32
        %dma_start3A_965 = tpu.memref_slice %arg8[%dma_start3A_955, %dma_start3A_964] : memref<2x800xi32, #tpu.memory_space<vmem>> -> memref<1x800xi32, #tpu.memory_space<vmem>>
        %dma_start3A_966 = tpu.memref_squeeze %dma_start3A_965 : memref<1x800xi32, #tpu.memory_space<vmem>> -> memref<800xi32, #tpu.memory_space<vmem>>
        %dma_start3A_967 = arith.constant 0 : i32
        %dma_start3A_968 = tpu.memref_slice %dma_start3A_966[%dma_start3A_967] : memref<800xi32, #tpu.memory_space<vmem>> -> memref<80xi32, #tpu.memory_space<vmem>>
        %dma_start3A_969 = arith.constant 0 : i32
        %dma_start3A_970 = arith.constant 0 : i32
        %dma_start3A_971 = tpu.memref_slice %arg2[%dma_start3A_969, %dma_start3A_970] : memref<320000x8xf32, #tpu.memory_space<hbm>> -> memref<320000x8xf32, #tpu.memory_space<hbm>>
        tpu.enqueue_indirect_dma source(%dma_start3A_971 : memref<320000x8xf32, #tpu.memory_space<hbm>>) target(%dma_start3A_963 : memref<80x8xf32, #tpu.memory_space<vmem>>) offsets(%dma_start3A_968 : memref<80xi32, #tpu.memory_space<vmem>>) semaphore(%arg17 : memref<!tpu.dma_semaphore, #tpu.memory_space<semaphore_mem>>)
        %dma_start3A_972 = arith.constant 0 : i32
        %dma_start3A_973 = arith.constant 0 : i32
        %dma_start3A_974 = arith.constant 0 : i32
        %dma_start3A_975 = arith.constant 0 : i32
        %dma_start3A_976 = tpu.memref_slice %arg9[%dma_start3A_973, %dma_start3A_974, %dma_start3A_975] : memref<2x800x8xf32, #tpu.memory_space<vmem>> -> memref<1x800x8xf32, #tpu.memory_space<vmem>>
        %dma_start3A_977 = tpu.memref_squeeze %dma_start3A_976 : memref<1x800x8xf32, #tpu.memory_space<vmem>> -> memref<800x8xf32, #tpu.memory_space<vmem>>
        %dma_start3A_978 = arith.constant 80 : i32
        %dma_start3A_979 = arith.constant 0 : i32
        %dma_start3A_980 = tpu.memref_slice %dma_start3A_977[%dma_start3A_978, %dma_start3A_979] : memref<800x8xf32, #tpu.memory_space<vmem>> -> memref<80x8xf32, #tpu.memory_space<vmem>>
        %dma_start3A_981 = arith.constant 0 : i32
        %dma_start3A_982 = tpu.memref_slice %arg8[%dma_start3A_972, %dma_start3A_981] : memref<2x800xi32, #tpu.memory_space<vmem>> -> memref<1x800xi32, #tpu.memory_space<vmem>>
        %dma_start3A_983 = tpu.memref_squeeze %dma_start3A_982 : memref<1x800xi32, #tpu.memory_space<vmem>> -> memref<800xi32, #tpu.memory_space<vmem>>
        %dma_start3A_984 = arith.constant 80 : i32
        %dma_start3A_985 = tpu.memref_slice %dma_start3A_983[%dma_start3A_984] : memref<800xi32, #tpu.memory_space<vmem>> -> memref<80xi32, #tpu.memory_space<vmem>>
        %dma_start3A_986 = arith.constant 0 : i32
        %dma_start3A_987 = arith.constant 0 : i32
        %dma_start3A_988 = tpu.memref_slice %arg2[%dma_start3A_986, %dma_start3A_987] : memref<320000x8xf32, #tpu.memory_space<hbm>> -> memref<320000x8xf32, #tpu.memory_space<hbm>>
        tpu.enqueue_indirect_dma source(%dma_start3A_988 : memref<320000x8xf32, #tpu.memory_space<hbm>>) target(%dma_start3A_980 : memref<80x8xf32, #tpu.memory_space<vmem>>) offsets(%dma_start3A_985 : memref<80xi32, #tpu.memory_space<vmem>>) semaphore(%arg17 : memref<!tpu.dma_semaphore, #tpu.memory_space<semaphore_mem>>)
        %dma_start3A_989 = arith.constant 0 : i32
        %dma_start3A_990 = arith.constant 0 : i32
        %dma_start3A_991 = arith.constant 0 : i32
        %dma_start3A_992 = arith.constant 0 : i32
        %dma_start3A_993 = tpu.memref_slice %arg9[%dma_start3A_990, %dma_start3A_991, %dma_start3A_992] : memref<2x800x8xf32, #tpu.memory_space<vmem>> -> memref<1x800x8xf32, #tpu.memory_space<vmem>>
        %dma_start3A_994 = tpu.memref_squeeze %dma_start3A_993 : memref<1x800x8xf32, #tpu.memory_space<vmem>> -> memref<800x8xf32, #tpu.memory_space<vmem>>
        %dma_start3A_995 = arith.constant 160 : i32
        %dma_start3A_996 = arith.constant 0 : i32
        %dma_start3A_997 = tpu.memref_slice %dma_start3A_994[%dma_start3A_995, %dma_start3A_996] : memref<800x8xf32, #tpu.memory_space<vmem>> -> memref<80x8xf32, #tpu.memory_space<vmem>>
        %dma_start3A_998 = arith.constant 0 : i32
        %dma_start3A_999 = tpu.memref_slice %arg8[%dma_start3A_989, %dma_start3A_998] : memref<2x800xi32, #tpu.memory_space<vmem>> -> memref<1x800xi32, #tpu.memory_space<vmem>>
        %dma_start3A_1000 = tpu.memref_squeeze %dma_start3A_999 : memref<1x800xi32, #tpu.memory_space<vmem>> -> memref<800xi32, #tpu.memory_space<vmem>>
        %dma_start3A_1001 = arith.constant 160 : i32
        %dma_start3A_1002 = tpu.memref_slice %dma_start3A_1000[%dma_start3A_1001] : memref<800xi32, #tpu.memory_space<vmem>> -> memref<80xi32, #tpu.memory_space<vmem>>
        %dma_start3A_1003 = arith.constant 0 : i32
        %dma_start3A_1004 = arith.constant 0 : i32
        %dma_start3A_1005 = tpu.memref_slice %arg2[%dma_start3A_1003, %dma_start3A_1004] : memref<320000x8xf32, #tpu.memory_space<hbm>> -> memref<320000x8xf32, #tpu.memory_space<hbm>>
        tpu.enqueue_indirect_dma source(%dma_start3A_1005 : memref<320000x8xf32, #tpu.memory_space<hbm>>) target(%dma_start3A_997 : memref<80x8xf32, #tpu.memory_space<vmem>>) offsets(%dma_start3A_1002 : memref<80xi32, #tpu.memory_space<vmem>>) semaphore(%arg17 : memref<!tpu.dma_semaphore, #tpu.memory_space<semaphore_mem>>)
        %dma_start3A_1006 = arith.constant 0 : i32
        %dma_start3A_1007 = arith.constant 0 : i32
        %dma_start3A_1008 = arith.constant 0 : i32
        %dma_start3A_1009 = arith.constant 0 : i32
        %dma_start3A_1010 = tpu.memref_slice %arg9[%dma_start3A_1007, %dma_start3A_1008, %dma_start3A_1009] : memref<2x800x8xf32, #tpu.memory_space<vmem>> -> memref<1x800x8xf32, #tpu.memory_space<vmem>>
        %dma_start3A_1011 = tpu.memref_squeeze %dma_start3A_1010 : memref<1x800x8xf32, #tpu.memory_space<vmem>> -> memref<800x8xf32, #tpu.memory_space<vmem>>
        %dma_start3A_1012 = arith.constant 240 : i32
        %dma_start3A_1013 = arith.constant 0 : i32
        %dma_start3A_1014 = tpu.memref_slice %dma_start3A_1011[%dma_start3A_1012, %dma_start3A_1013] : memref<800x8xf32, #tpu.memory_space<vmem>> -> memref<80x8xf32, #tpu.memory_space<vmem>>
        %dma_start3A_1015 = arith.constant 0 : i32
        %dma_start3A_1016 = tpu.memref_slice %arg8[%dma_start3A_1006, %dma_start3A_1015] : memref<2x800xi32, #tpu.memory_space<vmem>> -> memref<1x800xi32, #tpu.memory_space<vmem>>
        %dma_start3A_1017 = tpu.memref_squeeze %dma_start3A_1016 : memref<1x800xi32, #tpu.memory_space<vmem>> -> memref<800xi32, #tpu.memory_space<vmem>>
        %dma_start3A_1018 = arith.constant 240 : i32
        %dma_start3A_1019 = tpu.memref_slice %dma_start3A_1017[%dma_start3A_1018] : memref<800xi32, #tpu.memory_space<vmem>> -> memref<80xi32, #tpu.memory_space<vmem>>
        %dma_start3A_1020 = arith.constant 0 : i32
        %dma_start3A_1021 = arith.constant 0 : i32
        %dma_start3A_1022 = tpu.memref_slice %arg2[%dma_start3A_1020, %dma_start3A_1021] : memref<320000x8xf32, #tpu.memory_space<hbm>> -> memref<320000x8xf32, #tpu.memory_space<hbm>>
        tpu.enqueue_indirect_dma source(%dma_start3A_1022 : memref<320000x8xf32, #tpu.memory_space<hbm>>) target(%dma_start3A_1014 : memref<80x8xf32, #tpu.memory_space<vmem>>) offsets(%dma_start3A_1019 : memref<80xi32, #tpu.memory_space<vmem>>) semaphore(%arg17 : memref<!tpu.dma_semaphore, #tpu.memory_space<semaphore_mem>>)
        %dma_start3A_1023 = arith.constant 0 : i32
        %dma_start3A_1024 = arith.constant 0 : i32
        %dma_start3A_1025 = arith.constant 0 : i32
        %dma_start3A_1026 = arith.constant 0 : i32
        %dma_start3A_1027 = tpu.memref_slice %arg9[%dma_start3A_1024, %dma_start3A_1025, %dma_start3A_1026] : memref<2x800x8xf32, #tpu.memory_space<vmem>> -> memref<1x800x8xf32, #tpu.memory_space<vmem>>
        %dma_start3A_1028 = tpu.memref_squeeze %dma_start3A_1027 : memref<1x800x8xf32, #tpu.memory_space<vmem>> -> memref<800x8xf32, #tpu.memory_space<vmem>>
        %dma_start3A_1029 = arith.constant 320 : i32
        %dma_start3A_1030 = arith.constant 0 : i32
        %dma_start3A_1031 = tpu.memref_slice %dma_start3A_1028[%dma_start3A_1029, %dma_start3A_1030] : memref<800x8xf32, #tpu.memory_space<vmem>> -> memref<80x8xf32, #tpu.memory_space<vmem>>
        %dma_start3A_1032 = arith.constant 0 : i32
        %dma_start3A_1033 = tpu.memref_slice %arg8[%dma_start3A_1023, %dma_start3A_1032] : memref<2x800xi32, #tpu.memory_space<vmem>> -> memref<1x800xi32, #tpu.memory_space<vmem>>
        %dma_start3A_1034 = tpu.memref_squeeze %dma_start3A_1033 : memref<1x800xi32, #tpu.memory_space<vmem>> -> memref<800xi32, #tpu.memory_space<vmem>>
        %dma_start3A_1035 = arith.constant 320 : i32
        %dma_start3A_1036 = tpu.memref_slice %dma_start3A_1034[%dma_start3A_1035] : memref<800xi32, #tpu.memory_space<vmem>> -> memref<80xi32, #tpu.memory_space<vmem>>
        %dma_start3A_1037 = arith.constant 0 : i32
        %dma_start3A_1038 = arith.constant 0 : i32
        %dma_start3A_1039 = tpu.memref_slice %arg2[%dma_start3A_1037, %dma_start3A_1038] : memref<320000x8xf32, #tpu.memory_space<hbm>> -> memref<320000x8xf32, #tpu.memory_space<hbm>>
        tpu.enqueue_indirect_dma source(%dma_start3A_1039 : memref<320000x8xf32, #tpu.memory_space<hbm>>) target(%dma_start3A_1031 : memref<80x8xf32, #tpu.memory_space<vmem>>) offsets(%dma_start3A_1036 : memref<80xi32, #tpu.memory_space<vmem>>) semaphore(%arg17 : memref<!tpu.dma_semaphore, #tpu.memory_space<semaphore_mem>>)
        %dma_start3A_1040 = arith.constant 0 : i32
        %dma_start3A_1041 = arith.constant 0 : i32
        %dma_start3A_1042 = arith.constant 0 : i32
        %dma_start3A_1043 = arith.constant 0 : i32
        %dma_start3A_1044 = tpu.memref_slice %arg9[%dma_start3A_1041, %dma_start3A_1042, %dma_start3A_1043] : memref<2x800x8xf32, #tpu.memory_space<vmem>> -> memref<1x800x8xf32, #tpu.memory_space<vmem>>
        %dma_start3A_1045 = tpu.memref_squeeze %dma_start3A_1044 : memref<1x800x8xf32, #tpu.memory_space<vmem>> -> memref<800x8xf32, #tpu.memory_space<vmem>>
        %dma_start3A_1046 = arith.constant 400 : i32
        %dma_start3A_1047 = arith.constant 0 : i32
        %dma_start3A_1048 = tpu.memref_slice %dma_start3A_1045[%dma_start3A_1046, %dma_start3A_1047] : memref<800x8xf32, #tpu.memory_space<vmem>> -> memref<80x8xf32, #tpu.memory_space<vmem>>
        %dma_start3A_1049 = arith.constant 0 : i32
        %dma_start3A_1050 = tpu.memref_slice %arg8[%dma_start3A_1040, %dma_start3A_1049] : memref<2x800xi32, #tpu.memory_space<vmem>> -> memref<1x800xi32, #tpu.memory_space<vmem>>
        %dma_start3A_1051 = tpu.memref_squeeze %dma_start3A_1050 : memref<1x800xi32, #tpu.memory_space<vmem>> -> memref<800xi32, #tpu.memory_space<vmem>>
        %dma_start3A_1052 = arith.constant 400 : i32
        %dma_start3A_1053 = tpu.memref_slice %dma_start3A_1051[%dma_start3A_1052] : memref<800xi32, #tpu.memory_space<vmem>> -> memref<80xi32, #tpu.memory_space<vmem>>
        %dma_start3A_1054 = arith.constant 0 : i32
        %dma_start3A_1055 = arith.constant 0 : i32
        %dma_start3A_1056 = tpu.memref_slice %arg2[%dma_start3A_1054, %dma_start3A_1055] : memref<320000x8xf32, #tpu.memory_space<hbm>> -> memref<320000x8xf32, #tpu.memory_space<hbm>>
        tpu.enqueue_indirect_dma source(%dma_start3A_1056 : memref<320000x8xf32, #tpu.memory_space<hbm>>) target(%dma_start3A_1048 : memref<80x8xf32, #tpu.memory_space<vmem>>) offsets(%dma_start3A_1053 : memref<80xi32, #tpu.memory_space<vmem>>) semaphore(%arg17 : memref<!tpu.dma_semaphore, #tpu.memory_space<semaphore_mem>>)
        %dma_start3A_1057 = arith.constant 0 : i32
        %dma_start3A_1058 = arith.constant 0 : i32
        %dma_start3A_1059 = arith.constant 0 : i32
        %dma_start3A_1060 = arith.constant 0 : i32
        %dma_start3A_1061 = tpu.memref_slice %arg9[%dma_start3A_1058, %dma_start3A_1059, %dma_start3A_1060] : memref<2x800x8xf32, #tpu.memory_space<vmem>> -> memref<1x800x8xf32, #tpu.memory_space<vmem>>
        %dma_start3A_1062 = tpu.memref_squeeze %dma_start3A_1061 : memref<1x800x8xf32, #tpu.memory_space<vmem>> -> memref<800x8xf32, #tpu.memory_space<vmem>>
        %dma_start3A_1063 = arith.constant 480 : i32
        %dma_start3A_1064 = arith.constant 0 : i32
        %dma_start3A_1065 = tpu.memref_slice %dma_start3A_1062[%dma_start3A_1063, %dma_start3A_1064] : memref<800x8xf32, #tpu.memory_space<vmem>> -> memref<80x8xf32, #tpu.memory_space<vmem>>
        %dma_start3A_1066 = arith.constant 0 : i32
        %dma_start3A_1067 = tpu.memref_slice %arg8[%dma_start3A_1057, %dma_start3A_1066] : memref<2x800xi32, #tpu.memory_space<vmem>> -> memref<1x800xi32, #tpu.memory_space<vmem>>
        %dma_start3A_1068 = tpu.memref_squeeze %dma_start3A_1067 : memref<1x800xi32, #tpu.memory_space<vmem>> -> memref<800xi32, #tpu.memory_space<vmem>>
        %dma_start3A_1069 = arith.constant 480 : i32
        %dma_start3A_1070 = tpu.memref_slice %dma_start3A_1068[%dma_start3A_1069] : memref<800xi32, #tpu.memory_space<vmem>> -> memref<80xi32, #tpu.memory_space<vmem>>
        %dma_start3A_1071 = arith.constant 0 : i32
        %dma_start3A_1072 = arith.constant 0 : i32
        %dma_start3A_1073 = tpu.memref_slice %arg2[%dma_start3A_1071, %dma_start3A_1072] : memref<320000x8xf32, #tpu.memory_space<hbm>> -> memref<320000x8xf32, #tpu.memory_space<hbm>>
        tpu.enqueue_indirect_dma source(%dma_start3A_1073 : memref<320000x8xf32, #tpu.memory_space<hbm>>) target(%dma_start3A_1065 : memref<80x8xf32, #tpu.memory_space<vmem>>) offsets(%dma_start3A_1070 : memref<80xi32, #tpu.memory_space<vmem>>) semaphore(%arg17 : memref<!tpu.dma_semaphore, #tpu.memory_space<semaphore_mem>>)
        %dma_start3A_1074 = arith.constant 0 : i32
        %dma_start3A_1075 = arith.constant 0 : i32
        %dma_start3A_1076 = arith.constant 0 : i32
        %dma_start3A_1077 = arith.constant 0 : i32
        %dma_start3A_1078 = tpu.memref_slice %arg9[%dma_start3A_1075, %dma_start3A_1076, %dma_start3A_1077] : memref<2x800x8xf32, #tpu.memory_space<vmem>> -> memref<1x800x8xf32, #tpu.memory_space<vmem>>
        %dma_start3A_1079 = tpu.memref_squeeze %dma_start3A_1078 : memref<1x800x8xf32, #tpu.memory_space<vmem>> -> memref<800x8xf32, #tpu.memory_space<vmem>>
        %dma_start3A_1080 = arith.constant 560 : i32
        %dma_start3A_1081 = arith.constant 0 : i32
        %dma_start3A_1082 = tpu.memref_slice %dma_start3A_1079[%dma_start3A_1080, %dma_start3A_1081] : memref<800x8xf32, #tpu.memory_space<vmem>> -> memref<80x8xf32, #tpu.memory_space<vmem>>
        %dma_start3A_1083 = arith.constant 0 : i32
        %dma_start3A_1084 = tpu.memref_slice %arg8[%dma_start3A_1074, %dma_start3A_1083] : memref<2x800xi32, #tpu.memory_space<vmem>> -> memref<1x800xi32, #tpu.memory_space<vmem>>
        %dma_start3A_1085 = tpu.memref_squeeze %dma_start3A_1084 : memref<1x800xi32, #tpu.memory_space<vmem>> -> memref<800xi32, #tpu.memory_space<vmem>>
        %dma_start3A_1086 = arith.constant 560 : i32
        %dma_start3A_1087 = tpu.memref_slice %dma_start3A_1085[%dma_start3A_1086] : memref<800xi32, #tpu.memory_space<vmem>> -> memref<80xi32, #tpu.memory_space<vmem>>
        %dma_start3A_1088 = arith.constant 0 : i32
        %dma_start3A_1089 = arith.constant 0 : i32
        %dma_start3A_1090 = tpu.memref_slice %arg2[%dma_start3A_1088, %dma_start3A_1089] : memref<320000x8xf32, #tpu.memory_space<hbm>> -> memref<320000x8xf32, #tpu.memory_space<hbm>>
        tpu.enqueue_indirect_dma source(%dma_start3A_1090 : memref<320000x8xf32, #tpu.memory_space<hbm>>) target(%dma_start3A_1082 : memref<80x8xf32, #tpu.memory_space<vmem>>) offsets(%dma_start3A_1087 : memref<80xi32, #tpu.memory_space<vmem>>) semaphore(%arg17 : memref<!tpu.dma_semaphore, #tpu.memory_space<semaphore_mem>>)
        %dma_start3A_1091 = arith.constant 0 : i32
        %dma_start3A_1092 = arith.constant 0 : i32
        %dma_start3A_1093 = arith.constant 0 : i32
        %dma_start3A_1094 = arith.constant 0 : i32
        %dma_start3A_1095 = tpu.memref_slice %arg9[%dma_start3A_1092, %dma_start3A_1093, %dma_start3A_1094] : memref<2x800x8xf32, #tpu.memory_space<vmem>> -> memref<1x800x8xf32, #tpu.memory_space<vmem>>
        %dma_start3A_1096 = tpu.memref_squeeze %dma_start3A_1095 : memref<1x800x8xf32, #tpu.memory_space<vmem>> -> memref<800x8xf32, #tpu.memory_space<vmem>>
        %dma_start3A_1097 = arith.constant 640 : i32
        %dma_start3A_1098 = arith.constant 0 : i32
        %dma_start3A_1099 = tpu.memref_slice %dma_start3A_1096[%dma_start3A_1097, %dma_start3A_1098] : memref<800x8xf32, #tpu.memory_space<vmem>> -> memref<80x8xf32, #tpu.memory_space<vmem>>
        %dma_start3A_1100 = arith.constant 0 : i32
        %dma_start3A_1101 = tpu.memref_slice %arg8[%dma_start3A_1091, %dma_start3A_1100] : memref<2x800xi32, #tpu.memory_space<vmem>> -> memref<1x800xi32, #tpu.memory_space<vmem>>
        %dma_start3A_1102 = tpu.memref_squeeze %dma_start3A_1101 : memref<1x800xi32, #tpu.memory_space<vmem>> -> memref<800xi32, #tpu.memory_space<vmem>>
        %dma_start3A_1103 = arith.constant 640 : i32
        %dma_start3A_1104 = tpu.memref_slice %dma_start3A_1102[%dma_start3A_1103] : memref<800xi32, #tpu.memory_space<vmem>> -> memref<80xi32, #tpu.memory_space<vmem>>
        %dma_start3A_1105 = arith.constant 0 : i32
        %dma_start3A_1106 = arith.constant 0 : i32
        %dma_start3A_1107 = tpu.memref_slice %arg2[%dma_start3A_1105, %dma_start3A_1106] : memref<320000x8xf32, #tpu.memory_space<hbm>> -> memref<320000x8xf32, #tpu.memory_space<hbm>>
        tpu.enqueue_indirect_dma source(%dma_start3A_1107 : memref<320000x8xf32, #tpu.memory_space<hbm>>) target(%dma_start3A_1099 : memref<80x8xf32, #tpu.memory_space<vmem>>) offsets(%dma_start3A_1104 : memref<80xi32, #tpu.memory_space<vmem>>) semaphore(%arg17 : memref<!tpu.dma_semaphore, #tpu.memory_space<semaphore_mem>>)
        %dma_start3A_1108 = arith.constant 0 : i32
        %dma_start3A_1109 = arith.constant 0 : i32
        %dma_start3A_1110 = arith.constant 0 : i32
        %dma_start3A_1111 = arith.constant 0 : i32
        %dma_start3A_1112 = tpu.memref_slice %arg9[%dma_start3A_1109, %dma_start3A_1110, %dma_start3A_1111] : memref<2x800x8xf32, #tpu.memory_space<vmem>> -> memref<1x800x8xf32, #tpu.memory_space<vmem>>
        %dma_start3A_1113 = tpu.memref_squeeze %dma_start3A_1112 : memref<1x800x8xf32, #tpu.memory_space<vmem>> -> memref<800x8xf32, #tpu.memory_space<vmem>>
        %dma_start3A_1114 = arith.constant 720 : i32
        %dma_start3A_1115 = arith.constant 0 : i32
        %dma_start3A_1116 = tpu.memref_slice %dma_start3A_1113[%dma_start3A_1114, %dma_start3A_1115] : memref<800x8xf32, #tpu.memory_space<vmem>> -> memref<80x8xf32, #tpu.memory_space<vmem>>
        %dma_start3A_1117 = arith.constant 0 : i32
        %dma_start3A_1118 = tpu.memref_slice %arg8[%dma_start3A_1108, %dma_start3A_1117] : memref<2x800xi32, #tpu.memory_space<vmem>> -> memref<1x800xi32, #tpu.memory_space<vmem>>
        %dma_start3A_1119 = tpu.memref_squeeze %dma_start3A_1118 : memref<1x800xi32, #tpu.memory_space<vmem>> -> memref<800xi32, #tpu.memory_space<vmem>>
        %dma_start3A_1120 = arith.constant 720 : i32
        %dma_start3A_1121 = tpu.memref_slice %dma_start3A_1119[%dma_start3A_1120] : memref<800xi32, #tpu.memory_space<vmem>> -> memref<80xi32, #tpu.memory_space<vmem>>
        %dma_start3A_1122 = arith.constant 0 : i32
        %dma_start3A_1123 = arith.constant 0 : i32
        %dma_start3A_1124 = tpu.memref_slice %arg2[%dma_start3A_1122, %dma_start3A_1123] : memref<320000x8xf32, #tpu.memory_space<hbm>> -> memref<320000x8xf32, #tpu.memory_space<hbm>>
        tpu.enqueue_indirect_dma source(%dma_start3A_1124 : memref<320000x8xf32, #tpu.memory_space<hbm>>) target(%dma_start3A_1116 : memref<80x8xf32, #tpu.memory_space<vmem>>) offsets(%dma_start3A_1121 : memref<80xi32, #tpu.memory_space<vmem>>) semaphore(%arg17 : memref<!tpu.dma_semaphore, #tpu.memory_space<semaphore_mem>>)
      } else {
      }
      %mul3A_709 = arith.constant 8 : i32
      %mul3A_710 = arith.muli %mul3A_32, %mul3A_709 : i32
      %mul3A_711 = arith.constant 8 : i32
      %mul3A_712 = arith.muli %mul3A_32, %mul3A_711 : i32
      %dma_wait3A_713 = arith.constant 1 : i32
      %dma_wait3A_714 = arith.constant 1 : i32
      %dma_wait3A_715 = arith.constant 0 : i32
      %dma_wait3A_716 = arith.constant 0 : i32
      %dma_wait3A_717 = tpu.memref_slice %arg9[%dma_wait3A_714, %dma_wait3A_715, %dma_wait3A_716] : memref<2x800x8xf32, #tpu.memory_space<vmem>> -> memref<1x800x8xf32, #tpu.memory_space<vmem>>
      %dma_wait3A_718 = tpu.memref_squeeze %dma_wait3A_717 : memref<1x800x8xf32, #tpu.memory_space<vmem>> -> memref<800x8xf32, #tpu.memory_space<vmem>>
      %dma_wait3A_719 = arith.constant 0 : i32
      %dma_wait3A_720 = arith.constant 0 : i32
      %dma_wait3A_721 = tpu.memref_slice %dma_wait3A_718[%dma_wait3A_719, %dma_wait3A_720] : memref<800x8xf32, #tpu.memory_space<vmem>> -> memref<80x8xf32, #tpu.memory_space<vmem>>
      %dma_wait3A_722 = arith.constant 0 : i32
      %dma_wait3A_723 = tpu.memref_slice %arg8[%dma_wait3A_713, %dma_wait3A_722] : memref<2x800xi32, #tpu.memory_space<vmem>> -> memref<1x800xi32, #tpu.memory_space<vmem>>
      %dma_wait3A_724 = tpu.memref_squeeze %dma_wait3A_723 : memref<1x800xi32, #tpu.memory_space<vmem>> -> memref<800xi32, #tpu.memory_space<vmem>>
      %dma_wait3A_725 = arith.constant 0 : i32
      %dma_wait3A_726 = tpu.memref_slice %dma_wait3A_724[%dma_wait3A_725] : memref<800xi32, #tpu.memory_space<vmem>> -> memref<80xi32, #tpu.memory_space<vmem>>
      %dma_wait3A_727 = arith.constant 0 : i32
      %dma_wait3A_728 = arith.constant 0 : i32
      %dma_wait3A_729 = tpu.memref_slice %arg2[%dma_wait3A_727, %dma_wait3A_728] : memref<320000x8xf32, #tpu.memory_space<hbm>> -> memref<320000x8xf32, #tpu.memory_space<hbm>>
      tpu.wait_indirect_dma semaphore(%arg18 : memref<!tpu.dma_semaphore, #tpu.memory_space<semaphore_mem>>) src(%dma_wait3A_729 : memref<320000x8xf32, #tpu.memory_space<hbm>>) dst(%dma_wait3A_721 : memref<80x8xf32, #tpu.memory_space<vmem>>)
      %dma_wait3A_730 = arith.constant 1 : i32
      %dma_wait3A_731 = arith.constant 1 : i32
      %dma_wait3A_732 = arith.constant 0 : i32
      %dma_wait3A_733 = arith.constant 0 : i32
      %dma_wait3A_734 = tpu.memref_slice %arg9[%dma_wait3A_731, %dma_wait3A_732, %dma_wait3A_733] : memref<2x800x8xf32, #tpu.memory_space<vmem>> -> memref<1x800x8xf32, #tpu.memory_space<vmem>>
      %dma_wait3A_735 = tpu.memref_squeeze %dma_wait3A_734 : memref<1x800x8xf32, #tpu.memory_space<vmem>> -> memref<800x8xf32, #tpu.memory_space<vmem>>
      %dma_wait3A_736 = arith.constant 80 : i32
      %dma_wait3A_737 = arith.constant 0 : i32
      %dma_wait3A_738 = tpu.memref_slice %dma_wait3A_735[%dma_wait3A_736, %dma_wait3A_737] : memref<800x8xf32, #tpu.memory_space<vmem>> -> memref<80x8xf32, #tpu.memory_space<vmem>>
      %dma_wait3A_739 = arith.constant 0 : i32
      %dma_wait3A_740 = tpu.memref_slice %arg8[%dma_wait3A_730, %dma_wait3A_739] : memref<2x800xi32, #tpu.memory_space<vmem>> -> memref<1x800xi32, #tpu.memory_space<vmem>>
      %dma_wait3A_741 = tpu.memref_squeeze %dma_wait3A_740 : memref<1x800xi32, #tpu.memory_space<vmem>> -> memref<800xi32, #tpu.memory_space<vmem>>
      %dma_wait3A_742 = arith.constant 80 : i32
      %dma_wait3A_743 = tpu.memref_slice %dma_wait3A_741[%dma_wait3A_742] : memref<800xi32, #tpu.memory_space<vmem>> -> memref<80xi32, #tpu.memory_space<vmem>>
      %dma_wait3A_744 = arith.constant 0 : i32
      %dma_wait3A_745 = arith.constant 0 : i32
      %dma_wait3A_746 = tpu.memref_slice %arg2[%dma_wait3A_744, %dma_wait3A_745] : memref<320000x8xf32, #tpu.memory_space<hbm>> -> memref<320000x8xf32, #tpu.memory_space<hbm>>
      tpu.wait_indirect_dma semaphore(%arg18 : memref<!tpu.dma_semaphore, #tpu.memory_space<semaphore_mem>>) src(%dma_wait3A_746 : memref<320000x8xf32, #tpu.memory_space<hbm>>) dst(%dma_wait3A_738 : memref<80x8xf32, #tpu.memory_space<vmem>>)
      %dma_wait3A_747 = arith.constant 1 : i32
      %dma_wait3A_748 = arith.constant 1 : i32
      %dma_wait3A_749 = arith.constant 0 : i32
      %dma_wait3A_750 = arith.constant 0 : i32
      %dma_wait3A_751 = tpu.memref_slice %arg9[%dma_wait3A_748, %dma_wait3A_749, %dma_wait3A_750] : memref<2x800x8xf32, #tpu.memory_space<vmem>> -> memref<1x800x8xf32, #tpu.memory_space<vmem>>
      %dma_wait3A_752 = tpu.memref_squeeze %dma_wait3A_751 : memref<1x800x8xf32, #tpu.memory_space<vmem>> -> memref<800x8xf32, #tpu.memory_space<vmem>>
      %dma_wait3A_753 = arith.constant 160 : i32
      %dma_wait3A_754 = arith.constant 0 : i32
      %dma_wait3A_755 = tpu.memref_slice %dma_wait3A_752[%dma_wait3A_753, %dma_wait3A_754] : memref<800x8xf32, #tpu.memory_space<vmem>> -> memref<80x8xf32, #tpu.memory_space<vmem>>
      %dma_wait3A_756 = arith.constant 0 : i32
      %dma_wait3A_757 = tpu.memref_slice %arg8[%dma_wait3A_747, %dma_wait3A_756] : memref<2x800xi32, #tpu.memory_space<vmem>> -> memref<1x800xi32, #tpu.memory_space<vmem>>
      %dma_wait3A_758 = tpu.memref_squeeze %dma_wait3A_757 : memref<1x800xi32, #tpu.memory_space<vmem>> -> memref<800xi32, #tpu.memory_space<vmem>>
      %dma_wait3A_759 = arith.constant 160 : i32
      %dma_wait3A_760 = tpu.memref_slice %dma_wait3A_758[%dma_wait3A_759] : memref<800xi32, #tpu.memory_space<vmem>> -> memref<80xi32, #tpu.memory_space<vmem>>
      %dma_wait3A_761 = arith.constant 0 : i32
      %dma_wait3A_762 = arith.constant 0 : i32
      %dma_wait3A_763 = tpu.memref_slice %arg2[%dma_wait3A_761, %dma_wait3A_762] : memref<320000x8xf32, #tpu.memory_space<hbm>> -> memref<320000x8xf32, #tpu.memory_space<hbm>>
      tpu.wait_indirect_dma semaphore(%arg18 : memref<!tpu.dma_semaphore, #tpu.memory_space<semaphore_mem>>) src(%dma_wait3A_763 : memref<320000x8xf32, #tpu.memory_space<hbm>>) dst(%dma_wait3A_755 : memref<80x8xf32, #tpu.memory_space<vmem>>)
      %dma_wait3A_764 = arith.constant 1 : i32
      %dma_wait3A_765 = arith.constant 1 : i32
      %dma_wait3A_766 = arith.constant 0 : i32
      %dma_wait3A_767 = arith.constant 0 : i32
      %dma_wait3A_768 = tpu.memref_slice %arg9[%dma_wait3A_765, %dma_wait3A_766, %dma_wait3A_767] : memref<2x800x8xf32, #tpu.memory_space<vmem>> -> memref<1x800x8xf32, #tpu.memory_space<vmem>>
      %dma_wait3A_769 = tpu.memref_squeeze %dma_wait3A_768 : memref<1x800x8xf32, #tpu.memory_space<vmem>> -> memref<800x8xf32, #tpu.memory_space<vmem>>
      %dma_wait3A_770 = arith.constant 240 : i32
      %dma_wait3A_771 = arith.constant 0 : i32
      %dma_wait3A_772 = tpu.memref_slice %dma_wait3A_769[%dma_wait3A_770, %dma_wait3A_771] : memref<800x8xf32, #tpu.memory_space<vmem>> -> memref<80x8xf32, #tpu.memory_space<vmem>>
      %dma_wait3A_773 = arith.constant 0 : i32
      %dma_wait3A_774 = tpu.memref_slice %arg8[%dma_wait3A_764, %dma_wait3A_773] : memref<2x800xi32, #tpu.memory_space<vmem>> -> memref<1x800xi32, #tpu.memory_space<vmem>>
      %dma_wait3A_775 = tpu.memref_squeeze %dma_wait3A_774 : memref<1x800xi32, #tpu.memory_space<vmem>> -> memref<800xi32, #tpu.memory_space<vmem>>
      %dma_wait3A_776 = arith.constant 240 : i32
      %dma_wait3A_777 = tpu.memref_slice %dma_wait3A_775[%dma_wait3A_776] : memref<800xi32, #tpu.memory_space<vmem>> -> memref<80xi32, #tpu.memory_space<vmem>>
      %dma_wait3A_778 = arith.constant 0 : i32
      %dma_wait3A_779 = arith.constant 0 : i32
      %dma_wait3A_780 = tpu.memref_slice %arg2[%dma_wait3A_778, %dma_wait3A_779] : memref<320000x8xf32, #tpu.memory_space<hbm>> -> memref<320000x8xf32, #tpu.memory_space<hbm>>
      tpu.wait_indirect_dma semaphore(%arg18 : memref<!tpu.dma_semaphore, #tpu.memory_space<semaphore_mem>>) src(%dma_wait3A_780 : memref<320000x8xf32, #tpu.memory_space<hbm>>) dst(%dma_wait3A_772 : memref<80x8xf32, #tpu.memory_space<vmem>>)
      %dma_wait3A_781 = arith.constant 1 : i32
      %dma_wait3A_782 = arith.constant 1 : i32
      %dma_wait3A_783 = arith.constant 0 : i32
      %dma_wait3A_784 = arith.constant 0 : i32
      %dma_wait3A_785 = tpu.memref_slice %arg9[%dma_wait3A_782, %dma_wait3A_783, %dma_wait3A_784] : memref<2x800x8xf32, #tpu.memory_space<vmem>> -> memref<1x800x8xf32, #tpu.memory_space<vmem>>
      %dma_wait3A_786 = tpu.memref_squeeze %dma_wait3A_785 : memref<1x800x8xf32, #tpu.memory_space<vmem>> -> memref<800x8xf32, #tpu.memory_space<vmem>>
      %dma_wait3A_787 = arith.constant 320 : i32
      %dma_wait3A_788 = arith.constant 0 : i32
      %dma_wait3A_789 = tpu.memref_slice %dma_wait3A_786[%dma_wait3A_787, %dma_wait3A_788] : memref<800x8xf32, #tpu.memory_space<vmem>> -> memref<80x8xf32, #tpu.memory_space<vmem>>
      %dma_wait3A_790 = arith.constant 0 : i32
      %dma_wait3A_791 = tpu.memref_slice %arg8[%dma_wait3A_781, %dma_wait3A_790] : memref<2x800xi32, #tpu.memory_space<vmem>> -> memref<1x800xi32, #tpu.memory_space<vmem>>
      %dma_wait3A_792 = tpu.memref_squeeze %dma_wait3A_791 : memref<1x800xi32, #tpu.memory_space<vmem>> -> memref<800xi32, #tpu.memory_space<vmem>>
      %dma_wait3A_793 = arith.constant 320 : i32
      %dma_wait3A_794 = tpu.memref_slice %dma_wait3A_792[%dma_wait3A_793] : memref<800xi32, #tpu.memory_space<vmem>> -> memref<80xi32, #tpu.memory_space<vmem>>
      %dma_wait3A_795 = arith.constant 0 : i32
      %dma_wait3A_796 = arith.constant 0 : i32
      %dma_wait3A_797 = tpu.memref_slice %arg2[%dma_wait3A_795, %dma_wait3A_796] : memref<320000x8xf32, #tpu.memory_space<hbm>> -> memref<320000x8xf32, #tpu.memory_space<hbm>>
      tpu.wait_indirect_dma semaphore(%arg18 : memref<!tpu.dma_semaphore, #tpu.memory_space<semaphore_mem>>) src(%dma_wait3A_797 : memref<320000x8xf32, #tpu.memory_space<hbm>>) dst(%dma_wait3A_789 : memref<80x8xf32, #tpu.memory_space<vmem>>)
      %dma_wait3A_798 = arith.constant 1 : i32
      %dma_wait3A_799 = arith.constant 1 : i32
      %dma_wait3A_800 = arith.constant 0 : i32
      %dma_wait3A_801 = arith.constant 0 : i32
      %dma_wait3A_802 = tpu.memref_slice %arg9[%dma_wait3A_799, %dma_wait3A_800, %dma_wait3A_801] : memref<2x800x8xf32, #tpu.memory_space<vmem>> -> memref<1x800x8xf32, #tpu.memory_space<vmem>>
      %dma_wait3A_803 = tpu.memref_squeeze %dma_wait3A_802 : memref<1x800x8xf32, #tpu.memory_space<vmem>> -> memref<800x8xf32, #tpu.memory_space<vmem>>
      %dma_wait3A_804 = arith.constant 400 : i32
      %dma_wait3A_805 = arith.constant 0 : i32
      %dma_wait3A_806 = tpu.memref_slice %dma_wait3A_803[%dma_wait3A_804, %dma_wait3A_805] : memref<800x8xf32, #tpu.memory_space<vmem>> -> memref<80x8xf32, #tpu.memory_space<vmem>>
      %dma_wait3A_807 = arith.constant 0 : i32
      %dma_wait3A_808 = tpu.memref_slice %arg8[%dma_wait3A_798, %dma_wait3A_807] : memref<2x800xi32, #tpu.memory_space<vmem>> -> memref<1x800xi32, #tpu.memory_space<vmem>>
      %dma_wait3A_809 = tpu.memref_squeeze %dma_wait3A_808 : memref<1x800xi32, #tpu.memory_space<vmem>> -> memref<800xi32, #tpu.memory_space<vmem>>
      %dma_wait3A_810 = arith.constant 400 : i32
      %dma_wait3A_811 = tpu.memref_slice %dma_wait3A_809[%dma_wait3A_810] : memref<800xi32, #tpu.memory_space<vmem>> -> memref<80xi32, #tpu.memory_space<vmem>>
      %dma_wait3A_812 = arith.constant 0 : i32
      %dma_wait3A_813 = arith.constant 0 : i32
      %dma_wait3A_814 = tpu.memref_slice %arg2[%dma_wait3A_812, %dma_wait3A_813] : memref<320000x8xf32, #tpu.memory_space<hbm>> -> memref<320000x8xf32, #tpu.memory_space<hbm>>
      tpu.wait_indirect_dma semaphore(%arg18 : memref<!tpu.dma_semaphore, #tpu.memory_space<semaphore_mem>>) src(%dma_wait3A_814 : memref<320000x8xf32, #tpu.memory_space<hbm>>) dst(%dma_wait3A_806 : memref<80x8xf32, #tpu.memory_space<vmem>>)
      %dma_wait3A_815 = arith.constant 1 : i32
      %dma_wait3A_816 = arith.constant 1 : i32
      %dma_wait3A_817 = arith.constant 0 : i32
      %dma_wait3A_818 = arith.constant 0 : i32
      %dma_wait3A_819 = tpu.memref_slice %arg9[%dma_wait3A_816, %dma_wait3A_817, %dma_wait3A_818] : memref<2x800x8xf32, #tpu.memory_space<vmem>> -> memref<1x800x8xf32, #tpu.memory_space<vmem>>
      %dma_wait3A_820 = tpu.memref_squeeze %dma_wait3A_819 : memref<1x800x8xf32, #tpu.memory_space<vmem>> -> memref<800x8xf32, #tpu.memory_space<vmem>>
      %dma_wait3A_821 = arith.constant 480 : i32
      %dma_wait3A_822 = arith.constant 0 : i32
      %dma_wait3A_823 = tpu.memref_slice %dma_wait3A_820[%dma_wait3A_821, %dma_wait3A_822] : memref<800x8xf32, #tpu.memory_space<vmem>> -> memref<80x8xf32, #tpu.memory_space<vmem>>
      %dma_wait3A_824 = arith.constant 0 : i32
      %dma_wait3A_825 = tpu.memref_slice %arg8[%dma_wait3A_815, %dma_wait3A_824] : memref<2x800xi32, #tpu.memory_space<vmem>> -> memref<1x800xi32, #tpu.memory_space<vmem>>
      %dma_wait3A_826 = tpu.memref_squeeze %dma_wait3A_825 : memref<1x800xi32, #tpu.memory_space<vmem>> -> memref<800xi32, #tpu.memory_space<vmem>>
      %dma_wait3A_827 = arith.constant 480 : i32
      %dma_wait3A_828 = tpu.memref_slice %dma_wait3A_826[%dma_wait3A_827] : memref<800xi32, #tpu.memory_space<vmem>> -> memref<80xi32, #tpu.memory_space<vmem>>
      %dma_wait3A_829 = arith.constant 0 : i32
      %dma_wait3A_830 = arith.constant 0 : i32
      %dma_wait3A_831 = tpu.memref_slice %arg2[%dma_wait3A_829, %dma_wait3A_830] : memref<320000x8xf32, #tpu.memory_space<hbm>> -> memref<320000x8xf32, #tpu.memory_space<hbm>>
      tpu.wait_indirect_dma semaphore(%arg18 : memref<!tpu.dma_semaphore, #tpu.memory_space<semaphore_mem>>) src(%dma_wait3A_831 : memref<320000x8xf32, #tpu.memory_space<hbm>>) dst(%dma_wait3A_823 : memref<80x8xf32, #tpu.memory_space<vmem>>)
      %dma_wait3A_832 = arith.constant 1 : i32
      %dma_wait3A_833 = arith.constant 1 : i32
      %dma_wait3A_834 = arith.constant 0 : i32
      %dma_wait3A_835 = arith.constant 0 : i32
      %dma_wait3A_836 = tpu.memref_slice %arg9[%dma_wait3A_833, %dma_wait3A_834, %dma_wait3A_835] : memref<2x800x8xf32, #tpu.memory_space<vmem>> -> memref<1x800x8xf32, #tpu.memory_space<vmem>>
      %dma_wait3A_837 = tpu.memref_squeeze %dma_wait3A_836 : memref<1x800x8xf32, #tpu.memory_space<vmem>> -> memref<800x8xf32, #tpu.memory_space<vmem>>
      %dma_wait3A_838 = arith.constant 560 : i32
      %dma_wait3A_839 = arith.constant 0 : i32
      %dma_wait3A_840 = tpu.memref_slice %dma_wait3A_837[%dma_wait3A_838, %dma_wait3A_839] : memref<800x8xf32, #tpu.memory_space<vmem>> -> memref<80x8xf32, #tpu.memory_space<vmem>>
      %dma_wait3A_841 = arith.constant 0 : i32
      %dma_wait3A_842 = tpu.memref_slice %arg8[%dma_wait3A_832, %dma_wait3A_841] : memref<2x800xi32, #tpu.memory_space<vmem>> -> memref<1x800xi32, #tpu.memory_space<vmem>>
      %dma_wait3A_843 = tpu.memref_squeeze %dma_wait3A_842 : memref<1x800xi32, #tpu.memory_space<vmem>> -> memref<800xi32, #tpu.memory_space<vmem>>
      %dma_wait3A_844 = arith.constant 560 : i32
      %dma_wait3A_845 = tpu.memref_slice %dma_wait3A_843[%dma_wait3A_844] : memref<800xi32, #tpu.memory_space<vmem>> -> memref<80xi32, #tpu.memory_space<vmem>>
      %dma_wait3A_846 = arith.constant 0 : i32
      %dma_wait3A_847 = arith.constant 0 : i32
      %dma_wait3A_848 = tpu.memref_slice %arg2[%dma_wait3A_846, %dma_wait3A_847] : memref<320000x8xf32, #tpu.memory_space<hbm>> -> memref<320000x8xf32, #tpu.memory_space<hbm>>
      tpu.wait_indirect_dma semaphore(%arg18 : memref<!tpu.dma_semaphore, #tpu.memory_space<semaphore_mem>>) src(%dma_wait3A_848 : memref<320000x8xf32, #tpu.memory_space<hbm>>) dst(%dma_wait3A_840 : memref<80x8xf32, #tpu.memory_space<vmem>>)
      %dma_wait3A_849 = arith.constant 1 : i32
      %dma_wait3A_850 = arith.constant 1 : i32
      %dma_wait3A_851 = arith.constant 0 : i32
      %dma_wait3A_852 = arith.constant 0 : i32
      %dma_wait3A_853 = tpu.memref_slice %arg9[%dma_wait3A_850, %dma_wait3A_851, %dma_wait3A_852] : memref<2x800x8xf32, #tpu.memory_space<vmem>> -> memref<1x800x8xf32, #tpu.memory_space<vmem>>
      %dma_wait3A_854 = tpu.memref_squeeze %dma_wait3A_853 : memref<1x800x8xf32, #tpu.memory_space<vmem>> -> memref<800x8xf32, #tpu.memory_space<vmem>>
      %dma_wait3A_855 = arith.constant 640 : i32
      %dma_wait3A_856 = arith.constant 0 : i32
      %dma_wait3A_857 = tpu.memref_slice %dma_wait3A_854[%dma_wait3A_855, %dma_wait3A_856] : memref<800x8xf32, #tpu.memory_space<vmem>> -> memref<80x8xf32, #tpu.memory_space<vmem>>
      %dma_wait3A_858 = arith.constant 0 : i32
      %dma_wait3A_859 = tpu.memref_slice %arg8[%dma_wait3A_849, %dma_wait3A_858] : memref<2x800xi32, #tpu.memory_space<vmem>> -> memref<1x800xi32, #tpu.memory_space<vmem>>
      %dma_wait3A_860 = tpu.memref_squeeze %dma_wait3A_859 : memref<1x800xi32, #tpu.memory_space<vmem>> -> memref<800xi32, #tpu.memory_space<vmem>>
      %dma_wait3A_861 = arith.constant 640 : i32
      %dma_wait3A_862 = tpu.memref_slice %dma_wait3A_860[%dma_wait3A_861] : memref<800xi32, #tpu.memory_space<vmem>> -> memref<80xi32, #tpu.memory_space<vmem>>
      %dma_wait3A_863 = arith.constant 0 : i32
      %dma_wait3A_864 = arith.constant 0 : i32
      %dma_wait3A_865 = tpu.memref_slice %arg2[%dma_wait3A_863, %dma_wait3A_864] : memref<320000x8xf32, #tpu.memory_space<hbm>> -> memref<320000x8xf32, #tpu.memory_space<hbm>>
      tpu.wait_indirect_dma semaphore(%arg18 : memref<!tpu.dma_semaphore, #tpu.memory_space<semaphore_mem>>) src(%dma_wait3A_865 : memref<320000x8xf32, #tpu.memory_space<hbm>>) dst(%dma_wait3A_857 : memref<80x8xf32, #tpu.memory_space<vmem>>)
      %dma_wait3A_866 = arith.constant 1 : i32
      %dma_wait3A_867 = arith.constant 1 : i32
      %dma_wait3A_868 = arith.constant 0 : i32
      %dma_wait3A_869 = arith.constant 0 : i32
      %dma_wait3A_870 = tpu.memref_slice %arg9[%dma_wait3A_867, %dma_wait3A_868, %dma_wait3A_869] : memref<2x800x8xf32, #tpu.memory_space<vmem>> -> memref<1x800x8xf32, #tpu.memory_space<vmem>>
      %dma_wait3A_871 = tpu.memref_squeeze %dma_wait3A_870 : memref<1x800x8xf32, #tpu.memory_space<vmem>> -> memref<800x8xf32, #tpu.memory_space<vmem>>
      %dma_wait3A_872 = arith.constant 720 : i32
      %dma_wait3A_873 = arith.constant 0 : i32
      %dma_wait3A_874 = tpu.memref_slice %dma_wait3A_871[%dma_wait3A_872, %dma_wait3A_873] : memref<800x8xf32, #tpu.memory_space<vmem>> -> memref<80x8xf32, #tpu.memory_space<vmem>>
      %dma_wait3A_875 = arith.constant 0 : i32
      %dma_wait3A_876 = tpu.memref_slice %arg8[%dma_wait3A_866, %dma_wait3A_875] : memref<2x800xi32, #tpu.memory_space<vmem>> -> memref<1x800xi32, #tpu.memory_space<vmem>>
      %dma_wait3A_877 = tpu.memref_squeeze %dma_wait3A_876 : memref<1x800xi32, #tpu.memory_space<vmem>> -> memref<800xi32, #tpu.memory_space<vmem>>
      %dma_wait3A_878 = arith.constant 720 : i32
      %dma_wait3A_879 = tpu.memref_slice %dma_wait3A_877[%dma_wait3A_878] : memref<800xi32, #tpu.memory_space<vmem>> -> memref<80xi32, #tpu.memory_space<vmem>>
      %dma_wait3A_880 = arith.constant 0 : i32
      %dma_wait3A_881 = arith.constant 0 : i32
      %dma_wait3A_882 = tpu.memref_slice %arg2[%dma_wait3A_880, %dma_wait3A_881] : memref<320000x8xf32, #tpu.memory_space<hbm>> -> memref<320000x8xf32, #tpu.memory_space<hbm>>
      tpu.wait_indirect_dma semaphore(%arg18 : memref<!tpu.dma_semaphore, #tpu.memory_space<semaphore_mem>>) src(%dma_wait3A_882 : memref<320000x8xf32, #tpu.memory_space<hbm>>) dst(%dma_wait3A_874 : memref<80x8xf32, #tpu.memory_space<vmem>>)
      %dma_wait3A_883 = arith.constant 1 : i32
      %dma_wait3A_884 = arith.constant 0 : i32
      %dma_wait3A_885 = tpu.memref_slice %arg10[%dma_wait3A_883, %dma_wait3A_884] : memref<2x6400xi32, #tpu.memory_space<vmem>> -> memref<1x6400xi32, #tpu.memory_space<vmem>>
      %dma_wait3A_886 = tpu.memref_squeeze %dma_wait3A_885 : memref<1x6400xi32, #tpu.memory_space<vmem>> -> memref<6400xi32, #tpu.memory_space<vmem>>
      %dma_wait3A_887 = tpu.memref_slice %arg4[%mul3A_710] : memref<1280000xi32, #tpu.memory_space<hbm>> -> memref<6400xi32, #tpu.memory_space<hbm>>
      %dma_wait3A_888 = arith.constant 0 : i32
      %dma_wait3A_889 = tpu.memref_slice %arg10[%dma_wait3A_883, %dma_wait3A_888] : memref<2x6400xi32, #tpu.memory_space<vmem>> -> memref<1x6400xi32, #tpu.memory_space<vmem>>
      %dma_wait3A_890 = tpu.memref_squeeze %dma_wait3A_889 : memref<1x6400xi32, #tpu.memory_space<vmem>> -> memref<6400xi32, #tpu.memory_space<vmem>>
      %dma_wait3A_891 = tpu.memref_slice %arg4[%mul3A_710] : memref<1280000xi32, #tpu.memory_space<hbm>> -> memref<6400xi32, #tpu.memory_space<hbm>>
      tpu.wait_dma2 semaphore(%arg16 : memref<!tpu.dma_semaphore, #tpu.memory_space<semaphore_mem>>) src(%dma_wait3A_891 : memref<6400xi32, #tpu.memory_space<hbm>>) dst(%dma_wait3A_890 : memref<6400xi32, #tpu.memory_space<vmem>>)
      %dma_wait3A_892 = arith.constant 1 : i32
      %dma_wait3A_893 = arith.constant 0 : i32
      %dma_wait3A_894 = tpu.memref_slice %arg11[%dma_wait3A_892, %dma_wait3A_893] : memref<2x6400xf32, #tpu.memory_space<vmem>> -> memref<1x6400xf32, #tpu.memory_space<vmem>>
      %dma_wait3A_895 = tpu.memref_squeeze %dma_wait3A_894 : memref<1x6400xf32, #tpu.memory_space<vmem>> -> memref<6400xf32, #tpu.memory_space<vmem>>
      %dma_wait3A_896 = tpu.memref_slice %arg5[%mul3A_712] : memref<1280000xf32, #tpu.memory_space<hbm>> -> memref<6400xf32, #tpu.memory_space<hbm>>
      %dma_wait3A_897 = arith.constant 0 : i32
      %dma_wait3A_898 = tpu.memref_slice %arg11[%dma_wait3A_892, %dma_wait3A_897] : memref<2x6400xf32, #tpu.memory_space<vmem>> -> memref<1x6400xf32, #tpu.memory_space<vmem>>
      %dma_wait3A_899 = tpu.memref_squeeze %dma_wait3A_898 : memref<1x6400xf32, #tpu.memory_space<vmem>> -> memref<6400xf32, #tpu.memory_space<vmem>>
      %dma_wait3A_900 = tpu.memref_slice %arg5[%mul3A_712] : memref<1280000xf32, #tpu.memory_space<hbm>> -> memref<6400xf32, #tpu.memory_space<hbm>>
      tpu.wait_dma2 semaphore(%arg16 : memref<!tpu.dma_semaphore, #tpu.memory_space<semaphore_mem>>) src(%dma_wait3A_900 : memref<6400xf32, #tpu.memory_space<hbm>>) dst(%dma_wait3A_899 : memref<6400xf32, #tpu.memory_space<vmem>>)
      %parallel_loop3A_901 = arith.constant 0 : i32
      %parallel_loop3A_902 = arith.constant 400 : i32
      %parallel_loop3A_903 = arith.constant 1 : i32
      %parallel_loop3A_904 = arith.constant 1 : i32
      %parallel_loop3A_905 = arith.constant 1 : i32
      %parallel_loop3A_906 = arith.constant 1 : i32
      scf.for %parallel_loop3A_914 = %parallel_loop3A_901 to %parallel_loop3A_902 step %parallel_loop3A_903  : i32 {
        %parallel_loop3A_915 = arith.constant 16 : i32
        %parallel_loop3A_916 = arith.muli %parallel_loop3A_914, %parallel_loop3A_915 : i32
        %parallel_loop3A_917 = arith.constant 2 : i32
        %parallel_loop3A_918 = arith.muli %parallel_loop3A_917, %parallel_loop3A_914 : i32
        %parallel_loop3A_919 = vector.broadcast %parallel_loop3A_918 : i32 to vector<16xi32>
        %parallel_loop3A_920 = arith.addi %shift_right_arithmetic3A_40, %parallel_loop3A_919 : vector<16xi32>
        %parallel_loop3A_921 = arith.constant 0 : i32
        %parallel_loop3A_922 = arith.constant 0 : i32
        %parallel_loop3A_923 = tpu.memref_slice %arg9[%parallel_loop3A_904, %parallel_loop3A_921, %parallel_loop3A_922] : memref<2x800x8xf32, #tpu.memory_space<vmem>> -> memref<1x800x8xf32, #tpu.memory_space<vmem>>
        %parallel_loop3A_924 = tpu.memref_squeeze %parallel_loop3A_923 : memref<1x800x8xf32, #tpu.memory_space<vmem>> -> memref<800x8xf32, #tpu.memory_space<vmem>>
        %parallel_loop3A_925 = tpu.vector_load_idx %parallel_loop3A_924[%parallel_loop3A_920, %and3A_37] : memref<800x8xf32, #tpu.memory_space<vmem>>[vector<16xi32>, vector<16xi32>], vector<16xf32>,
        %parallel_loop3A_926 = arith.constant 0 : i32
        %parallel_loop3A_927 = tpu.memref_slice %arg11[%parallel_loop3A_905, %parallel_loop3A_926] : memref<2x6400xf32, #tpu.memory_space<vmem>> -> memref<1x6400xf32, #tpu.memory_space<vmem>>
        %parallel_loop3A_928 = tpu.memref_squeeze %parallel_loop3A_927 : memref<1x6400xf32, #tpu.memory_space<vmem>> -> memref<6400xf32, #tpu.memory_space<vmem>>
        %parallel_loop3A_929 = arith.index_cast %parallel_loop3A_916 : i32 to index
        %parallel_loop3A_930 = tpu.vector_load %parallel_loop3A_928[%parallel_loop3A_929] {strides = array<i32>} : memref<6400xf32, #tpu.memory_space<vmem>>, vector<16xf32>,
        %parallel_loop3A_931 = arith.mulf %parallel_loop3A_925, %parallel_loop3A_930 : vector<16xf32>
        %parallel_loop3A_932 = arith.constant 0 : i32
        %parallel_loop3A_933 = tpu.memref_slice %arg10[%parallel_loop3A_906, %parallel_loop3A_932] : memref<2x6400xi32, #tpu.memory_space<vmem>> -> memref<1x6400xi32, #tpu.memory_space<vmem>>
        %parallel_loop3A_934 = tpu.memref_squeeze %parallel_loop3A_933 : memref<1x6400xi32, #tpu.memory_space<vmem>> -> memref<6400xi32, #tpu.memory_space<vmem>>
        %parallel_loop3A_935 = arith.index_cast %parallel_loop3A_916 : i32 to index
        %parallel_loop3A_936 = tpu.vector_load %parallel_loop3A_934[%parallel_loop3A_935] {strides = array<i32>} : memref<6400xi32, #tpu.memory_space<vmem>>, vector<16xi32>,
        tpu.vector_store_idx %arg12[%parallel_loop3A_936, %and3A_37], %parallel_loop3A_931 {add = true} : memref<10000x8xf32, #tpu.memory_space<vmem>>[vector<16xi32>, vector<16xi32>], vector<16xf32>,
      } {sc.loop_unroll_factor = 16 : i64, sc.parallel_access}
      %add3A_907 = arith.constant 2 : i32
      %add3A_908 = arith.addi %add3A_307, %add3A_907 : i32
      %lt3A_909 = arith.constant 200 : i32
      %lt3A_910 = arith.cmpi slt, %add3A_908, %lt3A_909 : i32
      %convert_element_type3A_911 = arith.extui %lt3A_910 : i1 to i32
      %cond3A_912 = arith.constant 0 : i32
      %cond3A_913 = arith.cmpi ne, %convert_element_type3A_911, %cond3A_912 : i32
      scf.if %cond3A_913 {
        %add3A_914 = arith.constant 2 : i32
        %add3A_915 = arith.addi %add3A_307, %add3A_914 : i32
        %mul3A_916 = arith.constant 800 : i32
        %mul3A_917 = arith.muli %add3A_915, %mul3A_916 : i32
        %add3A_918 = arith.addi %mul3A_32, %mul3A_917 : i32
        %mul3A_919 = arith.constant 8 : i32
        %mul3A_920 = arith.muli %add3A_918, %mul3A_919 : i32
        %dma_start3A_921 = arith.constant 1 : i32
        %dma_start3A_922 = arith.constant 0 : i32
        %dma_start3A_923 = tpu.memref_slice %arg10[%dma_start3A_921, %dma_start3A_922] : memref<2x6400xi32, #tpu.memory_space<vmem>> -> memref<1x6400xi32, #tpu.memory_space<vmem>>
        %dma_start3A_924 = tpu.memref_squeeze %dma_start3A_923 : memref<1x6400xi32, #tpu.memory_space<vmem>> -> memref<6400xi32, #tpu.memory_space<vmem>>
        %dma_start3A_925 = tpu.memref_slice %arg4[%mul3A_920] : memref<1280000xi32, #tpu.memory_space<hbm>> -> memref<6400xi32, #tpu.memory_space<hbm>>
        %dma_start3A_926 = arith.constant 0 : i32
        %dma_start3A_927 = tpu.memref_slice %arg10[%dma_start3A_921, %dma_start3A_926] : memref<2x6400xi32, #tpu.memory_space<vmem>> -> memref<1x6400xi32, #tpu.memory_space<vmem>>
        %dma_start3A_928 = tpu.memref_squeeze %dma_start3A_927 : memref<1x6400xi32, #tpu.memory_space<vmem>> -> memref<6400xi32, #tpu.memory_space<vmem>>
        %dma_start3A_929 = tpu.memref_slice %arg4[%mul3A_920] : memref<1280000xi32, #tpu.memory_space<hbm>> -> memref<6400xi32, #tpu.memory_space<hbm>>
        tpu.enqueue_dma source(%dma_start3A_929 : memref<6400xi32, #tpu.memory_space<hbm>>) target(%dma_start3A_928 : memref<6400xi32, #tpu.memory_space<vmem>>) target_semaphore(%arg16 : memref<!tpu.dma_semaphore, #tpu.memory_space<semaphore_mem>>)
        %mul3A_930 = arith.constant 8 : i32
        %mul3A_931 = arith.muli %add3A_918, %mul3A_930 : i32
        %dma_start3A_932 = arith.constant 1 : i32
        %dma_start3A_933 = arith.constant 0 : i32
        %dma_start3A_934 = tpu.memref_slice %arg11[%dma_start3A_932, %dma_start3A_933] : memref<2x6400xf32, #tpu.memory_space<vmem>> -> memref<1x6400xf32, #tpu.memory_space<vmem>>
        %dma_start3A_935 = tpu.memref_squeeze %dma_start3A_934 : memref<1x6400xf32, #tpu.memory_space<vmem>> -> memref<6400xf32, #tpu.memory_space<vmem>>
        %dma_start3A_936 = tpu.memref_slice %arg5[%mul3A_931] : memref<1280000xf32, #tpu.memory_space<hbm>> -> memref<6400xf32, #tpu.memory_space<hbm>>
        %dma_start3A_937 = arith.constant 0 : i32
        %dma_start3A_938 = tpu.memref_slice %arg11[%dma_start3A_932, %dma_start3A_937] : memref<2x6400xf32, #tpu.memory_space<vmem>> -> memref<1x6400xf32, #tpu.memory_space<vmem>>
        %dma_start3A_939 = tpu.memref_squeeze %dma_start3A_938 : memref<1x6400xf32, #tpu.memory_space<vmem>> -> memref<6400xf32, #tpu.memory_space<vmem>>
        %dma_start3A_940 = tpu.memref_slice %arg5[%mul3A_931] : memref<1280000xf32, #tpu.memory_space<hbm>> -> memref<6400xf32, #tpu.memory_space<hbm>>
        tpu.enqueue_dma source(%dma_start3A_940 : memref<6400xf32, #tpu.memory_space<hbm>>) target(%dma_start3A_939 : memref<6400xf32, #tpu.memory_space<vmem>>) target_semaphore(%arg16 : memref<!tpu.dma_semaphore, #tpu.memory_space<semaphore_mem>>)
      } else {
      }
    }
    %scan3A_298 = arith.constant 100 : i32
    %mul3A_299 = arith.constant 8 : i32
    %mul3A_300 = arith.muli %select_n3A_9, %mul3A_299 : i32
    "tpu.region"() ({
      %run_scoped3A = tpu.sem_alloc : memref<!tpu.dma_semaphore, #tpu.memory_space<semaphore_mem>>
      %dma_start3A_301 = arith.constant 0 : i32
      %dma_start3A_302 = arith.constant 0 : i32
      %dma_start3A_303 = tpu.memref_slice %arg6[%select_n3A_30, %dma_start3A_301, %dma_start3A_302] : memref<1x10000x256xf32, #tpu.memory_space<hbm>> -> memref<1x10000x256xf32, #tpu.memory_space<hbm>>
      %dma_start3A_304 = tpu.memref_squeeze %dma_start3A_303 : memref<1x10000x256xf32, #tpu.memory_space<hbm>> -> memref<10000x256xf32, #tpu.memory_space<hbm>>
      %dma_start3A_305 = arith.constant 0 : i32
      %dma_start3A_306 = tpu.memref_slice %dma_start3A_304[%dma_start3A_305, %mul3A_300] : memref<10000x256xf32, #tpu.memory_space<hbm>> -> memref<10000x8xf32, #tpu.memory_space<hbm>>
      %dma_start3A_307 = arith.constant 0 : i32
      %dma_start3A_308 = arith.constant 0 : i32
      %dma_start3A_309 = tpu.memref_slice %arg6[%select_n3A_30, %dma_start3A_307, %dma_start3A_308] : memref<1x10000x256xf32, #tpu.memory_space<hbm>> -> memref<1x10000x256xf32, #tpu.memory_space<hbm>>
      %dma_start3A_310 = tpu.memref_squeeze %dma_start3A_309 : memref<1x10000x256xf32, #tpu.memory_space<hbm>> -> memref<10000x256xf32, #tpu.memory_space<hbm>>
      %dma_start3A_311 = arith.constant 0 : i32
      %dma_start3A_312 = tpu.memref_slice %dma_start3A_310[%dma_start3A_311, %mul3A_300] : memref<10000x256xf32, #tpu.memory_space<hbm>> -> memref<10000x8xf32, #tpu.memory_space<hbm>>
      tpu.enqueue_dma source(%arg12 : memref<10000x8xf32, #tpu.memory_space<vmem>>) target(%dma_start3A_312 : memref<10000x8xf32, #tpu.memory_space<hbm>>) target_semaphore(%run_scoped3A : memref<!tpu.dma_semaphore, #tpu.memory_space<semaphore_mem>>)
      %dma_wait3A_313 = arith.constant 0 : i32
      %dma_wait3A_314 = arith.constant 0 : i32
      %dma_wait3A_315 = tpu.memref_slice %arg6[%select_n3A_30, %dma_wait3A_313, %dma_wait3A_314] : memref<1x10000x256xf32, #tpu.memory_space<hbm>> -> memref<1x10000x256xf32, #tpu.memory_space<hbm>>
      %dma_wait3A_316 = tpu.memref_squeeze %dma_wait3A_315 : memref<1x10000x256xf32, #tpu.memory_space<hbm>> -> memref<10000x256xf32, #tpu.memory_space<hbm>>
      %dma_wait3A_317 = arith.constant 0 : i32
      %dma_wait3A_318 = tpu.memref_slice %dma_wait3A_316[%dma_wait3A_317, %mul3A_300] : memref<10000x256xf32, #tpu.memory_space<hbm>> -> memref<10000x8xf32, #tpu.memory_space<hbm>>
      %dma_wait3A_319 = arith.constant 0 : i32
      %dma_wait3A_320 = arith.constant 0 : i32
      %dma_wait3A_321 = tpu.memref_slice %arg6[%select_n3A_30, %dma_wait3A_319, %dma_wait3A_320] : memref<1x10000x256xf32, #tpu.memory_space<hbm>> -> memref<1x10000x256xf32, #tpu.memory_space<hbm>>
      %dma_wait3A_322 = tpu.memref_squeeze %dma_wait3A_321 : memref<1x10000x256xf32, #tpu.memory_space<hbm>> -> memref<10000x256xf32, #tpu.memory_space<hbm>>
      %dma_wait3A_323 = arith.constant 0 : i32
      %dma_wait3A_324 = tpu.memref_slice %dma_wait3A_322[%dma_wait3A_323, %mul3A_300] : memref<10000x256xf32, #tpu.memory_space<hbm>> -> memref<10000x8xf32, #tpu.memory_space<hbm>>
      tpu.wait_dma2 semaphore(%run_scoped3A : memref<!tpu.dma_semaphore, #tpu.memory_space<semaphore_mem>>) src(%arg12 : memref<10000x8xf32, #tpu.memory_space<vmem>>) dst(%dma_wait3A_324 : memref<10000x8xf32, #tpu.memory_space<hbm>>)
      tpu.yield
    }) : () -> ()
    return
  }
}

#map = affine_map<(d0, d1) -> (0, 0)>
#map1 = affine_map<(d0, d1) -> (0)>
#map2 = affine_map<(d0, d1) -> (0, 0, 0)>
module attributes {stable_mosaic.version = 14 : i64} {
  func.func @spmm(%arg0: i32, %arg1: i32, %arg2: memref<80000x8xf32, #tpu.memory_space<hbm>>, %arg3: memref<160000xi32, #tpu.memory_space<hbm>>, %arg4: memref<1280000xi32, #tpu.memory_space<hbm>>, %arg5: memref<1280000xf32, #tpu.memory_space<hbm>>, %arg6: memref<4x10000x64xf32, #tpu.memory_space<hbm>>, %arg7: memref<2x800xi32, #tpu.memory_space<vmem>>, %arg8: memref<2x800xi32, #tpu.memory_space<vmem>>, %arg9: memref<2x800x8xf32, #tpu.memory_space<vmem>>, %arg10: memref<2x6400xi32, #tpu.memory_space<vmem>>, %arg11: memref<2x6400xf32, #tpu.memory_space<vmem>>, %arg12: memref<10000x8xf32, #tpu.memory_space<vmem>>, %arg13: memref<!tpu.dma_semaphore, #tpu.memory_space<semaphore_mem>>, %arg14: memref<!tpu.dma_semaphore, #tpu.memory_space<semaphore_mem>>, %arg15: memref<!tpu.dma_semaphore, #tpu.memory_space<semaphore_mem>>, %arg16: memref<!tpu.dma_semaphore, #tpu.memory_space<semaphore_mem>>, %arg17: memref<!tpu.dma_semaphore, #tpu.memory_space<semaphore_mem>>, %arg18: memref<!tpu.dma_semaphore, #tpu.memory_space<semaphore_mem>>, %arg19: memref<!tpu.dma_semaphore, #tpu.memory_space<semaphore_mem>>, %arg20: memref<!tpu.dma_semaphore, #tpu.memory_space<semaphore_mem>>) attributes {dimension_semantics = [#tpu.dimension_semantics<core_parallel>, #tpu.dimension_semantics<subcore_parallel>], iteration_bounds = array<i64: 2, 16>, scalar_prefetch = 0 : i64, scratch_operands = 14 : i64, tpu.core_type = #tpu.core_type<sc_vector_subcore>, window_params = [{transform_indices = #map}, {transform_indices = #map1}, {transform_indices = #map1}, {transform_indices = #map1}, {transform_indices = #map2}]} {
    %mul3A = arith.constant 2 : i32
    %mul3A_0 = arith.muli %arg1, %mul3A : i32
    %add3A = arith.addi %mul3A_0, %arg0 : i32
    %jit3A = arith.constant 8 : i32
    %eq3A = arith.constant 0 : i32
    %eq3A_1 = arith.cmpi eq, %jit3A, %eq3A : i32
    %jit3A_2 = arith.constant 1 : i32
    %select_n3A = arith.select %eq3A_1, %jit3A_2, %jit3A : i32
    %rem3A = arith.remsi %add3A, %select_n3A : i32
    %ne3A = arith.constant 0 : i32
    %ne3A_3 = arith.cmpi ne, %rem3A, %ne3A : i32
    %lt3A = arith.constant 0 : i32
    %lt3A_4 = arith.cmpi slt, %rem3A, %lt3A : i32
    %lt3A_5 = arith.constant 0 : i32
    %lt3A_6 = arith.cmpi slt, %select_n3A, %lt3A_5 : i32
    %ne3A_7 = arith.xori %lt3A_4, %lt3A_6 : i1
    %and3A = arith.andi %ne3A_7, %ne3A_3 : i1
    %add3A_8 = arith.addi %rem3A, %select_n3A : i32
    %select_n3A_9 = arith.select %and3A, %add3A_8, %rem3A : i32
    %jit3A_10 = arith.constant 8 : i32
    %div3A = arith.divsi %add3A, %jit3A_10 : i32
    %sign3A = arith.constant 0 : i32
    %sign3A_11 = arith.cmpi sgt, %add3A, %sign3A : i32
    %sign3A_12 = arith.extui %sign3A_11 : i1 to i32
    %sign3A_13 = arith.constant 0 : i32
    %sign3A_14 = arith.cmpi slt, %add3A, %sign3A_13 : i32
    %sign3A_15 = arith.extui %sign3A_14 : i1 to i32
    %sign3A_16 = arith.subi %sign3A_12, %sign3A_15 : i32
    %sign3A_17 = arith.constant 0 : i32
    %sign3A_18 = arith.cmpi sgt, %jit3A_10, %sign3A_17 : i32
    %sign3A_19 = arith.extui %sign3A_18 : i1 to i32
    %sign3A_20 = arith.constant 0 : i32
    %sign3A_21 = arith.cmpi slt, %jit3A_10, %sign3A_20 : i32
    %sign3A_22 = arith.extui %sign3A_21 : i1 to i32
    %sign3A_23 = arith.subi %sign3A_19, %sign3A_22 : i32
    %ne3A_24 = arith.cmpi ne, %sign3A_16, %sign3A_23 : i32
    %rem3A_25 = arith.remsi %add3A, %jit3A_10 : i32
    %ne3A_26 = arith.constant 0 : i32
    %ne3A_27 = arith.cmpi ne, %rem3A_25, %ne3A_26 : i32
    %and3A_28 = arith.andi %ne3A_24, %ne3A_27 : i1
    %sub3A = arith.constant 1 : i32
    %sub3A_29 = arith.subi %div3A, %sub3A : i32
    %select_n3A_30 = arith.select %and3A_28, %sub3A_29, %div3A : i32
    %mul3A_31 = arith.constant 40000 : i32
    %mul3A_32 = arith.muli %select_n3A_30, %mul3A_31 : i32
    %broadcast_in_dim3A = arith.constant 0.000000e+00 : f32
    %broadcast_in_dim3A_33 = vector.broadcast %broadcast_in_dim3A : f32 to vector<16xf32>
    %broadcast_in_dim3A_34 = vector.broadcast %select_n3A_9 : i32 to vector<16xi32>
    %iota3A = tpu.iota {dimensions = array<i32: 0>} : vector<16xi32>
    %and3A_35 = arith.constant 7 : i32
    %and3A_36 = vector.broadcast %and3A_35 : i32 to vector<16xi32>
    %and3A_37 = arith.andi %iota3A, %and3A_36 : vector<16xi32>
    %iota3A_38 = tpu.iota {dimensions = array<i32: 0>} : vector<16xi32>
    %shift_right_arithmetic3A = arith.constant 3 : i32
    %shift_right_arithmetic3A_39 = vector.broadcast %shift_right_arithmetic3A : i32 to vector<16xi32>
    %shift_right_arithmetic3A_40 = arith.shrsi %iota3A_38, %shift_right_arithmetic3A_39 : vector<16xi32>
    %parallel_loop3A = arith.constant 0 : i32
    %parallel_loop3A_41 = arith.constant 5000 : i32
    %parallel_loop3A_42 = arith.constant 1 : i32
    scf.for %parallel_loop3A_301 = %parallel_loop3A to %parallel_loop3A_41 step %parallel_loop3A_42  : i32 {
      %parallel_loop3A_302 = arith.constant 2 : i32
      %parallel_loop3A_303 = arith.muli %parallel_loop3A_302, %parallel_loop3A_301 : i32
      %parallel_loop3A_304 = vector.broadcast %parallel_loop3A_303 : i32 to vector<16xi32>
      %parallel_loop3A_305 = arith.addi %shift_right_arithmetic3A_40, %parallel_loop3A_304 : vector<16xi32>
      tpu.vector_store_idx %arg12[%parallel_loop3A_305, %and3A_37], %broadcast_in_dim3A_33 : memref<10000x8xf32, #tpu.memory_space<vmem>>[vector<16xi32>, vector<16xi32>], vector<16xf32>,
    } {sc.loop_unroll_factor = 8 : i64, sc.parallel_access}
    %add3A_43 = arith.constant 0 : i32
    %add3A_44 = arith.addi %mul3A_32, %add3A_43 : i32
    %dma_start3A = arith.constant 0 : i32
    %dma_start3A_45 = arith.constant 0 : i32
    %dma_start3A_46 = tpu.memref_slice %arg7[%dma_start3A, %dma_start3A_45] : memref<2x800xi32, #tpu.memory_space<vmem>> -> memref<1x800xi32, #tpu.memory_space<vmem>>
    %dma_start3A_47 = tpu.memref_squeeze %dma_start3A_46 : memref<1x800xi32, #tpu.memory_space<vmem>> -> memref<800xi32, #tpu.memory_space<vmem>>
    %dma_start3A_48 = tpu.memref_slice %arg3[%add3A_44] : memref<160000xi32, #tpu.memory_space<hbm>> -> memref<800xi32, #tpu.memory_space<hbm>>
    %dma_start3A_49 = arith.constant 0 : i32
    %dma_start3A_50 = tpu.memref_slice %arg7[%dma_start3A, %dma_start3A_49] : memref<2x800xi32, #tpu.memory_space<vmem>> -> memref<1x800xi32, #tpu.memory_space<vmem>>
    %dma_start3A_51 = tpu.memref_squeeze %dma_start3A_50 : memref<1x800xi32, #tpu.memory_space<vmem>> -> memref<800xi32, #tpu.memory_space<vmem>>
    %dma_start3A_52 = tpu.memref_slice %arg3[%add3A_44] : memref<160000xi32, #tpu.memory_space<hbm>> -> memref<800xi32, #tpu.memory_space<hbm>>
    tpu.enqueue_dma source(%dma_start3A_52 : memref<800xi32, #tpu.memory_space<hbm>>) target(%dma_start3A_51 : memref<800xi32, #tpu.memory_space<vmem>>) target_semaphore(%arg13 : memref<!tpu.dma_semaphore, #tpu.memory_space<semaphore_mem>>)
    %add3A_53 = arith.constant 0 : i32
    %add3A_54 = arith.addi %mul3A_32, %add3A_53 : i32
    %mul3A_55 = arith.constant 8 : i32
    %mul3A_56 = arith.muli %add3A_54, %mul3A_55 : i32
    %dma_start3A_57 = arith.constant 0 : i32
    %dma_start3A_58 = arith.constant 0 : i32
    %dma_start3A_59 = tpu.memref_slice %arg10[%dma_start3A_57, %dma_start3A_58] : memref<2x6400xi32, #tpu.memory_space<vmem>> -> memref<1x6400xi32, #tpu.memory_space<vmem>>
    %dma_start3A_60 = tpu.memref_squeeze %dma_start3A_59 : memref<1x6400xi32, #tpu.memory_space<vmem>> -> memref<6400xi32, #tpu.memory_space<vmem>>
    %dma_start3A_61 = tpu.memref_slice %arg4[%mul3A_56] : memref<1280000xi32, #tpu.memory_space<hbm>> -> memref<6400xi32, #tpu.memory_space<hbm>>
    %dma_start3A_62 = arith.constant 0 : i32
    %dma_start3A_63 = tpu.memref_slice %arg10[%dma_start3A_57, %dma_start3A_62] : memref<2x6400xi32, #tpu.memory_space<vmem>> -> memref<1x6400xi32, #tpu.memory_space<vmem>>
    %dma_start3A_64 = tpu.memref_squeeze %dma_start3A_63 : memref<1x6400xi32, #tpu.memory_space<vmem>> -> memref<6400xi32, #tpu.memory_space<vmem>>
    %dma_start3A_65 = tpu.memref_slice %arg4[%mul3A_56] : memref<1280000xi32, #tpu.memory_space<hbm>> -> memref<6400xi32, #tpu.memory_space<hbm>>
    tpu.enqueue_dma source(%dma_start3A_65 : memref<6400xi32, #tpu.memory_space<hbm>>) target(%dma_start3A_64 : memref<6400xi32, #tpu.memory_space<vmem>>) target_semaphore(%arg15 : memref<!tpu.dma_semaphore, #tpu.memory_space<semaphore_mem>>)
    %mul3A_66 = arith.constant 8 : i32
    %mul3A_67 = arith.muli %add3A_54, %mul3A_66 : i32
    %dma_start3A_68 = arith.constant 0 : i32
    %dma_start3A_69 = arith.constant 0 : i32
    %dma_start3A_70 = tpu.memref_slice %arg11[%dma_start3A_68, %dma_start3A_69] : memref<2x6400xf32, #tpu.memory_space<vmem>> -> memref<1x6400xf32, #tpu.memory_space<vmem>>
    %dma_start3A_71 = tpu.memref_squeeze %dma_start3A_70 : memref<1x6400xf32, #tpu.memory_space<vmem>> -> memref<6400xf32, #tpu.memory_space<vmem>>
    %dma_start3A_72 = tpu.memref_slice %arg5[%mul3A_67] : memref<1280000xf32, #tpu.memory_space<hbm>> -> memref<6400xf32, #tpu.memory_space<hbm>>
    %dma_start3A_73 = arith.constant 0 : i32
    %dma_start3A_74 = tpu.memref_slice %arg11[%dma_start3A_68, %dma_start3A_73] : memref<2x6400xf32, #tpu.memory_space<vmem>> -> memref<1x6400xf32, #tpu.memory_space<vmem>>
    %dma_start3A_75 = tpu.memref_squeeze %dma_start3A_74 : memref<1x6400xf32, #tpu.memory_space<vmem>> -> memref<6400xf32, #tpu.memory_space<vmem>>
    %dma_start3A_76 = tpu.memref_slice %arg5[%mul3A_67] : memref<1280000xf32, #tpu.memory_space<hbm>> -> memref<6400xf32, #tpu.memory_space<hbm>>
    tpu.enqueue_dma source(%dma_start3A_76 : memref<6400xf32, #tpu.memory_space<hbm>>) target(%dma_start3A_75 : memref<6400xf32, #tpu.memory_space<vmem>>) target_semaphore(%arg15 : memref<!tpu.dma_semaphore, #tpu.memory_space<semaphore_mem>>)
    %dma_wait3A = arith.constant 0 : i32
    %dma_wait3A_77 = arith.constant 0 : i32
    %dma_wait3A_78 = tpu.memref_slice %arg7[%dma_wait3A, %dma_wait3A_77] : memref<2x800xi32, #tpu.memory_space<vmem>> -> memref<1x800xi32, #tpu.memory_space<vmem>>
    %dma_wait3A_79 = tpu.memref_squeeze %dma_wait3A_78 : memref<1x800xi32, #tpu.memory_space<vmem>> -> memref<800xi32, #tpu.memory_space<vmem>>
    %dma_wait3A_80 = tpu.memref_slice %arg3[%mul3A_32] : memref<160000xi32, #tpu.memory_space<hbm>> -> memref<800xi32, #tpu.memory_space<hbm>>
    %dma_wait3A_81 = arith.constant 0 : i32
    %dma_wait3A_82 = tpu.memref_slice %arg7[%dma_wait3A, %dma_wait3A_81] : memref<2x800xi32, #tpu.memory_space<vmem>> -> memref<1x800xi32, #tpu.memory_space<vmem>>
    %dma_wait3A_83 = tpu.memref_squeeze %dma_wait3A_82 : memref<1x800xi32, #tpu.memory_space<vmem>> -> memref<800xi32, #tpu.memory_space<vmem>>
    %dma_wait3A_84 = tpu.memref_slice %arg3[%mul3A_32] : memref<160000xi32, #tpu.memory_space<hbm>> -> memref<800xi32, #tpu.memory_space<hbm>>
    tpu.wait_dma2 semaphore(%arg13 : memref<!tpu.dma_semaphore, #tpu.memory_space<semaphore_mem>>) src(%dma_wait3A_84 : memref<800xi32, #tpu.memory_space<hbm>>) dst(%dma_wait3A_83 : memref<800xi32, #tpu.memory_space<vmem>>)
    %parallel_loop3A_85 = arith.constant 0 : i32
    %parallel_loop3A_86 = arith.constant 50 : i32
    %parallel_loop3A_87 = arith.constant 1 : i32
    %parallel_loop3A_88 = arith.constant 0 : i32
    %parallel_loop3A_89 = arith.constant 0 : i32
    scf.for %parallel_loop3A_301 = %parallel_loop3A_85 to %parallel_loop3A_86 step %parallel_loop3A_87  : i32 {
      %parallel_loop3A_302 = arith.constant 16 : i32
      %parallel_loop3A_303 = arith.muli %parallel_loop3A_301, %parallel_loop3A_302 : i32
      %parallel_loop3A_304 = arith.constant 0 : i32
      %parallel_loop3A_305 = tpu.memref_slice %arg7[%parallel_loop3A_88, %parallel_loop3A_304] : memref<2x800xi32, #tpu.memory_space<vmem>> -> memref<1x800xi32, #tpu.memory_space<vmem>>
      %parallel_loop3A_306 = tpu.memref_squeeze %parallel_loop3A_305 : memref<1x800xi32, #tpu.memory_space<vmem>> -> memref<800xi32, #tpu.memory_space<vmem>>
      %parallel_loop3A_307 = arith.index_cast %parallel_loop3A_303 : i32 to index
      %parallel_loop3A_308 = tpu.vector_load %parallel_loop3A_306[%parallel_loop3A_307] {strides = array<i32>} : memref<800xi32, #tpu.memory_space<vmem>>, vector<16xi32>,
      %parallel_loop3A_309 = arith.addi %parallel_loop3A_308, %broadcast_in_dim3A_34 : vector<16xi32>
      %parallel_loop3A_310 = arith.constant 0 : i32
      %parallel_loop3A_311 = tpu.memref_slice %arg8[%parallel_loop3A_89, %parallel_loop3A_310] : memref<2x800xi32, #tpu.memory_space<vmem>> -> memref<1x800xi32, #tpu.memory_space<vmem>>
      %parallel_loop3A_312 = tpu.memref_squeeze %parallel_loop3A_311 : memref<1x800xi32, #tpu.memory_space<vmem>> -> memref<800xi32, #tpu.memory_space<vmem>>
      %parallel_loop3A_313 = arith.index_cast %parallel_loop3A_303 : i32 to index
      %parallel_loop3A_314 = tpu.vector_load %parallel_loop3A_312[%parallel_loop3A_313] {strides = array<i32>} : memref<800xi32, #tpu.memory_space<vmem>>, vector<16xi32>,
      tpu.vector_store %parallel_loop3A_312[%parallel_loop3A_313], %parallel_loop3A_309 {strides = array<i32>} : memref<800xi32, #tpu.memory_space<vmem>>, vector<16xi32>,
    } {sc.loop_unroll_factor = 8 : i64, sc.parallel_access}
    %dma_start3A_90 = arith.constant 0 : i32
    %dma_start3A_91 = arith.constant 0 : i32
    %dma_start3A_92 = arith.constant 0 : i32
    %dma_start3A_93 = arith.constant 0 : i32
    %dma_start3A_94 = tpu.memref_slice %arg9[%dma_start3A_91, %dma_start3A_92, %dma_start3A_93] : memref<2x800x8xf32, #tpu.memory_space<vmem>> -> memref<1x800x8xf32, #tpu.memory_space<vmem>>
    %dma_start3A_95 = tpu.memref_squeeze %dma_start3A_94 : memref<1x800x8xf32, #tpu.memory_space<vmem>> -> memref<800x8xf32, #tpu.memory_space<vmem>>
    %dma_start3A_96 = arith.constant 0 : i32
    %dma_start3A_97 = arith.constant 0 : i32
    %dma_start3A_98 = tpu.memref_slice %dma_start3A_95[%dma_start3A_96, %dma_start3A_97] : memref<800x8xf32, #tpu.memory_space<vmem>> -> memref<80x8xf32, #tpu.memory_space<vmem>>
    %dma_start3A_99 = arith.constant 0 : i32
    %dma_start3A_100 = tpu.memref_slice %arg8[%dma_start3A_90, %dma_start3A_99] : memref<2x800xi32, #tpu.memory_space<vmem>> -> memref<1x800xi32, #tpu.memory_space<vmem>>
    %dma_start3A_101 = tpu.memref_squeeze %dma_start3A_100 : memref<1x800xi32, #tpu.memory_space<vmem>> -> memref<800xi32, #tpu.memory_space<vmem>>
    %dma_start3A_102 = arith.constant 0 : i32
    %dma_start3A_103 = tpu.memref_slice %dma_start3A_101[%dma_start3A_102] : memref<800xi32, #tpu.memory_space<vmem>> -> memref<80xi32, #tpu.memory_space<vmem>>
    %dma_start3A_104 = arith.constant 0 : i32
    %dma_start3A_105 = arith.constant 0 : i32
    %dma_start3A_106 = tpu.memref_slice %arg2[%dma_start3A_104, %dma_start3A_105] : memref<80000x8xf32, #tpu.memory_space<hbm>> -> memref<80000x8xf32, #tpu.memory_space<hbm>>
    tpu.enqueue_indirect_dma source(%dma_start3A_106 : memref<80000x8xf32, #tpu.memory_space<hbm>>) target(%dma_start3A_98 : memref<80x8xf32, #tpu.memory_space<vmem>>) offsets(%dma_start3A_103 : memref<80xi32, #tpu.memory_space<vmem>>) semaphore(%arg17 : memref<!tpu.dma_semaphore, #tpu.memory_space<semaphore_mem>>)
    %dma_start3A_107 = arith.constant 0 : i32
    %dma_start3A_108 = arith.constant 0 : i32
    %dma_start3A_109 = arith.constant 0 : i32
    %dma_start3A_110 = arith.constant 0 : i32
    %dma_start3A_111 = tpu.memref_slice %arg9[%dma_start3A_108, %dma_start3A_109, %dma_start3A_110] : memref<2x800x8xf32, #tpu.memory_space<vmem>> -> memref<1x800x8xf32, #tpu.memory_space<vmem>>
    %dma_start3A_112 = tpu.memref_squeeze %dma_start3A_111 : memref<1x800x8xf32, #tpu.memory_space<vmem>> -> memref<800x8xf32, #tpu.memory_space<vmem>>
    %dma_start3A_113 = arith.constant 80 : i32
    %dma_start3A_114 = arith.constant 0 : i32
    %dma_start3A_115 = tpu.memref_slice %dma_start3A_112[%dma_start3A_113, %dma_start3A_114] : memref<800x8xf32, #tpu.memory_space<vmem>> -> memref<80x8xf32, #tpu.memory_space<vmem>>
    %dma_start3A_116 = arith.constant 0 : i32
    %dma_start3A_117 = tpu.memref_slice %arg8[%dma_start3A_107, %dma_start3A_116] : memref<2x800xi32, #tpu.memory_space<vmem>> -> memref<1x800xi32, #tpu.memory_space<vmem>>
    %dma_start3A_118 = tpu.memref_squeeze %dma_start3A_117 : memref<1x800xi32, #tpu.memory_space<vmem>> -> memref<800xi32, #tpu.memory_space<vmem>>
    %dma_start3A_119 = arith.constant 80 : i32
    %dma_start3A_120 = tpu.memref_slice %dma_start3A_118[%dma_start3A_119] : memref<800xi32, #tpu.memory_space<vmem>> -> memref<80xi32, #tpu.memory_space<vmem>>
    %dma_start3A_121 = arith.constant 0 : i32
    %dma_start3A_122 = arith.constant 0 : i32
    %dma_start3A_123 = tpu.memref_slice %arg2[%dma_start3A_121, %dma_start3A_122] : memref<80000x8xf32, #tpu.memory_space<hbm>> -> memref<80000x8xf32, #tpu.memory_space<hbm>>
    tpu.enqueue_indirect_dma source(%dma_start3A_123 : memref<80000x8xf32, #tpu.memory_space<hbm>>) target(%dma_start3A_115 : memref<80x8xf32, #tpu.memory_space<vmem>>) offsets(%dma_start3A_120 : memref<80xi32, #tpu.memory_space<vmem>>) semaphore(%arg17 : memref<!tpu.dma_semaphore, #tpu.memory_space<semaphore_mem>>)
    %dma_start3A_124 = arith.constant 0 : i32
    %dma_start3A_125 = arith.constant 0 : i32
    %dma_start3A_126 = arith.constant 0 : i32
    %dma_start3A_127 = arith.constant 0 : i32
    %dma_start3A_128 = tpu.memref_slice %arg9[%dma_start3A_125, %dma_start3A_126, %dma_start3A_127] : memref<2x800x8xf32, #tpu.memory_space<vmem>> -> memref<1x800x8xf32, #tpu.memory_space<vmem>>
    %dma_start3A_129 = tpu.memref_squeeze %dma_start3A_128 : memref<1x800x8xf32, #tpu.memory_space<vmem>> -> memref<800x8xf32, #tpu.memory_space<vmem>>
    %dma_start3A_130 = arith.constant 160 : i32
    %dma_start3A_131 = arith.constant 0 : i32
    %dma_start3A_132 = tpu.memref_slice %dma_start3A_129[%dma_start3A_130, %dma_start3A_131] : memref<800x8xf32, #tpu.memory_space<vmem>> -> memref<80x8xf32, #tpu.memory_space<vmem>>
    %dma_start3A_133 = arith.constant 0 : i32
    %dma_start3A_134 = tpu.memref_slice %arg8[%dma_start3A_124, %dma_start3A_133] : memref<2x800xi32, #tpu.memory_space<vmem>> -> memref<1x800xi32, #tpu.memory_space<vmem>>
    %dma_start3A_135 = tpu.memref_squeeze %dma_start3A_134 : memref<1x800xi32, #tpu.memory_space<vmem>> -> memref<800xi32, #tpu.memory_space<vmem>>
    %dma_start3A_136 = arith.constant 160 : i32
    %dma_start3A_137 = tpu.memref_slice %dma_start3A_135[%dma_start3A_136] : memref<800xi32, #tpu.memory_space<vmem>> -> memref<80xi32, #tpu.memory_space<vmem>>
    %dma_start3A_138 = arith.constant 0 : i32
    %dma_start3A_139 = arith.constant 0 : i32
    %dma_start3A_140 = tpu.memref_slice %arg2[%dma_start3A_138, %dma_start3A_139] : memref<80000x8xf32, #tpu.memory_space<hbm>> -> memref<80000x8xf32, #tpu.memory_space<hbm>>
    tpu.enqueue_indirect_dma source(%dma_start3A_140 : memref<80000x8xf32, #tpu.memory_space<hbm>>) target(%dma_start3A_132 : memref<80x8xf32, #tpu.memory_space<vmem>>) offsets(%dma_start3A_137 : memref<80xi32, #tpu.memory_space<vmem>>) semaphore(%arg17 : memref<!tpu.dma_semaphore, #tpu.memory_space<semaphore_mem>>)
    %dma_start3A_141 = arith.constant 0 : i32
    %dma_start3A_142 = arith.constant 0 : i32
    %dma_start3A_143 = arith.constant 0 : i32
    %dma_start3A_144 = arith.constant 0 : i32
    %dma_start3A_145 = tpu.memref_slice %arg9[%dma_start3A_142, %dma_start3A_143, %dma_start3A_144] : memref<2x800x8xf32, #tpu.memory_space<vmem>> -> memref<1x800x8xf32, #tpu.memory_space<vmem>>
    %dma_start3A_146 = tpu.memref_squeeze %dma_start3A_145 : memref<1x800x8xf32, #tpu.memory_space<vmem>> -> memref<800x8xf32, #tpu.memory_space<vmem>>
    %dma_start3A_147 = arith.constant 240 : i32
    %dma_start3A_148 = arith.constant 0 : i32
    %dma_start3A_149 = tpu.memref_slice %dma_start3A_146[%dma_start3A_147, %dma_start3A_148] : memref<800x8xf32, #tpu.memory_space<vmem>> -> memref<80x8xf32, #tpu.memory_space<vmem>>
    %dma_start3A_150 = arith.constant 0 : i32
    %dma_start3A_151 = tpu.memref_slice %arg8[%dma_start3A_141, %dma_start3A_150] : memref<2x800xi32, #tpu.memory_space<vmem>> -> memref<1x800xi32, #tpu.memory_space<vmem>>
    %dma_start3A_152 = tpu.memref_squeeze %dma_start3A_151 : memref<1x800xi32, #tpu.memory_space<vmem>> -> memref<800xi32, #tpu.memory_space<vmem>>
    %dma_start3A_153 = arith.constant 240 : i32
    %dma_start3A_154 = tpu.memref_slice %dma_start3A_152[%dma_start3A_153] : memref<800xi32, #tpu.memory_space<vmem>> -> memref<80xi32, #tpu.memory_space<vmem>>
    %dma_start3A_155 = arith.constant 0 : i32
    %dma_start3A_156 = arith.constant 0 : i32
    %dma_start3A_157 = tpu.memref_slice %arg2[%dma_start3A_155, %dma_start3A_156] : memref<80000x8xf32, #tpu.memory_space<hbm>> -> memref<80000x8xf32, #tpu.memory_space<hbm>>
    tpu.enqueue_indirect_dma source(%dma_start3A_157 : memref<80000x8xf32, #tpu.memory_space<hbm>>) target(%dma_start3A_149 : memref<80x8xf32, #tpu.memory_space<vmem>>) offsets(%dma_start3A_154 : memref<80xi32, #tpu.memory_space<vmem>>) semaphore(%arg17 : memref<!tpu.dma_semaphore, #tpu.memory_space<semaphore_mem>>)
    %dma_start3A_158 = arith.constant 0 : i32
    %dma_start3A_159 = arith.constant 0 : i32
    %dma_start3A_160 = arith.constant 0 : i32
    %dma_start3A_161 = arith.constant 0 : i32
    %dma_start3A_162 = tpu.memref_slice %arg9[%dma_start3A_159, %dma_start3A_160, %dma_start3A_161] : memref<2x800x8xf32, #tpu.memory_space<vmem>> -> memref<1x800x8xf32, #tpu.memory_space<vmem>>
    %dma_start3A_163 = tpu.memref_squeeze %dma_start3A_162 : memref<1x800x8xf32, #tpu.memory_space<vmem>> -> memref<800x8xf32, #tpu.memory_space<vmem>>
    %dma_start3A_164 = arith.constant 320 : i32
    %dma_start3A_165 = arith.constant 0 : i32
    %dma_start3A_166 = tpu.memref_slice %dma_start3A_163[%dma_start3A_164, %dma_start3A_165] : memref<800x8xf32, #tpu.memory_space<vmem>> -> memref<80x8xf32, #tpu.memory_space<vmem>>
    %dma_start3A_167 = arith.constant 0 : i32
    %dma_start3A_168 = tpu.memref_slice %arg8[%dma_start3A_158, %dma_start3A_167] : memref<2x800xi32, #tpu.memory_space<vmem>> -> memref<1x800xi32, #tpu.memory_space<vmem>>
    %dma_start3A_169 = tpu.memref_squeeze %dma_start3A_168 : memref<1x800xi32, #tpu.memory_space<vmem>> -> memref<800xi32, #tpu.memory_space<vmem>>
    %dma_start3A_170 = arith.constant 320 : i32
    %dma_start3A_171 = tpu.memref_slice %dma_start3A_169[%dma_start3A_170] : memref<800xi32, #tpu.memory_space<vmem>> -> memref<80xi32, #tpu.memory_space<vmem>>
    %dma_start3A_172 = arith.constant 0 : i32
    %dma_start3A_173 = arith.constant 0 : i32
    %dma_start3A_174 = tpu.memref_slice %arg2[%dma_start3A_172, %dma_start3A_173] : memref<80000x8xf32, #tpu.memory_space<hbm>> -> memref<80000x8xf32, #tpu.memory_space<hbm>>
    tpu.enqueue_indirect_dma source(%dma_start3A_174 : memref<80000x8xf32, #tpu.memory_space<hbm>>) target(%dma_start3A_166 : memref<80x8xf32, #tpu.memory_space<vmem>>) offsets(%dma_start3A_171 : memref<80xi32, #tpu.memory_space<vmem>>) semaphore(%arg17 : memref<!tpu.dma_semaphore, #tpu.memory_space<semaphore_mem>>)
    %dma_start3A_175 = arith.constant 0 : i32
    %dma_start3A_176 = arith.constant 0 : i32
    %dma_start3A_177 = arith.constant 0 : i32
    %dma_start3A_178 = arith.constant 0 : i32
    %dma_start3A_179 = tpu.memref_slice %arg9[%dma_start3A_176, %dma_start3A_177, %dma_start3A_178] : memref<2x800x8xf32, #tpu.memory_space<vmem>> -> memref<1x800x8xf32, #tpu.memory_space<vmem>>
    %dma_start3A_180 = tpu.memref_squeeze %dma_start3A_179 : memref<1x800x8xf32, #tpu.memory_space<vmem>> -> memref<800x8xf32, #tpu.memory_space<vmem>>
    %dma_start3A_181 = arith.constant 400 : i32
    %dma_start3A_182 = arith.constant 0 : i32
    %dma_start3A_183 = tpu.memref_slice %dma_start3A_180[%dma_start3A_181, %dma_start3A_182] : memref<800x8xf32, #tpu.memory_space<vmem>> -> memref<80x8xf32, #tpu.memory_space<vmem>>
    %dma_start3A_184 = arith.constant 0 : i32
    %dma_start3A_185 = tpu.memref_slice %arg8[%dma_start3A_175, %dma_start3A_184] : memref<2x800xi32, #tpu.memory_space<vmem>> -> memref<1x800xi32, #tpu.memory_space<vmem>>
    %dma_start3A_186 = tpu.memref_squeeze %dma_start3A_185 : memref<1x800xi32, #tpu.memory_space<vmem>> -> memref<800xi32, #tpu.memory_space<vmem>>
    %dma_start3A_187 = arith.constant 400 : i32
    %dma_start3A_188 = tpu.memref_slice %dma_start3A_186[%dma_start3A_187] : memref<800xi32, #tpu.memory_space<vmem>> -> memref<80xi32, #tpu.memory_space<vmem>>
    %dma_start3A_189 = arith.constant 0 : i32
    %dma_start3A_190 = arith.constant 0 : i32
    %dma_start3A_191 = tpu.memref_slice %arg2[%dma_start3A_189, %dma_start3A_190] : memref<80000x8xf32, #tpu.memory_space<hbm>> -> memref<80000x8xf32, #tpu.memory_space<hbm>>
    tpu.enqueue_indirect_dma source(%dma_start3A_191 : memref<80000x8xf32, #tpu.memory_space<hbm>>) target(%dma_start3A_183 : memref<80x8xf32, #tpu.memory_space<vmem>>) offsets(%dma_start3A_188 : memref<80xi32, #tpu.memory_space<vmem>>) semaphore(%arg17 : memref<!tpu.dma_semaphore, #tpu.memory_space<semaphore_mem>>)
    %dma_start3A_192 = arith.constant 0 : i32
    %dma_start3A_193 = arith.constant 0 : i32
    %dma_start3A_194 = arith.constant 0 : i32
    %dma_start3A_195 = arith.constant 0 : i32
    %dma_start3A_196 = tpu.memref_slice %arg9[%dma_start3A_193, %dma_start3A_194, %dma_start3A_195] : memref<2x800x8xf32, #tpu.memory_space<vmem>> -> memref<1x800x8xf32, #tpu.memory_space<vmem>>
    %dma_start3A_197 = tpu.memref_squeeze %dma_start3A_196 : memref<1x800x8xf32, #tpu.memory_space<vmem>> -> memref<800x8xf32, #tpu.memory_space<vmem>>
    %dma_start3A_198 = arith.constant 480 : i32
    %dma_start3A_199 = arith.constant 0 : i32
    %dma_start3A_200 = tpu.memref_slice %dma_start3A_197[%dma_start3A_198, %dma_start3A_199] : memref<800x8xf32, #tpu.memory_space<vmem>> -> memref<80x8xf32, #tpu.memory_space<vmem>>
    %dma_start3A_201 = arith.constant 0 : i32
    %dma_start3A_202 = tpu.memref_slice %arg8[%dma_start3A_192, %dma_start3A_201] : memref<2x800xi32, #tpu.memory_space<vmem>> -> memref<1x800xi32, #tpu.memory_space<vmem>>
    %dma_start3A_203 = tpu.memref_squeeze %dma_start3A_202 : memref<1x800xi32, #tpu.memory_space<vmem>> -> memref<800xi32, #tpu.memory_space<vmem>>
    %dma_start3A_204 = arith.constant 480 : i32
    %dma_start3A_205 = tpu.memref_slice %dma_start3A_203[%dma_start3A_204] : memref<800xi32, #tpu.memory_space<vmem>> -> memref<80xi32, #tpu.memory_space<vmem>>
    %dma_start3A_206 = arith.constant 0 : i32
    %dma_start3A_207 = arith.constant 0 : i32
    %dma_start3A_208 = tpu.memref_slice %arg2[%dma_start3A_206, %dma_start3A_207] : memref<80000x8xf32, #tpu.memory_space<hbm>> -> memref<80000x8xf32, #tpu.memory_space<hbm>>
    tpu.enqueue_indirect_dma source(%dma_start3A_208 : memref<80000x8xf32, #tpu.memory_space<hbm>>) target(%dma_start3A_200 : memref<80x8xf32, #tpu.memory_space<vmem>>) offsets(%dma_start3A_205 : memref<80xi32, #tpu.memory_space<vmem>>) semaphore(%arg17 : memref<!tpu.dma_semaphore, #tpu.memory_space<semaphore_mem>>)
    %dma_start3A_209 = arith.constant 0 : i32
    %dma_start3A_210 = arith.constant 0 : i32
    %dma_start3A_211 = arith.constant 0 : i32
    %dma_start3A_212 = arith.constant 0 : i32
    %dma_start3A_213 = tpu.memref_slice %arg9[%dma_start3A_210, %dma_start3A_211, %dma_start3A_212] : memref<2x800x8xf32, #tpu.memory_space<vmem>> -> memref<1x800x8xf32, #tpu.memory_space<vmem>>
    %dma_start3A_214 = tpu.memref_squeeze %dma_start3A_213 : memref<1x800x8xf32, #tpu.memory_space<vmem>> -> memref<800x8xf32, #tpu.memory_space<vmem>>
    %dma_start3A_215 = arith.constant 560 : i32
    %dma_start3A_216 = arith.constant 0 : i32
    %dma_start3A_217 = tpu.memref_slice %dma_start3A_214[%dma_start3A_215, %dma_start3A_216] : memref<800x8xf32, #tpu.memory_space<vmem>> -> memref<80x8xf32, #tpu.memory_space<vmem>>
    %dma_start3A_218 = arith.constant 0 : i32
    %dma_start3A_219 = tpu.memref_slice %arg8[%dma_start3A_209, %dma_start3A_218] : memref<2x800xi32, #tpu.memory_space<vmem>> -> memref<1x800xi32, #tpu.memory_space<vmem>>
    %dma_start3A_220 = tpu.memref_squeeze %dma_start3A_219 : memref<1x800xi32, #tpu.memory_space<vmem>> -> memref<800xi32, #tpu.memory_space<vmem>>
    %dma_start3A_221 = arith.constant 560 : i32
    %dma_start3A_222 = tpu.memref_slice %dma_start3A_220[%dma_start3A_221] : memref<800xi32, #tpu.memory_space<vmem>> -> memref<80xi32, #tpu.memory_space<vmem>>
    %dma_start3A_223 = arith.constant 0 : i32
    %dma_start3A_224 = arith.constant 0 : i32
    %dma_start3A_225 = tpu.memref_slice %arg2[%dma_start3A_223, %dma_start3A_224] : memref<80000x8xf32, #tpu.memory_space<hbm>> -> memref<80000x8xf32, #tpu.memory_space<hbm>>
    tpu.enqueue_indirect_dma source(%dma_start3A_225 : memref<80000x8xf32, #tpu.memory_space<hbm>>) target(%dma_start3A_217 : memref<80x8xf32, #tpu.memory_space<vmem>>) offsets(%dma_start3A_222 : memref<80xi32, #tpu.memory_space<vmem>>) semaphore(%arg17 : memref<!tpu.dma_semaphore, #tpu.memory_space<semaphore_mem>>)
    %dma_start3A_226 = arith.constant 0 : i32
    %dma_start3A_227 = arith.constant 0 : i32
    %dma_start3A_228 = arith.constant 0 : i32
    %dma_start3A_229 = arith.constant 0 : i32
    %dma_start3A_230 = tpu.memref_slice %arg9[%dma_start3A_227, %dma_start3A_228, %dma_start3A_229] : memref<2x800x8xf32, #tpu.memory_space<vmem>> -> memref<1x800x8xf32, #tpu.memory_space<vmem>>
    %dma_start3A_231 = tpu.memref_squeeze %dma_start3A_230 : memref<1x800x8xf32, #tpu.memory_space<vmem>> -> memref<800x8xf32, #tpu.memory_space<vmem>>
    %dma_start3A_232 = arith.constant 640 : i32
    %dma_start3A_233 = arith.constant 0 : i32
    %dma_start3A_234 = tpu.memref_slice %dma_start3A_231[%dma_start3A_232, %dma_start3A_233] : memref<800x8xf32, #tpu.memory_space<vmem>> -> memref<80x8xf32, #tpu.memory_space<vmem>>
    %dma_start3A_235 = arith.constant 0 : i32
    %dma_start3A_236 = tpu.memref_slice %arg8[%dma_start3A_226, %dma_start3A_235] : memref<2x800xi32, #tpu.memory_space<vmem>> -> memref<1x800xi32, #tpu.memory_space<vmem>>
    %dma_start3A_237 = tpu.memref_squeeze %dma_start3A_236 : memref<1x800xi32, #tpu.memory_space<vmem>> -> memref<800xi32, #tpu.memory_space<vmem>>
    %dma_start3A_238 = arith.constant 640 : i32
    %dma_start3A_239 = tpu.memref_slice %dma_start3A_237[%dma_start3A_238] : memref<800xi32, #tpu.memory_space<vmem>> -> memref<80xi32, #tpu.memory_space<vmem>>
    %dma_start3A_240 = arith.constant 0 : i32
    %dma_start3A_241 = arith.constant 0 : i32
    %dma_start3A_242 = tpu.memref_slice %arg2[%dma_start3A_240, %dma_start3A_241] : memref<80000x8xf32, #tpu.memory_space<hbm>> -> memref<80000x8xf32, #tpu.memory_space<hbm>>
    tpu.enqueue_indirect_dma source(%dma_start3A_242 : memref<80000x8xf32, #tpu.memory_space<hbm>>) target(%dma_start3A_234 : memref<80x8xf32, #tpu.memory_space<vmem>>) offsets(%dma_start3A_239 : memref<80xi32, #tpu.memory_space<vmem>>) semaphore(%arg17 : memref<!tpu.dma_semaphore, #tpu.memory_space<semaphore_mem>>)
    %dma_start3A_243 = arith.constant 0 : i32
    %dma_start3A_244 = arith.constant 0 : i32
    %dma_start3A_245 = arith.constant 0 : i32
    %dma_start3A_246 = arith.constant 0 : i32
    %dma_start3A_247 = tpu.memref_slice %arg9[%dma_start3A_244, %dma_start3A_245, %dma_start3A_246] : memref<2x800x8xf32, #tpu.memory_space<vmem>> -> memref<1x800x8xf32, #tpu.memory_space<vmem>>
    %dma_start3A_248 = tpu.memref_squeeze %dma_start3A_247 : memref<1x800x8xf32, #tpu.memory_space<vmem>> -> memref<800x8xf32, #tpu.memory_space<vmem>>
    %dma_start3A_249 = arith.constant 720 : i32
    %dma_start3A_250 = arith.constant 0 : i32
    %dma_start3A_251 = tpu.memref_slice %dma_start3A_248[%dma_start3A_249, %dma_start3A_250] : memref<800x8xf32, #tpu.memory_space<vmem>> -> memref<80x8xf32, #tpu.memory_space<vmem>>
    %dma_start3A_252 = arith.constant 0 : i32
    %dma_start3A_253 = tpu.memref_slice %arg8[%dma_start3A_243, %dma_start3A_252] : memref<2x800xi32, #tpu.memory_space<vmem>> -> memref<1x800xi32, #tpu.memory_space<vmem>>
    %dma_start3A_254 = tpu.memref_squeeze %dma_start3A_253 : memref<1x800xi32, #tpu.memory_space<vmem>> -> memref<800xi32, #tpu.memory_space<vmem>>
    %dma_start3A_255 = arith.constant 720 : i32
    %dma_start3A_256 = tpu.memref_slice %dma_start3A_254[%dma_start3A_255] : memref<800xi32, #tpu.memory_space<vmem>> -> memref<80xi32, #tpu.memory_space<vmem>>
    %dma_start3A_257 = arith.constant 0 : i32
    %dma_start3A_258 = arith.constant 0 : i32
    %dma_start3A_259 = tpu.memref_slice %arg2[%dma_start3A_257, %dma_start3A_258] : memref<80000x8xf32, #tpu.memory_space<hbm>> -> memref<80000x8xf32, #tpu.memory_space<hbm>>
    tpu.enqueue_indirect_dma source(%dma_start3A_259 : memref<80000x8xf32, #tpu.memory_space<hbm>>) target(%dma_start3A_251 : memref<80x8xf32, #tpu.memory_space<vmem>>) offsets(%dma_start3A_256 : memref<80xi32, #tpu.memory_space<vmem>>) semaphore(%arg17 : memref<!tpu.dma_semaphore, #tpu.memory_space<semaphore_mem>>)
    %add3A_260 = arith.constant 800 : i32
    %add3A_261 = arith.addi %mul3A_32, %add3A_260 : i32
    %dma_start3A_262 = arith.constant 1 : i32
    %dma_start3A_263 = arith.constant 0 : i32
    %dma_start3A_264 = tpu.memref_slice %arg7[%dma_start3A_262, %dma_start3A_263] : memref<2x800xi32, #tpu.memory_space<vmem>> -> memref<1x800xi32, #tpu.memory_space<vmem>>
    %dma_start3A_265 = tpu.memref_squeeze %dma_start3A_264 : memref<1x800xi32, #tpu.memory_space<vmem>> -> memref<800xi32, #tpu.memory_space<vmem>>
    %dma_start3A_266 = tpu.memref_slice %arg3[%add3A_261] : memref<160000xi32, #tpu.memory_space<hbm>> -> memref<800xi32, #tpu.memory_space<hbm>>
    %dma_start3A_267 = arith.constant 0 : i32
    %dma_start3A_268 = tpu.memref_slice %arg7[%dma_start3A_262, %dma_start3A_267] : memref<2x800xi32, #tpu.memory_space<vmem>> -> memref<1x800xi32, #tpu.memory_space<vmem>>
    %dma_start3A_269 = tpu.memref_squeeze %dma_start3A_268 : memref<1x800xi32, #tpu.memory_space<vmem>> -> memref<800xi32, #tpu.memory_space<vmem>>
    %dma_start3A_270 = tpu.memref_slice %arg3[%add3A_261] : memref<160000xi32, #tpu.memory_space<hbm>> -> memref<800xi32, #tpu.memory_space<hbm>>
    tpu.enqueue_dma source(%dma_start3A_270 : memref<800xi32, #tpu.memory_space<hbm>>) target(%dma_start3A_269 : memref<800xi32, #tpu.memory_space<vmem>>) target_semaphore(%arg14 : memref<!tpu.dma_semaphore, #tpu.memory_space<semaphore_mem>>)
    %add3A_271 = arith.constant 800 : i32
    %add3A_272 = arith.addi %mul3A_32, %add3A_271 : i32
    %mul3A_273 = arith.constant 8 : i32
    %mul3A_274 = arith.muli %add3A_272, %mul3A_273 : i32
    %dma_start3A_275 = arith.constant 1 : i32
    %dma_start3A_276 = arith.constant 0 : i32
    %dma_start3A_277 = tpu.memref_slice %arg10[%dma_start3A_275, %dma_start3A_276] : memref<2x6400xi32, #tpu.memory_space<vmem>> -> memref<1x6400xi32, #tpu.memory_space<vmem>>
    %dma_start3A_278 = tpu.memref_squeeze %dma_start3A_277 : memref<1x6400xi32, #tpu.memory_space<vmem>> -> memref<6400xi32, #tpu.memory_space<vmem>>
    %dma_start3A_279 = tpu.memref_slice %arg4[%mul3A_274] : memref<1280000xi32, #tpu.memory_space<hbm>> -> memref<6400xi32, #tpu.memory_space<hbm>>
    %dma_start3A_280 = arith.constant 0 : i32
    %dma_start3A_281 = tpu.memref_slice %arg10[%dma_start3A_275, %dma_start3A_280] : memref<2x6400xi32, #tpu.memory_space<vmem>> -> memref<1x6400xi32, #tpu.memory_space<vmem>>
    %dma_start3A_282 = tpu.memref_squeeze %dma_start3A_281 : memref<1x6400xi32, #tpu.memory_space<vmem>> -> memref<6400xi32, #tpu.memory_space<vmem>>
    %dma_start3A_283 = tpu.memref_slice %arg4[%mul3A_274] : memref<1280000xi32, #tpu.memory_space<hbm>> -> memref<6400xi32, #tpu.memory_space<hbm>>
    tpu.enqueue_dma source(%dma_start3A_283 : memref<6400xi32, #tpu.memory_space<hbm>>) target(%dma_start3A_282 : memref<6400xi32, #tpu.memory_space<vmem>>) target_semaphore(%arg16 : memref<!tpu.dma_semaphore, #tpu.memory_space<semaphore_mem>>)
    %mul3A_284 = arith.constant 8 : i32
    %mul3A_285 = arith.muli %add3A_272, %mul3A_284 : i32
    %dma_start3A_286 = arith.constant 1 : i32
    %dma_start3A_287 = arith.constant 0 : i32
    %dma_start3A_288 = tpu.memref_slice %arg11[%dma_start3A_286, %dma_start3A_287] : memref<2x6400xf32, #tpu.memory_space<vmem>> -> memref<1x6400xf32, #tpu.memory_space<vmem>>
    %dma_start3A_289 = tpu.memref_squeeze %dma_start3A_288 : memref<1x6400xf32, #tpu.memory_space<vmem>> -> memref<6400xf32, #tpu.memory_space<vmem>>
    %dma_start3A_290 = tpu.memref_slice %arg5[%mul3A_285] : memref<1280000xf32, #tpu.memory_space<hbm>> -> memref<6400xf32, #tpu.memory_space<hbm>>
    %dma_start3A_291 = arith.constant 0 : i32
    %dma_start3A_292 = tpu.memref_slice %arg11[%dma_start3A_286, %dma_start3A_291] : memref<2x6400xf32, #tpu.memory_space<vmem>> -> memref<1x6400xf32, #tpu.memory_space<vmem>>
    %dma_start3A_293 = tpu.memref_squeeze %dma_start3A_292 : memref<1x6400xf32, #tpu.memory_space<vmem>> -> memref<6400xf32, #tpu.memory_space<vmem>>
    %dma_start3A_294 = tpu.memref_slice %arg5[%mul3A_285] : memref<1280000xf32, #tpu.memory_space<hbm>> -> memref<6400xf32, #tpu.memory_space<hbm>>
    tpu.enqueue_dma source(%dma_start3A_294 : memref<6400xf32, #tpu.memory_space<hbm>>) target(%dma_start3A_293 : memref<6400xf32, #tpu.memory_space<vmem>>) target_semaphore(%arg16 : memref<!tpu.dma_semaphore, #tpu.memory_space<semaphore_mem>>)
    %scan3A = arith.constant 0 : i32
    %scan3A_295 = arith.constant 25 : i32
    %scan3A_296 = arith.addi %scan3A, %scan3A_295 : i32
    %scan3A_297 = arith.constant 1 : i32
    scf.for %scan3A_301 = %scan3A to %scan3A_296 step %scan3A_297  : i32 {
      %mul3A_302 = arith.constant 2 : i32
      %mul3A_303 = arith.muli %mul3A_302, %scan3A_301 : i32
      %mul3A_304 = arith.constant 2 : i32
      %mul3A_305 = arith.muli %mul3A_304, %scan3A_301 : i32
      %add3A_306 = arith.constant 1 : i32
      %add3A_307 = arith.addi %mul3A_305, %add3A_306 : i32
      %add3A_308 = arith.constant 2 : i32
      %add3A_309 = arith.addi %mul3A_303, %add3A_308 : i32
      %lt3A_310 = arith.constant 50 : i32
      %lt3A_311 = arith.cmpi slt, %add3A_309, %lt3A_310 : i32
      %convert_element_type3A = arith.extui %lt3A_311 : i1 to i32
      %cond3A = arith.constant 0 : i32
      %cond3A_312 = arith.cmpi ne, %convert_element_type3A, %cond3A : i32
      scf.if %cond3A_312 {
        %add3A_914 = arith.constant 2 : i32
        %add3A_915 = arith.addi %mul3A_303, %add3A_914 : i32
        %mul3A_916 = arith.constant 800 : i32
        %mul3A_917 = arith.muli %add3A_915, %mul3A_916 : i32
        %add3A_918 = arith.addi %mul3A_32, %mul3A_917 : i32
        %dma_start3A_919 = arith.constant 0 : i32
        %dma_start3A_920 = arith.constant 0 : i32
        %dma_start3A_921 = tpu.memref_slice %arg7[%dma_start3A_919, %dma_start3A_920] : memref<2x800xi32, #tpu.memory_space<vmem>> -> memref<1x800xi32, #tpu.memory_space<vmem>>
        %dma_start3A_922 = tpu.memref_squeeze %dma_start3A_921 : memref<1x800xi32, #tpu.memory_space<vmem>> -> memref<800xi32, #tpu.memory_space<vmem>>
        %dma_start3A_923 = tpu.memref_slice %arg3[%add3A_918] : memref<160000xi32, #tpu.memory_space<hbm>> -> memref<800xi32, #tpu.memory_space<hbm>>
        %dma_start3A_924 = arith.constant 0 : i32
        %dma_start3A_925 = tpu.memref_slice %arg7[%dma_start3A_919, %dma_start3A_924] : memref<2x800xi32, #tpu.memory_space<vmem>> -> memref<1x800xi32, #tpu.memory_space<vmem>>
        %dma_start3A_926 = tpu.memref_squeeze %dma_start3A_925 : memref<1x800xi32, #tpu.memory_space<vmem>> -> memref<800xi32, #tpu.memory_space<vmem>>
        %dma_start3A_927 = tpu.memref_slice %arg3[%add3A_918] : memref<160000xi32, #tpu.memory_space<hbm>> -> memref<800xi32, #tpu.memory_space<hbm>>
        tpu.enqueue_dma source(%dma_start3A_927 : memref<800xi32, #tpu.memory_space<hbm>>) target(%dma_start3A_926 : memref<800xi32, #tpu.memory_space<vmem>>) target_semaphore(%arg13 : memref<!tpu.dma_semaphore, #tpu.memory_space<semaphore_mem>>)
      } else {
      }
      %dma_wait3A_313 = arith.constant 1 : i32
      %dma_wait3A_314 = arith.constant 0 : i32
      %dma_wait3A_315 = tpu.memref_slice %arg7[%dma_wait3A_313, %dma_wait3A_314] : memref<2x800xi32, #tpu.memory_space<vmem>> -> memref<1x800xi32, #tpu.memory_space<vmem>>
      %dma_wait3A_316 = tpu.memref_squeeze %dma_wait3A_315 : memref<1x800xi32, #tpu.memory_space<vmem>> -> memref<800xi32, #tpu.memory_space<vmem>>
      %dma_wait3A_317 = tpu.memref_slice %arg3[%mul3A_32] : memref<160000xi32, #tpu.memory_space<hbm>> -> memref<800xi32, #tpu.memory_space<hbm>>
      %dma_wait3A_318 = arith.constant 0 : i32
      %dma_wait3A_319 = tpu.memref_slice %arg7[%dma_wait3A_313, %dma_wait3A_318] : memref<2x800xi32, #tpu.memory_space<vmem>> -> memref<1x800xi32, #tpu.memory_space<vmem>>
      %dma_wait3A_320 = tpu.memref_squeeze %dma_wait3A_319 : memref<1x800xi32, #tpu.memory_space<vmem>> -> memref<800xi32, #tpu.memory_space<vmem>>
      %dma_wait3A_321 = tpu.memref_slice %arg3[%mul3A_32] : memref<160000xi32, #tpu.memory_space<hbm>> -> memref<800xi32, #tpu.memory_space<hbm>>
      tpu.wait_dma2 semaphore(%arg14 : memref<!tpu.dma_semaphore, #tpu.memory_space<semaphore_mem>>) src(%dma_wait3A_321 : memref<800xi32, #tpu.memory_space<hbm>>) dst(%dma_wait3A_320 : memref<800xi32, #tpu.memory_space<vmem>>)
      %parallel_loop3A_322 = arith.constant 0 : i32
      %parallel_loop3A_323 = arith.constant 50 : i32
      %parallel_loop3A_324 = arith.constant 1 : i32
      %parallel_loop3A_325 = arith.constant 1 : i32
      %parallel_loop3A_326 = arith.constant 1 : i32
      scf.for %parallel_loop3A_914 = %parallel_loop3A_322 to %parallel_loop3A_323 step %parallel_loop3A_324  : i32 {
        %parallel_loop3A_915 = arith.constant 16 : i32
        %parallel_loop3A_916 = arith.muli %parallel_loop3A_914, %parallel_loop3A_915 : i32
        %parallel_loop3A_917 = arith.constant 0 : i32
        %parallel_loop3A_918 = tpu.memref_slice %arg7[%parallel_loop3A_325, %parallel_loop3A_917] : memref<2x800xi32, #tpu.memory_space<vmem>> -> memref<1x800xi32, #tpu.memory_space<vmem>>
        %parallel_loop3A_919 = tpu.memref_squeeze %parallel_loop3A_918 : memref<1x800xi32, #tpu.memory_space<vmem>> -> memref<800xi32, #tpu.memory_space<vmem>>
        %parallel_loop3A_920 = arith.index_cast %parallel_loop3A_916 : i32 to index
        %parallel_loop3A_921 = tpu.vector_load %parallel_loop3A_919[%parallel_loop3A_920] {strides = array<i32>} : memref<800xi32, #tpu.memory_space<vmem>>, vector<16xi32>,
        %parallel_loop3A_922 = arith.addi %parallel_loop3A_921, %broadcast_in_dim3A_34 : vector<16xi32>
        %parallel_loop3A_923 = arith.constant 0 : i32
        %parallel_loop3A_924 = tpu.memref_slice %arg8[%parallel_loop3A_326, %parallel_loop3A_923] : memref<2x800xi32, #tpu.memory_space<vmem>> -> memref<1x800xi32, #tpu.memory_space<vmem>>
        %parallel_loop3A_925 = tpu.memref_squeeze %parallel_loop3A_924 : memref<1x800xi32, #tpu.memory_space<vmem>> -> memref<800xi32, #tpu.memory_space<vmem>>
        %parallel_loop3A_926 = arith.index_cast %parallel_loop3A_916 : i32 to index
        %parallel_loop3A_927 = tpu.vector_load %parallel_loop3A_925[%parallel_loop3A_926] {strides = array<i32>} : memref<800xi32, #tpu.memory_space<vmem>>, vector<16xi32>,
        tpu.vector_store %parallel_loop3A_925[%parallel_loop3A_926], %parallel_loop3A_922 {strides = array<i32>} : memref<800xi32, #tpu.memory_space<vmem>>, vector<16xi32>,
      } {sc.loop_unroll_factor = 8 : i64, sc.parallel_access}
      %dma_start3A_327 = arith.constant 1 : i32
      %dma_start3A_328 = arith.constant 1 : i32
      %dma_start3A_329 = arith.constant 0 : i32
      %dma_start3A_330 = arith.constant 0 : i32
      %dma_start3A_331 = tpu.memref_slice %arg9[%dma_start3A_328, %dma_start3A_329, %dma_start3A_330] : memref<2x800x8xf32, #tpu.memory_space<vmem>> -> memref<1x800x8xf32, #tpu.memory_space<vmem>>
      %dma_start3A_332 = tpu.memref_squeeze %dma_start3A_331 : memref<1x800x8xf32, #tpu.memory_space<vmem>> -> memref<800x8xf32, #tpu.memory_space<vmem>>
      %dma_start3A_333 = arith.constant 0 : i32
      %dma_start3A_334 = arith.constant 0 : i32
      %dma_start3A_335 = tpu.memref_slice %dma_start3A_332[%dma_start3A_333, %dma_start3A_334] : memref<800x8xf32, #tpu.memory_space<vmem>> -> memref<80x8xf32, #tpu.memory_space<vmem>>
      %dma_start3A_336 = arith.constant 0 : i32
      %dma_start3A_337 = tpu.memref_slice %arg8[%dma_start3A_327, %dma_start3A_336] : memref<2x800xi32, #tpu.memory_space<vmem>> -> memref<1x800xi32, #tpu.memory_space<vmem>>
      %dma_start3A_338 = tpu.memref_squeeze %dma_start3A_337 : memref<1x800xi32, #tpu.memory_space<vmem>> -> memref<800xi32, #tpu.memory_space<vmem>>
      %dma_start3A_339 = arith.constant 0 : i32
      %dma_start3A_340 = tpu.memref_slice %dma_start3A_338[%dma_start3A_339] : memref<800xi32, #tpu.memory_space<vmem>> -> memref<80xi32, #tpu.memory_space<vmem>>
      %dma_start3A_341 = arith.constant 0 : i32
      %dma_start3A_342 = arith.constant 0 : i32
      %dma_start3A_343 = tpu.memref_slice %arg2[%dma_start3A_341, %dma_start3A_342] : memref<80000x8xf32, #tpu.memory_space<hbm>> -> memref<80000x8xf32, #tpu.memory_space<hbm>>
      tpu.enqueue_indirect_dma source(%dma_start3A_343 : memref<80000x8xf32, #tpu.memory_space<hbm>>) target(%dma_start3A_335 : memref<80x8xf32, #tpu.memory_space<vmem>>) offsets(%dma_start3A_340 : memref<80xi32, #tpu.memory_space<vmem>>) semaphore(%arg18 : memref<!tpu.dma_semaphore, #tpu.memory_space<semaphore_mem>>)
      %dma_start3A_344 = arith.constant 1 : i32
      %dma_start3A_345 = arith.constant 1 : i32
      %dma_start3A_346 = arith.constant 0 : i32
      %dma_start3A_347 = arith.constant 0 : i32
      %dma_start3A_348 = tpu.memref_slice %arg9[%dma_start3A_345, %dma_start3A_346, %dma_start3A_347] : memref<2x800x8xf32, #tpu.memory_space<vmem>> -> memref<1x800x8xf32, #tpu.memory_space<vmem>>
      %dma_start3A_349 = tpu.memref_squeeze %dma_start3A_348 : memref<1x800x8xf32, #tpu.memory_space<vmem>> -> memref<800x8xf32, #tpu.memory_space<vmem>>
      %dma_start3A_350 = arith.constant 80 : i32
      %dma_start3A_351 = arith.constant 0 : i32
      %dma_start3A_352 = tpu.memref_slice %dma_start3A_349[%dma_start3A_350, %dma_start3A_351] : memref<800x8xf32, #tpu.memory_space<vmem>> -> memref<80x8xf32, #tpu.memory_space<vmem>>
      %dma_start3A_353 = arith.constant 0 : i32
      %dma_start3A_354 = tpu.memref_slice %arg8[%dma_start3A_344, %dma_start3A_353] : memref<2x800xi32, #tpu.memory_space<vmem>> -> memref<1x800xi32, #tpu.memory_space<vmem>>
      %dma_start3A_355 = tpu.memref_squeeze %dma_start3A_354 : memref<1x800xi32, #tpu.memory_space<vmem>> -> memref<800xi32, #tpu.memory_space<vmem>>
      %dma_start3A_356 = arith.constant 80 : i32
      %dma_start3A_357 = tpu.memref_slice %dma_start3A_355[%dma_start3A_356] : memref<800xi32, #tpu.memory_space<vmem>> -> memref<80xi32, #tpu.memory_space<vmem>>
      %dma_start3A_358 = arith.constant 0 : i32
      %dma_start3A_359 = arith.constant 0 : i32
      %dma_start3A_360 = tpu.memref_slice %arg2[%dma_start3A_358, %dma_start3A_359] : memref<80000x8xf32, #tpu.memory_space<hbm>> -> memref<80000x8xf32, #tpu.memory_space<hbm>>
      tpu.enqueue_indirect_dma source(%dma_start3A_360 : memref<80000x8xf32, #tpu.memory_space<hbm>>) target(%dma_start3A_352 : memref<80x8xf32, #tpu.memory_space<vmem>>) offsets(%dma_start3A_357 : memref<80xi32, #tpu.memory_space<vmem>>) semaphore(%arg18 : memref<!tpu.dma_semaphore, #tpu.memory_space<semaphore_mem>>)
      %dma_start3A_361 = arith.constant 1 : i32
      %dma_start3A_362 = arith.constant 1 : i32
      %dma_start3A_363 = arith.constant 0 : i32
      %dma_start3A_364 = arith.constant 0 : i32
      %dma_start3A_365 = tpu.memref_slice %arg9[%dma_start3A_362, %dma_start3A_363, %dma_start3A_364] : memref<2x800x8xf32, #tpu.memory_space<vmem>> -> memref<1x800x8xf32, #tpu.memory_space<vmem>>
      %dma_start3A_366 = tpu.memref_squeeze %dma_start3A_365 : memref<1x800x8xf32, #tpu.memory_space<vmem>> -> memref<800x8xf32, #tpu.memory_space<vmem>>
      %dma_start3A_367 = arith.constant 160 : i32
      %dma_start3A_368 = arith.constant 0 : i32
      %dma_start3A_369 = tpu.memref_slice %dma_start3A_366[%dma_start3A_367, %dma_start3A_368] : memref<800x8xf32, #tpu.memory_space<vmem>> -> memref<80x8xf32, #tpu.memory_space<vmem>>
      %dma_start3A_370 = arith.constant 0 : i32
      %dma_start3A_371 = tpu.memref_slice %arg8[%dma_start3A_361, %dma_start3A_370] : memref<2x800xi32, #tpu.memory_space<vmem>> -> memref<1x800xi32, #tpu.memory_space<vmem>>
      %dma_start3A_372 = tpu.memref_squeeze %dma_start3A_371 : memref<1x800xi32, #tpu.memory_space<vmem>> -> memref<800xi32, #tpu.memory_space<vmem>>
      %dma_start3A_373 = arith.constant 160 : i32
      %dma_start3A_374 = tpu.memref_slice %dma_start3A_372[%dma_start3A_373] : memref<800xi32, #tpu.memory_space<vmem>> -> memref<80xi32, #tpu.memory_space<vmem>>
      %dma_start3A_375 = arith.constant 0 : i32
      %dma_start3A_376 = arith.constant 0 : i32
      %dma_start3A_377 = tpu.memref_slice %arg2[%dma_start3A_375, %dma_start3A_376] : memref<80000x8xf32, #tpu.memory_space<hbm>> -> memref<80000x8xf32, #tpu.memory_space<hbm>>
      tpu.enqueue_indirect_dma source(%dma_start3A_377 : memref<80000x8xf32, #tpu.memory_space<hbm>>) target(%dma_start3A_369 : memref<80x8xf32, #tpu.memory_space<vmem>>) offsets(%dma_start3A_374 : memref<80xi32, #tpu.memory_space<vmem>>) semaphore(%arg18 : memref<!tpu.dma_semaphore, #tpu.memory_space<semaphore_mem>>)
      %dma_start3A_378 = arith.constant 1 : i32
      %dma_start3A_379 = arith.constant 1 : i32
      %dma_start3A_380 = arith.constant 0 : i32
      %dma_start3A_381 = arith.constant 0 : i32
      %dma_start3A_382 = tpu.memref_slice %arg9[%dma_start3A_379, %dma_start3A_380, %dma_start3A_381] : memref<2x800x8xf32, #tpu.memory_space<vmem>> -> memref<1x800x8xf32, #tpu.memory_space<vmem>>
      %dma_start3A_383 = tpu.memref_squeeze %dma_start3A_382 : memref<1x800x8xf32, #tpu.memory_space<vmem>> -> memref<800x8xf32, #tpu.memory_space<vmem>>
      %dma_start3A_384 = arith.constant 240 : i32
      %dma_start3A_385 = arith.constant 0 : i32
      %dma_start3A_386 = tpu.memref_slice %dma_start3A_383[%dma_start3A_384, %dma_start3A_385] : memref<800x8xf32, #tpu.memory_space<vmem>> -> memref<80x8xf32, #tpu.memory_space<vmem>>
      %dma_start3A_387 = arith.constant 0 : i32
      %dma_start3A_388 = tpu.memref_slice %arg8[%dma_start3A_378, %dma_start3A_387] : memref<2x800xi32, #tpu.memory_space<vmem>> -> memref<1x800xi32, #tpu.memory_space<vmem>>
      %dma_start3A_389 = tpu.memref_squeeze %dma_start3A_388 : memref<1x800xi32, #tpu.memory_space<vmem>> -> memref<800xi32, #tpu.memory_space<vmem>>
      %dma_start3A_390 = arith.constant 240 : i32
      %dma_start3A_391 = tpu.memref_slice %dma_start3A_389[%dma_start3A_390] : memref<800xi32, #tpu.memory_space<vmem>> -> memref<80xi32, #tpu.memory_space<vmem>>
      %dma_start3A_392 = arith.constant 0 : i32
      %dma_start3A_393 = arith.constant 0 : i32
      %dma_start3A_394 = tpu.memref_slice %arg2[%dma_start3A_392, %dma_start3A_393] : memref<80000x8xf32, #tpu.memory_space<hbm>> -> memref<80000x8xf32, #tpu.memory_space<hbm>>
      tpu.enqueue_indirect_dma source(%dma_start3A_394 : memref<80000x8xf32, #tpu.memory_space<hbm>>) target(%dma_start3A_386 : memref<80x8xf32, #tpu.memory_space<vmem>>) offsets(%dma_start3A_391 : memref<80xi32, #tpu.memory_space<vmem>>) semaphore(%arg18 : memref<!tpu.dma_semaphore, #tpu.memory_space<semaphore_mem>>)
      %dma_start3A_395 = arith.constant 1 : i32
      %dma_start3A_396 = arith.constant 1 : i32
      %dma_start3A_397 = arith.constant 0 : i32
      %dma_start3A_398 = arith.constant 0 : i32
      %dma_start3A_399 = tpu.memref_slice %arg9[%dma_start3A_396, %dma_start3A_397, %dma_start3A_398] : memref<2x800x8xf32, #tpu.memory_space<vmem>> -> memref<1x800x8xf32, #tpu.memory_space<vmem>>
      %dma_start3A_400 = tpu.memref_squeeze %dma_start3A_399 : memref<1x800x8xf32, #tpu.memory_space<vmem>> -> memref<800x8xf32, #tpu.memory_space<vmem>>
      %dma_start3A_401 = arith.constant 320 : i32
      %dma_start3A_402 = arith.constant 0 : i32
      %dma_start3A_403 = tpu.memref_slice %dma_start3A_400[%dma_start3A_401, %dma_start3A_402] : memref<800x8xf32, #tpu.memory_space<vmem>> -> memref<80x8xf32, #tpu.memory_space<vmem>>
      %dma_start3A_404 = arith.constant 0 : i32
      %dma_start3A_405 = tpu.memref_slice %arg8[%dma_start3A_395, %dma_start3A_404] : memref<2x800xi32, #tpu.memory_space<vmem>> -> memref<1x800xi32, #tpu.memory_space<vmem>>
      %dma_start3A_406 = tpu.memref_squeeze %dma_start3A_405 : memref<1x800xi32, #tpu.memory_space<vmem>> -> memref<800xi32, #tpu.memory_space<vmem>>
      %dma_start3A_407 = arith.constant 320 : i32
      %dma_start3A_408 = tpu.memref_slice %dma_start3A_406[%dma_start3A_407] : memref<800xi32, #tpu.memory_space<vmem>> -> memref<80xi32, #tpu.memory_space<vmem>>
      %dma_start3A_409 = arith.constant 0 : i32
      %dma_start3A_410 = arith.constant 0 : i32
      %dma_start3A_411 = tpu.memref_slice %arg2[%dma_start3A_409, %dma_start3A_410] : memref<80000x8xf32, #tpu.memory_space<hbm>> -> memref<80000x8xf32, #tpu.memory_space<hbm>>
      tpu.enqueue_indirect_dma source(%dma_start3A_411 : memref<80000x8xf32, #tpu.memory_space<hbm>>) target(%dma_start3A_403 : memref<80x8xf32, #tpu.memory_space<vmem>>) offsets(%dma_start3A_408 : memref<80xi32, #tpu.memory_space<vmem>>) semaphore(%arg18 : memref<!tpu.dma_semaphore, #tpu.memory_space<semaphore_mem>>)
      %dma_start3A_412 = arith.constant 1 : i32
      %dma_start3A_413 = arith.constant 1 : i32
      %dma_start3A_414 = arith.constant 0 : i32
      %dma_start3A_415 = arith.constant 0 : i32
      %dma_start3A_416 = tpu.memref_slice %arg9[%dma_start3A_413, %dma_start3A_414, %dma_start3A_415] : memref<2x800x8xf32, #tpu.memory_space<vmem>> -> memref<1x800x8xf32, #tpu.memory_space<vmem>>
      %dma_start3A_417 = tpu.memref_squeeze %dma_start3A_416 : memref<1x800x8xf32, #tpu.memory_space<vmem>> -> memref<800x8xf32, #tpu.memory_space<vmem>>
      %dma_start3A_418 = arith.constant 400 : i32
      %dma_start3A_419 = arith.constant 0 : i32
      %dma_start3A_420 = tpu.memref_slice %dma_start3A_417[%dma_start3A_418, %dma_start3A_419] : memref<800x8xf32, #tpu.memory_space<vmem>> -> memref<80x8xf32, #tpu.memory_space<vmem>>
      %dma_start3A_421 = arith.constant 0 : i32
      %dma_start3A_422 = tpu.memref_slice %arg8[%dma_start3A_412, %dma_start3A_421] : memref<2x800xi32, #tpu.memory_space<vmem>> -> memref<1x800xi32, #tpu.memory_space<vmem>>
      %dma_start3A_423 = tpu.memref_squeeze %dma_start3A_422 : memref<1x800xi32, #tpu.memory_space<vmem>> -> memref<800xi32, #tpu.memory_space<vmem>>
      %dma_start3A_424 = arith.constant 400 : i32
      %dma_start3A_425 = tpu.memref_slice %dma_start3A_423[%dma_start3A_424] : memref<800xi32, #tpu.memory_space<vmem>> -> memref<80xi32, #tpu.memory_space<vmem>>
      %dma_start3A_426 = arith.constant 0 : i32
      %dma_start3A_427 = arith.constant 0 : i32
      %dma_start3A_428 = tpu.memref_slice %arg2[%dma_start3A_426, %dma_start3A_427] : memref<80000x8xf32, #tpu.memory_space<hbm>> -> memref<80000x8xf32, #tpu.memory_space<hbm>>
      tpu.enqueue_indirect_dma source(%dma_start3A_428 : memref<80000x8xf32, #tpu.memory_space<hbm>>) target(%dma_start3A_420 : memref<80x8xf32, #tpu.memory_space<vmem>>) offsets(%dma_start3A_425 : memref<80xi32, #tpu.memory_space<vmem>>) semaphore(%arg18 : memref<!tpu.dma_semaphore, #tpu.memory_space<semaphore_mem>>)
      %dma_start3A_429 = arith.constant 1 : i32
      %dma_start3A_430 = arith.constant 1 : i32
      %dma_start3A_431 = arith.constant 0 : i32
      %dma_start3A_432 = arith.constant 0 : i32
      %dma_start3A_433 = tpu.memref_slice %arg9[%dma_start3A_430, %dma_start3A_431, %dma_start3A_432] : memref<2x800x8xf32, #tpu.memory_space<vmem>> -> memref<1x800x8xf32, #tpu.memory_space<vmem>>
      %dma_start3A_434 = tpu.memref_squeeze %dma_start3A_433 : memref<1x800x8xf32, #tpu.memory_space<vmem>> -> memref<800x8xf32, #tpu.memory_space<vmem>>
      %dma_start3A_435 = arith.constant 480 : i32
      %dma_start3A_436 = arith.constant 0 : i32
      %dma_start3A_437 = tpu.memref_slice %dma_start3A_434[%dma_start3A_435, %dma_start3A_436] : memref<800x8xf32, #tpu.memory_space<vmem>> -> memref<80x8xf32, #tpu.memory_space<vmem>>
      %dma_start3A_438 = arith.constant 0 : i32
      %dma_start3A_439 = tpu.memref_slice %arg8[%dma_start3A_429, %dma_start3A_438] : memref<2x800xi32, #tpu.memory_space<vmem>> -> memref<1x800xi32, #tpu.memory_space<vmem>>
      %dma_start3A_440 = tpu.memref_squeeze %dma_start3A_439 : memref<1x800xi32, #tpu.memory_space<vmem>> -> memref<800xi32, #tpu.memory_space<vmem>>
      %dma_start3A_441 = arith.constant 480 : i32
      %dma_start3A_442 = tpu.memref_slice %dma_start3A_440[%dma_start3A_441] : memref<800xi32, #tpu.memory_space<vmem>> -> memref<80xi32, #tpu.memory_space<vmem>>
      %dma_start3A_443 = arith.constant 0 : i32
      %dma_start3A_444 = arith.constant 0 : i32
      %dma_start3A_445 = tpu.memref_slice %arg2[%dma_start3A_443, %dma_start3A_444] : memref<80000x8xf32, #tpu.memory_space<hbm>> -> memref<80000x8xf32, #tpu.memory_space<hbm>>
      tpu.enqueue_indirect_dma source(%dma_start3A_445 : memref<80000x8xf32, #tpu.memory_space<hbm>>) target(%dma_start3A_437 : memref<80x8xf32, #tpu.memory_space<vmem>>) offsets(%dma_start3A_442 : memref<80xi32, #tpu.memory_space<vmem>>) semaphore(%arg18 : memref<!tpu.dma_semaphore, #tpu.memory_space<semaphore_mem>>)
      %dma_start3A_446 = arith.constant 1 : i32
      %dma_start3A_447 = arith.constant 1 : i32
      %dma_start3A_448 = arith.constant 0 : i32
      %dma_start3A_449 = arith.constant 0 : i32
      %dma_start3A_450 = tpu.memref_slice %arg9[%dma_start3A_447, %dma_start3A_448, %dma_start3A_449] : memref<2x800x8xf32, #tpu.memory_space<vmem>> -> memref<1x800x8xf32, #tpu.memory_space<vmem>>
      %dma_start3A_451 = tpu.memref_squeeze %dma_start3A_450 : memref<1x800x8xf32, #tpu.memory_space<vmem>> -> memref<800x8xf32, #tpu.memory_space<vmem>>
      %dma_start3A_452 = arith.constant 560 : i32
      %dma_start3A_453 = arith.constant 0 : i32
      %dma_start3A_454 = tpu.memref_slice %dma_start3A_451[%dma_start3A_452, %dma_start3A_453] : memref<800x8xf32, #tpu.memory_space<vmem>> -> memref<80x8xf32, #tpu.memory_space<vmem>>
      %dma_start3A_455 = arith.constant 0 : i32
      %dma_start3A_456 = tpu.memref_slice %arg8[%dma_start3A_446, %dma_start3A_455] : memref<2x800xi32, #tpu.memory_space<vmem>> -> memref<1x800xi32, #tpu.memory_space<vmem>>
      %dma_start3A_457 = tpu.memref_squeeze %dma_start3A_456 : memref<1x800xi32, #tpu.memory_space<vmem>> -> memref<800xi32, #tpu.memory_space<vmem>>
      %dma_start3A_458 = arith.constant 560 : i32
      %dma_start3A_459 = tpu.memref_slice %dma_start3A_457[%dma_start3A_458] : memref<800xi32, #tpu.memory_space<vmem>> -> memref<80xi32, #tpu.memory_space<vmem>>
      %dma_start3A_460 = arith.constant 0 : i32
      %dma_start3A_461 = arith.constant 0 : i32
      %dma_start3A_462 = tpu.memref_slice %arg2[%dma_start3A_460, %dma_start3A_461] : memref<80000x8xf32, #tpu.memory_space<hbm>> -> memref<80000x8xf32, #tpu.memory_space<hbm>>
      tpu.enqueue_indirect_dma source(%dma_start3A_462 : memref<80000x8xf32, #tpu.memory_space<hbm>>) target(%dma_start3A_454 : memref<80x8xf32, #tpu.memory_space<vmem>>) offsets(%dma_start3A_459 : memref<80xi32, #tpu.memory_space<vmem>>) semaphore(%arg18 : memref<!tpu.dma_semaphore, #tpu.memory_space<semaphore_mem>>)
      %dma_start3A_463 = arith.constant 1 : i32
      %dma_start3A_464 = arith.constant 1 : i32
      %dma_start3A_465 = arith.constant 0 : i32
      %dma_start3A_466 = arith.constant 0 : i32
      %dma_start3A_467 = tpu.memref_slice %arg9[%dma_start3A_464, %dma_start3A_465, %dma_start3A_466] : memref<2x800x8xf32, #tpu.memory_space<vmem>> -> memref<1x800x8xf32, #tpu.memory_space<vmem>>
      %dma_start3A_468 = tpu.memref_squeeze %dma_start3A_467 : memref<1x800x8xf32, #tpu.memory_space<vmem>> -> memref<800x8xf32, #tpu.memory_space<vmem>>
      %dma_start3A_469 = arith.constant 640 : i32
      %dma_start3A_470 = arith.constant 0 : i32
      %dma_start3A_471 = tpu.memref_slice %dma_start3A_468[%dma_start3A_469, %dma_start3A_470] : memref<800x8xf32, #tpu.memory_space<vmem>> -> memref<80x8xf32, #tpu.memory_space<vmem>>
      %dma_start3A_472 = arith.constant 0 : i32
      %dma_start3A_473 = tpu.memref_slice %arg8[%dma_start3A_463, %dma_start3A_472] : memref<2x800xi32, #tpu.memory_space<vmem>> -> memref<1x800xi32, #tpu.memory_space<vmem>>
      %dma_start3A_474 = tpu.memref_squeeze %dma_start3A_473 : memref<1x800xi32, #tpu.memory_space<vmem>> -> memref<800xi32, #tpu.memory_space<vmem>>
      %dma_start3A_475 = arith.constant 640 : i32
      %dma_start3A_476 = tpu.memref_slice %dma_start3A_474[%dma_start3A_475] : memref<800xi32, #tpu.memory_space<vmem>> -> memref<80xi32, #tpu.memory_space<vmem>>
      %dma_start3A_477 = arith.constant 0 : i32
      %dma_start3A_478 = arith.constant 0 : i32
      %dma_start3A_479 = tpu.memref_slice %arg2[%dma_start3A_477, %dma_start3A_478] : memref<80000x8xf32, #tpu.memory_space<hbm>> -> memref<80000x8xf32, #tpu.memory_space<hbm>>
      tpu.enqueue_indirect_dma source(%dma_start3A_479 : memref<80000x8xf32, #tpu.memory_space<hbm>>) target(%dma_start3A_471 : memref<80x8xf32, #tpu.memory_space<vmem>>) offsets(%dma_start3A_476 : memref<80xi32, #tpu.memory_space<vmem>>) semaphore(%arg18 : memref<!tpu.dma_semaphore, #tpu.memory_space<semaphore_mem>>)
      %dma_start3A_480 = arith.constant 1 : i32
      %dma_start3A_481 = arith.constant 1 : i32
      %dma_start3A_482 = arith.constant 0 : i32
      %dma_start3A_483 = arith.constant 0 : i32
      %dma_start3A_484 = tpu.memref_slice %arg9[%dma_start3A_481, %dma_start3A_482, %dma_start3A_483] : memref<2x800x8xf32, #tpu.memory_space<vmem>> -> memref<1x800x8xf32, #tpu.memory_space<vmem>>
      %dma_start3A_485 = tpu.memref_squeeze %dma_start3A_484 : memref<1x800x8xf32, #tpu.memory_space<vmem>> -> memref<800x8xf32, #tpu.memory_space<vmem>>
      %dma_start3A_486 = arith.constant 720 : i32
      %dma_start3A_487 = arith.constant 0 : i32
      %dma_start3A_488 = tpu.memref_slice %dma_start3A_485[%dma_start3A_486, %dma_start3A_487] : memref<800x8xf32, #tpu.memory_space<vmem>> -> memref<80x8xf32, #tpu.memory_space<vmem>>
      %dma_start3A_489 = arith.constant 0 : i32
      %dma_start3A_490 = tpu.memref_slice %arg8[%dma_start3A_480, %dma_start3A_489] : memref<2x800xi32, #tpu.memory_space<vmem>> -> memref<1x800xi32, #tpu.memory_space<vmem>>
      %dma_start3A_491 = tpu.memref_squeeze %dma_start3A_490 : memref<1x800xi32, #tpu.memory_space<vmem>> -> memref<800xi32, #tpu.memory_space<vmem>>
      %dma_start3A_492 = arith.constant 720 : i32
      %dma_start3A_493 = tpu.memref_slice %dma_start3A_491[%dma_start3A_492] : memref<800xi32, #tpu.memory_space<vmem>> -> memref<80xi32, #tpu.memory_space<vmem>>
      %dma_start3A_494 = arith.constant 0 : i32
      %dma_start3A_495 = arith.constant 0 : i32
      %dma_start3A_496 = tpu.memref_slice %arg2[%dma_start3A_494, %dma_start3A_495] : memref<80000x8xf32, #tpu.memory_space<hbm>> -> memref<80000x8xf32, #tpu.memory_space<hbm>>
      tpu.enqueue_indirect_dma source(%dma_start3A_496 : memref<80000x8xf32, #tpu.memory_space<hbm>>) target(%dma_start3A_488 : memref<80x8xf32, #tpu.memory_space<vmem>>) offsets(%dma_start3A_493 : memref<80xi32, #tpu.memory_space<vmem>>) semaphore(%arg18 : memref<!tpu.dma_semaphore, #tpu.memory_space<semaphore_mem>>)
      %add3A_497 = arith.constant 2 : i32
      %add3A_498 = arith.addi %add3A_307, %add3A_497 : i32
      %lt3A_499 = arith.constant 50 : i32
      %lt3A_500 = arith.cmpi slt, %add3A_498, %lt3A_499 : i32
      %convert_element_type3A_501 = arith.extui %lt3A_500 : i1 to i32
      %cond3A_502 = arith.constant 0 : i32
      %cond3A_503 = arith.cmpi ne, %convert_element_type3A_501, %cond3A_502 : i32
      scf.if %cond3A_503 {
        %add3A_914 = arith.constant 2 : i32
        %add3A_915 = arith.addi %add3A_307, %add3A_914 : i32
        %mul3A_916 = arith.constant 800 : i32
        %mul3A_917 = arith.muli %add3A_915, %mul3A_916 : i32
        %add3A_918 = arith.addi %mul3A_32, %mul3A_917 : i32
        %dma_start3A_919 = arith.constant 1 : i32
        %dma_start3A_920 = arith.constant 0 : i32
        %dma_start3A_921 = tpu.memref_slice %arg7[%dma_start3A_919, %dma_start3A_920] : memref<2x800xi32, #tpu.memory_space<vmem>> -> memref<1x800xi32, #tpu.memory_space<vmem>>
        %dma_start3A_922 = tpu.memref_squeeze %dma_start3A_921 : memref<1x800xi32, #tpu.memory_space<vmem>> -> memref<800xi32, #tpu.memory_space<vmem>>
        %dma_start3A_923 = tpu.memref_slice %arg3[%add3A_918] : memref<160000xi32, #tpu.memory_space<hbm>> -> memref<800xi32, #tpu.memory_space<hbm>>
        %dma_start3A_924 = arith.constant 0 : i32
        %dma_start3A_925 = tpu.memref_slice %arg7[%dma_start3A_919, %dma_start3A_924] : memref<2x800xi32, #tpu.memory_space<vmem>> -> memref<1x800xi32, #tpu.memory_space<vmem>>
        %dma_start3A_926 = tpu.memref_squeeze %dma_start3A_925 : memref<1x800xi32, #tpu.memory_space<vmem>> -> memref<800xi32, #tpu.memory_space<vmem>>
        %dma_start3A_927 = tpu.memref_slice %arg3[%add3A_918] : memref<160000xi32, #tpu.memory_space<hbm>> -> memref<800xi32, #tpu.memory_space<hbm>>
        tpu.enqueue_dma source(%dma_start3A_927 : memref<800xi32, #tpu.memory_space<hbm>>) target(%dma_start3A_926 : memref<800xi32, #tpu.memory_space<vmem>>) target_semaphore(%arg14 : memref<!tpu.dma_semaphore, #tpu.memory_space<semaphore_mem>>)
      } else {
      }
      %mul3A_504 = arith.constant 8 : i32
      %mul3A_505 = arith.muli %mul3A_32, %mul3A_504 : i32
      %mul3A_506 = arith.constant 8 : i32
      %mul3A_507 = arith.muli %mul3A_32, %mul3A_506 : i32
      %dma_wait3A_508 = arith.constant 0 : i32
      %dma_wait3A_509 = arith.constant 0 : i32
      %dma_wait3A_510 = arith.constant 0 : i32
      %dma_wait3A_511 = arith.constant 0 : i32
      %dma_wait3A_512 = tpu.memref_slice %arg9[%dma_wait3A_509, %dma_wait3A_510, %dma_wait3A_511] : memref<2x800x8xf32, #tpu.memory_space<vmem>> -> memref<1x800x8xf32, #tpu.memory_space<vmem>>
      %dma_wait3A_513 = tpu.memref_squeeze %dma_wait3A_512 : memref<1x800x8xf32, #tpu.memory_space<vmem>> -> memref<800x8xf32, #tpu.memory_space<vmem>>
      %dma_wait3A_514 = arith.constant 0 : i32
      %dma_wait3A_515 = arith.constant 0 : i32
      %dma_wait3A_516 = tpu.memref_slice %dma_wait3A_513[%dma_wait3A_514, %dma_wait3A_515] : memref<800x8xf32, #tpu.memory_space<vmem>> -> memref<80x8xf32, #tpu.memory_space<vmem>>
      %dma_wait3A_517 = arith.constant 0 : i32
      %dma_wait3A_518 = tpu.memref_slice %arg8[%dma_wait3A_508, %dma_wait3A_517] : memref<2x800xi32, #tpu.memory_space<vmem>> -> memref<1x800xi32, #tpu.memory_space<vmem>>
      %dma_wait3A_519 = tpu.memref_squeeze %dma_wait3A_518 : memref<1x800xi32, #tpu.memory_space<vmem>> -> memref<800xi32, #tpu.memory_space<vmem>>
      %dma_wait3A_520 = arith.constant 0 : i32
      %dma_wait3A_521 = tpu.memref_slice %dma_wait3A_519[%dma_wait3A_520] : memref<800xi32, #tpu.memory_space<vmem>> -> memref<80xi32, #tpu.memory_space<vmem>>
      %dma_wait3A_522 = arith.constant 0 : i32
      %dma_wait3A_523 = arith.constant 0 : i32
      %dma_wait3A_524 = tpu.memref_slice %arg2[%dma_wait3A_522, %dma_wait3A_523] : memref<80000x8xf32, #tpu.memory_space<hbm>> -> memref<80000x8xf32, #tpu.memory_space<hbm>>
      tpu.wait_indirect_dma semaphore(%arg17 : memref<!tpu.dma_semaphore, #tpu.memory_space<semaphore_mem>>) src(%dma_wait3A_524 : memref<80000x8xf32, #tpu.memory_space<hbm>>) dst(%dma_wait3A_516 : memref<80x8xf32, #tpu.memory_space<vmem>>)
      %dma_wait3A_525 = arith.constant 0 : i32
      %dma_wait3A_526 = arith.constant 0 : i32
      %dma_wait3A_527 = arith.constant 0 : i32
      %dma_wait3A_528 = arith.constant 0 : i32
      %dma_wait3A_529 = tpu.memref_slice %arg9[%dma_wait3A_526, %dma_wait3A_527, %dma_wait3A_528] : memref<2x800x8xf32, #tpu.memory_space<vmem>> -> memref<1x800x8xf32, #tpu.memory_space<vmem>>
      %dma_wait3A_530 = tpu.memref_squeeze %dma_wait3A_529 : memref<1x800x8xf32, #tpu.memory_space<vmem>> -> memref<800x8xf32, #tpu.memory_space<vmem>>
      %dma_wait3A_531 = arith.constant 80 : i32
      %dma_wait3A_532 = arith.constant 0 : i32
      %dma_wait3A_533 = tpu.memref_slice %dma_wait3A_530[%dma_wait3A_531, %dma_wait3A_532] : memref<800x8xf32, #tpu.memory_space<vmem>> -> memref<80x8xf32, #tpu.memory_space<vmem>>
      %dma_wait3A_534 = arith.constant 0 : i32
      %dma_wait3A_535 = tpu.memref_slice %arg8[%dma_wait3A_525, %dma_wait3A_534] : memref<2x800xi32, #tpu.memory_space<vmem>> -> memref<1x800xi32, #tpu.memory_space<vmem>>
      %dma_wait3A_536 = tpu.memref_squeeze %dma_wait3A_535 : memref<1x800xi32, #tpu.memory_space<vmem>> -> memref<800xi32, #tpu.memory_space<vmem>>
      %dma_wait3A_537 = arith.constant 80 : i32
      %dma_wait3A_538 = tpu.memref_slice %dma_wait3A_536[%dma_wait3A_537] : memref<800xi32, #tpu.memory_space<vmem>> -> memref<80xi32, #tpu.memory_space<vmem>>
      %dma_wait3A_539 = arith.constant 0 : i32
      %dma_wait3A_540 = arith.constant 0 : i32
      %dma_wait3A_541 = tpu.memref_slice %arg2[%dma_wait3A_539, %dma_wait3A_540] : memref<80000x8xf32, #tpu.memory_space<hbm>> -> memref<80000x8xf32, #tpu.memory_space<hbm>>
      tpu.wait_indirect_dma semaphore(%arg17 : memref<!tpu.dma_semaphore, #tpu.memory_space<semaphore_mem>>) src(%dma_wait3A_541 : memref<80000x8xf32, #tpu.memory_space<hbm>>) dst(%dma_wait3A_533 : memref<80x8xf32, #tpu.memory_space<vmem>>)
      %dma_wait3A_542 = arith.constant 0 : i32
      %dma_wait3A_543 = arith.constant 0 : i32
      %dma_wait3A_544 = arith.constant 0 : i32
      %dma_wait3A_545 = arith.constant 0 : i32
      %dma_wait3A_546 = tpu.memref_slice %arg9[%dma_wait3A_543, %dma_wait3A_544, %dma_wait3A_545] : memref<2x800x8xf32, #tpu.memory_space<vmem>> -> memref<1x800x8xf32, #tpu.memory_space<vmem>>
      %dma_wait3A_547 = tpu.memref_squeeze %dma_wait3A_546 : memref<1x800x8xf32, #tpu.memory_space<vmem>> -> memref<800x8xf32, #tpu.memory_space<vmem>>
      %dma_wait3A_548 = arith.constant 160 : i32
      %dma_wait3A_549 = arith.constant 0 : i32
      %dma_wait3A_550 = tpu.memref_slice %dma_wait3A_547[%dma_wait3A_548, %dma_wait3A_549] : memref<800x8xf32, #tpu.memory_space<vmem>> -> memref<80x8xf32, #tpu.memory_space<vmem>>
      %dma_wait3A_551 = arith.constant 0 : i32
      %dma_wait3A_552 = tpu.memref_slice %arg8[%dma_wait3A_542, %dma_wait3A_551] : memref<2x800xi32, #tpu.memory_space<vmem>> -> memref<1x800xi32, #tpu.memory_space<vmem>>
      %dma_wait3A_553 = tpu.memref_squeeze %dma_wait3A_552 : memref<1x800xi32, #tpu.memory_space<vmem>> -> memref<800xi32, #tpu.memory_space<vmem>>
      %dma_wait3A_554 = arith.constant 160 : i32
      %dma_wait3A_555 = tpu.memref_slice %dma_wait3A_553[%dma_wait3A_554] : memref<800xi32, #tpu.memory_space<vmem>> -> memref<80xi32, #tpu.memory_space<vmem>>
      %dma_wait3A_556 = arith.constant 0 : i32
      %dma_wait3A_557 = arith.constant 0 : i32
      %dma_wait3A_558 = tpu.memref_slice %arg2[%dma_wait3A_556, %dma_wait3A_557] : memref<80000x8xf32, #tpu.memory_space<hbm>> -> memref<80000x8xf32, #tpu.memory_space<hbm>>
      tpu.wait_indirect_dma semaphore(%arg17 : memref<!tpu.dma_semaphore, #tpu.memory_space<semaphore_mem>>) src(%dma_wait3A_558 : memref<80000x8xf32, #tpu.memory_space<hbm>>) dst(%dma_wait3A_550 : memref<80x8xf32, #tpu.memory_space<vmem>>)
      %dma_wait3A_559 = arith.constant 0 : i32
      %dma_wait3A_560 = arith.constant 0 : i32
      %dma_wait3A_561 = arith.constant 0 : i32
      %dma_wait3A_562 = arith.constant 0 : i32
      %dma_wait3A_563 = tpu.memref_slice %arg9[%dma_wait3A_560, %dma_wait3A_561, %dma_wait3A_562] : memref<2x800x8xf32, #tpu.memory_space<vmem>> -> memref<1x800x8xf32, #tpu.memory_space<vmem>>
      %dma_wait3A_564 = tpu.memref_squeeze %dma_wait3A_563 : memref<1x800x8xf32, #tpu.memory_space<vmem>> -> memref<800x8xf32, #tpu.memory_space<vmem>>
      %dma_wait3A_565 = arith.constant 240 : i32
      %dma_wait3A_566 = arith.constant 0 : i32
      %dma_wait3A_567 = tpu.memref_slice %dma_wait3A_564[%dma_wait3A_565, %dma_wait3A_566] : memref<800x8xf32, #tpu.memory_space<vmem>> -> memref<80x8xf32, #tpu.memory_space<vmem>>
      %dma_wait3A_568 = arith.constant 0 : i32
      %dma_wait3A_569 = tpu.memref_slice %arg8[%dma_wait3A_559, %dma_wait3A_568] : memref<2x800xi32, #tpu.memory_space<vmem>> -> memref<1x800xi32, #tpu.memory_space<vmem>>
      %dma_wait3A_570 = tpu.memref_squeeze %dma_wait3A_569 : memref<1x800xi32, #tpu.memory_space<vmem>> -> memref<800xi32, #tpu.memory_space<vmem>>
      %dma_wait3A_571 = arith.constant 240 : i32
      %dma_wait3A_572 = tpu.memref_slice %dma_wait3A_570[%dma_wait3A_571] : memref<800xi32, #tpu.memory_space<vmem>> -> memref<80xi32, #tpu.memory_space<vmem>>
      %dma_wait3A_573 = arith.constant 0 : i32
      %dma_wait3A_574 = arith.constant 0 : i32
      %dma_wait3A_575 = tpu.memref_slice %arg2[%dma_wait3A_573, %dma_wait3A_574] : memref<80000x8xf32, #tpu.memory_space<hbm>> -> memref<80000x8xf32, #tpu.memory_space<hbm>>
      tpu.wait_indirect_dma semaphore(%arg17 : memref<!tpu.dma_semaphore, #tpu.memory_space<semaphore_mem>>) src(%dma_wait3A_575 : memref<80000x8xf32, #tpu.memory_space<hbm>>) dst(%dma_wait3A_567 : memref<80x8xf32, #tpu.memory_space<vmem>>)
      %dma_wait3A_576 = arith.constant 0 : i32
      %dma_wait3A_577 = arith.constant 0 : i32
      %dma_wait3A_578 = arith.constant 0 : i32
      %dma_wait3A_579 = arith.constant 0 : i32
      %dma_wait3A_580 = tpu.memref_slice %arg9[%dma_wait3A_577, %dma_wait3A_578, %dma_wait3A_579] : memref<2x800x8xf32, #tpu.memory_space<vmem>> -> memref<1x800x8xf32, #tpu.memory_space<vmem>>
      %dma_wait3A_581 = tpu.memref_squeeze %dma_wait3A_580 : memref<1x800x8xf32, #tpu.memory_space<vmem>> -> memref<800x8xf32, #tpu.memory_space<vmem>>
      %dma_wait3A_582 = arith.constant 320 : i32
      %dma_wait3A_583 = arith.constant 0 : i32
      %dma_wait3A_584 = tpu.memref_slice %dma_wait3A_581[%dma_wait3A_582, %dma_wait3A_583] : memref<800x8xf32, #tpu.memory_space<vmem>> -> memref<80x8xf32, #tpu.memory_space<vmem>>
      %dma_wait3A_585 = arith.constant 0 : i32
      %dma_wait3A_586 = tpu.memref_slice %arg8[%dma_wait3A_576, %dma_wait3A_585] : memref<2x800xi32, #tpu.memory_space<vmem>> -> memref<1x800xi32, #tpu.memory_space<vmem>>
      %dma_wait3A_587 = tpu.memref_squeeze %dma_wait3A_586 : memref<1x800xi32, #tpu.memory_space<vmem>> -> memref<800xi32, #tpu.memory_space<vmem>>
      %dma_wait3A_588 = arith.constant 320 : i32
      %dma_wait3A_589 = tpu.memref_slice %dma_wait3A_587[%dma_wait3A_588] : memref<800xi32, #tpu.memory_space<vmem>> -> memref<80xi32, #tpu.memory_space<vmem>>
      %dma_wait3A_590 = arith.constant 0 : i32
      %dma_wait3A_591 = arith.constant 0 : i32
      %dma_wait3A_592 = tpu.memref_slice %arg2[%dma_wait3A_590, %dma_wait3A_591] : memref<80000x8xf32, #tpu.memory_space<hbm>> -> memref<80000x8xf32, #tpu.memory_space<hbm>>
      tpu.wait_indirect_dma semaphore(%arg17 : memref<!tpu.dma_semaphore, #tpu.memory_space<semaphore_mem>>) src(%dma_wait3A_592 : memref<80000x8xf32, #tpu.memory_space<hbm>>) dst(%dma_wait3A_584 : memref<80x8xf32, #tpu.memory_space<vmem>>)
      %dma_wait3A_593 = arith.constant 0 : i32
      %dma_wait3A_594 = arith.constant 0 : i32
      %dma_wait3A_595 = arith.constant 0 : i32
      %dma_wait3A_596 = arith.constant 0 : i32
      %dma_wait3A_597 = tpu.memref_slice %arg9[%dma_wait3A_594, %dma_wait3A_595, %dma_wait3A_596] : memref<2x800x8xf32, #tpu.memory_space<vmem>> -> memref<1x800x8xf32, #tpu.memory_space<vmem>>
      %dma_wait3A_598 = tpu.memref_squeeze %dma_wait3A_597 : memref<1x800x8xf32, #tpu.memory_space<vmem>> -> memref<800x8xf32, #tpu.memory_space<vmem>>
      %dma_wait3A_599 = arith.constant 400 : i32
      %dma_wait3A_600 = arith.constant 0 : i32
      %dma_wait3A_601 = tpu.memref_slice %dma_wait3A_598[%dma_wait3A_599, %dma_wait3A_600] : memref<800x8xf32, #tpu.memory_space<vmem>> -> memref<80x8xf32, #tpu.memory_space<vmem>>
      %dma_wait3A_602 = arith.constant 0 : i32
      %dma_wait3A_603 = tpu.memref_slice %arg8[%dma_wait3A_593, %dma_wait3A_602] : memref<2x800xi32, #tpu.memory_space<vmem>> -> memref<1x800xi32, #tpu.memory_space<vmem>>
      %dma_wait3A_604 = tpu.memref_squeeze %dma_wait3A_603 : memref<1x800xi32, #tpu.memory_space<vmem>> -> memref<800xi32, #tpu.memory_space<vmem>>
      %dma_wait3A_605 = arith.constant 400 : i32
      %dma_wait3A_606 = tpu.memref_slice %dma_wait3A_604[%dma_wait3A_605] : memref<800xi32, #tpu.memory_space<vmem>> -> memref<80xi32, #tpu.memory_space<vmem>>
      %dma_wait3A_607 = arith.constant 0 : i32
      %dma_wait3A_608 = arith.constant 0 : i32
      %dma_wait3A_609 = tpu.memref_slice %arg2[%dma_wait3A_607, %dma_wait3A_608] : memref<80000x8xf32, #tpu.memory_space<hbm>> -> memref<80000x8xf32, #tpu.memory_space<hbm>>
      tpu.wait_indirect_dma semaphore(%arg17 : memref<!tpu.dma_semaphore, #tpu.memory_space<semaphore_mem>>) src(%dma_wait3A_609 : memref<80000x8xf32, #tpu.memory_space<hbm>>) dst(%dma_wait3A_601 : memref<80x8xf32, #tpu.memory_space<vmem>>)
      %dma_wait3A_610 = arith.constant 0 : i32
      %dma_wait3A_611 = arith.constant 0 : i32
      %dma_wait3A_612 = arith.constant 0 : i32
      %dma_wait3A_613 = arith.constant 0 : i32
      %dma_wait3A_614 = tpu.memref_slice %arg9[%dma_wait3A_611, %dma_wait3A_612, %dma_wait3A_613] : memref<2x800x8xf32, #tpu.memory_space<vmem>> -> memref<1x800x8xf32, #tpu.memory_space<vmem>>
      %dma_wait3A_615 = tpu.memref_squeeze %dma_wait3A_614 : memref<1x800x8xf32, #tpu.memory_space<vmem>> -> memref<800x8xf32, #tpu.memory_space<vmem>>
      %dma_wait3A_616 = arith.constant 480 : i32
      %dma_wait3A_617 = arith.constant 0 : i32
      %dma_wait3A_618 = tpu.memref_slice %dma_wait3A_615[%dma_wait3A_616, %dma_wait3A_617] : memref<800x8xf32, #tpu.memory_space<vmem>> -> memref<80x8xf32, #tpu.memory_space<vmem>>
      %dma_wait3A_619 = arith.constant 0 : i32
      %dma_wait3A_620 = tpu.memref_slice %arg8[%dma_wait3A_610, %dma_wait3A_619] : memref<2x800xi32, #tpu.memory_space<vmem>> -> memref<1x800xi32, #tpu.memory_space<vmem>>
      %dma_wait3A_621 = tpu.memref_squeeze %dma_wait3A_620 : memref<1x800xi32, #tpu.memory_space<vmem>> -> memref<800xi32, #tpu.memory_space<vmem>>
      %dma_wait3A_622 = arith.constant 480 : i32
      %dma_wait3A_623 = tpu.memref_slice %dma_wait3A_621[%dma_wait3A_622] : memref<800xi32, #tpu.memory_space<vmem>> -> memref<80xi32, #tpu.memory_space<vmem>>
      %dma_wait3A_624 = arith.constant 0 : i32
      %dma_wait3A_625 = arith.constant 0 : i32
      %dma_wait3A_626 = tpu.memref_slice %arg2[%dma_wait3A_624, %dma_wait3A_625] : memref<80000x8xf32, #tpu.memory_space<hbm>> -> memref<80000x8xf32, #tpu.memory_space<hbm>>
      tpu.wait_indirect_dma semaphore(%arg17 : memref<!tpu.dma_semaphore, #tpu.memory_space<semaphore_mem>>) src(%dma_wait3A_626 : memref<80000x8xf32, #tpu.memory_space<hbm>>) dst(%dma_wait3A_618 : memref<80x8xf32, #tpu.memory_space<vmem>>)
      %dma_wait3A_627 = arith.constant 0 : i32
      %dma_wait3A_628 = arith.constant 0 : i32
      %dma_wait3A_629 = arith.constant 0 : i32
      %dma_wait3A_630 = arith.constant 0 : i32
      %dma_wait3A_631 = tpu.memref_slice %arg9[%dma_wait3A_628, %dma_wait3A_629, %dma_wait3A_630] : memref<2x800x8xf32, #tpu.memory_space<vmem>> -> memref<1x800x8xf32, #tpu.memory_space<vmem>>
      %dma_wait3A_632 = tpu.memref_squeeze %dma_wait3A_631 : memref<1x800x8xf32, #tpu.memory_space<vmem>> -> memref<800x8xf32, #tpu.memory_space<vmem>>
      %dma_wait3A_633 = arith.constant 560 : i32
      %dma_wait3A_634 = arith.constant 0 : i32
      %dma_wait3A_635 = tpu.memref_slice %dma_wait3A_632[%dma_wait3A_633, %dma_wait3A_634] : memref<800x8xf32, #tpu.memory_space<vmem>> -> memref<80x8xf32, #tpu.memory_space<vmem>>
      %dma_wait3A_636 = arith.constant 0 : i32
      %dma_wait3A_637 = tpu.memref_slice %arg8[%dma_wait3A_627, %dma_wait3A_636] : memref<2x800xi32, #tpu.memory_space<vmem>> -> memref<1x800xi32, #tpu.memory_space<vmem>>
      %dma_wait3A_638 = tpu.memref_squeeze %dma_wait3A_637 : memref<1x800xi32, #tpu.memory_space<vmem>> -> memref<800xi32, #tpu.memory_space<vmem>>
      %dma_wait3A_639 = arith.constant 560 : i32
      %dma_wait3A_640 = tpu.memref_slice %dma_wait3A_638[%dma_wait3A_639] : memref<800xi32, #tpu.memory_space<vmem>> -> memref<80xi32, #tpu.memory_space<vmem>>
      %dma_wait3A_641 = arith.constant 0 : i32
      %dma_wait3A_642 = arith.constant 0 : i32
      %dma_wait3A_643 = tpu.memref_slice %arg2[%dma_wait3A_641, %dma_wait3A_642] : memref<80000x8xf32, #tpu.memory_space<hbm>> -> memref<80000x8xf32, #tpu.memory_space<hbm>>
      tpu.wait_indirect_dma semaphore(%arg17 : memref<!tpu.dma_semaphore, #tpu.memory_space<semaphore_mem>>) src(%dma_wait3A_643 : memref<80000x8xf32, #tpu.memory_space<hbm>>) dst(%dma_wait3A_635 : memref<80x8xf32, #tpu.memory_space<vmem>>)
      %dma_wait3A_644 = arith.constant 0 : i32
      %dma_wait3A_645 = arith.constant 0 : i32
      %dma_wait3A_646 = arith.constant 0 : i32
      %dma_wait3A_647 = arith.constant 0 : i32
      %dma_wait3A_648 = tpu.memref_slice %arg9[%dma_wait3A_645, %dma_wait3A_646, %dma_wait3A_647] : memref<2x800x8xf32, #tpu.memory_space<vmem>> -> memref<1x800x8xf32, #tpu.memory_space<vmem>>
      %dma_wait3A_649 = tpu.memref_squeeze %dma_wait3A_648 : memref<1x800x8xf32, #tpu.memory_space<vmem>> -> memref<800x8xf32, #tpu.memory_space<vmem>>
      %dma_wait3A_650 = arith.constant 640 : i32
      %dma_wait3A_651 = arith.constant 0 : i32
      %dma_wait3A_652 = tpu.memref_slice %dma_wait3A_649[%dma_wait3A_650, %dma_wait3A_651] : memref<800x8xf32, #tpu.memory_space<vmem>> -> memref<80x8xf32, #tpu.memory_space<vmem>>
      %dma_wait3A_653 = arith.constant 0 : i32
      %dma_wait3A_654 = tpu.memref_slice %arg8[%dma_wait3A_644, %dma_wait3A_653] : memref<2x800xi32, #tpu.memory_space<vmem>> -> memref<1x800xi32, #tpu.memory_space<vmem>>
      %dma_wait3A_655 = tpu.memref_squeeze %dma_wait3A_654 : memref<1x800xi32, #tpu.memory_space<vmem>> -> memref<800xi32, #tpu.memory_space<vmem>>
      %dma_wait3A_656 = arith.constant 640 : i32
      %dma_wait3A_657 = tpu.memref_slice %dma_wait3A_655[%dma_wait3A_656] : memref<800xi32, #tpu.memory_space<vmem>> -> memref<80xi32, #tpu.memory_space<vmem>>
      %dma_wait3A_658 = arith.constant 0 : i32
      %dma_wait3A_659 = arith.constant 0 : i32
      %dma_wait3A_660 = tpu.memref_slice %arg2[%dma_wait3A_658, %dma_wait3A_659] : memref<80000x8xf32, #tpu.memory_space<hbm>> -> memref<80000x8xf32, #tpu.memory_space<hbm>>
      tpu.wait_indirect_dma semaphore(%arg17 : memref<!tpu.dma_semaphore, #tpu.memory_space<semaphore_mem>>) src(%dma_wait3A_660 : memref<80000x8xf32, #tpu.memory_space<hbm>>) dst(%dma_wait3A_652 : memref<80x8xf32, #tpu.memory_space<vmem>>)
      %dma_wait3A_661 = arith.constant 0 : i32
      %dma_wait3A_662 = arith.constant 0 : i32
      %dma_wait3A_663 = arith.constant 0 : i32
      %dma_wait3A_664 = arith.constant 0 : i32
      %dma_wait3A_665 = tpu.memref_slice %arg9[%dma_wait3A_662, %dma_wait3A_663, %dma_wait3A_664] : memref<2x800x8xf32, #tpu.memory_space<vmem>> -> memref<1x800x8xf32, #tpu.memory_space<vmem>>
      %dma_wait3A_666 = tpu.memref_squeeze %dma_wait3A_665 : memref<1x800x8xf32, #tpu.memory_space<vmem>> -> memref<800x8xf32, #tpu.memory_space<vmem>>
      %dma_wait3A_667 = arith.constant 720 : i32
      %dma_wait3A_668 = arith.constant 0 : i32
      %dma_wait3A_669 = tpu.memref_slice %dma_wait3A_666[%dma_wait3A_667, %dma_wait3A_668] : memref<800x8xf32, #tpu.memory_space<vmem>> -> memref<80x8xf32, #tpu.memory_space<vmem>>
      %dma_wait3A_670 = arith.constant 0 : i32
      %dma_wait3A_671 = tpu.memref_slice %arg8[%dma_wait3A_661, %dma_wait3A_670] : memref<2x800xi32, #tpu.memory_space<vmem>> -> memref<1x800xi32, #tpu.memory_space<vmem>>
      %dma_wait3A_672 = tpu.memref_squeeze %dma_wait3A_671 : memref<1x800xi32, #tpu.memory_space<vmem>> -> memref<800xi32, #tpu.memory_space<vmem>>
      %dma_wait3A_673 = arith.constant 720 : i32
      %dma_wait3A_674 = tpu.memref_slice %dma_wait3A_672[%dma_wait3A_673] : memref<800xi32, #tpu.memory_space<vmem>> -> memref<80xi32, #tpu.memory_space<vmem>>
      %dma_wait3A_675 = arith.constant 0 : i32
      %dma_wait3A_676 = arith.constant 0 : i32
      %dma_wait3A_677 = tpu.memref_slice %arg2[%dma_wait3A_675, %dma_wait3A_676] : memref<80000x8xf32, #tpu.memory_space<hbm>> -> memref<80000x8xf32, #tpu.memory_space<hbm>>
      tpu.wait_indirect_dma semaphore(%arg17 : memref<!tpu.dma_semaphore, #tpu.memory_space<semaphore_mem>>) src(%dma_wait3A_677 : memref<80000x8xf32, #tpu.memory_space<hbm>>) dst(%dma_wait3A_669 : memref<80x8xf32, #tpu.memory_space<vmem>>)
      %dma_wait3A_678 = arith.constant 0 : i32
      %dma_wait3A_679 = arith.constant 0 : i32
      %dma_wait3A_680 = tpu.memref_slice %arg10[%dma_wait3A_678, %dma_wait3A_679] : memref<2x6400xi32, #tpu.memory_space<vmem>> -> memref<1x6400xi32, #tpu.memory_space<vmem>>
      %dma_wait3A_681 = tpu.memref_squeeze %dma_wait3A_680 : memref<1x6400xi32, #tpu.memory_space<vmem>> -> memref<6400xi32, #tpu.memory_space<vmem>>
      %dma_wait3A_682 = tpu.memref_slice %arg4[%mul3A_505] : memref<1280000xi32, #tpu.memory_space<hbm>> -> memref<6400xi32, #tpu.memory_space<hbm>>
      %dma_wait3A_683 = arith.constant 0 : i32
      %dma_wait3A_684 = tpu.memref_slice %arg10[%dma_wait3A_678, %dma_wait3A_683] : memref<2x6400xi32, #tpu.memory_space<vmem>> -> memref<1x6400xi32, #tpu.memory_space<vmem>>
      %dma_wait3A_685 = tpu.memref_squeeze %dma_wait3A_684 : memref<1x6400xi32, #tpu.memory_space<vmem>> -> memref<6400xi32, #tpu.memory_space<vmem>>
      %dma_wait3A_686 = tpu.memref_slice %arg4[%mul3A_505] : memref<1280000xi32, #tpu.memory_space<hbm>> -> memref<6400xi32, #tpu.memory_space<hbm>>
      tpu.wait_dma2 semaphore(%arg15 : memref<!tpu.dma_semaphore, #tpu.memory_space<semaphore_mem>>) src(%dma_wait3A_686 : memref<6400xi32, #tpu.memory_space<hbm>>) dst(%dma_wait3A_685 : memref<6400xi32, #tpu.memory_space<vmem>>)
      %dma_wait3A_687 = arith.constant 0 : i32
      %dma_wait3A_688 = arith.constant 0 : i32
      %dma_wait3A_689 = tpu.memref_slice %arg11[%dma_wait3A_687, %dma_wait3A_688] : memref<2x6400xf32, #tpu.memory_space<vmem>> -> memref<1x6400xf32, #tpu.memory_space<vmem>>
      %dma_wait3A_690 = tpu.memref_squeeze %dma_wait3A_689 : memref<1x6400xf32, #tpu.memory_space<vmem>> -> memref<6400xf32, #tpu.memory_space<vmem>>
      %dma_wait3A_691 = tpu.memref_slice %arg5[%mul3A_507] : memref<1280000xf32, #tpu.memory_space<hbm>> -> memref<6400xf32, #tpu.memory_space<hbm>>
      %dma_wait3A_692 = arith.constant 0 : i32
      %dma_wait3A_693 = tpu.memref_slice %arg11[%dma_wait3A_687, %dma_wait3A_692] : memref<2x6400xf32, #tpu.memory_space<vmem>> -> memref<1x6400xf32, #tpu.memory_space<vmem>>
      %dma_wait3A_694 = tpu.memref_squeeze %dma_wait3A_693 : memref<1x6400xf32, #tpu.memory_space<vmem>> -> memref<6400xf32, #tpu.memory_space<vmem>>
      %dma_wait3A_695 = tpu.memref_slice %arg5[%mul3A_507] : memref<1280000xf32, #tpu.memory_space<hbm>> -> memref<6400xf32, #tpu.memory_space<hbm>>
      tpu.wait_dma2 semaphore(%arg15 : memref<!tpu.dma_semaphore, #tpu.memory_space<semaphore_mem>>) src(%dma_wait3A_695 : memref<6400xf32, #tpu.memory_space<hbm>>) dst(%dma_wait3A_694 : memref<6400xf32, #tpu.memory_space<vmem>>)
      %parallel_loop3A_696 = arith.constant 0 : i32
      %parallel_loop3A_697 = arith.constant 400 : i32
      %parallel_loop3A_698 = arith.constant 1 : i32
      %parallel_loop3A_699 = arith.constant 0 : i32
      %parallel_loop3A_700 = arith.constant 0 : i32
      %parallel_loop3A_701 = arith.constant 0 : i32
      scf.for %parallel_loop3A_914 = %parallel_loop3A_696 to %parallel_loop3A_697 step %parallel_loop3A_698  : i32 {
        %parallel_loop3A_915 = arith.constant 16 : i32
        %parallel_loop3A_916 = arith.muli %parallel_loop3A_914, %parallel_loop3A_915 : i32
        %parallel_loop3A_917 = arith.constant 2 : i32
        %parallel_loop3A_918 = arith.muli %parallel_loop3A_917, %parallel_loop3A_914 : i32
        %parallel_loop3A_919 = vector.broadcast %parallel_loop3A_918 : i32 to vector<16xi32>
        %parallel_loop3A_920 = arith.addi %shift_right_arithmetic3A_40, %parallel_loop3A_919 : vector<16xi32>
        %parallel_loop3A_921 = arith.constant 0 : i32
        %parallel_loop3A_922 = arith.constant 0 : i32
        %parallel_loop3A_923 = tpu.memref_slice %arg9[%parallel_loop3A_699, %parallel_loop3A_921, %parallel_loop3A_922] : memref<2x800x8xf32, #tpu.memory_space<vmem>> -> memref<1x800x8xf32, #tpu.memory_space<vmem>>
        %parallel_loop3A_924 = tpu.memref_squeeze %parallel_loop3A_923 : memref<1x800x8xf32, #tpu.memory_space<vmem>> -> memref<800x8xf32, #tpu.memory_space<vmem>>
        %parallel_loop3A_925 = tpu.vector_load_idx %parallel_loop3A_924[%parallel_loop3A_920, %and3A_37] : memref<800x8xf32, #tpu.memory_space<vmem>>[vector<16xi32>, vector<16xi32>], vector<16xf32>,
        %parallel_loop3A_926 = arith.constant 0 : i32
        %parallel_loop3A_927 = tpu.memref_slice %arg11[%parallel_loop3A_700, %parallel_loop3A_926] : memref<2x6400xf32, #tpu.memory_space<vmem>> -> memref<1x6400xf32, #tpu.memory_space<vmem>>
        %parallel_loop3A_928 = tpu.memref_squeeze %parallel_loop3A_927 : memref<1x6400xf32, #tpu.memory_space<vmem>> -> memref<6400xf32, #tpu.memory_space<vmem>>
        %parallel_loop3A_929 = arith.index_cast %parallel_loop3A_916 : i32 to index
        %parallel_loop3A_930 = tpu.vector_load %parallel_loop3A_928[%parallel_loop3A_929] {strides = array<i32>} : memref<6400xf32, #tpu.memory_space<vmem>>, vector<16xf32>,
        %parallel_loop3A_931 = arith.mulf %parallel_loop3A_925, %parallel_loop3A_930 : vector<16xf32>
        %parallel_loop3A_932 = arith.constant 0 : i32
        %parallel_loop3A_933 = tpu.memref_slice %arg10[%parallel_loop3A_701, %parallel_loop3A_932] : memref<2x6400xi32, #tpu.memory_space<vmem>> -> memref<1x6400xi32, #tpu.memory_space<vmem>>
        %parallel_loop3A_934 = tpu.memref_squeeze %parallel_loop3A_933 : memref<1x6400xi32, #tpu.memory_space<vmem>> -> memref<6400xi32, #tpu.memory_space<vmem>>
        %parallel_loop3A_935 = arith.index_cast %parallel_loop3A_916 : i32 to index
        %parallel_loop3A_936 = tpu.vector_load %parallel_loop3A_934[%parallel_loop3A_935] {strides = array<i32>} : memref<6400xi32, #tpu.memory_space<vmem>>, vector<16xi32>,
        tpu.vector_store_idx %arg12[%parallel_loop3A_936, %and3A_37], %parallel_loop3A_931 {add = true} : memref<10000x8xf32, #tpu.memory_space<vmem>>[vector<16xi32>, vector<16xi32>], vector<16xf32>,
      } {sc.loop_unroll_factor = 16 : i64, sc.parallel_access}
      %add3A_702 = arith.constant 2 : i32
      %add3A_703 = arith.addi %mul3A_303, %add3A_702 : i32
      %lt3A_704 = arith.constant 50 : i32
      %lt3A_705 = arith.cmpi slt, %add3A_703, %lt3A_704 : i32
      %convert_element_type3A_706 = arith.extui %lt3A_705 : i1 to i32
      %cond3A_707 = arith.constant 0 : i32
      %cond3A_708 = arith.cmpi ne, %convert_element_type3A_706, %cond3A_707 : i32
      scf.if %cond3A_708 {
        %add3A_914 = arith.constant 2 : i32
        %add3A_915 = arith.addi %mul3A_303, %add3A_914 : i32
        %mul3A_916 = arith.constant 800 : i32
        %mul3A_917 = arith.muli %add3A_915, %mul3A_916 : i32
        %add3A_918 = arith.addi %mul3A_32, %mul3A_917 : i32
        %mul3A_919 = arith.constant 8 : i32
        %mul3A_920 = arith.muli %add3A_918, %mul3A_919 : i32
        %dma_start3A_921 = arith.constant 0 : i32
        %dma_start3A_922 = arith.constant 0 : i32
        %dma_start3A_923 = tpu.memref_slice %arg10[%dma_start3A_921, %dma_start3A_922] : memref<2x6400xi32, #tpu.memory_space<vmem>> -> memref<1x6400xi32, #tpu.memory_space<vmem>>
        %dma_start3A_924 = tpu.memref_squeeze %dma_start3A_923 : memref<1x6400xi32, #tpu.memory_space<vmem>> -> memref<6400xi32, #tpu.memory_space<vmem>>
        %dma_start3A_925 = tpu.memref_slice %arg4[%mul3A_920] : memref<1280000xi32, #tpu.memory_space<hbm>> -> memref<6400xi32, #tpu.memory_space<hbm>>
        %dma_start3A_926 = arith.constant 0 : i32
        %dma_start3A_927 = tpu.memref_slice %arg10[%dma_start3A_921, %dma_start3A_926] : memref<2x6400xi32, #tpu.memory_space<vmem>> -> memref<1x6400xi32, #tpu.memory_space<vmem>>
        %dma_start3A_928 = tpu.memref_squeeze %dma_start3A_927 : memref<1x6400xi32, #tpu.memory_space<vmem>> -> memref<6400xi32, #tpu.memory_space<vmem>>
        %dma_start3A_929 = tpu.memref_slice %arg4[%mul3A_920] : memref<1280000xi32, #tpu.memory_space<hbm>> -> memref<6400xi32, #tpu.memory_space<hbm>>
        tpu.enqueue_dma source(%dma_start3A_929 : memref<6400xi32, #tpu.memory_space<hbm>>) target(%dma_start3A_928 : memref<6400xi32, #tpu.memory_space<vmem>>) target_semaphore(%arg15 : memref<!tpu.dma_semaphore, #tpu.memory_space<semaphore_mem>>)
        %mul3A_930 = arith.constant 8 : i32
        %mul3A_931 = arith.muli %add3A_918, %mul3A_930 : i32
        %dma_start3A_932 = arith.constant 0 : i32
        %dma_start3A_933 = arith.constant 0 : i32
        %dma_start3A_934 = tpu.memref_slice %arg11[%dma_start3A_932, %dma_start3A_933] : memref<2x6400xf32, #tpu.memory_space<vmem>> -> memref<1x6400xf32, #tpu.memory_space<vmem>>
        %dma_start3A_935 = tpu.memref_squeeze %dma_start3A_934 : memref<1x6400xf32, #tpu.memory_space<vmem>> -> memref<6400xf32, #tpu.memory_space<vmem>>
        %dma_start3A_936 = tpu.memref_slice %arg5[%mul3A_931] : memref<1280000xf32, #tpu.memory_space<hbm>> -> memref<6400xf32, #tpu.memory_space<hbm>>
        %dma_start3A_937 = arith.constant 0 : i32
        %dma_start3A_938 = tpu.memref_slice %arg11[%dma_start3A_932, %dma_start3A_937] : memref<2x6400xf32, #tpu.memory_space<vmem>> -> memref<1x6400xf32, #tpu.memory_space<vmem>>
        %dma_start3A_939 = tpu.memref_squeeze %dma_start3A_938 : memref<1x6400xf32, #tpu.memory_space<vmem>> -> memref<6400xf32, #tpu.memory_space<vmem>>
        %dma_start3A_940 = tpu.memref_slice %arg5[%mul3A_931] : memref<1280000xf32, #tpu.memory_space<hbm>> -> memref<6400xf32, #tpu.memory_space<hbm>>
        tpu.enqueue_dma source(%dma_start3A_940 : memref<6400xf32, #tpu.memory_space<hbm>>) target(%dma_start3A_939 : memref<6400xf32, #tpu.memory_space<vmem>>) target_semaphore(%arg15 : memref<!tpu.dma_semaphore, #tpu.memory_space<semaphore_mem>>)
        %dma_wait3A_941 = arith.constant 0 : i32
        %dma_wait3A_942 = arith.constant 0 : i32
        %dma_wait3A_943 = tpu.memref_slice %arg7[%dma_wait3A_941, %dma_wait3A_942] : memref<2x800xi32, #tpu.memory_space<vmem>> -> memref<1x800xi32, #tpu.memory_space<vmem>>
        %dma_wait3A_944 = tpu.memref_squeeze %dma_wait3A_943 : memref<1x800xi32, #tpu.memory_space<vmem>> -> memref<800xi32, #tpu.memory_space<vmem>>
        %dma_wait3A_945 = tpu.memref_slice %arg3[%mul3A_32] : memref<160000xi32, #tpu.memory_space<hbm>> -> memref<800xi32, #tpu.memory_space<hbm>>
        %dma_wait3A_946 = arith.constant 0 : i32
        %dma_wait3A_947 = tpu.memref_slice %arg7[%dma_wait3A_941, %dma_wait3A_946] : memref<2x800xi32, #tpu.memory_space<vmem>> -> memref<1x800xi32, #tpu.memory_space<vmem>>
        %dma_wait3A_948 = tpu.memref_squeeze %dma_wait3A_947 : memref<1x800xi32, #tpu.memory_space<vmem>> -> memref<800xi32, #tpu.memory_space<vmem>>
        %dma_wait3A_949 = tpu.memref_slice %arg3[%mul3A_32] : memref<160000xi32, #tpu.memory_space<hbm>> -> memref<800xi32, #tpu.memory_space<hbm>>
        tpu.wait_dma2 semaphore(%arg13 : memref<!tpu.dma_semaphore, #tpu.memory_space<semaphore_mem>>) src(%dma_wait3A_949 : memref<800xi32, #tpu.memory_space<hbm>>) dst(%dma_wait3A_948 : memref<800xi32, #tpu.memory_space<vmem>>)
        %parallel_loop3A_950 = arith.constant 0 : i32
        %parallel_loop3A_951 = arith.constant 50 : i32
        %parallel_loop3A_952 = arith.constant 1 : i32
        %parallel_loop3A_953 = arith.constant 0 : i32
        %parallel_loop3A_954 = arith.constant 0 : i32
        scf.for %parallel_loop3A_1125 = %parallel_loop3A_950 to %parallel_loop3A_951 step %parallel_loop3A_952  : i32 {
          %parallel_loop3A_1126 = arith.constant 16 : i32
          %parallel_loop3A_1127 = arith.muli %parallel_loop3A_1125, %parallel_loop3A_1126 : i32
          %parallel_loop3A_1128 = arith.constant 0 : i32
          %parallel_loop3A_1129 = tpu.memref_slice %arg7[%parallel_loop3A_953, %parallel_loop3A_1128] : memref<2x800xi32, #tpu.memory_space<vmem>> -> memref<1x800xi32, #tpu.memory_space<vmem>>
          %parallel_loop3A_1130 = tpu.memref_squeeze %parallel_loop3A_1129 : memref<1x800xi32, #tpu.memory_space<vmem>> -> memref<800xi32, #tpu.memory_space<vmem>>
          %parallel_loop3A_1131 = arith.index_cast %parallel_loop3A_1127 : i32 to index
          %parallel_loop3A_1132 = tpu.vector_load %parallel_loop3A_1130[%parallel_loop3A_1131] {strides = array<i32>} : memref<800xi32, #tpu.memory_space<vmem>>, vector<16xi32>,
          %parallel_loop3A_1133 = arith.addi %parallel_loop3A_1132, %broadcast_in_dim3A_34 : vector<16xi32>
          %parallel_loop3A_1134 = arith.constant 0 : i32
          %parallel_loop3A_1135 = tpu.memref_slice %arg8[%parallel_loop3A_954, %parallel_loop3A_1134] : memref<2x800xi32, #tpu.memory_space<vmem>> -> memref<1x800xi32, #tpu.memory_space<vmem>>
          %parallel_loop3A_1136 = tpu.memref_squeeze %parallel_loop3A_1135 : memref<1x800xi32, #tpu.memory_space<vmem>> -> memref<800xi32, #tpu.memory_space<vmem>>
          %parallel_loop3A_1137 = arith.index_cast %parallel_loop3A_1127 : i32 to index
          %parallel_loop3A_1138 = tpu.vector_load %parallel_loop3A_1136[%parallel_loop3A_1137] {strides = array<i32>} : memref<800xi32, #tpu.memory_space<vmem>>, vector<16xi32>,
          tpu.vector_store %parallel_loop3A_1136[%parallel_loop3A_1137], %parallel_loop3A_1133 {strides = array<i32>} : memref<800xi32, #tpu.memory_space<vmem>>, vector<16xi32>,
        } {sc.loop_unroll_factor = 8 : i64, sc.parallel_access}
        %dma_start3A_955 = arith.constant 0 : i32
        %dma_start3A_956 = arith.constant 0 : i32
        %dma_start3A_957 = arith.constant 0 : i32
        %dma_start3A_958 = arith.constant 0 : i32
        %dma_start3A_959 = tpu.memref_slice %arg9[%dma_start3A_956, %dma_start3A_957, %dma_start3A_958] : memref<2x800x8xf32, #tpu.memory_space<vmem>> -> memref<1x800x8xf32, #tpu.memory_space<vmem>>
        %dma_start3A_960 = tpu.memref_squeeze %dma_start3A_959 : memref<1x800x8xf32, #tpu.memory_space<vmem>> -> memref<800x8xf32, #tpu.memory_space<vmem>>
        %dma_start3A_961 = arith.constant 0 : i32
        %dma_start3A_962 = arith.constant 0 : i32
        %dma_start3A_963 = tpu.memref_slice %dma_start3A_960[%dma_start3A_961, %dma_start3A_962] : memref<800x8xf32, #tpu.memory_space<vmem>> -> memref<80x8xf32, #tpu.memory_space<vmem>>
        %dma_start3A_964 = arith.constant 0 : i32
        %dma_start3A_965 = tpu.memref_slice %arg8[%dma_start3A_955, %dma_start3A_964] : memref<2x800xi32, #tpu.memory_space<vmem>> -> memref<1x800xi32, #tpu.memory_space<vmem>>
        %dma_start3A_966 = tpu.memref_squeeze %dma_start3A_965 : memref<1x800xi32, #tpu.memory_space<vmem>> -> memref<800xi32, #tpu.memory_space<vmem>>
        %dma_start3A_967 = arith.constant 0 : i32
        %dma_start3A_968 = tpu.memref_slice %dma_start3A_966[%dma_start3A_967] : memref<800xi32, #tpu.memory_space<vmem>> -> memref<80xi32, #tpu.memory_space<vmem>>
        %dma_start3A_969 = arith.constant 0 : i32
        %dma_start3A_970 = arith.constant 0 : i32
        %dma_start3A_971 = tpu.memref_slice %arg2[%dma_start3A_969, %dma_start3A_970] : memref<80000x8xf32, #tpu.memory_space<hbm>> -> memref<80000x8xf32, #tpu.memory_space<hbm>>
        tpu.enqueue_indirect_dma source(%dma_start3A_971 : memref<80000x8xf32, #tpu.memory_space<hbm>>) target(%dma_start3A_963 : memref<80x8xf32, #tpu.memory_space<vmem>>) offsets(%dma_start3A_968 : memref<80xi32, #tpu.memory_space<vmem>>) semaphore(%arg17 : memref<!tpu.dma_semaphore, #tpu.memory_space<semaphore_mem>>)
        %dma_start3A_972 = arith.constant 0 : i32
        %dma_start3A_973 = arith.constant 0 : i32
        %dma_start3A_974 = arith.constant 0 : i32
        %dma_start3A_975 = arith.constant 0 : i32
        %dma_start3A_976 = tpu.memref_slice %arg9[%dma_start3A_973, %dma_start3A_974, %dma_start3A_975] : memref<2x800x8xf32, #tpu.memory_space<vmem>> -> memref<1x800x8xf32, #tpu.memory_space<vmem>>
        %dma_start3A_977 = tpu.memref_squeeze %dma_start3A_976 : memref<1x800x8xf32, #tpu.memory_space<vmem>> -> memref<800x8xf32, #tpu.memory_space<vmem>>
        %dma_start3A_978 = arith.constant 80 : i32
        %dma_start3A_979 = arith.constant 0 : i32
        %dma_start3A_980 = tpu.memref_slice %dma_start3A_977[%dma_start3A_978, %dma_start3A_979] : memref<800x8xf32, #tpu.memory_space<vmem>> -> memref<80x8xf32, #tpu.memory_space<vmem>>
        %dma_start3A_981 = arith.constant 0 : i32
        %dma_start3A_982 = tpu.memref_slice %arg8[%dma_start3A_972, %dma_start3A_981] : memref<2x800xi32, #tpu.memory_space<vmem>> -> memref<1x800xi32, #tpu.memory_space<vmem>>
        %dma_start3A_983 = tpu.memref_squeeze %dma_start3A_982 : memref<1x800xi32, #tpu.memory_space<vmem>> -> memref<800xi32, #tpu.memory_space<vmem>>
        %dma_start3A_984 = arith.constant 80 : i32
        %dma_start3A_985 = tpu.memref_slice %dma_start3A_983[%dma_start3A_984] : memref<800xi32, #tpu.memory_space<vmem>> -> memref<80xi32, #tpu.memory_space<vmem>>
        %dma_start3A_986 = arith.constant 0 : i32
        %dma_start3A_987 = arith.constant 0 : i32
        %dma_start3A_988 = tpu.memref_slice %arg2[%dma_start3A_986, %dma_start3A_987] : memref<80000x8xf32, #tpu.memory_space<hbm>> -> memref<80000x8xf32, #tpu.memory_space<hbm>>
        tpu.enqueue_indirect_dma source(%dma_start3A_988 : memref<80000x8xf32, #tpu.memory_space<hbm>>) target(%dma_start3A_980 : memref<80x8xf32, #tpu.memory_space<vmem>>) offsets(%dma_start3A_985 : memref<80xi32, #tpu.memory_space<vmem>>) semaphore(%arg17 : memref<!tpu.dma_semaphore, #tpu.memory_space<semaphore_mem>>)
        %dma_start3A_989 = arith.constant 0 : i32
        %dma_start3A_990 = arith.constant 0 : i32
        %dma_start3A_991 = arith.constant 0 : i32
        %dma_start3A_992 = arith.constant 0 : i32
        %dma_start3A_993 = tpu.memref_slice %arg9[%dma_start3A_990, %dma_start3A_991, %dma_start3A_992] : memref<2x800x8xf32, #tpu.memory_space<vmem>> -> memref<1x800x8xf32, #tpu.memory_space<vmem>>
        %dma_start3A_994 = tpu.memref_squeeze %dma_start3A_993 : memref<1x800x8xf32, #tpu.memory_space<vmem>> -> memref<800x8xf32, #tpu.memory_space<vmem>>
        %dma_start3A_995 = arith.constant 160 : i32
        %dma_start3A_996 = arith.constant 0 : i32
        %dma_start3A_997 = tpu.memref_slice %dma_start3A_994[%dma_start3A_995, %dma_start3A_996] : memref<800x8xf32, #tpu.memory_space<vmem>> -> memref<80x8xf32, #tpu.memory_space<vmem>>
        %dma_start3A_998 = arith.constant 0 : i32
        %dma_start3A_999 = tpu.memref_slice %arg8[%dma_start3A_989, %dma_start3A_998] : memref<2x800xi32, #tpu.memory_space<vmem>> -> memref<1x800xi32, #tpu.memory_space<vmem>>
        %dma_start3A_1000 = tpu.memref_squeeze %dma_start3A_999 : memref<1x800xi32, #tpu.memory_space<vmem>> -> memref<800xi32, #tpu.memory_space<vmem>>
        %dma_start3A_1001 = arith.constant 160 : i32
        %dma_start3A_1002 = tpu.memref_slice %dma_start3A_1000[%dma_start3A_1001] : memref<800xi32, #tpu.memory_space<vmem>> -> memref<80xi32, #tpu.memory_space<vmem>>
        %dma_start3A_1003 = arith.constant 0 : i32
        %dma_start3A_1004 = arith.constant 0 : i32
        %dma_start3A_1005 = tpu.memref_slice %arg2[%dma_start3A_1003, %dma_start3A_1004] : memref<80000x8xf32, #tpu.memory_space<hbm>> -> memref<80000x8xf32, #tpu.memory_space<hbm>>
        tpu.enqueue_indirect_dma source(%dma_start3A_1005 : memref<80000x8xf32, #tpu.memory_space<hbm>>) target(%dma_start3A_997 : memref<80x8xf32, #tpu.memory_space<vmem>>) offsets(%dma_start3A_1002 : memref<80xi32, #tpu.memory_space<vmem>>) semaphore(%arg17 : memref<!tpu.dma_semaphore, #tpu.memory_space<semaphore_mem>>)
        %dma_start3A_1006 = arith.constant 0 : i32
        %dma_start3A_1007 = arith.constant 0 : i32
        %dma_start3A_1008 = arith.constant 0 : i32
        %dma_start3A_1009 = arith.constant 0 : i32
        %dma_start3A_1010 = tpu.memref_slice %arg9[%dma_start3A_1007, %dma_start3A_1008, %dma_start3A_1009] : memref<2x800x8xf32, #tpu.memory_space<vmem>> -> memref<1x800x8xf32, #tpu.memory_space<vmem>>
        %dma_start3A_1011 = tpu.memref_squeeze %dma_start3A_1010 : memref<1x800x8xf32, #tpu.memory_space<vmem>> -> memref<800x8xf32, #tpu.memory_space<vmem>>
        %dma_start3A_1012 = arith.constant 240 : i32
        %dma_start3A_1013 = arith.constant 0 : i32
        %dma_start3A_1014 = tpu.memref_slice %dma_start3A_1011[%dma_start3A_1012, %dma_start3A_1013] : memref<800x8xf32, #tpu.memory_space<vmem>> -> memref<80x8xf32, #tpu.memory_space<vmem>>
        %dma_start3A_1015 = arith.constant 0 : i32
        %dma_start3A_1016 = tpu.memref_slice %arg8[%dma_start3A_1006, %dma_start3A_1015] : memref<2x800xi32, #tpu.memory_space<vmem>> -> memref<1x800xi32, #tpu.memory_space<vmem>>
        %dma_start3A_1017 = tpu.memref_squeeze %dma_start3A_1016 : memref<1x800xi32, #tpu.memory_space<vmem>> -> memref<800xi32, #tpu.memory_space<vmem>>
        %dma_start3A_1018 = arith.constant 240 : i32
        %dma_start3A_1019 = tpu.memref_slice %dma_start3A_1017[%dma_start3A_1018] : memref<800xi32, #tpu.memory_space<vmem>> -> memref<80xi32, #tpu.memory_space<vmem>>
        %dma_start3A_1020 = arith.constant 0 : i32
        %dma_start3A_1021 = arith.constant 0 : i32
        %dma_start3A_1022 = tpu.memref_slice %arg2[%dma_start3A_1020, %dma_start3A_1021] : memref<80000x8xf32, #tpu.memory_space<hbm>> -> memref<80000x8xf32, #tpu.memory_space<hbm>>
        tpu.enqueue_indirect_dma source(%dma_start3A_1022 : memref<80000x8xf32, #tpu.memory_space<hbm>>) target(%dma_start3A_1014 : memref<80x8xf32, #tpu.memory_space<vmem>>) offsets(%dma_start3A_1019 : memref<80xi32, #tpu.memory_space<vmem>>) semaphore(%arg17 : memref<!tpu.dma_semaphore, #tpu.memory_space<semaphore_mem>>)
        %dma_start3A_1023 = arith.constant 0 : i32
        %dma_start3A_1024 = arith.constant 0 : i32
        %dma_start3A_1025 = arith.constant 0 : i32
        %dma_start3A_1026 = arith.constant 0 : i32
        %dma_start3A_1027 = tpu.memref_slice %arg9[%dma_start3A_1024, %dma_start3A_1025, %dma_start3A_1026] : memref<2x800x8xf32, #tpu.memory_space<vmem>> -> memref<1x800x8xf32, #tpu.memory_space<vmem>>
        %dma_start3A_1028 = tpu.memref_squeeze %dma_start3A_1027 : memref<1x800x8xf32, #tpu.memory_space<vmem>> -> memref<800x8xf32, #tpu.memory_space<vmem>>
        %dma_start3A_1029 = arith.constant 320 : i32
        %dma_start3A_1030 = arith.constant 0 : i32
        %dma_start3A_1031 = tpu.memref_slice %dma_start3A_1028[%dma_start3A_1029, %dma_start3A_1030] : memref<800x8xf32, #tpu.memory_space<vmem>> -> memref<80x8xf32, #tpu.memory_space<vmem>>
        %dma_start3A_1032 = arith.constant 0 : i32
        %dma_start3A_1033 = tpu.memref_slice %arg8[%dma_start3A_1023, %dma_start3A_1032] : memref<2x800xi32, #tpu.memory_space<vmem>> -> memref<1x800xi32, #tpu.memory_space<vmem>>
        %dma_start3A_1034 = tpu.memref_squeeze %dma_start3A_1033 : memref<1x800xi32, #tpu.memory_space<vmem>> -> memref<800xi32, #tpu.memory_space<vmem>>
        %dma_start3A_1035 = arith.constant 320 : i32
        %dma_start3A_1036 = tpu.memref_slice %dma_start3A_1034[%dma_start3A_1035] : memref<800xi32, #tpu.memory_space<vmem>> -> memref<80xi32, #tpu.memory_space<vmem>>
        %dma_start3A_1037 = arith.constant 0 : i32
        %dma_start3A_1038 = arith.constant 0 : i32
        %dma_start3A_1039 = tpu.memref_slice %arg2[%dma_start3A_1037, %dma_start3A_1038] : memref<80000x8xf32, #tpu.memory_space<hbm>> -> memref<80000x8xf32, #tpu.memory_space<hbm>>
        tpu.enqueue_indirect_dma source(%dma_start3A_1039 : memref<80000x8xf32, #tpu.memory_space<hbm>>) target(%dma_start3A_1031 : memref<80x8xf32, #tpu.memory_space<vmem>>) offsets(%dma_start3A_1036 : memref<80xi32, #tpu.memory_space<vmem>>) semaphore(%arg17 : memref<!tpu.dma_semaphore, #tpu.memory_space<semaphore_mem>>)
        %dma_start3A_1040 = arith.constant 0 : i32
        %dma_start3A_1041 = arith.constant 0 : i32
        %dma_start3A_1042 = arith.constant 0 : i32
        %dma_start3A_1043 = arith.constant 0 : i32
        %dma_start3A_1044 = tpu.memref_slice %arg9[%dma_start3A_1041, %dma_start3A_1042, %dma_start3A_1043] : memref<2x800x8xf32, #tpu.memory_space<vmem>> -> memref<1x800x8xf32, #tpu.memory_space<vmem>>
        %dma_start3A_1045 = tpu.memref_squeeze %dma_start3A_1044 : memref<1x800x8xf32, #tpu.memory_space<vmem>> -> memref<800x8xf32, #tpu.memory_space<vmem>>
        %dma_start3A_1046 = arith.constant 400 : i32
        %dma_start3A_1047 = arith.constant 0 : i32
        %dma_start3A_1048 = tpu.memref_slice %dma_start3A_1045[%dma_start3A_1046, %dma_start3A_1047] : memref<800x8xf32, #tpu.memory_space<vmem>> -> memref<80x8xf32, #tpu.memory_space<vmem>>
        %dma_start3A_1049 = arith.constant 0 : i32
        %dma_start3A_1050 = tpu.memref_slice %arg8[%dma_start3A_1040, %dma_start3A_1049] : memref<2x800xi32, #tpu.memory_space<vmem>> -> memref<1x800xi32, #tpu.memory_space<vmem>>
        %dma_start3A_1051 = tpu.memref_squeeze %dma_start3A_1050 : memref<1x800xi32, #tpu.memory_space<vmem>> -> memref<800xi32, #tpu.memory_space<vmem>>
        %dma_start3A_1052 = arith.constant 400 : i32
        %dma_start3A_1053 = tpu.memref_slice %dma_start3A_1051[%dma_start3A_1052] : memref<800xi32, #tpu.memory_space<vmem>> -> memref<80xi32, #tpu.memory_space<vmem>>
        %dma_start3A_1054 = arith.constant 0 : i32
        %dma_start3A_1055 = arith.constant 0 : i32
        %dma_start3A_1056 = tpu.memref_slice %arg2[%dma_start3A_1054, %dma_start3A_1055] : memref<80000x8xf32, #tpu.memory_space<hbm>> -> memref<80000x8xf32, #tpu.memory_space<hbm>>
        tpu.enqueue_indirect_dma source(%dma_start3A_1056 : memref<80000x8xf32, #tpu.memory_space<hbm>>) target(%dma_start3A_1048 : memref<80x8xf32, #tpu.memory_space<vmem>>) offsets(%dma_start3A_1053 : memref<80xi32, #tpu.memory_space<vmem>>) semaphore(%arg17 : memref<!tpu.dma_semaphore, #tpu.memory_space<semaphore_mem>>)
        %dma_start3A_1057 = arith.constant 0 : i32
        %dma_start3A_1058 = arith.constant 0 : i32
        %dma_start3A_1059 = arith.constant 0 : i32
        %dma_start3A_1060 = arith.constant 0 : i32
        %dma_start3A_1061 = tpu.memref_slice %arg9[%dma_start3A_1058, %dma_start3A_1059, %dma_start3A_1060] : memref<2x800x8xf32, #tpu.memory_space<vmem>> -> memref<1x800x8xf32, #tpu.memory_space<vmem>>
        %dma_start3A_1062 = tpu.memref_squeeze %dma_start3A_1061 : memref<1x800x8xf32, #tpu.memory_space<vmem>> -> memref<800x8xf32, #tpu.memory_space<vmem>>
        %dma_start3A_1063 = arith.constant 480 : i32
        %dma_start3A_1064 = arith.constant 0 : i32
        %dma_start3A_1065 = tpu.memref_slice %dma_start3A_1062[%dma_start3A_1063, %dma_start3A_1064] : memref<800x8xf32, #tpu.memory_space<vmem>> -> memref<80x8xf32, #tpu.memory_space<vmem>>
        %dma_start3A_1066 = arith.constant 0 : i32
        %dma_start3A_1067 = tpu.memref_slice %arg8[%dma_start3A_1057, %dma_start3A_1066] : memref<2x800xi32, #tpu.memory_space<vmem>> -> memref<1x800xi32, #tpu.memory_space<vmem>>
        %dma_start3A_1068 = tpu.memref_squeeze %dma_start3A_1067 : memref<1x800xi32, #tpu.memory_space<vmem>> -> memref<800xi32, #tpu.memory_space<vmem>>
        %dma_start3A_1069 = arith.constant 480 : i32
        %dma_start3A_1070 = tpu.memref_slice %dma_start3A_1068[%dma_start3A_1069] : memref<800xi32, #tpu.memory_space<vmem>> -> memref<80xi32, #tpu.memory_space<vmem>>
        %dma_start3A_1071 = arith.constant 0 : i32
        %dma_start3A_1072 = arith.constant 0 : i32
        %dma_start3A_1073 = tpu.memref_slice %arg2[%dma_start3A_1071, %dma_start3A_1072] : memref<80000x8xf32, #tpu.memory_space<hbm>> -> memref<80000x8xf32, #tpu.memory_space<hbm>>
        tpu.enqueue_indirect_dma source(%dma_start3A_1073 : memref<80000x8xf32, #tpu.memory_space<hbm>>) target(%dma_start3A_1065 : memref<80x8xf32, #tpu.memory_space<vmem>>) offsets(%dma_start3A_1070 : memref<80xi32, #tpu.memory_space<vmem>>) semaphore(%arg17 : memref<!tpu.dma_semaphore, #tpu.memory_space<semaphore_mem>>)
        %dma_start3A_1074 = arith.constant 0 : i32
        %dma_start3A_1075 = arith.constant 0 : i32
        %dma_start3A_1076 = arith.constant 0 : i32
        %dma_start3A_1077 = arith.constant 0 : i32
        %dma_start3A_1078 = tpu.memref_slice %arg9[%dma_start3A_1075, %dma_start3A_1076, %dma_start3A_1077] : memref<2x800x8xf32, #tpu.memory_space<vmem>> -> memref<1x800x8xf32, #tpu.memory_space<vmem>>
        %dma_start3A_1079 = tpu.memref_squeeze %dma_start3A_1078 : memref<1x800x8xf32, #tpu.memory_space<vmem>> -> memref<800x8xf32, #tpu.memory_space<vmem>>
        %dma_start3A_1080 = arith.constant 560 : i32
        %dma_start3A_1081 = arith.constant 0 : i32
        %dma_start3A_1082 = tpu.memref_slice %dma_start3A_1079[%dma_start3A_1080, %dma_start3A_1081] : memref<800x8xf32, #tpu.memory_space<vmem>> -> memref<80x8xf32, #tpu.memory_space<vmem>>
        %dma_start3A_1083 = arith.constant 0 : i32
        %dma_start3A_1084 = tpu.memref_slice %arg8[%dma_start3A_1074, %dma_start3A_1083] : memref<2x800xi32, #tpu.memory_space<vmem>> -> memref<1x800xi32, #tpu.memory_space<vmem>>
        %dma_start3A_1085 = tpu.memref_squeeze %dma_start3A_1084 : memref<1x800xi32, #tpu.memory_space<vmem>> -> memref<800xi32, #tpu.memory_space<vmem>>
        %dma_start3A_1086 = arith.constant 560 : i32
        %dma_start3A_1087 = tpu.memref_slice %dma_start3A_1085[%dma_start3A_1086] : memref<800xi32, #tpu.memory_space<vmem>> -> memref<80xi32, #tpu.memory_space<vmem>>
        %dma_start3A_1088 = arith.constant 0 : i32
        %dma_start3A_1089 = arith.constant 0 : i32
        %dma_start3A_1090 = tpu.memref_slice %arg2[%dma_start3A_1088, %dma_start3A_1089] : memref<80000x8xf32, #tpu.memory_space<hbm>> -> memref<80000x8xf32, #tpu.memory_space<hbm>>
        tpu.enqueue_indirect_dma source(%dma_start3A_1090 : memref<80000x8xf32, #tpu.memory_space<hbm>>) target(%dma_start3A_1082 : memref<80x8xf32, #tpu.memory_space<vmem>>) offsets(%dma_start3A_1087 : memref<80xi32, #tpu.memory_space<vmem>>) semaphore(%arg17 : memref<!tpu.dma_semaphore, #tpu.memory_space<semaphore_mem>>)
        %dma_start3A_1091 = arith.constant 0 : i32
        %dma_start3A_1092 = arith.constant 0 : i32
        %dma_start3A_1093 = arith.constant 0 : i32
        %dma_start3A_1094 = arith.constant 0 : i32
        %dma_start3A_1095 = tpu.memref_slice %arg9[%dma_start3A_1092, %dma_start3A_1093, %dma_start3A_1094] : memref<2x800x8xf32, #tpu.memory_space<vmem>> -> memref<1x800x8xf32, #tpu.memory_space<vmem>>
        %dma_start3A_1096 = tpu.memref_squeeze %dma_start3A_1095 : memref<1x800x8xf32, #tpu.memory_space<vmem>> -> memref<800x8xf32, #tpu.memory_space<vmem>>
        %dma_start3A_1097 = arith.constant 640 : i32
        %dma_start3A_1098 = arith.constant 0 : i32
        %dma_start3A_1099 = tpu.memref_slice %dma_start3A_1096[%dma_start3A_1097, %dma_start3A_1098] : memref<800x8xf32, #tpu.memory_space<vmem>> -> memref<80x8xf32, #tpu.memory_space<vmem>>
        %dma_start3A_1100 = arith.constant 0 : i32
        %dma_start3A_1101 = tpu.memref_slice %arg8[%dma_start3A_1091, %dma_start3A_1100] : memref<2x800xi32, #tpu.memory_space<vmem>> -> memref<1x800xi32, #tpu.memory_space<vmem>>
        %dma_start3A_1102 = tpu.memref_squeeze %dma_start3A_1101 : memref<1x800xi32, #tpu.memory_space<vmem>> -> memref<800xi32, #tpu.memory_space<vmem>>
        %dma_start3A_1103 = arith.constant 640 : i32
        %dma_start3A_1104 = tpu.memref_slice %dma_start3A_1102[%dma_start3A_1103] : memref<800xi32, #tpu.memory_space<vmem>> -> memref<80xi32, #tpu.memory_space<vmem>>
        %dma_start3A_1105 = arith.constant 0 : i32
        %dma_start3A_1106 = arith.constant 0 : i32
        %dma_start3A_1107 = tpu.memref_slice %arg2[%dma_start3A_1105, %dma_start3A_1106] : memref<80000x8xf32, #tpu.memory_space<hbm>> -> memref<80000x8xf32, #tpu.memory_space<hbm>>
        tpu.enqueue_indirect_dma source(%dma_start3A_1107 : memref<80000x8xf32, #tpu.memory_space<hbm>>) target(%dma_start3A_1099 : memref<80x8xf32, #tpu.memory_space<vmem>>) offsets(%dma_start3A_1104 : memref<80xi32, #tpu.memory_space<vmem>>) semaphore(%arg17 : memref<!tpu.dma_semaphore, #tpu.memory_space<semaphore_mem>>)
        %dma_start3A_1108 = arith.constant 0 : i32
        %dma_start3A_1109 = arith.constant 0 : i32
        %dma_start3A_1110 = arith.constant 0 : i32
        %dma_start3A_1111 = arith.constant 0 : i32
        %dma_start3A_1112 = tpu.memref_slice %arg9[%dma_start3A_1109, %dma_start3A_1110, %dma_start3A_1111] : memref<2x800x8xf32, #tpu.memory_space<vmem>> -> memref<1x800x8xf32, #tpu.memory_space<vmem>>
        %dma_start3A_1113 = tpu.memref_squeeze %dma_start3A_1112 : memref<1x800x8xf32, #tpu.memory_space<vmem>> -> memref<800x8xf32, #tpu.memory_space<vmem>>
        %dma_start3A_1114 = arith.constant 720 : i32
        %dma_start3A_1115 = arith.constant 0 : i32
        %dma_start3A_1116 = tpu.memref_slice %dma_start3A_1113[%dma_start3A_1114, %dma_start3A_1115] : memref<800x8xf32, #tpu.memory_space<vmem>> -> memref<80x8xf32, #tpu.memory_space<vmem>>
        %dma_start3A_1117 = arith.constant 0 : i32
        %dma_start3A_1118 = tpu.memref_slice %arg8[%dma_start3A_1108, %dma_start3A_1117] : memref<2x800xi32, #tpu.memory_space<vmem>> -> memref<1x800xi32, #tpu.memory_space<vmem>>
        %dma_start3A_1119 = tpu.memref_squeeze %dma_start3A_1118 : memref<1x800xi32, #tpu.memory_space<vmem>> -> memref<800xi32, #tpu.memory_space<vmem>>
        %dma_start3A_1120 = arith.constant 720 : i32
        %dma_start3A_1121 = tpu.memref_slice %dma_start3A_1119[%dma_start3A_1120] : memref<800xi32, #tpu.memory_space<vmem>> -> memref<80xi32, #tpu.memory_space<vmem>>
        %dma_start3A_1122 = arith.constant 0 : i32
        %dma_start3A_1123 = arith.constant 0 : i32
        %dma_start3A_1124 = tpu.memref_slice %arg2[%dma_start3A_1122, %dma_start3A_1123] : memref<80000x8xf32, #tpu.memory_space<hbm>> -> memref<80000x8xf32, #tpu.memory_space<hbm>>
        tpu.enqueue_indirect_dma source(%dma_start3A_1124 : memref<80000x8xf32, #tpu.memory_space<hbm>>) target(%dma_start3A_1116 : memref<80x8xf32, #tpu.memory_space<vmem>>) offsets(%dma_start3A_1121 : memref<80xi32, #tpu.memory_space<vmem>>) semaphore(%arg17 : memref<!tpu.dma_semaphore, #tpu.memory_space<semaphore_mem>>)
      } else {
      }
      %mul3A_709 = arith.constant 8 : i32
      %mul3A_710 = arith.muli %mul3A_32, %mul3A_709 : i32
      %mul3A_711 = arith.constant 8 : i32
      %mul3A_712 = arith.muli %mul3A_32, %mul3A_711 : i32
      %dma_wait3A_713 = arith.constant 1 : i32
      %dma_wait3A_714 = arith.constant 1 : i32
      %dma_wait3A_715 = arith.constant 0 : i32
      %dma_wait3A_716 = arith.constant 0 : i32
      %dma_wait3A_717 = tpu.memref_slice %arg9[%dma_wait3A_714, %dma_wait3A_715, %dma_wait3A_716] : memref<2x800x8xf32, #tpu.memory_space<vmem>> -> memref<1x800x8xf32, #tpu.memory_space<vmem>>
      %dma_wait3A_718 = tpu.memref_squeeze %dma_wait3A_717 : memref<1x800x8xf32, #tpu.memory_space<vmem>> -> memref<800x8xf32, #tpu.memory_space<vmem>>
      %dma_wait3A_719 = arith.constant 0 : i32
      %dma_wait3A_720 = arith.constant 0 : i32
      %dma_wait3A_721 = tpu.memref_slice %dma_wait3A_718[%dma_wait3A_719, %dma_wait3A_720] : memref<800x8xf32, #tpu.memory_space<vmem>> -> memref<80x8xf32, #tpu.memory_space<vmem>>
      %dma_wait3A_722 = arith.constant 0 : i32
      %dma_wait3A_723 = tpu.memref_slice %arg8[%dma_wait3A_713, %dma_wait3A_722] : memref<2x800xi32, #tpu.memory_space<vmem>> -> memref<1x800xi32, #tpu.memory_space<vmem>>
      %dma_wait3A_724 = tpu.memref_squeeze %dma_wait3A_723 : memref<1x800xi32, #tpu.memory_space<vmem>> -> memref<800xi32, #tpu.memory_space<vmem>>
      %dma_wait3A_725 = arith.constant 0 : i32
      %dma_wait3A_726 = tpu.memref_slice %dma_wait3A_724[%dma_wait3A_725] : memref<800xi32, #tpu.memory_space<vmem>> -> memref<80xi32, #tpu.memory_space<vmem>>
      %dma_wait3A_727 = arith.constant 0 : i32
      %dma_wait3A_728 = arith.constant 0 : i32
      %dma_wait3A_729 = tpu.memref_slice %arg2[%dma_wait3A_727, %dma_wait3A_728] : memref<80000x8xf32, #tpu.memory_space<hbm>> -> memref<80000x8xf32, #tpu.memory_space<hbm>>
      tpu.wait_indirect_dma semaphore(%arg18 : memref<!tpu.dma_semaphore, #tpu.memory_space<semaphore_mem>>) src(%dma_wait3A_729 : memref<80000x8xf32, #tpu.memory_space<hbm>>) dst(%dma_wait3A_721 : memref<80x8xf32, #tpu.memory_space<vmem>>)
      %dma_wait3A_730 = arith.constant 1 : i32
      %dma_wait3A_731 = arith.constant 1 : i32
      %dma_wait3A_732 = arith.constant 0 : i32
      %dma_wait3A_733 = arith.constant 0 : i32
      %dma_wait3A_734 = tpu.memref_slice %arg9[%dma_wait3A_731, %dma_wait3A_732, %dma_wait3A_733] : memref<2x800x8xf32, #tpu.memory_space<vmem>> -> memref<1x800x8xf32, #tpu.memory_space<vmem>>
      %dma_wait3A_735 = tpu.memref_squeeze %dma_wait3A_734 : memref<1x800x8xf32, #tpu.memory_space<vmem>> -> memref<800x8xf32, #tpu.memory_space<vmem>>
      %dma_wait3A_736 = arith.constant 80 : i32
      %dma_wait3A_737 = arith.constant 0 : i32
      %dma_wait3A_738 = tpu.memref_slice %dma_wait3A_735[%dma_wait3A_736, %dma_wait3A_737] : memref<800x8xf32, #tpu.memory_space<vmem>> -> memref<80x8xf32, #tpu.memory_space<vmem>>
      %dma_wait3A_739 = arith.constant 0 : i32
      %dma_wait3A_740 = tpu.memref_slice %arg8[%dma_wait3A_730, %dma_wait3A_739] : memref<2x800xi32, #tpu.memory_space<vmem>> -> memref<1x800xi32, #tpu.memory_space<vmem>>
      %dma_wait3A_741 = tpu.memref_squeeze %dma_wait3A_740 : memref<1x800xi32, #tpu.memory_space<vmem>> -> memref<800xi32, #tpu.memory_space<vmem>>
      %dma_wait3A_742 = arith.constant 80 : i32
      %dma_wait3A_743 = tpu.memref_slice %dma_wait3A_741[%dma_wait3A_742] : memref<800xi32, #tpu.memory_space<vmem>> -> memref<80xi32, #tpu.memory_space<vmem>>
      %dma_wait3A_744 = arith.constant 0 : i32
      %dma_wait3A_745 = arith.constant 0 : i32
      %dma_wait3A_746 = tpu.memref_slice %arg2[%dma_wait3A_744, %dma_wait3A_745] : memref<80000x8xf32, #tpu.memory_space<hbm>> -> memref<80000x8xf32, #tpu.memory_space<hbm>>
      tpu.wait_indirect_dma semaphore(%arg18 : memref<!tpu.dma_semaphore, #tpu.memory_space<semaphore_mem>>) src(%dma_wait3A_746 : memref<80000x8xf32, #tpu.memory_space<hbm>>) dst(%dma_wait3A_738 : memref<80x8xf32, #tpu.memory_space<vmem>>)
      %dma_wait3A_747 = arith.constant 1 : i32
      %dma_wait3A_748 = arith.constant 1 : i32
      %dma_wait3A_749 = arith.constant 0 : i32
      %dma_wait3A_750 = arith.constant 0 : i32
      %dma_wait3A_751 = tpu.memref_slice %arg9[%dma_wait3A_748, %dma_wait3A_749, %dma_wait3A_750] : memref<2x800x8xf32, #tpu.memory_space<vmem>> -> memref<1x800x8xf32, #tpu.memory_space<vmem>>
      %dma_wait3A_752 = tpu.memref_squeeze %dma_wait3A_751 : memref<1x800x8xf32, #tpu.memory_space<vmem>> -> memref<800x8xf32, #tpu.memory_space<vmem>>
      %dma_wait3A_753 = arith.constant 160 : i32
      %dma_wait3A_754 = arith.constant 0 : i32
      %dma_wait3A_755 = tpu.memref_slice %dma_wait3A_752[%dma_wait3A_753, %dma_wait3A_754] : memref<800x8xf32, #tpu.memory_space<vmem>> -> memref<80x8xf32, #tpu.memory_space<vmem>>
      %dma_wait3A_756 = arith.constant 0 : i32
      %dma_wait3A_757 = tpu.memref_slice %arg8[%dma_wait3A_747, %dma_wait3A_756] : memref<2x800xi32, #tpu.memory_space<vmem>> -> memref<1x800xi32, #tpu.memory_space<vmem>>
      %dma_wait3A_758 = tpu.memref_squeeze %dma_wait3A_757 : memref<1x800xi32, #tpu.memory_space<vmem>> -> memref<800xi32, #tpu.memory_space<vmem>>
      %dma_wait3A_759 = arith.constant 160 : i32
      %dma_wait3A_760 = tpu.memref_slice %dma_wait3A_758[%dma_wait3A_759] : memref<800xi32, #tpu.memory_space<vmem>> -> memref<80xi32, #tpu.memory_space<vmem>>
      %dma_wait3A_761 = arith.constant 0 : i32
      %dma_wait3A_762 = arith.constant 0 : i32
      %dma_wait3A_763 = tpu.memref_slice %arg2[%dma_wait3A_761, %dma_wait3A_762] : memref<80000x8xf32, #tpu.memory_space<hbm>> -> memref<80000x8xf32, #tpu.memory_space<hbm>>
      tpu.wait_indirect_dma semaphore(%arg18 : memref<!tpu.dma_semaphore, #tpu.memory_space<semaphore_mem>>) src(%dma_wait3A_763 : memref<80000x8xf32, #tpu.memory_space<hbm>>) dst(%dma_wait3A_755 : memref<80x8xf32, #tpu.memory_space<vmem>>)
      %dma_wait3A_764 = arith.constant 1 : i32
      %dma_wait3A_765 = arith.constant 1 : i32
      %dma_wait3A_766 = arith.constant 0 : i32
      %dma_wait3A_767 = arith.constant 0 : i32
      %dma_wait3A_768 = tpu.memref_slice %arg9[%dma_wait3A_765, %dma_wait3A_766, %dma_wait3A_767] : memref<2x800x8xf32, #tpu.memory_space<vmem>> -> memref<1x800x8xf32, #tpu.memory_space<vmem>>
      %dma_wait3A_769 = tpu.memref_squeeze %dma_wait3A_768 : memref<1x800x8xf32, #tpu.memory_space<vmem>> -> memref<800x8xf32, #tpu.memory_space<vmem>>
      %dma_wait3A_770 = arith.constant 240 : i32
      %dma_wait3A_771 = arith.constant 0 : i32
      %dma_wait3A_772 = tpu.memref_slice %dma_wait3A_769[%dma_wait3A_770, %dma_wait3A_771] : memref<800x8xf32, #tpu.memory_space<vmem>> -> memref<80x8xf32, #tpu.memory_space<vmem>>
      %dma_wait3A_773 = arith.constant 0 : i32
      %dma_wait3A_774 = tpu.memref_slice %arg8[%dma_wait3A_764, %dma_wait3A_773] : memref<2x800xi32, #tpu.memory_space<vmem>> -> memref<1x800xi32, #tpu.memory_space<vmem>>
      %dma_wait3A_775 = tpu.memref_squeeze %dma_wait3A_774 : memref<1x800xi32, #tpu.memory_space<vmem>> -> memref<800xi32, #tpu.memory_space<vmem>>
      %dma_wait3A_776 = arith.constant 240 : i32
      %dma_wait3A_777 = tpu.memref_slice %dma_wait3A_775[%dma_wait3A_776] : memref<800xi32, #tpu.memory_space<vmem>> -> memref<80xi32, #tpu.memory_space<vmem>>
      %dma_wait3A_778 = arith.constant 0 : i32
      %dma_wait3A_779 = arith.constant 0 : i32
      %dma_wait3A_780 = tpu.memref_slice %arg2[%dma_wait3A_778, %dma_wait3A_779] : memref<80000x8xf32, #tpu.memory_space<hbm>> -> memref<80000x8xf32, #tpu.memory_space<hbm>>
      tpu.wait_indirect_dma semaphore(%arg18 : memref<!tpu.dma_semaphore, #tpu.memory_space<semaphore_mem>>) src(%dma_wait3A_780 : memref<80000x8xf32, #tpu.memory_space<hbm>>) dst(%dma_wait3A_772 : memref<80x8xf32, #tpu.memory_space<vmem>>)
      %dma_wait3A_781 = arith.constant 1 : i32
      %dma_wait3A_782 = arith.constant 1 : i32
      %dma_wait3A_783 = arith.constant 0 : i32
      %dma_wait3A_784 = arith.constant 0 : i32
      %dma_wait3A_785 = tpu.memref_slice %arg9[%dma_wait3A_782, %dma_wait3A_783, %dma_wait3A_784] : memref<2x800x8xf32, #tpu.memory_space<vmem>> -> memref<1x800x8xf32, #tpu.memory_space<vmem>>
      %dma_wait3A_786 = tpu.memref_squeeze %dma_wait3A_785 : memref<1x800x8xf32, #tpu.memory_space<vmem>> -> memref<800x8xf32, #tpu.memory_space<vmem>>
      %dma_wait3A_787 = arith.constant 320 : i32
      %dma_wait3A_788 = arith.constant 0 : i32
      %dma_wait3A_789 = tpu.memref_slice %dma_wait3A_786[%dma_wait3A_787, %dma_wait3A_788] : memref<800x8xf32, #tpu.memory_space<vmem>> -> memref<80x8xf32, #tpu.memory_space<vmem>>
      %dma_wait3A_790 = arith.constant 0 : i32
      %dma_wait3A_791 = tpu.memref_slice %arg8[%dma_wait3A_781, %dma_wait3A_790] : memref<2x800xi32, #tpu.memory_space<vmem>> -> memref<1x800xi32, #tpu.memory_space<vmem>>
      %dma_wait3A_792 = tpu.memref_squeeze %dma_wait3A_791 : memref<1x800xi32, #tpu.memory_space<vmem>> -> memref<800xi32, #tpu.memory_space<vmem>>
      %dma_wait3A_793 = arith.constant 320 : i32
      %dma_wait3A_794 = tpu.memref_slice %dma_wait3A_792[%dma_wait3A_793] : memref<800xi32, #tpu.memory_space<vmem>> -> memref<80xi32, #tpu.memory_space<vmem>>
      %dma_wait3A_795 = arith.constant 0 : i32
      %dma_wait3A_796 = arith.constant 0 : i32
      %dma_wait3A_797 = tpu.memref_slice %arg2[%dma_wait3A_795, %dma_wait3A_796] : memref<80000x8xf32, #tpu.memory_space<hbm>> -> memref<80000x8xf32, #tpu.memory_space<hbm>>
      tpu.wait_indirect_dma semaphore(%arg18 : memref<!tpu.dma_semaphore, #tpu.memory_space<semaphore_mem>>) src(%dma_wait3A_797 : memref<80000x8xf32, #tpu.memory_space<hbm>>) dst(%dma_wait3A_789 : memref<80x8xf32, #tpu.memory_space<vmem>>)
      %dma_wait3A_798 = arith.constant 1 : i32
      %dma_wait3A_799 = arith.constant 1 : i32
      %dma_wait3A_800 = arith.constant 0 : i32
      %dma_wait3A_801 = arith.constant 0 : i32
      %dma_wait3A_802 = tpu.memref_slice %arg9[%dma_wait3A_799, %dma_wait3A_800, %dma_wait3A_801] : memref<2x800x8xf32, #tpu.memory_space<vmem>> -> memref<1x800x8xf32, #tpu.memory_space<vmem>>
      %dma_wait3A_803 = tpu.memref_squeeze %dma_wait3A_802 : memref<1x800x8xf32, #tpu.memory_space<vmem>> -> memref<800x8xf32, #tpu.memory_space<vmem>>
      %dma_wait3A_804 = arith.constant 400 : i32
      %dma_wait3A_805 = arith.constant 0 : i32
      %dma_wait3A_806 = tpu.memref_slice %dma_wait3A_803[%dma_wait3A_804, %dma_wait3A_805] : memref<800x8xf32, #tpu.memory_space<vmem>> -> memref<80x8xf32, #tpu.memory_space<vmem>>
      %dma_wait3A_807 = arith.constant 0 : i32
      %dma_wait3A_808 = tpu.memref_slice %arg8[%dma_wait3A_798, %dma_wait3A_807] : memref<2x800xi32, #tpu.memory_space<vmem>> -> memref<1x800xi32, #tpu.memory_space<vmem>>
      %dma_wait3A_809 = tpu.memref_squeeze %dma_wait3A_808 : memref<1x800xi32, #tpu.memory_space<vmem>> -> memref<800xi32, #tpu.memory_space<vmem>>
      %dma_wait3A_810 = arith.constant 400 : i32
      %dma_wait3A_811 = tpu.memref_slice %dma_wait3A_809[%dma_wait3A_810] : memref<800xi32, #tpu.memory_space<vmem>> -> memref<80xi32, #tpu.memory_space<vmem>>
      %dma_wait3A_812 = arith.constant 0 : i32
      %dma_wait3A_813 = arith.constant 0 : i32
      %dma_wait3A_814 = tpu.memref_slice %arg2[%dma_wait3A_812, %dma_wait3A_813] : memref<80000x8xf32, #tpu.memory_space<hbm>> -> memref<80000x8xf32, #tpu.memory_space<hbm>>
      tpu.wait_indirect_dma semaphore(%arg18 : memref<!tpu.dma_semaphore, #tpu.memory_space<semaphore_mem>>) src(%dma_wait3A_814 : memref<80000x8xf32, #tpu.memory_space<hbm>>) dst(%dma_wait3A_806 : memref<80x8xf32, #tpu.memory_space<vmem>>)
      %dma_wait3A_815 = arith.constant 1 : i32
      %dma_wait3A_816 = arith.constant 1 : i32
      %dma_wait3A_817 = arith.constant 0 : i32
      %dma_wait3A_818 = arith.constant 0 : i32
      %dma_wait3A_819 = tpu.memref_slice %arg9[%dma_wait3A_816, %dma_wait3A_817, %dma_wait3A_818] : memref<2x800x8xf32, #tpu.memory_space<vmem>> -> memref<1x800x8xf32, #tpu.memory_space<vmem>>
      %dma_wait3A_820 = tpu.memref_squeeze %dma_wait3A_819 : memref<1x800x8xf32, #tpu.memory_space<vmem>> -> memref<800x8xf32, #tpu.memory_space<vmem>>
      %dma_wait3A_821 = arith.constant 480 : i32
      %dma_wait3A_822 = arith.constant 0 : i32
      %dma_wait3A_823 = tpu.memref_slice %dma_wait3A_820[%dma_wait3A_821, %dma_wait3A_822] : memref<800x8xf32, #tpu.memory_space<vmem>> -> memref<80x8xf32, #tpu.memory_space<vmem>>
      %dma_wait3A_824 = arith.constant 0 : i32
      %dma_wait3A_825 = tpu.memref_slice %arg8[%dma_wait3A_815, %dma_wait3A_824] : memref<2x800xi32, #tpu.memory_space<vmem>> -> memref<1x800xi32, #tpu.memory_space<vmem>>
      %dma_wait3A_826 = tpu.memref_squeeze %dma_wait3A_825 : memref<1x800xi32, #tpu.memory_space<vmem>> -> memref<800xi32, #tpu.memory_space<vmem>>
      %dma_wait3A_827 = arith.constant 480 : i32
      %dma_wait3A_828 = tpu.memref_slice %dma_wait3A_826[%dma_wait3A_827] : memref<800xi32, #tpu.memory_space<vmem>> -> memref<80xi32, #tpu.memory_space<vmem>>
      %dma_wait3A_829 = arith.constant 0 : i32
      %dma_wait3A_830 = arith.constant 0 : i32
      %dma_wait3A_831 = tpu.memref_slice %arg2[%dma_wait3A_829, %dma_wait3A_830] : memref<80000x8xf32, #tpu.memory_space<hbm>> -> memref<80000x8xf32, #tpu.memory_space<hbm>>
      tpu.wait_indirect_dma semaphore(%arg18 : memref<!tpu.dma_semaphore, #tpu.memory_space<semaphore_mem>>) src(%dma_wait3A_831 : memref<80000x8xf32, #tpu.memory_space<hbm>>) dst(%dma_wait3A_823 : memref<80x8xf32, #tpu.memory_space<vmem>>)
      %dma_wait3A_832 = arith.constant 1 : i32
      %dma_wait3A_833 = arith.constant 1 : i32
      %dma_wait3A_834 = arith.constant 0 : i32
      %dma_wait3A_835 = arith.constant 0 : i32
      %dma_wait3A_836 = tpu.memref_slice %arg9[%dma_wait3A_833, %dma_wait3A_834, %dma_wait3A_835] : memref<2x800x8xf32, #tpu.memory_space<vmem>> -> memref<1x800x8xf32, #tpu.memory_space<vmem>>
      %dma_wait3A_837 = tpu.memref_squeeze %dma_wait3A_836 : memref<1x800x8xf32, #tpu.memory_space<vmem>> -> memref<800x8xf32, #tpu.memory_space<vmem>>
      %dma_wait3A_838 = arith.constant 560 : i32
      %dma_wait3A_839 = arith.constant 0 : i32
      %dma_wait3A_840 = tpu.memref_slice %dma_wait3A_837[%dma_wait3A_838, %dma_wait3A_839] : memref<800x8xf32, #tpu.memory_space<vmem>> -> memref<80x8xf32, #tpu.memory_space<vmem>>
      %dma_wait3A_841 = arith.constant 0 : i32
      %dma_wait3A_842 = tpu.memref_slice %arg8[%dma_wait3A_832, %dma_wait3A_841] : memref<2x800xi32, #tpu.memory_space<vmem>> -> memref<1x800xi32, #tpu.memory_space<vmem>>
      %dma_wait3A_843 = tpu.memref_squeeze %dma_wait3A_842 : memref<1x800xi32, #tpu.memory_space<vmem>> -> memref<800xi32, #tpu.memory_space<vmem>>
      %dma_wait3A_844 = arith.constant 560 : i32
      %dma_wait3A_845 = tpu.memref_slice %dma_wait3A_843[%dma_wait3A_844] : memref<800xi32, #tpu.memory_space<vmem>> -> memref<80xi32, #tpu.memory_space<vmem>>
      %dma_wait3A_846 = arith.constant 0 : i32
      %dma_wait3A_847 = arith.constant 0 : i32
      %dma_wait3A_848 = tpu.memref_slice %arg2[%dma_wait3A_846, %dma_wait3A_847] : memref<80000x8xf32, #tpu.memory_space<hbm>> -> memref<80000x8xf32, #tpu.memory_space<hbm>>
      tpu.wait_indirect_dma semaphore(%arg18 : memref<!tpu.dma_semaphore, #tpu.memory_space<semaphore_mem>>) src(%dma_wait3A_848 : memref<80000x8xf32, #tpu.memory_space<hbm>>) dst(%dma_wait3A_840 : memref<80x8xf32, #tpu.memory_space<vmem>>)
      %dma_wait3A_849 = arith.constant 1 : i32
      %dma_wait3A_850 = arith.constant 1 : i32
      %dma_wait3A_851 = arith.constant 0 : i32
      %dma_wait3A_852 = arith.constant 0 : i32
      %dma_wait3A_853 = tpu.memref_slice %arg9[%dma_wait3A_850, %dma_wait3A_851, %dma_wait3A_852] : memref<2x800x8xf32, #tpu.memory_space<vmem>> -> memref<1x800x8xf32, #tpu.memory_space<vmem>>
      %dma_wait3A_854 = tpu.memref_squeeze %dma_wait3A_853 : memref<1x800x8xf32, #tpu.memory_space<vmem>> -> memref<800x8xf32, #tpu.memory_space<vmem>>
      %dma_wait3A_855 = arith.constant 640 : i32
      %dma_wait3A_856 = arith.constant 0 : i32
      %dma_wait3A_857 = tpu.memref_slice %dma_wait3A_854[%dma_wait3A_855, %dma_wait3A_856] : memref<800x8xf32, #tpu.memory_space<vmem>> -> memref<80x8xf32, #tpu.memory_space<vmem>>
      %dma_wait3A_858 = arith.constant 0 : i32
      %dma_wait3A_859 = tpu.memref_slice %arg8[%dma_wait3A_849, %dma_wait3A_858] : memref<2x800xi32, #tpu.memory_space<vmem>> -> memref<1x800xi32, #tpu.memory_space<vmem>>
      %dma_wait3A_860 = tpu.memref_squeeze %dma_wait3A_859 : memref<1x800xi32, #tpu.memory_space<vmem>> -> memref<800xi32, #tpu.memory_space<vmem>>
      %dma_wait3A_861 = arith.constant 640 : i32
      %dma_wait3A_862 = tpu.memref_slice %dma_wait3A_860[%dma_wait3A_861] : memref<800xi32, #tpu.memory_space<vmem>> -> memref<80xi32, #tpu.memory_space<vmem>>
      %dma_wait3A_863 = arith.constant 0 : i32
      %dma_wait3A_864 = arith.constant 0 : i32
      %dma_wait3A_865 = tpu.memref_slice %arg2[%dma_wait3A_863, %dma_wait3A_864] : memref<80000x8xf32, #tpu.memory_space<hbm>> -> memref<80000x8xf32, #tpu.memory_space<hbm>>
      tpu.wait_indirect_dma semaphore(%arg18 : memref<!tpu.dma_semaphore, #tpu.memory_space<semaphore_mem>>) src(%dma_wait3A_865 : memref<80000x8xf32, #tpu.memory_space<hbm>>) dst(%dma_wait3A_857 : memref<80x8xf32, #tpu.memory_space<vmem>>)
      %dma_wait3A_866 = arith.constant 1 : i32
      %dma_wait3A_867 = arith.constant 1 : i32
      %dma_wait3A_868 = arith.constant 0 : i32
      %dma_wait3A_869 = arith.constant 0 : i32
      %dma_wait3A_870 = tpu.memref_slice %arg9[%dma_wait3A_867, %dma_wait3A_868, %dma_wait3A_869] : memref<2x800x8xf32, #tpu.memory_space<vmem>> -> memref<1x800x8xf32, #tpu.memory_space<vmem>>
      %dma_wait3A_871 = tpu.memref_squeeze %dma_wait3A_870 : memref<1x800x8xf32, #tpu.memory_space<vmem>> -> memref<800x8xf32, #tpu.memory_space<vmem>>
      %dma_wait3A_872 = arith.constant 720 : i32
      %dma_wait3A_873 = arith.constant 0 : i32
      %dma_wait3A_874 = tpu.memref_slice %dma_wait3A_871[%dma_wait3A_872, %dma_wait3A_873] : memref<800x8xf32, #tpu.memory_space<vmem>> -> memref<80x8xf32, #tpu.memory_space<vmem>>
      %dma_wait3A_875 = arith.constant 0 : i32
      %dma_wait3A_876 = tpu.memref_slice %arg8[%dma_wait3A_866, %dma_wait3A_875] : memref<2x800xi32, #tpu.memory_space<vmem>> -> memref<1x800xi32, #tpu.memory_space<vmem>>
      %dma_wait3A_877 = tpu.memref_squeeze %dma_wait3A_876 : memref<1x800xi32, #tpu.memory_space<vmem>> -> memref<800xi32, #tpu.memory_space<vmem>>
      %dma_wait3A_878 = arith.constant 720 : i32
      %dma_wait3A_879 = tpu.memref_slice %dma_wait3A_877[%dma_wait3A_878] : memref<800xi32, #tpu.memory_space<vmem>> -> memref<80xi32, #tpu.memory_space<vmem>>
      %dma_wait3A_880 = arith.constant 0 : i32
      %dma_wait3A_881 = arith.constant 0 : i32
      %dma_wait3A_882 = tpu.memref_slice %arg2[%dma_wait3A_880, %dma_wait3A_881] : memref<80000x8xf32, #tpu.memory_space<hbm>> -> memref<80000x8xf32, #tpu.memory_space<hbm>>
      tpu.wait_indirect_dma semaphore(%arg18 : memref<!tpu.dma_semaphore, #tpu.memory_space<semaphore_mem>>) src(%dma_wait3A_882 : memref<80000x8xf32, #tpu.memory_space<hbm>>) dst(%dma_wait3A_874 : memref<80x8xf32, #tpu.memory_space<vmem>>)
      %dma_wait3A_883 = arith.constant 1 : i32
      %dma_wait3A_884 = arith.constant 0 : i32
      %dma_wait3A_885 = tpu.memref_slice %arg10[%dma_wait3A_883, %dma_wait3A_884] : memref<2x6400xi32, #tpu.memory_space<vmem>> -> memref<1x6400xi32, #tpu.memory_space<vmem>>
      %dma_wait3A_886 = tpu.memref_squeeze %dma_wait3A_885 : memref<1x6400xi32, #tpu.memory_space<vmem>> -> memref<6400xi32, #tpu.memory_space<vmem>>
      %dma_wait3A_887 = tpu.memref_slice %arg4[%mul3A_710] : memref<1280000xi32, #tpu.memory_space<hbm>> -> memref<6400xi32, #tpu.memory_space<hbm>>
      %dma_wait3A_888 = arith.constant 0 : i32
      %dma_wait3A_889 = tpu.memref_slice %arg10[%dma_wait3A_883, %dma_wait3A_888] : memref<2x6400xi32, #tpu.memory_space<vmem>> -> memref<1x6400xi32, #tpu.memory_space<vmem>>
      %dma_wait3A_890 = tpu.memref_squeeze %dma_wait3A_889 : memref<1x6400xi32, #tpu.memory_space<vmem>> -> memref<6400xi32, #tpu.memory_space<vmem>>
      %dma_wait3A_891 = tpu.memref_slice %arg4[%mul3A_710] : memref<1280000xi32, #tpu.memory_space<hbm>> -> memref<6400xi32, #tpu.memory_space<hbm>>
      tpu.wait_dma2 semaphore(%arg16 : memref<!tpu.dma_semaphore, #tpu.memory_space<semaphore_mem>>) src(%dma_wait3A_891 : memref<6400xi32, #tpu.memory_space<hbm>>) dst(%dma_wait3A_890 : memref<6400xi32, #tpu.memory_space<vmem>>)
      %dma_wait3A_892 = arith.constant 1 : i32
      %dma_wait3A_893 = arith.constant 0 : i32
      %dma_wait3A_894 = tpu.memref_slice %arg11[%dma_wait3A_892, %dma_wait3A_893] : memref<2x6400xf32, #tpu.memory_space<vmem>> -> memref<1x6400xf32, #tpu.memory_space<vmem>>
      %dma_wait3A_895 = tpu.memref_squeeze %dma_wait3A_894 : memref<1x6400xf32, #tpu.memory_space<vmem>> -> memref<6400xf32, #tpu.memory_space<vmem>>
      %dma_wait3A_896 = tpu.memref_slice %arg5[%mul3A_712] : memref<1280000xf32, #tpu.memory_space<hbm>> -> memref<6400xf32, #tpu.memory_space<hbm>>
      %dma_wait3A_897 = arith.constant 0 : i32
      %dma_wait3A_898 = tpu.memref_slice %arg11[%dma_wait3A_892, %dma_wait3A_897] : memref<2x6400xf32, #tpu.memory_space<vmem>> -> memref<1x6400xf32, #tpu.memory_space<vmem>>
      %dma_wait3A_899 = tpu.memref_squeeze %dma_wait3A_898 : memref<1x6400xf32, #tpu.memory_space<vmem>> -> memref<6400xf32, #tpu.memory_space<vmem>>
      %dma_wait3A_900 = tpu.memref_slice %arg5[%mul3A_712] : memref<1280000xf32, #tpu.memory_space<hbm>> -> memref<6400xf32, #tpu.memory_space<hbm>>
      tpu.wait_dma2 semaphore(%arg16 : memref<!tpu.dma_semaphore, #tpu.memory_space<semaphore_mem>>) src(%dma_wait3A_900 : memref<6400xf32, #tpu.memory_space<hbm>>) dst(%dma_wait3A_899 : memref<6400xf32, #tpu.memory_space<vmem>>)
      %parallel_loop3A_901 = arith.constant 0 : i32
      %parallel_loop3A_902 = arith.constant 400 : i32
      %parallel_loop3A_903 = arith.constant 1 : i32
      %parallel_loop3A_904 = arith.constant 1 : i32
      %parallel_loop3A_905 = arith.constant 1 : i32
      %parallel_loop3A_906 = arith.constant 1 : i32
      scf.for %parallel_loop3A_914 = %parallel_loop3A_901 to %parallel_loop3A_902 step %parallel_loop3A_903  : i32 {
        %parallel_loop3A_915 = arith.constant 16 : i32
        %parallel_loop3A_916 = arith.muli %parallel_loop3A_914, %parallel_loop3A_915 : i32
        %parallel_loop3A_917 = arith.constant 2 : i32
        %parallel_loop3A_918 = arith.muli %parallel_loop3A_917, %parallel_loop3A_914 : i32
        %parallel_loop3A_919 = vector.broadcast %parallel_loop3A_918 : i32 to vector<16xi32>
        %parallel_loop3A_920 = arith.addi %shift_right_arithmetic3A_40, %parallel_loop3A_919 : vector<16xi32>
        %parallel_loop3A_921 = arith.constant 0 : i32
        %parallel_loop3A_922 = arith.constant 0 : i32
        %parallel_loop3A_923 = tpu.memref_slice %arg9[%parallel_loop3A_904, %parallel_loop3A_921, %parallel_loop3A_922] : memref<2x800x8xf32, #tpu.memory_space<vmem>> -> memref<1x800x8xf32, #tpu.memory_space<vmem>>
        %parallel_loop3A_924 = tpu.memref_squeeze %parallel_loop3A_923 : memref<1x800x8xf32, #tpu.memory_space<vmem>> -> memref<800x8xf32, #tpu.memory_space<vmem>>
        %parallel_loop3A_925 = tpu.vector_load_idx %parallel_loop3A_924[%parallel_loop3A_920, %and3A_37] : memref<800x8xf32, #tpu.memory_space<vmem>>[vector<16xi32>, vector<16xi32>], vector<16xf32>,
        %parallel_loop3A_926 = arith.constant 0 : i32
        %parallel_loop3A_927 = tpu.memref_slice %arg11[%parallel_loop3A_905, %parallel_loop3A_926] : memref<2x6400xf32, #tpu.memory_space<vmem>> -> memref<1x6400xf32, #tpu.memory_space<vmem>>
        %parallel_loop3A_928 = tpu.memref_squeeze %parallel_loop3A_927 : memref<1x6400xf32, #tpu.memory_space<vmem>> -> memref<6400xf32, #tpu.memory_space<vmem>>
        %parallel_loop3A_929 = arith.index_cast %parallel_loop3A_916 : i32 to index
        %parallel_loop3A_930 = tpu.vector_load %parallel_loop3A_928[%parallel_loop3A_929] {strides = array<i32>} : memref<6400xf32, #tpu.memory_space<vmem>>, vector<16xf32>,
        %parallel_loop3A_931 = arith.mulf %parallel_loop3A_925, %parallel_loop3A_930 : vector<16xf32>
        %parallel_loop3A_932 = arith.constant 0 : i32
        %parallel_loop3A_933 = tpu.memref_slice %arg10[%parallel_loop3A_906, %parallel_loop3A_932] : memref<2x6400xi32, #tpu.memory_space<vmem>> -> memref<1x6400xi32, #tpu.memory_space<vmem>>
        %parallel_loop3A_934 = tpu.memref_squeeze %parallel_loop3A_933 : memref<1x6400xi32, #tpu.memory_space<vmem>> -> memref<6400xi32, #tpu.memory_space<vmem>>
        %parallel_loop3A_935 = arith.index_cast %parallel_loop3A_916 : i32 to index
        %parallel_loop3A_936 = tpu.vector_load %parallel_loop3A_934[%parallel_loop3A_935] {strides = array<i32>} : memref<6400xi32, #tpu.memory_space<vmem>>, vector<16xi32>,
        tpu.vector_store_idx %arg12[%parallel_loop3A_936, %and3A_37], %parallel_loop3A_931 {add = true} : memref<10000x8xf32, #tpu.memory_space<vmem>>[vector<16xi32>, vector<16xi32>], vector<16xf32>,
      } {sc.loop_unroll_factor = 16 : i64, sc.parallel_access}
      %add3A_907 = arith.constant 2 : i32
      %add3A_908 = arith.addi %add3A_307, %add3A_907 : i32
      %lt3A_909 = arith.constant 50 : i32
      %lt3A_910 = arith.cmpi slt, %add3A_908, %lt3A_909 : i32
      %convert_element_type3A_911 = arith.extui %lt3A_910 : i1 to i32
      %cond3A_912 = arith.constant 0 : i32
      %cond3A_913 = arith.cmpi ne, %convert_element_type3A_911, %cond3A_912 : i32
      scf.if %cond3A_913 {
        %add3A_914 = arith.constant 2 : i32
        %add3A_915 = arith.addi %add3A_307, %add3A_914 : i32
        %mul3A_916 = arith.constant 800 : i32
        %mul3A_917 = arith.muli %add3A_915, %mul3A_916 : i32
        %add3A_918 = arith.addi %mul3A_32, %mul3A_917 : i32
        %mul3A_919 = arith.constant 8 : i32
        %mul3A_920 = arith.muli %add3A_918, %mul3A_919 : i32
        %dma_start3A_921 = arith.constant 1 : i32
        %dma_start3A_922 = arith.constant 0 : i32
        %dma_start3A_923 = tpu.memref_slice %arg10[%dma_start3A_921, %dma_start3A_922] : memref<2x6400xi32, #tpu.memory_space<vmem>> -> memref<1x6400xi32, #tpu.memory_space<vmem>>
        %dma_start3A_924 = tpu.memref_squeeze %dma_start3A_923 : memref<1x6400xi32, #tpu.memory_space<vmem>> -> memref<6400xi32, #tpu.memory_space<vmem>>
        %dma_start3A_925 = tpu.memref_slice %arg4[%mul3A_920] : memref<1280000xi32, #tpu.memory_space<hbm>> -> memref<6400xi32, #tpu.memory_space<hbm>>
        %dma_start3A_926 = arith.constant 0 : i32
        %dma_start3A_927 = tpu.memref_slice %arg10[%dma_start3A_921, %dma_start3A_926] : memref<2x6400xi32, #tpu.memory_space<vmem>> -> memref<1x6400xi32, #tpu.memory_space<vmem>>
        %dma_start3A_928 = tpu.memref_squeeze %dma_start3A_927 : memref<1x6400xi32, #tpu.memory_space<vmem>> -> memref<6400xi32, #tpu.memory_space<vmem>>
        %dma_start3A_929 = tpu.memref_slice %arg4[%mul3A_920] : memref<1280000xi32, #tpu.memory_space<hbm>> -> memref<6400xi32, #tpu.memory_space<hbm>>
        tpu.enqueue_dma source(%dma_start3A_929 : memref<6400xi32, #tpu.memory_space<hbm>>) target(%dma_start3A_928 : memref<6400xi32, #tpu.memory_space<vmem>>) target_semaphore(%arg16 : memref<!tpu.dma_semaphore, #tpu.memory_space<semaphore_mem>>)
        %mul3A_930 = arith.constant 8 : i32
        %mul3A_931 = arith.muli %add3A_918, %mul3A_930 : i32
        %dma_start3A_932 = arith.constant 1 : i32
        %dma_start3A_933 = arith.constant 0 : i32
        %dma_start3A_934 = tpu.memref_slice %arg11[%dma_start3A_932, %dma_start3A_933] : memref<2x6400xf32, #tpu.memory_space<vmem>> -> memref<1x6400xf32, #tpu.memory_space<vmem>>
        %dma_start3A_935 = tpu.memref_squeeze %dma_start3A_934 : memref<1x6400xf32, #tpu.memory_space<vmem>> -> memref<6400xf32, #tpu.memory_space<vmem>>
        %dma_start3A_936 = tpu.memref_slice %arg5[%mul3A_931] : memref<1280000xf32, #tpu.memory_space<hbm>> -> memref<6400xf32, #tpu.memory_space<hbm>>
        %dma_start3A_937 = arith.constant 0 : i32
        %dma_start3A_938 = tpu.memref_slice %arg11[%dma_start3A_932, %dma_start3A_937] : memref<2x6400xf32, #tpu.memory_space<vmem>> -> memref<1x6400xf32, #tpu.memory_space<vmem>>
        %dma_start3A_939 = tpu.memref_squeeze %dma_start3A_938 : memref<1x6400xf32, #tpu.memory_space<vmem>> -> memref<6400xf32, #tpu.memory_space<vmem>>
        %dma_start3A_940 = tpu.memref_slice %arg5[%mul3A_931] : memref<1280000xf32, #tpu.memory_space<hbm>> -> memref<6400xf32, #tpu.memory_space<hbm>>
        tpu.enqueue_dma source(%dma_start3A_940 : memref<6400xf32, #tpu.memory_space<hbm>>) target(%dma_start3A_939 : memref<6400xf32, #tpu.memory_space<vmem>>) target_semaphore(%arg16 : memref<!tpu.dma_semaphore, #tpu.memory_space<semaphore_mem>>)
      } else {
      }
    }
    %scan3A_298 = arith.constant 25 : i32
    %mul3A_299 = arith.constant 8 : i32
    %mul3A_300 = arith.muli %select_n3A_9, %mul3A_299 : i32
    "tpu.region"() ({
      %run_scoped3A = tpu.sem_alloc : memref<!tpu.dma_semaphore, #tpu.memory_space<semaphore_mem>>
      %dma_start3A_301 = arith.constant 0 : i32
      %dma_start3A_302 = arith.constant 0 : i32
      %dma_start3A_303 = tpu.memref_slice %arg6[%select_n3A_30, %dma_start3A_301, %dma_start3A_302] : memref<4x10000x64xf32, #tpu.memory_space<hbm>> -> memref<1x10000x64xf32, #tpu.memory_space<hbm>>
      %dma_start3A_304 = tpu.memref_squeeze %dma_start3A_303 : memref<1x10000x64xf32, #tpu.memory_space<hbm>> -> memref<10000x64xf32, #tpu.memory_space<hbm>>
      %dma_start3A_305 = arith.constant 0 : i32
      %dma_start3A_306 = tpu.memref_slice %dma_start3A_304[%dma_start3A_305, %mul3A_300] : memref<10000x64xf32, #tpu.memory_space<hbm>> -> memref<10000x8xf32, #tpu.memory_space<hbm>>
      %dma_start3A_307 = arith.constant 0 : i32
      %dma_start3A_308 = arith.constant 0 : i32
      %dma_start3A_309 = tpu.memref_slice %arg6[%select_n3A_30, %dma_start3A_307, %dma_start3A_308] : memref<4x10000x64xf32, #tpu.memory_space<hbm>> -> memref<1x10000x64xf32, #tpu.memory_space<hbm>>
      %dma_start3A_310 = tpu.memref_squeeze %dma_start3A_309 : memref<1x10000x64xf32, #tpu.memory_space<hbm>> -> memref<10000x64xf32, #tpu.memory_space<hbm>>
      %dma_start3A_311 = arith.constant 0 : i32
      %dma_start3A_312 = tpu.memref_slice %dma_start3A_310[%dma_start3A_311, %mul3A_300] : memref<10000x64xf32, #tpu.memory_space<hbm>> -> memref<10000x8xf32, #tpu.memory_space<hbm>>
      tpu.enqueue_dma source(%arg12 : memref<10000x8xf32, #tpu.memory_space<vmem>>) target(%dma_start3A_312 : memref<10000x8xf32, #tpu.memory_space<hbm>>) target_semaphore(%run_scoped3A : memref<!tpu.dma_semaphore, #tpu.memory_space<semaphore_mem>>)
      %dma_wait3A_313 = arith.constant 0 : i32
      %dma_wait3A_314 = arith.constant 0 : i32
      %dma_wait3A_315 = tpu.memref_slice %arg6[%select_n3A_30, %dma_wait3A_313, %dma_wait3A_314] : memref<4x10000x64xf32, #tpu.memory_space<hbm>> -> memref<1x10000x64xf32, #tpu.memory_space<hbm>>
      %dma_wait3A_316 = tpu.memref_squeeze %dma_wait3A_315 : memref<1x10000x64xf32, #tpu.memory_space<hbm>> -> memref<10000x64xf32, #tpu.memory_space<hbm>>
      %dma_wait3A_317 = arith.constant 0 : i32
      %dma_wait3A_318 = tpu.memref_slice %dma_wait3A_316[%dma_wait3A_317, %mul3A_300] : memref<10000x64xf32, #tpu.memory_space<hbm>> -> memref<10000x8xf32, #tpu.memory_space<hbm>>
      %dma_wait3A_319 = arith.constant 0 : i32
      %dma_wait3A_320 = arith.constant 0 : i32
      %dma_wait3A_321 = tpu.memref_slice %arg6[%select_n3A_30, %dma_wait3A_319, %dma_wait3A_320] : memref<4x10000x64xf32, #tpu.memory_space<hbm>> -> memref<1x10000x64xf32, #tpu.memory_space<hbm>>
      %dma_wait3A_322 = tpu.memref_squeeze %dma_wait3A_321 : memref<1x10000x64xf32, #tpu.memory_space<hbm>> -> memref<10000x64xf32, #tpu.memory_space<hbm>>
      %dma_wait3A_323 = arith.constant 0 : i32
      %dma_wait3A_324 = tpu.memref_slice %dma_wait3A_322[%dma_wait3A_323, %mul3A_300] : memref<10000x64xf32, #tpu.memory_space<hbm>> -> memref<10000x8xf32, #tpu.memory_space<hbm>>
      tpu.wait_dma2 semaphore(%run_scoped3A : memref<!tpu.dma_semaphore, #tpu.memory_space<semaphore_mem>>) src(%arg12 : memref<10000x8xf32, #tpu.memory_space<vmem>>) dst(%dma_wait3A_324 : memref<10000x8xf32, #tpu.memory_space<hbm>>)
      tpu.yield
    }) : () -> ()
    return
  }
}

module attributes {stable_mosaic.version = 14 : i64} {
  func.func @_mm_body(%arg0: i32, %arg1: memref<1000x256xf32, #tpu.memory_space<vmem>>, %arg2: memref<256x256xf32, #tpu.memory_space<vmem>>, %arg3: memref<1000x256xf32, #tpu.memory_space<vmem>>) attributes {dimension_semantics = [#tpu.dimension_semantics<arbitrary>], iteration_bounds = array<i64: 10>, scalar_prefetch = 0 : i64, scratch_operands = 0 : i64, tpu.core_type = #tpu.core_type<tc>, window_params = [{transform_indices = @transform_0, window_bounds = array<i64: 1000, 256>}, {pipeline_mode = #tpu.pipeline_mode<synchronous>, transform_indices = @transform_1, window_bounds = array<i64: 256, 256>}, {transform_indices = @transform_2, window_bounds = array<i64: 1000, 256>}]} {
    %get3A = arith.constant 0 : index
    %get3A_0 = arith.constant 0 : index
    %get3A_1 = vector.load %arg1[%get3A, %get3A_0] : memref<1000x256xf32, #tpu.memory_space<vmem>>, vector<1000x256xf32>
    %get3A_2 = arith.constant 0 : index
    %get3A_3 = arith.constant 0 : index
    %get3A_4 = vector.load %arg2[%get3A_2, %get3A_3] : memref<256x256xf32, #tpu.memory_space<vmem>>, vector<256x256xf32>
    %dot_general3A = arith.constant dense<0.000000e+00> : vector<1000x256xf32>
    %dot_general3A_5 = tpu.matmul %get3A_1, %get3A_4, %dot_general3A {dimension_numbers = #tpu.dot_dimension_numbers<[1], [0], [0], [1], [0, 0, 1, 1], [], []>, transpose_lhs_hint = false} : vector<1000x256xf32>, vector<256x256xf32>, vector<1000x256xf32> -> vector<1000x256xf32>
    %swap3A = arith.constant 0 : index
    %swap3A_6 = arith.constant 0 : index
    %swap3A_7 = vector.load %arg3[%swap3A, %swap3A_6] : memref<1000x256xf32, #tpu.memory_space<vmem>>, vector<1000x256xf32>
    tpu.vector_store %arg3[%swap3A, %swap3A_6], %dot_general3A_5 {strides = array<i32>} : memref<1000x256xf32, #tpu.memory_space<vmem>>, vector<1000x256xf32>,
    return
  }
  func.func @transform_0(%arg0: i32) -> (i32, i32) {
    %c0_i32 = arith.constant 0 : i32
    %c0_i32_0 = arith.constant 0 : i32
    return %arg0, %c0_i32 : i32, i32
  }
  func.func @transform_1(%arg0: i32) -> (i32, i32) {
    %c0_i32 = arith.constant 0 : i32
    %c0_i32_0 = arith.constant 0 : i32
    %c0_i32_1 = arith.constant 0 : i32
    return %c0_i32, %c0_i32_0 : i32, i32
  }
  func.func @transform_2(%arg0: i32) -> (i32, i32) {
    %c0_i32 = arith.constant 0 : i32
    %c0_i32_0 = arith.constant 0 : i32
    return %arg0, %c0_i32 : i32, i32
  }
}

module attributes {stable_mosaic.version = 14 : i64} {
  func.func @_mm_body(%arg0: i32, %arg1: memref<1000x256xf32, #tpu.memory_space<vmem>>, %arg2: memref<256x64xf32, #tpu.memory_space<vmem>>, %arg3: memref<1000x64xf32, #tpu.memory_space<vmem>>) attributes {dimension_semantics = [#tpu.dimension_semantics<arbitrary>], iteration_bounds = array<i64: 10>, scalar_prefetch = 0 : i64, scratch_operands = 0 : i64, tpu.core_type = #tpu.core_type<tc>, window_params = [{transform_indices = @transform_0, window_bounds = array<i64: 1000, 256>}, {pipeline_mode = #tpu.pipeline_mode<synchronous>, transform_indices = @transform_1, window_bounds = array<i64: 256, 64>}, {transform_indices = @transform_2, window_bounds = array<i64: 1000, 64>}]} {
    %get3A = arith.constant 0 : index
    %get3A_0 = arith.constant 0 : index
    %get3A_1 = vector.load %arg1[%get3A, %get3A_0] : memref<1000x256xf32, #tpu.memory_space<vmem>>, vector<1000x256xf32>
    %max3A = arith.constant 0.000000e+00 : f32
    %max3A_2 = vector.broadcast %max3A : f32 to vector<1000x256xf32>
    %max3A_3 = arith.maximumf %get3A_1, %max3A_2 : vector<1000x256xf32>
    %get3A_4 = arith.constant 0 : index
    %get3A_5 = arith.constant 0 : index
    %get3A_6 = vector.load %arg2[%get3A_4, %get3A_5] : memref<256x64xf32, #tpu.memory_space<vmem>>, vector<256x64xf32>
    %dot_general3A = arith.constant dense<0.000000e+00> : vector<1000x64xf32>
    %dot_general3A_7 = tpu.matmul %max3A_3, %get3A_6, %dot_general3A {dimension_numbers = #tpu.dot_dimension_numbers<[1], [0], [0], [1], [0, 0, 1, 1], [], []>, transpose_lhs_hint = false} : vector<1000x256xf32>, vector<256x64xf32>, vector<1000x64xf32> -> vector<1000x64xf32>
    %swap3A = arith.constant 0 : index
    %swap3A_8 = arith.constant 0 : index
    %swap3A_9 = vector.load %arg3[%swap3A, %swap3A_8] : memref<1000x64xf32, #tpu.memory_space<vmem>>, vector<1000x64xf32>
    tpu.vector_store %arg3[%swap3A, %swap3A_8], %dot_general3A_7 {strides = array<i32>} : memref<1000x64xf32, #tpu.memory_space<vmem>>, vector<1000x64xf32>,
    return
  }
  func.func @transform_0(%arg0: i32) -> (i32, i32) {
    %c0_i32 = arith.constant 0 : i32
    %c0_i32_0 = arith.constant 0 : i32
    return %arg0, %c0_i32 : i32, i32
  }
  func.func @transform_1(%arg0: i32) -> (i32, i32) {
    %c0_i32 = arith.constant 0 : i32
    %c0_i32_0 = arith.constant 0 : i32
    %c0_i32_1 = arith.constant 0 : i32
    return %c0_i32, %c0_i32_0 : i32, i32
  }
  func.func @transform_2(%arg0: i32) -> (i32, i32) {
    %c0_i32 = arith.constant 0 : i32
    %c0_i32_0 = arith.constant 0 : i32
    return %arg0, %c0_i32 : i32, i32
  }
}

module attributes {stable_mosaic.version = 14 : i64} {
  func.func @_merge_body(%arg0: i32, %arg1: memref<4x1000x64xf32, #tpu.memory_space<vmem>>, %arg2: memref<1000x64xf32, #tpu.memory_space<vmem>>) attributes {dimension_semantics = [#tpu.dimension_semantics<arbitrary>], iteration_bounds = array<i64: 10>, scalar_prefetch = 0 : i64, scratch_operands = 0 : i64, tpu.core_type = #tpu.core_type<tc>, window_params = [{transform_indices = @transform_0, window_bounds = array<i64: 4, 1000, 64>}, {transform_indices = @transform_1, window_bounds = array<i64: 1000, 64>}]} {
    %get3A = arith.constant 0 : index
    %get3A_0 = arith.constant 0 : index
    %get3A_1 = arith.constant 0 : index
    %get3A_2 = vector.load %arg1[%get3A, %get3A_0, %get3A_1] : memref<4x1000x64xf32, #tpu.memory_space<vmem>>, vector<4x1000x64xf32>
    %reduce_sum3A = arith.constant dense<0.000000e+00> : vector<1000x64xf32>
    %reduce_sum3A_3 = vector.multi_reduction <add>, %get3A_2, %reduce_sum3A [0] : vector<4x1000x64xf32> to vector<1000x64xf32>
    %swap3A = arith.constant 0 : index
    %swap3A_4 = arith.constant 0 : index
    %swap3A_5 = vector.load %arg2[%swap3A, %swap3A_4] : memref<1000x64xf32, #tpu.memory_space<vmem>>, vector<1000x64xf32>
    tpu.vector_store %arg2[%swap3A, %swap3A_4], %reduce_sum3A_3 {strides = array<i32>} : memref<1000x64xf32, #tpu.memory_space<vmem>>, vector<1000x64xf32>,
    return
  }
  func.func @transform_0(%arg0: i32) -> (i32, i32, i32) {
    %c0_i32 = arith.constant 0 : i32
    %c0_i32_0 = arith.constant 0 : i32
    %c0_i32_1 = arith.constant 0 : i32
    return %c0_i32, %arg0, %c0_i32_0 : i32, i32, i32
  }
  func.func @transform_1(%arg0: i32) -> (i32, i32) {
    %c0_i32 = arith.constant 0 : i32
    %c0_i32_0 = arith.constant 0 : i32
    return %arg0, %c0_i32 : i32, i32
  }
}

module attributes {stable_mosaic.version = 14 : i64} {
  func.func @_dist_body(%arg0: i32, %arg1: memref<400x64xf32, #tpu.memory_space<vmem>>, %arg2: memref<10000x64xf32, #tpu.memory_space<vmem>>, %arg3: memref<400x10000xf32, #tpu.memory_space<vmem>>) attributes {dimension_semantics = [#tpu.dimension_semantics<arbitrary>], iteration_bounds = array<i64: 25>, scalar_prefetch = 0 : i64, scratch_operands = 0 : i64, tpu.core_type = #tpu.core_type<tc>, window_params = [{transform_indices = @transform_0, window_bounds = array<i64: 400, 64>}, {pipeline_mode = #tpu.pipeline_mode<synchronous>, transform_indices = @transform_1, window_bounds = array<i64: 10000, 64>}, {transform_indices = @transform_2, window_bounds = array<i64: 400, 10000>}]} {
    %get3A = arith.constant 0 : index
    %get3A_0 = arith.constant 0 : index
    %get3A_1 = vector.load %arg1[%get3A, %get3A_0] : memref<400x64xf32, #tpu.memory_space<vmem>>, vector<400x64xf32>
    %get3A_2 = arith.constant 0 : index
    %get3A_3 = arith.constant 0 : index
    %get3A_4 = vector.load %arg2[%get3A_2, %get3A_3] : memref<10000x64xf32, #tpu.memory_space<vmem>>, vector<10000x64xf32>
    %mul3A = arith.mulf %get3A_4, %get3A_4 : vector<10000x64xf32>
    %reduce_sum3A = arith.constant dense<0.000000e+00> : vector<10000xf32>
    %reduce_sum3A_5 = vector.multi_reduction <add>, %mul3A, %reduce_sum3A [1] : vector<10000x64xf32> to vector<10000xf32>
    %broadcast_in_dim3A = vector.shape_cast %reduce_sum3A_5 : vector<10000xf32> to vector<10000x1xf32>
    %broadcast_in_dim3A_6 = arith.constant 1.000000e+00 : f32
    %broadcast_in_dim3A_7 = vector.broadcast %broadcast_in_dim3A_6 : f32 to vector<10000x1xf32>
    %neg3A = arith.constant 0.000000e+00 : f32
    %neg3A_8 = vector.broadcast %neg3A : f32 to vector<10000x1xf32>
    %neg3A_9 = arith.subf %neg3A_8, %broadcast_in_dim3A : vector<10000x1xf32>
    %neg3A_10 = arith.constant 0.000000e+00 : f32
    %neg3A_11 = vector.broadcast %neg3A_10 : f32 to vector<10000x1xf32>
    %neg3A_12 = arith.subf %neg3A_11, %broadcast_in_dim3A_7 : vector<10000x1xf32>
    %concatenate3A = tpu.concatenate %get3A_4, %neg3A_9, %neg3A_12 in 1 : vector<10000x64xf32>, vector<10000x1xf32>, vector<10000x1xf32> -> vector<10000x66xf32>
    %mul3A_13 = arith.mulf %get3A_1, %get3A_1 : vector<400x64xf32>
    %reduce_sum3A_14 = arith.constant dense<0.000000e+00> : vector<400xf32>
    %reduce_sum3A_15 = vector.multi_reduction <add>, %mul3A_13, %reduce_sum3A_14 [1] : vector<400x64xf32> to vector<400xf32>
    %broadcast_in_dim3A_16 = vector.shape_cast %reduce_sum3A_15 : vector<400xf32> to vector<400x1xf32>
    %broadcast_in_dim3A_17 = arith.constant 1.000000e+00 : f32
    %broadcast_in_dim3A_18 = vector.broadcast %broadcast_in_dim3A_17 : f32 to vector<400x1xf32>
    %mul3A_19 = arith.constant 2.000000e+00 : f32
    %mul3A_20 = vector.broadcast %mul3A_19 : f32 to vector<400x64xf32>
    %mul3A_21 = arith.mulf %mul3A_20, %get3A_1 : vector<400x64xf32>
    %concatenate3A_22 = tpu.concatenate %mul3A_21, %broadcast_in_dim3A_18, %broadcast_in_dim3A_16 in 1 : vector<400x64xf32>, vector<400x1xf32>, vector<400x1xf32> -> vector<400x66xf32>
    %dot_general3A = arith.constant dense<0.000000e+00> : vector<400x10000xf32>
    %dot_general3A_23 = tpu.matmul %concatenate3A_22, %concatenate3A, %dot_general3A {dimension_numbers = #tpu.dot_dimension_numbers<[1], [1], [0], [0], [0, 0, 1, 0], [], []>, transpose_lhs_hint = false} : vector<400x66xf32>, vector<10000x66xf32>, vector<400x10000xf32> -> vector<400x10000xf32>
    %min3A = arith.constant 0.000000e+00 : f32
    %min3A_24 = vector.broadcast %min3A : f32 to vector<400x10000xf32>
    %min3A_25 = arith.minimumf %dot_general3A_23, %min3A_24 : vector<400x10000xf32>
    %exp3A = math.exp %min3A_25 : vector<400x10000xf32>
    %reduce_sum3A_26 = arith.constant dense<0.000000e+00> : vector<400xf32>
    %reduce_sum3A_27 = vector.multi_reduction <add>, %exp3A, %reduce_sum3A_26 [1] : vector<400x10000xf32> to vector<400xf32>
    %broadcast_in_dim3A_28 = vector.shape_cast %reduce_sum3A_27 : vector<400xf32> to vector<400x1xf32>
    %div3A = arith.constant 1.000000e+00 : f32
    %div3A_29 = vector.broadcast %div3A : f32 to vector<400x1xf32>
    %div3A_30 = arith.divf %div3A_29, %broadcast_in_dim3A_28 : vector<400x1xf32>
    %mul3A_31 = vector.broadcast %div3A_30 : vector<400x1xf32> to vector<400x10000xf32>
    %mul3A_32 = arith.mulf %exp3A, %mul3A_31 : vector<400x10000xf32>
    %add3A = arith.constant 1.000000e-10 : f32
    %add3A_33 = vector.broadcast %add3A : f32 to vector<400x10000xf32>
    %add3A_34 = arith.addf %mul3A_32, %add3A_33 : vector<400x10000xf32>
    %swap3A = arith.constant 0 : index
    %swap3A_35 = arith.constant 0 : index
    %swap3A_36 = vector.load %arg3[%swap3A, %swap3A_35] : memref<400x10000xf32, #tpu.memory_space<vmem>>, vector<400x10000xf32>
    tpu.vector_store %arg3[%swap3A, %swap3A_35], %add3A_34 {strides = array<i32>} : memref<400x10000xf32, #tpu.memory_space<vmem>>, vector<400x10000xf32>,
    return
  }
  func.func @transform_0(%arg0: i32) -> (i32, i32) {
    %c0_i32 = arith.constant 0 : i32
    %c0_i32_0 = arith.constant 0 : i32
    return %arg0, %c0_i32 : i32, i32
  }
  func.func @transform_1(%arg0: i32) -> (i32, i32) {
    %c0_i32 = arith.constant 0 : i32
    %c0_i32_0 = arith.constant 0 : i32
    %c0_i32_1 = arith.constant 0 : i32
    return %c0_i32, %c0_i32_0 : i32, i32
  }
  func.func @transform_2(%arg0: i32) -> (i32, i32) {
    %c0_i32 = arith.constant 0 : i32
    %c0_i32_0 = arith.constant 0 : i32
    return %arg0, %c0_i32 : i32, i32
  }
}

</mosaic_0001>

<sc_bundles>
// kernel: kernel.11.cloned.1.call-start
scs
__scs_entry_jumppad:
0x0: {  	(pc) =	sbr.rel $0x88, $3  }
0x1: {  	(tag) =	ssettag $0x0;
	lr =	simm.s32 $0x1  }
0x2: {  	[smem:$0x3F9C] =	sst lr;
	_ =	strace $0xD0000000  }
0x3: {  	_ = 	snop  }
0x4: {  	_ = 	snop  }
0x5: {  	_ = 	snop  }
0x6: {  	_ = 	snop  }
0x7: {  	_ = 	snop  }
__scs_overlays_trampoline_lowered:
0x8: {  	[smem:$0x3FAB] =	sst s0  }
0x9: {  	[smem:$0x3FAC] =	sst s1  }
0xa: {  	[smem:$0x3FAD] =	sst s2  }
0xb: {  	[smem:$0x3FAE] =	sst s3  }
0xc: {  	[smem:$0x3FAF] =	sst s4  }
0xd: {  	[smem:$0x3FB0] =	sst s5  }
0xe: {  	[smem:$0x3FB1] =	sst s6  }
0xf: {  	[smem:$0x3FB2] =	sst s7  }
0x10: {  	[smem:$0x3FB3] =	sst s8  }
0x11: {  	[smem:$0x3FB4] =	sst s9;
	s0 =	simm.s32 @!p0 $0x0  }
0x12: {  	s1 =	sld [smem:$0x3F9A];
	s0 =	simm.s32 @p0 $0x1  }
0x13: {  	[smem:$0x3FB5] =	sst s0;
	s0 =	simm.s32 @!p1 $0x0  }
0x14: {  	s2 =	sld [smem:$0x3F99];
	s0 =	simm.s32 @p1 $0x1  }
0x15: {  	[smem:$0x3FB6] =	sst s0;
	s0 =	simm.s32 @!p2 $0x0  }
0x16: {  	s3 =	sld [smem:$0x3FDB];
	s0 =	simm.s32 @p2 $0x1  }
0x17: {  	s4 =	simm.s32 $0x1BF5;
	[smem:$0x3FB8] =	sst s0  }
0x18: {  	s0 =	sld [smem:$0x3F9B];
	_ =	swait.ge [sflag:s4], $0x0  }
0x19: {  	s7 =	sld [smem:$0x3F9C]  }
0x1a: {  	s8 =	sadd.s32 $0xFFFFE003, lr  }
0x1b: {  	s9 =	sadd.s32 $0xFFFFFEF7, lr;
	s5 =	simm.s32 $0xFFFFFFFF;
	p2 =	slt.u32 s8, $0xFFFFF086  }
0x1c: {  	p1 =	slt.u32 s9, $0xF7A;
	s5 =	simm.s32 @!p2 $0x0  }
0x1d: {  	s5 =	simm.s32 @p1 $0x1;
	p0 =	seq.s32 s7, s2  }
0x1e: {  	s7 =	smul.u32 @!p0 $0xF7A, s2;
	p2 =	seq.s32 @!p0 s5, $0x0  }
0x1f: {  	s9 =	smul.u32 $0xF7A, s1;
	s8 =	simm.s32 @!p0 $0x1BF5;
	p2 =	por !p2, p0  }
0x20: {  	[sflag:s8] =	ssyncset.s32 @!p0 $0xFFFFF086;
	s6 =	sadd.s32 @!p0 s3, s7;
	s7 =	simm.s32 @!p0 $0x108  }
0x21: {  	s3 =	sadd.s32 s3, s9;
	s6 =	sadd.s32 @!p0 $0x88, s6;
	s7 =	simm.s32 @p2 $0x1082  }
0x22: {  	[simem:s7], [sflag:s8] =	dma.local @!p0 [hbm:s6], $0xF7A  }
0x23: {  	s9 =	sor.u32 $0xD0000000, s2;
	s6 =	simm.s32 $0x108;
	_ =	swait.ge @!p0 [sflag:s8], $0x0  }
0x24: {  	s3 =	sadd.s32 $0x88, s3;
	s6 =	simm.s32 @!p1 $0x1082;
	[sflag:s4] =	ssyncset.s32 $0xFFFFF086  }
0x25: {  	[simem:s6], [sflag:s4] =	dma.local [hbm:s3], $0xF7A  }
0x26: {  	[smem:$0x3F9C] =	sst s1;
	(tag) =	ssettag s2;
	_ =	strace s9  }
0x27: {  	s1 =	sld [smem:$0x3FAC]  }
0x28: {  	s2 =	sld [smem:$0x3FAD]  }
0x29: {  	s4 =	sld [smem:$0x3FAF]  }
0x2a: {  	p0 =	seq.s32 s5, $0x0;
	s5 =	sld [smem:$0x3FB0]  }
0x2b: {  	s6 =	sld [smem:$0x3FB1]  }
0x2c: {  	s7 =	sld [smem:$0x3FB2]  }
0x2d: {  	s3 =	simm.s32 $0x108;
	s8 =	sld [smem:$0x3FB3]  }
0x2e: {  	s3 =	simm.s32 @!p0 $0x1082;
	s9 =	sld [smem:$0x3FB4]  }
0x2f: {  	lr =	sadd.s32 s0, s3;
	s0 =	sld [smem:$0x3FAB]  }
0x30: {  	s3 =	sld [smem:$0x3FAE]  }
0x31: {  	[smem:$0x3FB7] =	sst s10  }
0x32: {  	s10 =	sld [smem:$0x3FB5];
	_ =	sdelay $0x3  }
0x33: {  	p0 =	seq.s32 s10, $0x1;
	s10 =	sld [smem:$0x3FB7];
	_ =	sdelay $0x3  }
0x34: {  	[smem:$0x3FB7] =	sst s10  }
0x35: {  	s10 =	sld [smem:$0x3FB6];
	_ =	sdelay $0x3  }
0x36: {  	p1 =	seq.s32 s10, $0x1;
	s10 =	sld [smem:$0x3FB7];
	_ =	sdelay $0x3  }
0x37: {  	[smem:$0x3FB7] =	sst s10  }
0x38: {  	s10 =	sld [smem:$0x3FB8]  }
0x39: {  	_ = 	snop;
	(pc) =	sbr.ind lr, $3  }
0x3a: {  	_ = 	snop  }
0x3b: {  	_ = 	snop  }
0x3c: {  	p2 =	seq.s32 s10, $0x1;
	s10 =	sld [smem:$0x3FB7]  }
0x3d: {  	_ =	shalt  }
0x3e: {  	_ =	shalt  }
0x3f: {  	_ =	shalt  }
0x40: {  	_ =	shalt  }
0x41: {  	_ =	shalt  }
0x42: {  	_ =	shalt  }
0x43: {  	_ =	shalt  }
0x44: {  	_ =	shalt  }
0x45: {  	_ =	shalt  }
0x46: {  	_ =	shalt  }
0x47: {  	_ =	shalt  }
0x48: {  	_ =	shalt  }
0x49: {  	_ =	shalt  }
0x4a: {  	_ =	shalt  }
0x4b: {  	_ =	shalt  }
0x4c: {  	_ =	shalt  }
0x4d: {  	_ =	shalt  }
0x4e: {  	_ =	shalt  }
0x4f: {  	_ =	shalt  }
0x50: {  	_ =	shalt  }
0x51: {  	_ =	shalt  }
0x52: {  	_ =	shalt  }
0x53: {  	_ =	shalt  }
0x54: {  	_ =	shalt  }
0x55: {  	_ =	shalt  }
0x56: {  	_ =	shalt  }
0x57: {  	_ =	shalt  }
0x58: {  	_ =	shalt  }
0x59: {  	_ =	shalt  }
0x5a: {  	_ =	shalt  }
0x5b: {  	_ =	shalt  }
0x5c: {  	_ =	shalt  }
0x5d: {  	_ =	shalt  }
0x5e: {  	_ =	shalt  }
0x5f: {  	_ =	shalt  }
0x60: {  	_ =	shalt  }
0x61: {  	_ =	shalt  }
0x62: {  	_ =	shalt  }
0x63: {  	_ =	shalt  }
0x64: {  	_ =	shalt  }
0x65: {  	_ =	shalt  }
0x66: {  	_ =	shalt  }
0x67: {  	_ =	shalt  }
0x68: {  	_ =	shalt  }
0x69: {  	_ =	shalt  }
0x6a: {  	_ =	shalt  }
0x6b: {  	_ =	shalt  }
0x6c: {  	_ =	shalt  }
0x6d: {  	_ =	shalt  }
0x6e: {  	_ =	shalt  }
0x6f: {  	_ =	shalt  }
0x70: {  	_ =	shalt  }
0x71: {  	_ =	shalt  }
0x72: {  	_ =	shalt  }
0x73: {  	_ =	shalt  }
0x74: {  	_ =	shalt  }
0x75: {  	_ =	shalt  }
0x76: {  	_ =	shalt  }
0x77: {  	_ =	shalt  }
0x78: {  	_ =	shalt  }
0x79: {  	_ =	shalt  }
0x7a: {  	_ =	shalt  }
0x7b: {  	_ =	shalt  }
0x7c: {  	_ =	shalt  }
0x7d: {  	_ =	shalt  }
0x7e: {  	_ =	shalt  }
0x7f: {  	_ =	shalt  }
0x80: {  	_ =	shalt  }
0x81: {  	_ =	shalt  }
0x82: {  	_ =	shalt  }
0x83: {  	_ =	shalt  }
0x84: {  	_ =	shalt  }
0x85: {  	_ =	shalt  }
0x86: {  	_ =	shalt  }
0x87: {  	_ =	shalt  }
.Lfunc_end0:
.L_simem_size_0:
called_computation.1_lowered:
.L_overlay_start_0:
0x88: {  	s2 =	sld [smem:$0x3FD9]  }
0x89: {  	s3 =	sld [smem:$0x3FFE];
	_ =	sdelay $0x1  }
0x8a: {  	s1 =	srdreg.scid  }
0x8b: {  	s0 =	sand.u32 $0x1, s1  }
0x8c: {  	s17 =	sshll.u32 s0, $0xA;
	s2 =	sadd.s32 s3, s2  }
0x8d: {  	s2 =	sadd.s32 s2, s17  }
0x8e: {  	[smem:$0x3FC3] =	sst s2  }
0x8f: {  	_ = 	snop  }
0x90: {  	s2 =	sld [smem:$0x3FD0];
	(tm) =	ssettm $0x1  }
0x91: {  	s18 =	sld [smem:$0x3FFB];
	_ =	sdelay $0x3  }
0x92: {  	_ =	strace s18  }
0x93: {  	s3 =	sld [smem:$0x3FFC];
	_ =	sdelay $0x3  }
0x94: {  	_ =	strace s3  }
0x95: {  	s3 =	sld [smem:$0x3FFD];
	_ =	sdelay $0x3  }
0x96: {  	_ =	strace s3  }
0x97: {  	_ =	strace $0x8FFFFFFF  }
0x98: {  	s19 =	sld [smem:$0x3FDB];
	_ =	sdelay $0x1  }
0x99: {  	s4 =	simm.s32 $_scs_section_size  }
0x9a: {  	s5 =	simm.s32 $_size__tile_overlayer_lowered;
	s6 =	simm.s32 $_tile_overlayer_lowered  }
0x9b: {  	s22 =	simm.s32 $0x1BFF;
	s21 =	sshll.u32 s6, $0x1;
	s3 =	sadd.s32 s4, s19  }
0x9c: {  	s7 =	simm.s32 $0x0;
	s20 =	sshll.u32 s5, $0x1;
	s5 =	sadd.s32 s21, s3  }
0x9d: {  	[timem:s7], [sflag:s22] =	dma.local [hbm:s5], s20  }
0x9e: {  	_ =	swait.ge [sflag:s22], s20  }
0x9f: {  	s4 =	ssub.s32 $0x0, s20;
	[sflag:s22] =	ssyncset.done $0x0  }
0xa0: {  	[sflag:s22] =	ssyncadd.s32 s4;
	_ =	sdelay $0x1  }
0xa1: {  	s23 =	simm.s32 $0x1B8B  }
0xa2: {  	_ =	swait.ge [sflag:s23], $0x1  }
0xa3: {  	[sflag:s23] =	ssyncset.done $0x0  }
0xa4: {  	s25 =	simm.s32 $0x1B8E;
	s24 =	sld [smem:$0x3FFE];
	[sflag:s23] =	ssyncadd.s32 $0xFFFFFFFF  }
0xa5: {  	s26 =	simm.s32 $execute0_lowered;
	[smem:$0x3FD2] =	sst s25  }
0xa6: {  	s5 =	sshll.u32 s26, $0x1;
	_ =	strace $0x80000049;
	[dreg:$0x1] =	wrdreg $0xFFFFFFFF  }
0xa7: {  	s28 =	simm.s32 $_size_execute0_lowered;
	s3 =	sadd.s32 s3, s5;
	[dreg:$0x0] =	wrdreg $0x0  }
0xa8: {  	s5 =	sshll.u32 s28, $0x1;
	[dreg:$0x2] =	wrdreg s3  }
0xa9: {  	[dreg:$0x3] =	wrdreg s5  }
0xaa: {  	[dreg:$0x4] =	wrdreg $0xC0  }
0xab: {  	_ =	task [dreg:s7], $0x5FFFF  }
0xac: {  	[dreg:$0x1] =	wrdreg $0xFFFFFFFF  }
0xad: {  	[dreg:$0x0] =	wrdreg $0x60  }
0xae: {  	[dreg:$0x2] =	wrdreg s2  }
0xaf: {  	[dreg:$0x3] =	wrdreg s24  }
0xb0: {  	[dreg:$0x4] =	wrdreg $0x9  }
0xb1: {  	_ =	task.clear_ibuf [dreg:s7], $0x5FFFF;
	_ =	strace $0x90000049  }
0xb2: {  	s29 =	simm.s32 $0x9;
	_ =	strace $0x8000004B  }
0xb3: {  	_ =	swait.ge [sflag:s29], $0x1  }
0xb4: {  	[sflag:s29] =	ssyncadd.s32 $0xFFFFFFFF  }
0xb5: {  	_ =	strace $0x9000004B  }
0xb6: {  	_ =	sfence  }
0xb7: {  	s30 =	sld [smem:$0x0];
	_ =	sdelay $0x2  }
0xb8: {  	s31 =	sshll.u32 s1, $0xD;
	s1 =	sshrl.u32 s1, $0x2  }
0xb9: {  	s3 =	sand.u32 $0x4000, s31;
	s1 =	sadd.s32 s1, s30  }
0xba: {  	s0 =	sor.u32 s3, s0;
	s1 =	sshll.u32 s1, $0x11  }
0xbb: {  	s0 =	sor.u32 s1, s0  }
0xbc: {  	s0 =	sadd.s32 $0x8F2B, s0  }
0xbd: {  	[sflag:s0] =	ssyncadd.remote.s32 $0x1  }
0xbe: {  	_ =	sfence.sel $0xFFFF  }
0xbf: {  	[dreg:$0x0] =	wrdreg $0xFFFFFFFF;
	(pc) =	sbr.abs _section_cstart, $3  }
0xc0: {  	[dreg:$0x1] =	wrdreg $0xFFFFFFFF  }
0xc1: {  	_ =	task.clear_ibuf [dreg:s7], $0x2FFFF;
	_ =	strace $0x9FFFFFFF  }
0xc2: {  	(tm) =	ssettm $0x7FFFFFFF  }
0xc3: {  	_ =	shalt  }
tec
execute0_lowered:
.L_overlay_start_1:
0x0: {  	(tag) =	ssettag $0x1  }
0x1: {  	s1 =	rddreg [dreg:$0x0]  }
0x2: {  	s0 =	rddreg [dreg:$0x1];
	s3 =	simm.s32 $0x0;
	s11 =	stileid.u32  }
0x3: {  	s6 =	srdreg.scid;
	s15 =	simm.s32 $0xA280;
	s18 =	simm.s32 $0x1  }
0x4: {  	s16 =	simm.s32 $0xC30;
	s17 =	simm.s32 $0x3C00;
	s28 =	simm.s32 $0x4  }
0x5: {  	[smem:$0x7FF] =	sst s3;
	s4 =	sadd.s32 $0x5400, s0;
	s2 =	sshrl.u32 s11, $0x2  }
0x6: {  	s5 =	sadd.s32 $0x58600, s0;
	s9 =	sand.u32 $0x1, s6;
	s6 =	sadd.s32 $0x7F800, s0  }
0x7: {  	s21 =	sshll.u32 s11, $0x1;
	_ =	strace $0x8000004A;
	s8 =	smul.u32 $0x13880, s2  }
0x8: {  	s10 =	ssub.s32 $0x2, s9;
	s7 =	smul.u32 $0x9C40, s2;
	s22 =	sand.u32 $0x6, s21  }
0x9: {  	s21 =	simm.s32 $0xC80;
	s20 =	sshrl.u32 s10, $0x1;
	s19 =	sadd.s32 s8, s0  }
0xa: {  	s10 =	ssub.s32 s10, s20;
	s23 =	sshrl.u32 s7, $0x3;
	s0 =	sor.u32 s9, s22  }
0xb: {  	s24 =	sadd.s32 $0x320, s7;
	s25 =	sadd.s32 s5, s7;
	s26 =	sadd.s32 s6, s7  }
0xc: {  	s20 =	simm.s32 $0x2;
	s22 =	simm.s32 $0x5;
	[dreg:$0x4] =	wrdreg s25  }
0xd: {  	s8 =	sadd.s32 s4, s23;
	[dreg:$0x5] =	wrdreg s26;
	s29 =	sshrl.u32 s24, $0x3  }
0xe: {  	s30 =	sadd.s32 s5, s24;
	s2 =	sadd.s32 $0xA400, s19;
	[dreg:$0x3] =	wrdreg s8  }
.Ltmp0:
0xf: {  	s31 =	smax.u32 s10, $0x1;
	[dreg:$0x7] =	wrdreg s30;
	(pc) =	sbr.rel .LBB2_1-.Ltmp0, $4  }
0x10: {  	s19 =	simm.s32 $0x50;
	s9 =	sadd.s32 s4, s29;
	[dreg:$0x9] =	wrdreg s31  }
0x11: {  	v2 =	vlaneseq.u32;
	s23 =	simm.s32 $0x2580;
	s8 =	sadd.s32 s6, s24;
	[dreg:$0x6] =	wrdreg s9  }
0x12: {  	v3 =	vimm.f32 $0.0e+00;
	v1 =	vshrl.u32 v2, $0x3;
	s25 =	simm.s32 $0x3;
	s2 =	sadd.s32 s0, s2;
	[dreg:$0x8] =	wrdreg s8  }
0x13: {  	v2 =	vand.u32 $0x7, v2;
	v1 =	vmul.u32 $0x8, v1;
	v0 =	vmov s0;
	s26 =	simm.s32 $0x6;
	[dreg:$0xa] =	wrdreg s2;
	s8 =	simm.s32 $0x0  }
.LBB2_24:
0x14: {  	s0 =	rddreg [dreg:$0xa]  }
0x15: {  	s2 =	simm.s32 $0x8;
	s8 =	simm.s32 $0x40;
	s29 =	simm.s32 $0x7  }
0x16: {  	[hbm4b:s0+s2] =	stream.strided.scatter [tilespmem:s15], [sflag:$0x7], $0x13880, s8, s2, $0x38;
	[tilespmem:$0x1DB00] =	vst v63  }
0x17: {  	_ =	swait.ge [sflag:s29], $0x13880  }
0x18: {  	s30 =	rddreg [dreg:$0xb]  }
0x19: {  	s31 =	rddreg [dreg:$0x9];
	s8 =	sadd.s32 $0x1, s30  }
0x1a: {  	p0 =	sne.s32 s8, s31  }
.Ltmp1:
0x1b: {  	_ = 	snop;
	(pc) =	sbr.rel @!p0 .LBB2_25-.Ltmp1, $3  }
0x1c: {  	_ =	sdelay $0x1  }
0x1d: {  	[sflag:s29] =	ssyncset.done $0x0  }
0x1e: {  	[sflag:s29] =	ssyncadd.s32 $0xFFFEC780  }
.LBB2_1:
0x1f: {  	s0 =	simm.s32 $0xE;
	s2 =	simm.s32 $0x2;
	s24 =	simm.s32 $0xC  }
0x20: {  	s29 =	simm.s32 $0x4;
	s30 =	simm.s32 $0x6;
	s31 =	simm.s32 $0x0;
	v4 =	vmov s0;
	v5 =	vmov s2;
	v6 =	vmov s24  }
0x21: {  	s9 =	simm.s32 $0x8;
	s10 =	simm.s32 $0xA;
	v7 =	vmov s29;
	v8 =	vmov s30;
	v9 =	vmov s31  }
0x22: {  	v10 =	vmov s9;
	v11 =	vmov s10;
	v4 =	vshll.u32 v4, $0x3  }
0x23: {  	s24 =	simm.s32 $0x16;
	s29 =	simm.s32 $0x10;
	s30 =	simm.s32 $0x18;
	v6 =	vshll.u32 v6, $0x3;
	v9 =	vshll.u32 v9, $0x3;
	v5 =	vshll.u32 v5, $0x3  }
0x24: {  	s31 =	simm.s32 $0x1A;
	v15 =	vmov s24;
	v16 =	vmov s29;
	v17 =	vmov s30  }
0x25: {  	v62 =	vmov s31;
	v6 =	vor.u32 v1, v6;
	v5 =	vor.u32 v1, v5  }
0x26: {  	v12 =	vor.u32 v2, v6;
	v6 =	vshll.u32 v7, $0x3;
	v7 =	vshll.u32 v8, $0x3  }
0x27: {  	v8 =	vor.u32 v1, v9;
	v9 =	vshll.u32 v10, $0x3;
	v10 =	vshll.u32 v11, $0x3  }
0x28: {  	v11 =	vor.u32 v1, v4;
	v13 =	vor.u32 v2, v5;
	v6 =	vor.u32 v1, v6  }
0x29: {  	v7 =	vor.u32 v1, v7;
	v9 =	vor.u32 v1, v9;
	v10 =	vor.u32 v1, v10  }
0x2a: {  	s13 =	simm.s32 $0x1C;
	v8 =	vor.u32 v2, v8;
	v14 =	vor.u32 v2, v6;
	v7 =	vor.u32 v2, v7  }
0x2b: {  	s11 =	simm.s32 $0x1E;
	v4 =	vor.u32 v2, v9;
	v6 =	vor.u32 v2, v11;
	v11 =	vmov s13  }
0x2c: {  	[dreg:$0xb] =	wrdreg s8;
	s12 =	simm.s32 $0x12;
	v9 =	vmov s11;
	v5 =	vor.u32 v2, v10;
	v11 =	vshll.u32 v11, $0x3  }
0x2d: {  	s14 =	simm.s32 $0x14;
	v10 =	vmov s12;
	v9 =	vshll.u32 v9, $0x3;
	v11 =	vor.u32 v1, v11;
	[tilespmem:v12+s15+$0x0] =	vst.idx.msk $0xffff, v3  }
0x2e: {  	v10 =	vshll.u32 v10, $0x3;
	v12 =	vmov s14;
	v18 =	vor.u32 v2, v11;
	[tilespmem:v13+s15+$0x0] =	vst.idx.msk $0xffff, v3  }
0x2f: {  	v13 =	vshll.u32 v17, $0x3;
	[tilespmem:v8+s15+$0x0] =	vst.idx.msk $0xffff, v3;
	v8 =	vshll.u32 v16, $0x3;
	v11 =	vshll.u32 v12, $0x3  }
0x30: {  	v12 =	vshll.u32 v15, $0x3;
	v13 =	vor.u32 v1, v13;
	[tilespmem:v14+s15+$0x0] =	vst.idx.msk $0xffff, v3;
	v8 =	vor.u32 v1, v8  }
0x31: {  	v14 =	vshll.u32 v62, $0x3;
	[tilespmem:v7+s15+$0x0] =	vst.idx.msk $0xffff, v3;
	v7 =	vor.u32 v1, v10;
	v15 =	vor.u32 v1, v11  }
0x32: {  	v63 =	vor.u32 v1, v12;
	v11 =	vor.u32 v1, v9;
	v13 =	vor.u32 v2, v13  }
0x33: {  	v12 =	vor.u32 v1, v14;
	v10 =	vor.u32 v2, v8;
	v8 =	vor.u32 v2, v7  }
0x34: {  	s0 =	simm.s32 $0x8;
	s2 =	simm.s32 $0x2E;
	v9 =	vor.u32 v2, v15;
	v7 =	vor.u32 v2, v63;
	[tilespmem:v18+s15+$0x0] =	vst.idx.msk $0xffff, v3  }
.LBB2_2:
0x35: {  	s8 =	sadd.s32 $0xFFFFFFF4, s2;
	s9 =	sadd.s32 $0xFFFFFFFE, s2;
	v14 =	vmov s2;
	s0 =	sadd.s32 $0x8, s0;
	v12 =	vor.u32 v2, v12;
	v11 =	vor.u32 v2, v11;
	[tilespmem:v4+s15+$0x0] =	vst.idx.msk $0xffff, v3;
	v4 =	vmovc v13  }
0x36: {  	s29 =	sadd.s32 $0xFFFFFFF8, s2;
	v13 =	vmov s8;
	s8 =	sadd.s32 $0xFFFFFFF6, s2;
	v15 =	vmov s9;
	v14 =	vshll.u32 v14, $0x3;
	p0 =	slt.u32 s0, $0x1380;
	[tilespmem:v5+s15+$0x0] =	vst.idx.msk $0xffff, v3;
	v5 =	vmovc v12  }
0x37: {  	s9 =	sadd.s32 $0xFFFFFFF2, s2;
	v16 =	vmov s29;
	s29 =	sadd.s32 $0xFFFFFFFC, s2;
	v12 =	vmov s8;
	s8 =	sadd.s32 $0xFFFFFFFA, s2;
	v15 =	vshll.u32 v15, $0x3;
	[tilespmem:v6+s15+$0x0] =	vst.idx.msk $0xffff, v3;
	v6 =	vmovc v11  }
0x38: {  	v11 =	vmov s9;
	v17 =	vmov s8;
	v15 =	vor.u32 v1, v15;
	[tilespmem:v10+s15+$0x0] =	vst.idx.msk $0xffff, v3  }
0x39: {  	v10 =	vshll.u32 v11, $0x3;
	v11 =	vmov s29;
	v15 =	vor.u32 v2, v15;
	[tilespmem:v8+s15+$0x0] =	vst.idx.msk $0xffff, v3  }
0x3a: {  	v12 =	vshll.u32 v12, $0x3;
	v8 =	vshll.u32 v13, $0x3;
	v13 =	vshll.u32 v16, $0x3;
	[tilespmem:v9+s15+$0x0] =	vst.idx.msk $0xffff, v3  }
.Ltmp2:
0x3b: {  	v11 =	vshll.u32 v11, $0x3;
	v9 =	vor.u32 v1, v10;
	v10 =	vshll.u32 v17, $0x3;
	[tilespmem:v7+s15+$0x0] =	vst.idx.msk $0xffff, v3;
	(pc) =	sbr.rel @p0 .LBB2_2-.Ltmp2, $4  }
0x3c: {  	v16 =	vor.u32 v1, v12;
	v13 =	vor.u32 v1, v13;
	v7 =	vor.u32 v1, v8  }
0x3d: {  	v12 =	vor.u32 v1, v11;
	v11 =	vor.u32 v1, v14;
	v17 =	vor.u32 v1, v10  }
0x3e: {  	v10 =	vor.u32 v2, v9;
	v8 =	vor.u32 v2, v7;
	[tilespmem:v15+s15+$0x0] =	vst.idx.msk $0xffff, v3  }
0x3f: {  	s2 =	sadd.s32 $0x10, s2;
	v9 =	vor.u32 v2, v16;
	v7 =	vor.u32 v2, v13;
	v13 =	vor.u32 v2, v17  }
0x40: {  	_ =	sdelay $0x3  }
0x41: {  	[tilespmem:v4+s15+$0x0] =	vst.idx.msk $0xffff, v3  }
0x42: {  	[tilespmem:v5+s15+$0x0] =	vst.idx.msk $0xffff, v3  }
0x43: {  	[tilespmem:v6+s15+$0x0] =	vst.idx.msk $0xffff, v3  }
0x44: {  	v4 =	vor.u32 v2, v12;
	[tilespmem:v10+s15+$0x0] =	vst.idx.msk $0xffff, v3  }
0x45: {  	v5 =	vor.u32 v2, v11;
	[tilespmem:v8+s15+$0x0] =	vst.idx.msk $0xffff, v3  }
0x46: {  	[tilespmem:v9+s15+$0x0] =	vst.idx.msk $0xffff, v3  }
0x47: {  	[tilespmem:v7+s15+$0x0] =	vst.idx.msk $0xffff, v3  }
0x48: {  	[tilespmem:v13+s15+$0x0] =	vst.idx.msk $0xffff, v3  }
0x49: {  	[tilespmem:v4+s15+$0x0] =	vst.idx.msk $0xffff, v3  }
0x4a: {  	[tilespmem:v5+s15+$0x0] =	vst.idx.msk $0xffff, v3  }
0x4b: {  	s0 =	rddreg [dreg:$0x3]  }
0x4c: {  	[tilespmem:s3], [sflag:$0x1] =	stream.linear.gather [hbm4b:s0+s3], $0x320, $0x38;
	[tilespmem:$0x1DB00] =	vst v63  }
0x4d: {  	s2 =	simm.s32 $0x3E80;
	s29 =	rddreg [dreg:$0x4]  }
0x4e: {  	[tilespmem:s2], [sflag:$0x3] =	stream.linear.gather [hbm4b:s29+s3], $0x1900, $0x38;
	[tilespmem:$0x1DB00] =	vst v63  }
0x4f: {  	s31 =	simm.s32 $0x7080;
	s30 =	rddreg [dreg:$0x5]  }
0x50: {  	[tilespmem:s31], [sflag:$0x3] =	stream.linear.gather [hbm4b:s30+s3], $0x1900, $0x38;
	[tilespmem:$0x1DB00] =	vst v63  }
0x51: {  	_ =	swait.ge [sflag:s18], $0x320  }
0x52: {  	[sflag:s18] =	ssyncset.done $0x0  }
0x53: {  	s8 =	simm.s32 $0x40;
	[sflag:s18] =	ssyncadd.s32 $0xFFFFFCE0  }
0x54: {  	v7 =	vld [tilespmem:s8+$0x30]  }
0x55: {  	v8 =	vld [tilespmem:s8+$0xFFFFFFD0]  }
0x56: {  	v9 =	vld [tilespmem:s8+$0xFFFFFFE0]  }
0x57: {  	v6 =	vld [tilespmem:s8+$0xFFFFFFF0]  }
0x58: {  	v4 =	vld [tilespmem:s8+$0x0]  }
0x59: {  	s0 =	simm.s32 $0x680;
	v5 =	vld [tilespmem:s8+$0x10];
	v10 =	vadd.s32 v0, v7  }
0x5a: {  	v11 =	vadd.s32 v0, v8;
	v7 =	vld [tilespmem:s8+$0x20];
	[tilespmem:s0+$0x30] =	vst v10  }
0x5b: {  	s2 =	simm.s32 $0x0;
	v8 =	vld [tilespmem:s8+$0xFFFFFFC0];
	v9 =	vadd.s32 v0, v9;
	s8 =	simm.s32 $0xC0;
	[tilespmem:s0+$0xFFFFFFD0] =	vst v11  }
.LBB2_4:
0x5c: {  	v10 =	vld [tilespmem:s8+$0x30];
	s2 =	sadd.s32 $0x8, s2;
	[tilespmem:s0+$0xFFFFFFE0] =	vst v9;
	v6 =	vadd.s32 v0, v6  }
0x5d: {  	v9 =	vld [tilespmem:s8+$0xFFFFFFD0];
	p0 =	slt.u32 s2, $0x28;
	[tilespmem:s0+$0xFFFFFFF0] =	vst v6;
	v4 =	vadd.s32 v0, v4  }
0x5e: {  	v11 =	vld [tilespmem:s8+$0xFFFFFFE0];
	[tilespmem:s0+$0x0] =	vst v4;
	v4 =	vadd.s32 v0, v5  }
.Ltmp3:
0x5f: {  	v6 =	vld [tilespmem:s8+$0xFFFFFFF0];
	[tilespmem:s0+$0x10] =	vst v4;
	v5 =	vadd.s32 v0, v7;
	(pc) =	sbr.rel @p0 .LBB2_4-.Ltmp3, $4  }
0x60: {  	v4 =	vld [tilespmem:s8+$0x0];
	v7 =	vadd.s32 v0, v8;
	[tilespmem:s0+$0x20] =	vst v5  }
0x61: {  	v5 =	vld [tilespmem:s8+$0x10];
	v8 =	vadd.s32 v0, v10;
	[tilespmem:s0+$0xFFFFFFC0] =	vst v7;
	s0 =	sadd.s32 $0x80, s0  }
0x62: {  	s9 =	simm.s32 $0x0;
	v9 =	vadd.s32 v0, v9;
	v7 =	vld [tilespmem:s8+$0x20];
	[tilespmem:s0+$0x30] =	vst v8  }
0x63: {  	v8 =	vld [tilespmem:s8+$0xFFFFFFC0];
	[tilespmem:s0+$0xFFFFFFD0] =	vst v9;
	v9 =	vadd.s32 v0, v11;
	s8 =	sadd.s32 $0x80, s8  }
0x64: {  	[tilespmem:s0+$0xFFFFFFE0] =	vst v9;
	v6 =	vadd.s32 v0, v6  }
0x65: {  	[tilespmem:s0+$0xFFFFFFF0] =	vst v6;
	v4 =	vadd.s32 v0, v4  }
0x66: {  	[tilespmem:s0+$0x0] =	vst v4;
	v4 =	vadd.s32 v0, v5  }
0x67: {  	[tilespmem:s0+$0x10] =	vst v4;
	v4 =	vadd.s32 v0, v7  }
0x68: {  	v5 =	vadd.s32 v0, v8;
	[tilespmem:s0+$0x20] =	vst v4  }
0x69: {  	[tilespmem:s0+$0xFFFFFFC0] =	vst v5  }
.LBB2_6:
0x6a: {  	s0 =	sshra.s32 s9, $0x2  }
0x6b: {  	v4 =	vld [tilespmem:s0+$0x300]  }
0x6c: {  	p0 =	sne.s32 s9, $0x40  }
.Ltmp4:
0x6d: {  	_ = 	snop;
	(pc) =	sbr.rel @p0 .LBB2_6-.Ltmp4, $3  }
0x6e: {  	_ =	sdelay $0x1  }
0x6f: {  	v4 =	vadd.s32 v0, v4  }
0x70: {  	s9 =	sadd.s32 $0x40, s9;
	[tilespmem:s0+$0x940] =	vst v4  }
0x71: {  	s0 =	simm.s32 $0x640  }
0x72: {  	[tilespmem:s21], [sflag:$0x5] =	stream.indirect.gather [hbm4b:s1+s19], $0x8, s0, s19, $0xb8;
	[tilespmem:$0x1DB00] =	vst v63  }
0x73: {  	s24 =	simm.s32 $0x690;
	s2 =	simm.s32 $0xF00  }
0x74: {  	[tilespmem:s2], [sflag:$0x5] =	stream.indirect.gather [hbm4b:s1+s19], $0x8, s24, s19, $0xb8;
	[tilespmem:$0x1DB00] =	vst v63  }
0x75: {  	s30 =	simm.s32 $0x6E0;
	s31 =	simm.s32 $0x1180  }
0x76: {  	[tilespmem:s31], [sflag:$0x5] =	stream.indirect.gather [hbm4b:s1+s19], $0x8, s30, s19, $0xb8;
	[tilespmem:$0x1DB00] =	vst v63  }
0x77: {  	s8 =	simm.s32 $0x730;
	s9 =	simm.s32 $0x1400  }
0x78: {  	[tilespmem:s9], [sflag:$0x5] =	stream.indirect.gather [hbm4b:s1+s19], $0x8, s8, s19, $0xb8;
	[tilespmem:$0x1DB00] =	vst v63  }
0x79: {  	s10 =	simm.s32 $0x780;
	s11 =	simm.s32 $0x1680  }
0x7a: {  	[tilespmem:s11], [sflag:$0x5] =	stream.indirect.gather [hbm4b:s1+s19], $0x8, s10, s19, $0xb8;
	[tilespmem:$0x1DB00] =	vst v63  }
0x7b: {  	s12 =	simm.s32 $0x7D0;
	s13 =	simm.s32 $0x1900  }
0x7c: {  	[tilespmem:s13], [sflag:$0x5] =	stream.indirect.gather [hbm4b:s1+s19], $0x8, s12, s19, $0xb8;
	[tilespmem:$0x1DB00] =	vst v63  }
0x7d: {  	s14 =	simm.s32 $0x820;
	s24 =	simm.s32 $0x1B80  }
0x7e: {  	[tilespmem:s24], [sflag:$0x5] =	stream.indirect.gather [hbm4b:s1+s19], $0x8, s14, s19, $0xb8;
	[tilespmem:$0x1DB00] =	vst v63  }
0x7f: {  	s30 =	simm.s32 $0x870;
	s31 =	simm.s32 $0x1E00  }
0x80: {  	[tilespmem:s31], [sflag:$0x5] =	stream.indirect.gather [hbm4b:s1+s19], $0x8, s30, s19, $0xb8;
	[tilespmem:$0x1DB00] =	vst v63  }
0x81: {  	s8 =	simm.s32 $0x8C0;
	s9 =	simm.s32 $0x2080  }
0x82: {  	[tilespmem:s9], [sflag:$0x5] =	stream.indirect.gather [hbm4b:s1+s19], $0x8, s8, s19, $0xb8;
	[tilespmem:$0x1DB00] =	vst v63  }
0x83: {  	s10 =	simm.s32 $0x910;
	s11 =	simm.s32 $0x2300  }
0x84: {  	[tilespmem:s11], [sflag:$0x5] =	stream.indirect.gather [hbm4b:s1+s19], $0x8, s10, s19, $0xb8;
	[tilespmem:$0x1DB00] =	vst v63  }
0x85: {  	s29 =	simm.s32 $0x0;
	s12 =	rddreg [dreg:$0x6];
	s13 =	simm.s32 $0x320  }
0x86: {  	[tilespmem:s13], [sflag:$0x2] =	stream.linear.gather [hbm4b:s12+s29], $0x320, $0x38;
	[tilespmem:$0x1DB00] =	vst v63  }
0x87: {  	s14 =	rddreg [dreg:$0x7];
	s24 =	simm.s32 $0x5780  }
0x88: {  	[tilespmem:s24], [sflag:$0x4] =	stream.linear.gather [hbm4b:s14+s29], $0x1900, $0x38;
	[tilespmem:$0x1DB00] =	vst v63  }
0x89: {  	s30 =	rddreg [dreg:$0x8];
	s31 =	simm.s32 $0x8980  }
0x8a: {  	[tilespmem:s31], [sflag:$0x4] =	stream.linear.gather [hbm4b:s30+s29], $0x1900, $0x38;
	[tilespmem:$0x1DB00] =	vst v63  }
.LBB2_8:
0x8b: {  	s0 =	sshll.u32 s29, $0x1  }
0x8c: {  	p0 =	seq.s32 s29, $0x18;
	s31 =	sadd.s32 $0x2, s0  }
0x8d: {  	s2 =	smul.u32 @!p0 $0x320, s31;
	_ =	sdelay $0x1  }
0x8e: {  	s2 =	sadd.s32 @!p0 s7, s2  }
0x8f: {  	s2 =	sshrl.u32 @!p0 s2, $0x3  }
0x90: {  	s8 =	simm.s32 @!p0 $0x0;
	s2 =	sadd.s32 @!p0 s4, s2  }
0x91: {  	[tilespmem:s8], [sflag:$0x1] =	stream.linear.gather @!p0 [hbm4b:s2+s8], $0x320, $0x38;
	[tilespmem:$0x1DB00] =	vst v63  }
0x92: {  	_ =	swait.ge [sflag:s20], $0x320  }
0x93: {  	[sflag:s20] =	ssyncset.done $0x0  }
0x94: {  	s9 =	simm.s32 $0x390;
	[sflag:s20] =	ssyncadd.s32 $0xFFFFFCE0  }
0x95: {  	v7 =	vld [tilespmem:s9+$0x0]  }
0x96: {  	v8 =	vld [tilespmem:s9+$0xFFFFFFA0]  }
0x97: {  	v9 =	vld [tilespmem:s9+$0xFFFFFFB0]  }
0x98: {  	v6 =	vld [tilespmem:s9+$0xFFFFFFC0]  }
0x99: {  	v4 =	vld [tilespmem:s9+$0xFFFFFFD0]  }
0x9a: {  	s2 =	simm.s32 $0x9D0;
	v5 =	vld [tilespmem:s9+$0xFFFFFFE0];
	v10 =	vadd.s32 v0, v7  }
0x9b: {  	v11 =	vadd.s32 v0, v8;
	v7 =	vld [tilespmem:s9+$0xFFFFFFF0];
	[tilespmem:s2+$0x0] =	vst v10  }
0x9c: {  	s8 =	simm.s32 $0x0;
	v8 =	vld [tilespmem:s9+$0xFFFFFF90];
	v9 =	vadd.s32 v0, v9;
	s9 =	simm.s32 $0x410;
	[tilespmem:s2+$0xFFFFFFA0] =	vst v11  }
.LBB2_9:
0x9d: {  	v10 =	vld [tilespmem:s9+$0x0];
	s8 =	sadd.s32 $0x8, s8;
	[tilespmem:s2+$0xFFFFFFB0] =	vst v9;
	v6 =	vadd.s32 v0, v6  }
0x9e: {  	v9 =	vld [tilespmem:s9+$0xFFFFFFA0];
	p1 =	slt.u32 s8, $0x28;
	[tilespmem:s2+$0xFFFFFFC0] =	vst v6;
	v4 =	vadd.s32 v0, v4  }
0x9f: {  	v11 =	vld [tilespmem:s9+$0xFFFFFFB0];
	[tilespmem:s2+$0xFFFFFFD0] =	vst v4;
	v4 =	vadd.s32 v0, v5  }
.Ltmp5:
0xa0: {  	v6 =	vld [tilespmem:s9+$0xFFFFFFC0];
	[tilespmem:s2+$0xFFFFFFE0] =	vst v4;
	v5 =	vadd.s32 v0, v7;
	(pc) =	sbr.rel @p1 .LBB2_9-.Ltmp5, $4  }
0xa1: {  	v4 =	vld [tilespmem:s9+$0xFFFFFFD0];
	v7 =	vadd.s32 v0, v8;
	[tilespmem:s2+$0xFFFFFFF0] =	vst v5  }
0xa2: {  	v5 =	vld [tilespmem:s9+$0xFFFFFFE0];
	v8 =	vadd.s32 v0, v10;
	[tilespmem:s2+$0xFFFFFF90] =	vst v7;
	s2 =	sadd.s32 $0x80, s2  }
0xa3: {  	s30 =	simm.s32 $0x0;
	v9 =	vadd.s32 v0, v9;
	v7 =	vld [tilespmem:s9+$0xFFFFFFF0];
	[tilespmem:s2+$0x0] =	vst v8  }
0xa4: {  	v8 =	vld [tilespmem:s9+$0xFFFFFF90];
	[tilespmem:s2+$0xFFFFFFA0] =	vst v9;
	v9 =	vadd.s32 v0, v11;
	s9 =	sadd.s32 $0x80, s9  }
0xa5: {  	[tilespmem:s2+$0xFFFFFFB0] =	vst v9;
	v6 =	vadd.s32 v0, v6  }
0xa6: {  	[tilespmem:s2+$0xFFFFFFC0] =	vst v6;
	v4 =	vadd.s32 v0, v4  }
0xa7: {  	[tilespmem:s2+$0xFFFFFFD0] =	vst v4;
	v4 =	vadd.s32 v0, v5  }
0xa8: {  	[tilespmem:s2+$0xFFFFFFE0] =	vst v4;
	v4 =	vadd.s32 v0, v7  }
0xa9: {  	v5 =	vadd.s32 v0, v8;
	[tilespmem:s2+$0xFFFFFFF0] =	vst v4  }
0xaa: {  	[tilespmem:s2+$0xFFFFFF90] =	vst v5  }
.LBB2_11:
0xab: {  	s2 =	sshra.s32 s30, $0x2  }
0xac: {  	v4 =	vld [tilespmem:s2+$0x620]  }
0xad: {  	p1 =	sne.s32 s30, $0x40  }
.Ltmp6:
0xae: {  	_ = 	snop;
	(pc) =	sbr.rel @p1 .LBB2_11-.Ltmp6, $3  }
0xaf: {  	_ =	sdelay $0x1  }
0xb0: {  	v4 =	vadd.s32 v0, v4  }
0xb1: {  	s30 =	sadd.s32 $0x40, s30;
	[tilespmem:s2+$0xC60] =	vst v4  }
0xb2: {  	s2 =	simm.s32 $0x960  }
0xb3: {  	[tilespmem:s23], [sflag:$0x6] =	stream.indirect.gather [hbm4b:s1+s19], $0x8, s2, s19, $0xb8;
	[tilespmem:$0x1DB00] =	vst v63  }
0xb4: {  	s24 =	simm.s32 $0x9B0;
	s8 =	simm.s32 $0x2800  }
0xb5: {  	[tilespmem:s8], [sflag:$0x6] =	stream.indirect.gather [hbm4b:s1+s19], $0x8, s24, s19, $0xb8;
	[tilespmem:$0x1DB00] =	vst v63  }
0xb6: {  	s9 =	simm.s32 $0x2A80;
	s8 =	simm.s32 $0xA00  }
0xb7: {  	[tilespmem:s9], [sflag:$0x6] =	stream.indirect.gather [hbm4b:s1+s19], $0x8, s8, s19, $0xb8;
	[tilespmem:$0x1DB00] =	vst v63  }
0xb8: {  	s10 =	simm.s32 $0xA50;
	s11 =	simm.s32 $0x2D00  }
0xb9: {  	[tilespmem:s11], [sflag:$0x6] =	stream.indirect.gather [hbm4b:s1+s19], $0x8, s10, s19, $0xb8;
	[tilespmem:$0x1DB00] =	vst v63  }
0xba: {  	s12 =	simm.s32 $0xAA0;
	s13 =	simm.s32 $0x2F80  }
0xbb: {  	[tilespmem:s13], [sflag:$0x6] =	stream.indirect.gather [hbm4b:s1+s19], $0x8, s12, s19, $0xb8;
	[tilespmem:$0x1DB00] =	vst v63  }
0xbc: {  	s14 =	simm.s32 $0xAF0;
	s24 =	simm.s32 $0x3200  }
0xbd: {  	[tilespmem:s24], [sflag:$0x6] =	stream.indirect.gather [hbm4b:s1+s19], $0x8, s14, s19, $0xb8;
	[tilespmem:$0x1DB00] =	vst v63  }
0xbe: {  	s30 =	sadd.s32 $0x3, s0;
	s8 =	simm.s32 $0xB40;
	s9 =	simm.s32 $0x3480  }
0xbf: {  	[tilespmem:s9], [sflag:$0x6] =	stream.indirect.gather [hbm4b:s1+s19], $0x8, s8, s19, $0xb8;
	[tilespmem:$0x1DB00] =	vst v63  }
0xc0: {  	s0 =	smul.u32 @!p0 $0x320, s30;
	s10 =	simm.s32 $0xB90;
	s11 =	simm.s32 $0x3700  }
0xc1: {  	[tilespmem:s11], [sflag:$0x6] =	stream.indirect.gather [hbm4b:s1+s19], $0x8, s10, s19, $0xb8;
	[tilespmem:$0x1DB00] =	vst v63  }
0xc2: {  	s0 =	sadd.s32 @!p0 s7, s0;
	s12 =	simm.s32 $0xBE0;
	s13 =	simm.s32 $0x3980  }
0xc3: {  	[tilespmem:s13], [sflag:$0x6] =	stream.indirect.gather [hbm4b:s1+s19], $0x8, s12, s19, $0xb8;
	[tilespmem:$0x1DB00] =	vst v63  }
0xc4: {  	s0 =	sshrl.u32 @!p0 s0, $0x3  }
0xc5: {  	[tilespmem:s17], [sflag:$0x6] =	stream.indirect.gather [hbm4b:s1+s19], $0x8, s16, s19, $0xb8;
	[tilespmem:$0x1DB00] =	vst v63  }
0xc6: {  	s2 =	simm.s32 @!p0 $0x0;
	s0 =	sadd.s32 @!p0 s4, s0;
	s8 =	simm.s32 @!p0 $0x320  }
0xc7: {  	[tilespmem:s8], [sflag:$0x2] =	stream.linear.gather @!p0 [hbm4b:s0+s2], $0x320, $0x38;
	[tilespmem:$0x1DB00] =	vst v63  }
0xc8: {  	_ =	swait.ge [sflag:s22], $0x280  }
0xc9: {  	[sflag:s22] =	ssyncset.done $0x0  }
0xca: {  	[sflag:s22] =	ssyncadd.s32 $0xFFFFFD80  }
0xcb: {  	_ =	swait.ge [sflag:s22], $0x280  }
0xcc: {  	[sflag:s22] =	ssyncset.done $0x0  }
0xcd: {  	[sflag:s22] =	ssyncadd.s32 $0xFFFFFD80  }
0xce: {  	_ =	swait.ge [sflag:s22], $0x280  }
0xcf: {  	[sflag:s22] =	ssyncset.done $0x0  }
0xd0: {  	[sflag:s22] =	ssyncadd.s32 $0xFFFFFD80  }
0xd1: {  	_ =	swait.ge [sflag:s22], $0x280  }
0xd2: {  	[sflag:s22] =	ssyncset.done $0x0  }
0xd3: {  	[sflag:s22] =	ssyncadd.s32 $0xFFFFFD80  }
0xd4: {  	_ =	swait.ge [sflag:s22], $0x280  }
0xd5: {  	[sflag:s22] =	ssyncset.done $0x0  }
0xd6: {  	[sflag:s22] =	ssyncadd.s32 $0xFFFFFD80  }
0xd7: {  	_ =	swait.ge [sflag:s22], $0x280  }
0xd8: {  	[sflag:s22] =	ssyncset.done $0x0  }
0xd9: {  	[sflag:s22] =	ssyncadd.s32 $0xFFFFFD80  }
0xda: {  	_ =	swait.ge [sflag:s22], $0x280  }
0xdb: {  	[sflag:s22] =	ssyncset.done $0x0  }
0xdc: {  	[sflag:s22] =	ssyncadd.s32 $0xFFFFFD80  }
0xdd: {  	_ =	swait.ge [sflag:s22], $0x280  }
0xde: {  	[sflag:s22] =	ssyncset.done $0x0  }
0xdf: {  	[sflag:s22] =	ssyncadd.s32 $0xFFFFFD80  }
0xe0: {  	_ =	swait.ge [sflag:s22], $0x280  }
0xe1: {  	[sflag:s22] =	ssyncset.done $0x0  }
0xe2: {  	[sflag:s22] =	ssyncadd.s32 $0xFFFFFD80  }
0xe3: {  	_ =	swait.ge [sflag:s22], $0x280  }
0xe4: {  	[sflag:s22] =	ssyncset.done $0x0  }
0xe5: {  	[sflag:s22] =	ssyncadd.s32 $0xFFFFFD80  }
0xe6: {  	s14 =	simm.s32 $0x1C;
	_ =	swait.ge [sflag:s25], $0x1900  }
0xe7: {  	v4 =	vmov s14;
	[sflag:s25] =	ssyncset.done $0x0  }
0xe8: {  	v4 =	vshll.u32 v4, $0x3;
	[sflag:s25] =	ssyncadd.s32 $0xFFFFE700  }
0xe9: {  	v4 =	vor.u32 v1, v4;
	_ =	swait.ge [sflag:s25], $0x1900  }
0xea: {  	v4 =	vor.u32 v2, v4;
	[sflag:s25] =	ssyncset.done $0x0  }
0xeb: {  	s0 =	simm.s32 $0x3F00;
	[sflag:s25] =	ssyncadd.s32 $0xFFFFE700  }
0xec: {  	v5 =	vld [tilespmem:s0+$0x60]  }
0xed: {  	v6 =	vld [tilespmem:s0+$0xFFFFFF80]  }
0xee: {  	v7 =	vld [tilespmem:s0+$0xFFFFFF90]  }
0xef: {  	s24 =	simm.s32 $0x1E;
	s2 =	simm.s32 $0x7100;
	v4 =	vld.idx.msk [tilespmem:v4+s21+$0x0], $0xffff  }
0xf0: {  	v9 =	vmov s24;
	s14 =	simm.s32 $0x10;
	s24 =	simm.s32 $0x12;
	v8 =	vld [tilespmem:s2+$0x60]  }
0xf1: {  	v20 =	vmov s14;
	v21 =	vmov s24;
	s14 =	simm.s32 $0x18;
	s24 =	simm.s32 $0x1A;
	v11 =	vld [tilespmem:s0+$0xFFFFFFA0]  }
0xf2: {  	v26 =	vmov s14;
	v28 =	vmov s24;
	s10 =	simm.s32 $0x6;
	s11 =	simm.s32 $0x8;
	v14 =	vld [tilespmem:s0+$0xFFFFFFB0]  }
0xf3: {  	v20 =	vshll.u32 v20, $0x3;
	v13 =	vmov s10;
	s10 =	simm.s32 $0xC;
	v15 =	vmov s11;
	v18 =	vld [tilespmem:s0+$0xFFFFFFC0]  }
0xf4: {  	s12 =	simm.s32 $0xA;
	s13 =	simm.s32 $0xE;
	v17 =	vmov s10;
	v13 =	vshll.u32 v13, $0x3;
	v15 =	vshll.u32 v15, $0x3;
	v22 =	vld [tilespmem:s0+$0xFFFFFFD0]  }
0xf5: {  	v16 =	vmov s12;
	v19 =	vmov s13;
	v13 =	vor.u32 v1, v13;
	v25 =	vld [tilespmem:s0+$0xFFFFFFE0]  }
0xf6: {  	v15 =	vor.u32 v1, v15;
	v16 =	vshll.u32 v16, $0x3;
	v13 =	vor.u32 v2, v13;
	v27 =	vld [tilespmem:s0+$0xFFFFFFF0]  }
0xf7: {  	v17 =	vshll.u32 v17, $0x3;
	v15 =	vor.u32 v2, v15;
	v16 =	vor.u32 v1, v16;
	v52 =	vld [tilespmem:s0+$0x10]  }
0xf8: {  	v19 =	vshll.u32 v19, $0x3;
	v17 =	vor.u32 v1, v17;
	v16 =	vor.u32 v2, v16;
	v29 =	vld [tilespmem:s0+$0x20]  }
0xf9: {  	v21 =	vshll.u32 v21, $0x3;
	s11 =	simm.s32 $0x14;
	v19 =	vor.u32 v1, v19;
	v17 =	vor.u32 v2, v17;
	v30 =	vld [tilespmem:s0+$0x30]  }
0xfa: {  	v20 =	vor.u32 v1, v20;
	v23 =	vmov s11;
	v19 =	vor.u32 v2, v19;
	v31 =	vld [tilespmem:s0+$0x40]  }
0xfb: {  	v21 =	vor.u32 v1, v21;
	v20 =	vor.u32 v2, v20;
	v23 =	vshll.u32 v23, $0x3;
	v13 =	vld.idx.msk [tilespmem:v13+s21+$0x0], $0xffff  }
0xfc: {  	v26 =	vshll.u32 v26, $0x3;
	v21 =	vor.u32 v2, v21;
	v23 =	vor.u32 v1, v23;
	v15 =	vld.idx.msk [tilespmem:v15+s21+$0x0], $0xffff  }
0xfd: {  	v28 =	vshll.u32 v28, $0x3;
	v26 =	vor.u32 v1, v26;
	v23 =	vor.u32 v2, v23;
	v16 =	vld.idx.msk [tilespmem:v16+s21+$0x0], $0xffff  }
0xfe: {  	v9 =	vshll.u32 v9, $0x3;
	v28 =	vor.u32 v1, v28;
	v26 =	vor.u32 v2, v26;
	v17 =	vld.idx.msk [tilespmem:v17+s21+$0x0], $0xffff  }
0xff: {  	v9 =	vor.u32 v1, v9;
	v28 =	vor.u32 v2, v28;
	v19 =	vld.idx.msk [tilespmem:v19+s21+$0x0], $0xffff  }
0x100: {  	v9 =	vor.u32 v2, v9;
	v20 =	vld.idx.msk [tilespmem:v20+s21+$0x0], $0xffff  }
0x101: {  	v21 =	vld.idx.msk [tilespmem:v21+s21+$0x0], $0xffff  }
0x102: {  	v23 =	vld.idx.msk [tilespmem:v23+s21+$0x0], $0xffff  }
0x103: {  	v26 =	vld.idx.msk [tilespmem:v26+s21+$0x0], $0xffff  }
0x104: {  	v28 =	vld.idx.msk [tilespmem:v28+s21+$0x0], $0xffff  }
0x105: {  	v33 =	vld.idx.msk [tilespmem:v9+s21+$0x0], $0xffff  }
0x106: {  	v9 =	vld [tilespmem:s2+$0xFFFFFF80]  }
0x107: {  	v34 =	vld [tilespmem:s0+$0x70]  }
0x108: {  	v35 =	vld [tilespmem:s2+$0xFFFFFF90];
	v5 =	vshll.u32 v5, $0x3  }
0x109: {  	s13 =	simm.s32 $0x16;
	v36 =	vld [tilespmem:s2+$0xFFFFFFA0];
	v5 =	vor.u32 v2, v5  }
0x10a: {  	s12 =	simm.s32 $0x0;
	v37 =	vld [tilespmem:s2+$0xFFFFFFB0];
	v4 =	vmul.f32 v8, v4;
	v8 =	vmov s13  }
0x10b: {  	s9 =	simm.s32 $0x2;
	v24 =	vmov s12;
	v38 =	vld [tilespmem:s2+$0xFFFFFFC0];
	v8 =	vshll.u32 v8, $0x3  }
0x10c: {  	v10 =	vmov s9;
	v24 =	vshll.u32 v24, $0x3;
	v39 =	vld [tilespmem:s2+$0xFFFFFFE0];
	v8 =	vor.u32 v1, v8  }
0x10d: {  	v10 =	vshll.u32 v10, $0x3;
	v24 =	vor.u32 v1, v24;
	v53 =	vld [tilespmem:s2+$0x0];
	v8 =	vor.u32 v2, v8  }
0x10e: {  	s9 =	simm.s32 $0x4;
	[tilespmem:v5+s15+$0x0] =	vst.idx.add.f32.msk $0xffff, v4;
	v5 =	vor.u32 v1, v10;
	v10 =	vor.u32 v2, v24  }
0x10f: {  	v12 =	vmov s9;
	v55 =	vld [tilespmem:s2+$0x10]  }
0x110: {  	v4 =	vshll.u32 v12, $0x3;
	v12 =	vld [tilespmem:s0+$0x0];
	v5 =	vor.u32 v2, v5  }
0x111: {  	v57 =	vld [tilespmem:s2+$0x20];
	v4 =	vor.u32 v1, v4  }
0x112: {  	v4 =	vor.u32 v2, v4;
	v32 =	vld.idx.msk [tilespmem:v8+s21+$0x0], $0xffff  }
0x113: {  	v10 =	vld.idx.msk [tilespmem:v10+s21+$0x0], $0xffff  }
0x114: {  	v6 =	vshll.u32 v6, $0x3;
	v8 =	vld [tilespmem:s0+$0x50]  }
0x115: {  	v6 =	vor.u32 v2, v6;
	v12 =	vshll.u32 v12, $0x3;
	v5 =	vld.idx.msk [tilespmem:v5+s21+$0x0], $0xffff  }
0x116: {  	v41 =	vor.u32 v2, v12;
	v12 =	vld [tilespmem:s2+$0x40]  }
0x117: {  	v7 =	vshll.u32 v7, $0x3;
	v54 =	vshll.u32 v22, $0x3;
	v4 =	vld.idx.msk [tilespmem:v4+s21+$0x0], $0xffff  }
0x118: {  	v58 =	vshll.u32 v30, $0x3;
	v7 =	vor.u32 v2, v7;
	v9 =	vmul.f32 v9, v10;
	v10 =	vld [tilespmem:s2+$0xFFFFFFD0]  }
0x119: {  	v59 =	vld [tilespmem:s2+$0x30];
	v13 =	vmul.f32 v37, v13;
	v15 =	vmul.f32 v38, v15;
	v8 =	vshll.u32 v8, $0x3  }
0x11a: {  	[tilespmem:v6+s15+$0x0] =	vst.idx.add.f32.msk $0xffff, v9;
	v9 =	vshll.u32 v14, $0x3;
	v14 =	vshll.u32 v18, $0x3;
	v18 =	vor.u32 v2, v54  }
0x11b: {  	v62 =	vld [tilespmem:s2+$0x70];
	v8 =	vor.u32 v2, v8;
	v5 =	vmul.f32 v35, v5;
	v6 =	vshll.u32 v11, $0x3  }
0x11c: {  	v12 =	vmul.f32 v12, v26;
	v11 =	vld [tilespmem:s2+$0xFFFFFFF0];
	v4 =	vmul.f32 v36, v4;
	v6 =	vor.u32 v2, v6  }
0x11d: {  	[tilespmem:v7+s15+$0x0] =	vst.idx.add.f32.msk $0xffff, v5;
	v5 =	vshll.u32 v25, $0x3;
	v9 =	vor.u32 v2, v9;
	v10 =	vmul.f32 v10, v16  }
0x11e: {  	v61 =	vld [tilespmem:s2+$0x50];
	v7 =	vshll.u32 v27, $0x3;
	v14 =	vor.u32 v2, v14;
	v16 =	vmul.f32 v53, v20  }
0x11f: {  	v24 =	vshll.u32 v52, $0x3;
	v60 =	vor.u32 v2, v5;
	v40 =	vor.u32 v2, v7;
	[tilespmem:v18+s15+$0x0] =	vst.idx.add.f32.msk $0xffff, v10  }
0x120: {  	v56 =	vshll.u32 v29, $0x3;
	v7 =	vor.u32 v2, v24;
	v5 =	vor.u32 v2, v58;
	[tilespmem:v41+s15+$0x0] =	vst.idx.add.f32.msk $0xffff, v16  }
0x121: {  	v31 =	vshll.u32 v31, $0x3;
	v11 =	vmul.f32 v11, v19;
	v10 =	vmul.f32 v62, v33;
	[tilespmem:v6+s15+$0x0] =	vst.idx.add.f32.msk $0xffff, v4  }
0x122: {  	v63 =	vshll.u32 v34, $0x3;
	v6 =	vor.u32 v2, v56;
	v4 =	vor.u32 v2, v31;
	[tilespmem:v9+s15+$0x0] =	vst.idx.add.f32.msk $0xffff, v13  }
0x123: {  	v9 =	vor.u32 v2, v63;
	v13 =	vmul.f32 v39, v17;
	[tilespmem:v14+s15+$0x0] =	vst.idx.add.f32.msk $0xffff, v15  }
0x124: {  	v15 =	vmul.f32 v55, v21;
	v14 =	vmul.f32 v57, v23;
	[tilespmem:v40+s15+$0x0] =	vst.idx.add.f32.msk $0xffff, v11  }
0x125: {  	s9 =	simm.s32 $0x3E;
	s8 =	simm.s32 $0x0;
	v11 =	vmul.f32 v61, v28;
	[tilespmem:v60+s15+$0x0] =	vst.idx.add.f32.msk $0xffff, v13;
	v13 =	vmul.f32 v59, v32  }
.LBB2_13:
0x126: {  	s10 =	sadd.s32 $0xFFFFFFE4, s9;
	s11 =	sadd.s32 $0xFFFFFFFE, s9;
	v16 =	vmov s9;
	s8 =	sadd.s32 $0x10, s8;
	[tilespmem:v7+s15+$0x0] =	vst.idx.add.f32.msk $0xffff, v15  }
0x127: {  	s12 =	sadd.s32 $0xFFFFFFE8, s9;
	v7 =	vmov s10;
	s10 =	sadd.s32 $0xFFFFFFE6, s9;
	v15 =	vmov s11;
	v16 =	vshll.u32 v16, $0x3;
	p1 =	slt.u32 s8, $0x180;
	[tilespmem:v6+s15+$0x0] =	vst.idx.add.f32.msk $0xffff, v14  }
0x128: {  	v14 =	vmov s12;
	s11 =	sadd.s32 $0xFFFFFFEC, s9;
	s12 =	sadd.s32 $0xFFFFFFEE, s9;
	v6 =	vmov s10;
	s10 =	sadd.s32 $0xFFFFFFEA, s9;
	v15 =	vshll.u32 v15, $0x3;
	[tilespmem:v5+s15+$0x0] =	vst.idx.add.f32.msk $0xffff, v13  }
0x129: {  	s13 =	sadd.s32 $0xFFFFFFF4, s9;
	v13 =	vmov s11;
	s11 =	sadd.s32 $0xFFFFFFF2, s9;
	v5 =	vmov s10;
	s10 =	sadd.s32 $0xFFFFFFF0, s9;
	v15 =	vor.u32 v1, v15;
	[tilespmem:v4+s15+$0x0] =	vst.idx.add.f32.msk $0xffff, v12  }
0x12a: {  	s14 =	sadd.s32 $0xFFFFFFFA, s9;
	v4 =	vmov s12;
	s12 =	sadd.s32 $0xFFFFFFF8, s9;
	v12 =	vmov s10;
	s10 =	sadd.s32 $0xFFFFFFF6, s9;
	v15 =	vor.u32 v2, v15;
	[tilespmem:v8+s15+$0x0] =	vst.idx.add.f32.msk $0xffff, v11  }
0x12b: {  	s24 =	sadd.s32 $0xFFFFFFE2, s9;
	s0 =	sadd.s32 $0x100, s0;
	v8 =	vmov s11;
	v11 =	vmov s13;
	v17 =	vmov s10;
	s10 =	sadd.s32 $0xFFFFFFFC, s9;
	[tilespmem:v9+s15+$0x0] =	vst.idx.add.f32.msk $0xffff, v10  }
0x12c: {  	v18 =	vmov s14;
	v9 =	vmov s24;
	v10 =	vmov s12;
	v19 =	vld [tilespmem:s0+$0x60]  }
0x12d: {  	v7 =	vshll.u32 v7, $0x3;
	v9 =	vshll.u32 v9, $0x3;
	v21 =	vmov s10;
	v20 =	vld [tilespmem:s0+$0xFFFFFF80]  }
0x12e: {  	v14 =	vshll.u32 v14, $0x3;
	v6 =	vshll.u32 v6, $0x3;
	v5 =	vshll.u32 v5, $0x3;
	v22 =	vld [tilespmem:s0+$0xFFFFFF90]  }
0x12f: {  	s2 =	sadd.s32 $0x100, s2;
	v13 =	vshll.u32 v13, $0x3;
	v4 =	vshll.u32 v4, $0x3;
	v12 =	vshll.u32 v12, $0x3;
	v15 =	vld.idx.msk [tilespmem:v15+s21+$0x0], $0xffff  }
0x130: {  	v8 =	vshll.u32 v8, $0x3;
	v11 =	vshll.u32 v11, $0x3;
	v17 =	vshll.u32 v17, $0x3;
	v23 =	vld [tilespmem:s2+$0x60]  }
0x131: {  	v18 =	vshll.u32 v18, $0x3;
	v10 =	vshll.u32 v10, $0x3;
	v24 =	vld [tilespmem:s0+$0xFFFFFFA0];
	v19 =	vshll.u32 v19, $0x3  }
0x132: {  	v9 =	vor.u32 v1, v9;
	v21 =	vshll.u32 v21, $0x3;
	v25 =	vld [tilespmem:s0+$0xFFFFFFB0];
	v19 =	vor.u32 v2, v19  }
0x133: {  	v7 =	vor.u32 v1, v7;
	v14 =	vor.u32 v1, v14;
	v6 =	vor.u32 v1, v6;
	v26 =	vld [tilespmem:s0+$0xFFFFFFC0]  }
0x134: {  	v13 =	vor.u32 v1, v13;
	v5 =	vor.u32 v1, v5;
	v4 =	vor.u32 v1, v4;
	v27 =	vld [tilespmem:s0+$0xFFFFFFD0]  }
0x135: {  	v12 =	vor.u32 v1, v12;
	v8 =	vor.u32 v1, v8;
	v28 =	vld [tilespmem:s0+$0xFFFFFFE0];
	v15 =	vmul.f32 v23, v15  }
0x136: {  	v11 =	vor.u32 v1, v11;
	v17 =	vor.u32 v1, v17;
	v10 =	vor.u32 v1, v10;
	v23 =	vld [tilespmem:s0+$0xFFFFFFF0]  }
0x137: {  	v18 =	vor.u32 v1, v18;
	v21 =	vor.u32 v1, v21;
	v20 =	vshll.u32 v20, $0x3;
	[tilespmem:v19+s15+$0x0] =	vst.idx.add.f32.msk $0xffff, v15  }
0x138: {  	v16 =	vor.u32 v1, v16;
	v7 =	vor.u32 v2, v7;
	v9 =	vor.u32 v2, v9;
	v15 =	vld [tilespmem:s0+$0x0]  }
0x139: {  	v14 =	vor.u32 v2, v14;
	v6 =	vor.u32 v2, v6;
	v5 =	vor.u32 v2, v5;
	v19 =	vld [tilespmem:s0+$0x10]  }
0x13a: {  	v13 =	vor.u32 v2, v13;
	v4 =	vor.u32 v2, v4;
	v12 =	vor.u32 v2, v12;
	v29 =	vld [tilespmem:s0+$0x20]  }
0x13b: {  	v8 =	vor.u32 v2, v8;
	v11 =	vor.u32 v2, v11;
	v17 =	vor.u32 v2, v17;
	v30 =	vld [tilespmem:s0+$0x30]  }
0x13c: {  	v18 =	vor.u32 v2, v18;
	v10 =	vor.u32 v2, v10;
	v21 =	vor.u32 v2, v21;
	v31 =	vld [tilespmem:s0+$0x40]  }
0x13d: {  	v16 =	vor.u32 v2, v16;
	v22 =	vshll.u32 v22, $0x3;
	v24 =	vshll.u32 v24, $0x3;
	v9 =	vld.idx.msk [tilespmem:v9+s21+$0x0], $0xffff  }
0x13e: {  	v32 =	vld.idx.msk [tilespmem:v7+s21+$0x0], $0xffff;
	v7 =	vshll.u32 v25, $0x3;
	v25 =	vshll.u32 v26, $0x3;
	v26 =	vshll.u32 v27, $0x3  }
0x13f: {  	v23 =	vshll.u32 v23, $0x3;
	v15 =	vshll.u32 v15, $0x3;
	v27 =	vld.idx.msk [tilespmem:v6+s21+$0x0], $0xffff;
	v6 =	vshll.u32 v28, $0x3  }
0x140: {  	v19 =	vshll.u32 v19, $0x3;
	v28 =	vshll.u32 v29, $0x3;
	v14 =	vld.idx.msk [tilespmem:v14+s21+$0x0], $0xffff;
	v29 =	vshll.u32 v30, $0x3  }
0x141: {  	v20 =	vor.u32 v2, v20;
	v22 =	vor.u32 v2, v22;
	v30 =	vld.idx.msk [tilespmem:v5+s21+$0x0], $0xffff;
	v31 =	vshll.u32 v31, $0x3  }
0x142: {  	v24 =	vor.u32 v2, v24;
	v33 =	vor.u32 v2, v7;
	v25 =	vor.u32 v2, v25;
	v13 =	vld.idx.msk [tilespmem:v13+s21+$0x0], $0xffff  }
0x143: {  	v23 =	vor.u32 v2, v23;
	v26 =	vor.u32 v2, v26;
	v35 =	vor.u32 v2, v6;
	v34 =	vld.idx.msk [tilespmem:v4+s21+$0x0], $0xffff  }
0x144: {  	v36 =	vor.u32 v2, v15;
	v7 =	vor.u32 v2, v19;
	v6 =	vor.u32 v2, v28;
	v12 =	vld.idx.msk [tilespmem:v12+s21+$0x0], $0xffff  }
0x145: {  	v5 =	vor.u32 v2, v29;
	v4 =	vor.u32 v2, v31;
	v15 =	vld.idx.msk [tilespmem:v8+s21+$0x0], $0xffff  }
0x146: {  	v11 =	vld.idx.msk [tilespmem:v11+s21+$0x0], $0xffff  }
0x147: {  	v17 =	vld.idx.msk [tilespmem:v17+s21+$0x0], $0xffff  }
0x148: {  	v10 =	vld.idx.msk [tilespmem:v10+s21+$0x0], $0xffff  }
0x149: {  	v18 =	vld.idx.msk [tilespmem:v18+s21+$0x0], $0xffff  }
0x14a: {  	v19 =	vld.idx.msk [tilespmem:v21+s21+$0x0], $0xffff  }
0x14b: {  	v16 =	vld.idx.msk [tilespmem:v16+s21+$0x0], $0xffff  }
0x14c: {  	v8 =	vld [tilespmem:s0+$0x50]  }
0x14d: {  	v21 =	vld [tilespmem:s0+$0x70]  }
0x14e: {  	v28 =	vld [tilespmem:s2+$0xFFFFFF80]  }
0x14f: {  	v29 =	vld [tilespmem:s2+$0xFFFFFF90]  }
0x150: {  	v31 =	vld [tilespmem:s2+$0xFFFFFFA0]  }
0x151: {  	v37 =	vld [tilespmem:s2+$0xFFFFFFB0];
	v8 =	vshll.u32 v8, $0x3  }
0x152: {  	v38 =	vld [tilespmem:s2+$0xFFFFFFC0];
	v8 =	vor.u32 v2, v8;
	v21 =	vshll.u32 v21, $0x3  }
0x153: {  	v28 =	vmul.f32 v28, v9;
	v39 =	vld [tilespmem:s2+$0xFFFFFFD0];
	v9 =	vor.u32 v2, v21  }
0x154: {  	v21 =	vmul.f32 v29, v32;
	v29 =	vld [tilespmem:s2+$0xFFFFFFE0]  }
0x155: {  	v27 =	vmul.f32 v31, v27;
	v31 =	vld [tilespmem:s2+$0xFFFFFFF0]  }
0x156: {  	v32 =	vmul.f32 v37, v14;
	v14 =	vld [tilespmem:s2+$0x0]  }
0x157: {  	v30 =	vmul.f32 v38, v30;
	v37 =	vld [tilespmem:s2+$0x10]  }
0x158: {  	v38 =	vmul.f32 v39, v13;
	v13 =	vld [tilespmem:s2+$0x20]  }
0x159: {  	v29 =	vmul.f32 v29, v34;
	v34 =	vld [tilespmem:s2+$0x30]  }
0x15a: {  	v31 =	vmul.f32 v31, v12;
	v12 =	vld [tilespmem:s2+$0x40]  }
0x15b: {  	v39 =	vmul.f32 v14, v15;
	v40 =	vld [tilespmem:s2+$0x50]  }
0x15c: {  	v15 =	vmul.f32 v37, v11;
	v37 =	vld [tilespmem:s2+$0x70]  }
0x15d: {  	[tilespmem:v20+s15+$0x0] =	vst.idx.add.f32.msk $0xffff, v28;
	v14 =	vmul.f32 v13, v17  }
0x15e: {  	[tilespmem:v22+s15+$0x0] =	vst.idx.add.f32.msk $0xffff, v21;
	v13 =	vmul.f32 v34, v10  }
0x15f: {  	[tilespmem:v24+s15+$0x0] =	vst.idx.add.f32.msk $0xffff, v27;
	v12 =	vmul.f32 v12, v18  }
0x160: {  	[tilespmem:v33+s15+$0x0] =	vst.idx.add.f32.msk $0xffff, v32;
	v11 =	vmul.f32 v40, v19  }
.Ltmp7:
0x161: {  	[tilespmem:v25+s15+$0x0] =	vst.idx.add.f32.msk $0xffff, v30;
	v10 =	vmul.f32 v37, v16;
	(pc) =	sbr.rel @p1 .LBB2_13-.Ltmp7, $4  }
0x162: {  	[tilespmem:v26+s15+$0x0] =	vst.idx.add.f32.msk $0xffff, v38  }
0x163: {  	[tilespmem:v35+s15+$0x0] =	vst.idx.add.f32.msk $0xffff, v29  }
0x164: {  	[tilespmem:v23+s15+$0x0] =	vst.idx.add.f32.msk $0xffff, v31  }
0x165: {  	s9 =	sadd.s32 $0x20, s9;
	[tilespmem:v36+s15+$0x0] =	vst.idx.add.f32.msk $0xffff, v39  }
0x166: {  	_ =	sdelay $0x3  }
0x167: {  	[tilespmem:v7+s15+$0x0] =	vst.idx.add.f32.msk $0xffff, v15  }
.Ltmp8:
0x168: {  	[tilespmem:v6+s15+$0x0] =	vst.idx.add.f32.msk $0xffff, v14;
	(pc) =	sbr.rel @p0 .LBB2_20-.Ltmp8, $4  }
0x169: {  	[tilespmem:v5+s15+$0x0] =	vst.idx.add.f32.msk $0xffff, v13  }
0x16a: {  	[tilespmem:v4+s15+$0x0] =	vst.idx.add.f32.msk $0xffff, v12  }
0x16b: {  	[tilespmem:v8+s15+$0x0] =	vst.idx.add.f32.msk $0xffff, v11  }
0x16c: {  	[tilespmem:v9+s15+$0x0] =	vst.idx.add.f32.msk $0xffff, v10  }
0x16d: {  	s0 =	smul.u32 $0x320, s31;
	_ =	sdelay $0x1  }
0x16e: {  	s0 =	sadd.s32 s7, s0  }
0x16f: {  	s8 =	simm.s32 $0x3E80;
	s2 =	sadd.s32 s5, s0  }
0x170: {  	[tilespmem:s8], [sflag:$0x3] =	stream.linear.gather [hbm4b:s2+s3], $0x1900, $0x38;
	[tilespmem:$0x1DB00] =	vst v63  }
0x171: {  	s24 =	simm.s32 $0x7080;
	s0 =	sadd.s32 s6, s0  }
0x172: {  	[tilespmem:s24], [sflag:$0x3] =	stream.linear.gather [hbm4b:s0+s3], $0x1900, $0x38;
	[tilespmem:$0x1DB00] =	vst v63  }
0x173: {  	_ =	swait.ge [sflag:s18], $0x320  }
0x174: {  	[sflag:s18] =	ssyncset.done $0x0  }
0x175: {  	s31 =	simm.s32 $0x40;
	[sflag:s18] =	ssyncadd.s32 $0xFFFFFCE0  }
0x176: {  	v7 =	vld [tilespmem:s31+$0x30]  }
0x177: {  	v8 =	vld [tilespmem:s31+$0xFFFFFFD0]  }
0x178: {  	v9 =	vld [tilespmem:s31+$0xFFFFFFE0]  }
0x179: {  	v6 =	vld [tilespmem:s31+$0xFFFFFFF0]  }
0x17a: {  	v4 =	vld [tilespmem:s31+$0x0]  }
0x17b: {  	s0 =	simm.s32 $0x680;
	v5 =	vld [tilespmem:s31+$0x10];
	v10 =	vadd.s32 v0, v7  }
0x17c: {  	v11 =	vadd.s32 v0, v8;
	v7 =	vld [tilespmem:s31+$0x20];
	[tilespmem:s0+$0x30] =	vst v10  }
0x17d: {  	s2 =	simm.s32 $0x0;
	s8 =	simm.s32 $0xC0;
	v8 =	vld [tilespmem:s31+$0xFFFFFFC0];
	v9 =	vadd.s32 v0, v9;
	[tilespmem:s0+$0xFFFFFFD0] =	vst v11  }
.LBB2_16:
0x17e: {  	v10 =	vld [tilespmem:s8+$0x30];
	s2 =	sadd.s32 $0x8, s2;
	[tilespmem:s0+$0xFFFFFFE0] =	vst v9;
	v6 =	vadd.s32 v0, v6  }
0x17f: {  	v9 =	vld [tilespmem:s8+$0xFFFFFFD0];
	p1 =	slt.u32 s2, $0x28;
	[tilespmem:s0+$0xFFFFFFF0] =	vst v6;
	v4 =	vadd.s32 v0, v4  }
0x180: {  	v11 =	vld [tilespmem:s8+$0xFFFFFFE0];
	[tilespmem:s0+$0x0] =	vst v4;
	v4 =	vadd.s32 v0, v5  }
.Ltmp9:
0x181: {  	v6 =	vld [tilespmem:s8+$0xFFFFFFF0];
	[tilespmem:s0+$0x10] =	vst v4;
	v5 =	vadd.s32 v0, v7;
	(pc) =	sbr.rel @p1 .LBB2_16-.Ltmp9, $4  }
0x182: {  	v4 =	vld [tilespmem:s8+$0x0];
	v7 =	vadd.s32 v0, v8;
	[tilespmem:s0+$0x20] =	vst v5  }
0x183: {  	v5 =	vld [tilespmem:s8+$0x10];
	v8 =	vadd.s32 v0, v10;
	[tilespmem:s0+$0xFFFFFFC0] =	vst v7;
	s0 =	sadd.s32 $0x80, s0  }
0x184: {  	s9 =	simm.s32 $0x0;
	v9 =	vadd.s32 v0, v9;
	v7 =	vld [tilespmem:s8+$0x20];
	[tilespmem:s0+$0x30] =	vst v8  }
0x185: {  	v8 =	vld [tilespmem:s8+$0xFFFFFFC0];
	[tilespmem:s0+$0xFFFFFFD0] =	vst v9;
	v9 =	vadd.s32 v0, v11;
	s8 =	sadd.s32 $0x80, s8  }
0x186: {  	[tilespmem:s0+$0xFFFFFFE0] =	vst v9;
	v6 =	vadd.s32 v0, v6  }
0x187: {  	[tilespmem:s0+$0xFFFFFFF0] =	vst v6;
	v4 =	vadd.s32 v0, v4  }
0x188: {  	[tilespmem:s0+$0x0] =	vst v4;
	v4 =	vadd.s32 v0, v5  }
0x189: {  	[tilespmem:s0+$0x10] =	vst v4;
	v4 =	vadd.s32 v0, v7  }
0x18a: {  	v5 =	vadd.s32 v0, v8;
	[tilespmem:s0+$0x20] =	vst v4  }
0x18b: {  	[tilespmem:s0+$0xFFFFFFC0] =	vst v5  }
.LBB2_18:
0x18c: {  	s0 =	sshra.s32 s9, $0x2  }
0x18d: {  	v4 =	vld [tilespmem:s0+$0x300]  }
0x18e: {  	p1 =	sne.s32 s9, $0x40  }
.Ltmp10:
0x18f: {  	_ = 	snop;
	(pc) =	sbr.rel @p1 .LBB2_18-.Ltmp10, $3  }
0x190: {  	_ =	sdelay $0x1  }
0x191: {  	v4 =	vadd.s32 v0, v4  }
0x192: {  	s9 =	sadd.s32 $0x40, s9;
	[tilespmem:s0+$0x940] =	vst v4  }
0x193: {  	s0 =	simm.s32 $0x640  }
0x194: {  	[tilespmem:s21], [sflag:$0x5] =	stream.indirect.gather [hbm4b:s1+s19], $0x8, s0, s19, $0xb8;
	[tilespmem:$0x1DB00] =	vst v63  }
0x195: {  	s10 =	simm.s32 $0x690;
	s2 =	simm.s32 $0xF00  }
0x196: {  	[tilespmem:s2], [sflag:$0x5] =	stream.indirect.gather [hbm4b:s1+s19], $0x8, s10, s19, $0xb8;
	[tilespmem:$0x1DB00] =	vst v63  }
0x197: {  	s11 =	simm.s32 $0x6E0;
	s12 =	simm.s32 $0x1180  }
0x198: {  	[tilespmem:s12], [sflag:$0x5] =	stream.indirect.gather [hbm4b:s1+s19], $0x8, s11, s19, $0xb8;
	[tilespmem:$0x1DB00] =	vst v63  }
0x199: {  	s13 =	simm.s32 $0x730;
	s14 =	simm.s32 $0x1400  }
0x19a: {  	[tilespmem:s14], [sflag:$0x5] =	stream.indirect.gather [hbm4b:s1+s19], $0x8, s13, s19, $0xb8;
	[tilespmem:$0x1DB00] =	vst v63  }
0x19b: {  	s24 =	simm.s32 $0x780;
	s31 =	simm.s32 $0x1680  }
0x19c: {  	[tilespmem:s31], [sflag:$0x5] =	stream.indirect.gather [hbm4b:s1+s19], $0x8, s24, s19, $0xb8;
	[tilespmem:$0x1DB00] =	vst v63  }
0x19d: {  	s8 =	simm.s32 $0x1900;
	s2 =	simm.s32 $0x7D0  }
0x19e: {  	[tilespmem:s8], [sflag:$0x5] =	stream.indirect.gather [hbm4b:s1+s19], $0x8, s2, s19, $0xb8;
	[tilespmem:$0x1DB00] =	vst v63  }
0x19f: {  	s9 =	simm.s32 $0x820;
	s10 =	simm.s32 $0x1B80  }
0x1a0: {  	[tilespmem:s10], [sflag:$0x5] =	stream.indirect.gather [hbm4b:s1+s19], $0x8, s9, s19, $0xb8;
	[tilespmem:$0x1DB00] =	vst v63  }
0x1a1: {  	s11 =	simm.s32 $0x870;
	s12 =	simm.s32 $0x1E00  }
0x1a2: {  	[tilespmem:s12], [sflag:$0x5] =	stream.indirect.gather [hbm4b:s1+s19], $0x8, s11, s19, $0xb8;
	[tilespmem:$0x1DB00] =	vst v63  }
0x1a3: {  	s13 =	simm.s32 $0x8C0;
	s14 =	simm.s32 $0x2080  }
0x1a4: {  	[tilespmem:s14], [sflag:$0x5] =	stream.indirect.gather [hbm4b:s1+s19], $0x8, s13, s19, $0xb8;
	[tilespmem:$0x1DB00] =	vst v63  }
0x1a5: {  	s24 =	simm.s32 $0x910;
	s31 =	simm.s32 $0x2300  }
0x1a6: {  	[tilespmem:s31], [sflag:$0x5] =	stream.indirect.gather [hbm4b:s1+s19], $0x8, s24, s19, $0xb8;
	[tilespmem:$0x1DB00] =	vst v63  }
.LBB2_20:
0x1a7: {  	_ =	swait.ge [sflag:s26], $0x280  }
0x1a8: {  	[sflag:s26] =	ssyncset.done $0x0  }
0x1a9: {  	[sflag:s26] =	ssyncadd.s32 $0xFFFFFD80  }
0x1aa: {  	_ =	swait.ge [sflag:s26], $0x280  }
0x1ab: {  	[sflag:s26] =	ssyncset.done $0x0  }
0x1ac: {  	[sflag:s26] =	ssyncadd.s32 $0xFFFFFD80  }
0x1ad: {  	_ =	swait.ge [sflag:s26], $0x280  }
0x1ae: {  	[sflag:s26] =	ssyncset.done $0x0  }
0x1af: {  	[sflag:s26] =	ssyncadd.s32 $0xFFFFFD80  }
0x1b0: {  	_ =	swait.ge [sflag:s26], $0x280  }
0x1b1: {  	[sflag:s26] =	ssyncset.done $0x0  }
0x1b2: {  	[sflag:s26] =	ssyncadd.s32 $0xFFFFFD80  }
0x1b3: {  	_ =	swait.ge [sflag:s26], $0x280  }
0x1b4: {  	[sflag:s26] =	ssyncset.done $0x0  }
0x1b5: {  	[sflag:s26] =	ssyncadd.s32 $0xFFFFFD80  }
0x1b6: {  	_ =	swait.ge [sflag:s26], $0x280  }
0x1b7: {  	[sflag:s26] =	ssyncset.done $0x0  }
0x1b8: {  	[sflag:s26] =	ssyncadd.s32 $0xFFFFFD80  }
0x1b9: {  	_ =	swait.ge [sflag:s26], $0x280  }
0x1ba: {  	[sflag:s26] =	ssyncset.done $0x0  }
0x1bb: {  	[sflag:s26] =	ssyncadd.s32 $0xFFFFFD80  }
0x1bc: {  	_ =	swait.ge [sflag:s26], $0x280  }
0x1bd: {  	[sflag:s26] =	ssyncset.done $0x0  }
0x1be: {  	[sflag:s26] =	ssyncadd.s32 $0xFFFFFD80  }
0x1bf: {  	_ =	swait.ge [sflag:s26], $0x280  }
0x1c0: {  	[sflag:s26] =	ssyncset.done $0x0  }
0x1c1: {  	[sflag:s26] =	ssyncadd.s32 $0xFFFFFD80  }
0x1c2: {  	_ =	swait.ge [sflag:s26], $0x280  }
0x1c3: {  	[sflag:s26] =	ssyncset.done $0x0  }
0x1c4: {  	[sflag:s26] =	ssyncadd.s32 $0xFFFFFD80  }
0x1c5: {  	s0 =	simm.s32 $0x1C;
	_ =	swait.ge [sflag:s28], $0x1900  }
0x1c6: {  	v4 =	vmov s0;
	[sflag:s28] =	ssyncset.done $0x0  }
0x1c7: {  	v4 =	vshll.u32 v4, $0x3;
	[sflag:s28] =	ssyncadd.s32 $0xFFFFE700  }
0x1c8: {  	v4 =	vor.u32 v1, v4;
	_ =	swait.ge [sflag:s28], $0x1900  }
0x1c9: {  	v4 =	vor.u32 v2, v4;
	[sflag:s28] =	ssyncset.done $0x0  }
0x1ca: {  	s0 =	simm.s32 $0x5870;
	[sflag:s28] =	ssyncadd.s32 $0xFFFFE700  }
0x1cb: {  	v5 =	vld [tilespmem:s0+$0xFFFFFFF0]  }
0x1cc: {  	v6 =	vld [tilespmem:s0+$0xFFFFFF10]  }
0x1cd: {  	v7 =	vld [tilespmem:s0+$0xFFFFFF20]  }
0x1ce: {  	s2 =	simm.s32 $0x8A70;
	v4 =	vld.idx.msk [tilespmem:v4+s23+$0x0], $0xffff  }
0x1cf: {  	s8 =	simm.s32 $0x1E;
	s11 =	simm.s32 $0x4;
	s12 =	simm.s32 $0x6;
	v8 =	vld [tilespmem:s2+$0xFFFFFFF0]  }
0x1d0: {  	s13 =	simm.s32 $0x8;
	s14 =	simm.s32 $0xA;
	s10 =	simm.s32 $0xC;
	v9 =	vmov s8;
	v12 =	vmov s11;
	v13 =	vmov s12;
	v11 =	vld [tilespmem:s0+$0xFFFFFF30]  }
0x1d1: {  	s24 =	simm.s32 $0xE;
	s31 =	simm.s32 $0x10;
	v15 =	vmov s13;
	v16 =	vmov s14;
	s11 =	simm.s32 $0x12;
	v17 =	vmov s10;
	v14 =	vld [tilespmem:s0+$0xFFFFFF40]  }
0x1d2: {  	v19 =	vmov s24;
	s12 =	simm.s32 $0x14;
	v20 =	vmov s31;
	s24 =	simm.s32 $0x18;
	v21 =	vmov s11;
	v18 =	vld [tilespmem:s0+$0xFFFFFF50]  }
0x1d3: {  	s31 =	simm.s32 $0x1A;
	v23 =	vmov s12;
	v26 =	vmov s24;
	v13 =	vshll.u32 v13, $0x3;
	v22 =	vld [tilespmem:s0+$0xFFFFFF60]  }
0x1d4: {  	v28 =	vmov s31;
	v15 =	vshll.u32 v15, $0x3;
	v13 =	vor.u32 v1, v13;
	v25 =	vld [tilespmem:s0+$0xFFFFFF70]  }
0x1d5: {  	v16 =	vshll.u32 v16, $0x3;
	v15 =	vor.u32 v1, v15;
	v13 =	vor.u32 v2, v13;
	v27 =	vld [tilespmem:s0+$0xFFFFFF80]  }
0x1d6: {  	v17 =	vshll.u32 v17, $0x3;
	v16 =	vor.u32 v1, v16;
	v15 =	vor.u32 v2, v15;
	v52 =	vld [tilespmem:s0+$0xFFFFFFA0]  }
0x1d7: {  	v19 =	vshll.u32 v19, $0x3;
	v17 =	vor.u32 v1, v17;
	v16 =	vor.u32 v2, v16;
	v29 =	vld [tilespmem:s0+$0xFFFFFFB0]  }
0x1d8: {  	v20 =	vshll.u32 v20, $0x3;
	v19 =	vor.u32 v1, v19;
	v17 =	vor.u32 v2, v17;
	v30 =	vld [tilespmem:s0+$0xFFFFFFC0]  }
0x1d9: {  	v21 =	vshll.u32 v21, $0x3;
	v20 =	vor.u32 v1, v20;
	v19 =	vor.u32 v2, v19;
	v31 =	vld [tilespmem:s0+$0xFFFFFFD0]  }
0x1da: {  	v23 =	vshll.u32 v23, $0x3;
	v21 =	vor.u32 v1, v21;
	v20 =	vor.u32 v2, v20;
	v13 =	vld.idx.msk [tilespmem:v13+s23+$0x0], $0xffff  }
0x1db: {  	v26 =	vshll.u32 v26, $0x3;
	v23 =	vor.u32 v1, v23;
	v21 =	vor.u32 v2, v21;
	v15 =	vld.idx.msk [tilespmem:v15+s23+$0x0], $0xffff  }
0x1dc: {  	v28 =	vshll.u32 v28, $0x3;
	v26 =	vor.u32 v1, v26;
	v23 =	vor.u32 v2, v23;
	v16 =	vld.idx.msk [tilespmem:v16+s23+$0x0], $0xffff  }
0x1dd: {  	v9 =	vshll.u32 v9, $0x3;
	v28 =	vor.u32 v1, v28;
	v26 =	vor.u32 v2, v26;
	v17 =	vld.idx.msk [tilespmem:v17+s23+$0x0], $0xffff  }
0x1de: {  	v9 =	vor.u32 v1, v9;
	v28 =	vor.u32 v2, v28;
	v19 =	vld.idx.msk [tilespmem:v19+s23+$0x0], $0xffff  }
0x1df: {  	v9 =	vor.u32 v2, v9;
	v20 =	vld.idx.msk [tilespmem:v20+s23+$0x0], $0xffff  }
0x1e0: {  	v21 =	vld.idx.msk [tilespmem:v21+s23+$0x0], $0xffff  }
0x1e1: {  	v23 =	vld.idx.msk [tilespmem:v23+s23+$0x0], $0xffff  }
0x1e2: {  	v26 =	vld.idx.msk [tilespmem:v26+s23+$0x0], $0xffff  }
0x1e3: {  	v28 =	vld.idx.msk [tilespmem:v28+s23+$0x0], $0xffff  }
0x1e4: {  	v33 =	vld.idx.msk [tilespmem:v9+s23+$0x0], $0xffff  }
0x1e5: {  	v9 =	vld [tilespmem:s2+$0xFFFFFF10]  }
0x1e6: {  	v34 =	vld [tilespmem:s0+$0x0]  }
0x1e7: {  	v35 =	vld [tilespmem:s2+$0xFFFFFF20];
	v5 =	vshll.u32 v5, $0x3  }
0x1e8: {  	s14 =	simm.s32 $0x16;
	v36 =	vld [tilespmem:s2+$0xFFFFFF30];
	v5 =	vor.u32 v2, v5  }
0x1e9: {  	s13 =	simm.s32 $0x0;
	v37 =	vld [tilespmem:s2+$0xFFFFFF40];
	v4 =	vmul.f32 v8, v4;
	v8 =	vmov s14  }
0x1ea: {  	s9 =	simm.s32 $0x2;
	v24 =	vmov s13;
	v38 =	vld [tilespmem:s2+$0xFFFFFF50];
	v8 =	vshll.u32 v8, $0x3  }
0x1eb: {  	v10 =	vmov s9;
	v24 =	vshll.u32 v24, $0x3;
	v39 =	vld [tilespmem:s2+$0xFFFFFF70];
	v8 =	vor.u32 v1, v8  }
0x1ec: {  	v10 =	vshll.u32 v10, $0x3;
	v24 =	vor.u32 v1, v24;
	v53 =	vld [tilespmem:s2+$0xFFFFFF90];
	v8 =	vor.u32 v2, v8  }
0x1ed: {  	[tilespmem:v5+s15+$0x0] =	vst.idx.add.f32.msk $0xffff, v4;
	v5 =	vor.u32 v1, v10;
	v10 =	vor.u32 v2, v24  }
0x1ee: {  	v55 =	vld [tilespmem:s2+$0xFFFFFFA0]  }
0x1ef: {  	v4 =	vshll.u32 v12, $0x3;
	v12 =	vld [tilespmem:s0+$0xFFFFFF90];
	v5 =	vor.u32 v2, v5  }
0x1f0: {  	v57 =	vld [tilespmem:s2+$0xFFFFFFB0];
	v4 =	vor.u32 v1, v4  }
0x1f1: {  	v4 =	vor.u32 v2, v4;
	v32 =	vld.idx.msk [tilespmem:v8+s23+$0x0], $0xffff  }
0x1f2: {  	v10 =	vld.idx.msk [tilespmem:v10+s23+$0x0], $0xffff  }
0x1f3: {  	v6 =	vshll.u32 v6, $0x3;
	v8 =	vld [tilespmem:s0+$0xFFFFFFE0]  }
0x1f4: {  	v6 =	vor.u32 v2, v6;
	v12 =	vshll.u32 v12, $0x3;
	v5 =	vld.idx.msk [tilespmem:v5+s23+$0x0], $0xffff  }
0x1f5: {  	v41 =	vor.u32 v2, v12;
	v12 =	vld [tilespmem:s2+$0xFFFFFFD0]  }
0x1f6: {  	v7 =	vshll.u32 v7, $0x3;
	v54 =	vshll.u32 v22, $0x3;
	v4 =	vld.idx.msk [tilespmem:v4+s23+$0x0], $0xffff  }
0x1f7: {  	v58 =	vshll.u32 v30, $0x3;
	v7 =	vor.u32 v2, v7;
	v9 =	vmul.f32 v9, v10;
	v10 =	vld [tilespmem:s2+$0xFFFFFF60]  }
0x1f8: {  	v59 =	vld [tilespmem:s2+$0xFFFFFFC0];
	v13 =	vmul.f32 v37, v13;
	v15 =	vmul.f32 v38, v15;
	v8 =	vshll.u32 v8, $0x3  }
0x1f9: {  	[tilespmem:v6+s15+$0x0] =	vst.idx.add.f32.msk $0xffff, v9;
	v9 =	vshll.u32 v14, $0x3;
	v14 =	vshll.u32 v18, $0x3;
	v18 =	vor.u32 v2, v54  }
0x1fa: {  	v62 =	vld [tilespmem:s2+$0x0];
	v8 =	vor.u32 v2, v8;
	v5 =	vmul.f32 v35, v5;
	v6 =	vshll.u32 v11, $0x3  }
0x1fb: {  	v12 =	vmul.f32 v12, v26;
	v11 =	vld [tilespmem:s2+$0xFFFFFF80];
	v4 =	vmul.f32 v36, v4;
	v6 =	vor.u32 v2, v6  }
0x1fc: {  	[tilespmem:v7+s15+$0x0] =	vst.idx.add.f32.msk $0xffff, v5;
	v5 =	vshll.u32 v25, $0x3;
	v9 =	vor.u32 v2, v9;
	v10 =	vmul.f32 v10, v16  }
0x1fd: {  	v61 =	vld [tilespmem:s2+$0xFFFFFFE0];
	v7 =	vshll.u32 v27, $0x3;
	v14 =	vor.u32 v2, v14;
	v16 =	vmul.f32 v53, v20  }
0x1fe: {  	v24 =	vshll.u32 v52, $0x3;
	v60 =	vor.u32 v2, v5;
	v40 =	vor.u32 v2, v7;
	[tilespmem:v18+s15+$0x0] =	vst.idx.add.f32.msk $0xffff, v10  }
0x1ff: {  	v56 =	vshll.u32 v29, $0x3;
	v7 =	vor.u32 v2, v24;
	v5 =	vor.u32 v2, v58;
	[tilespmem:v41+s15+$0x0] =	vst.idx.add.f32.msk $0xffff, v16  }
0x200: {  	v31 =	vshll.u32 v31, $0x3;
	v11 =	vmul.f32 v11, v19;
	v10 =	vmul.f32 v62, v33;
	[tilespmem:v6+s15+$0x0] =	vst.idx.add.f32.msk $0xffff, v4  }
0x201: {  	v63 =	vshll.u32 v34, $0x3;
	v6 =	vor.u32 v2, v56;
	v4 =	vor.u32 v2, v31;
	[tilespmem:v9+s15+$0x0] =	vst.idx.add.f32.msk $0xffff, v13  }
0x202: {  	v9 =	vor.u32 v2, v63;
	v13 =	vmul.f32 v39, v17;
	[tilespmem:v14+s15+$0x0] =	vst.idx.add.f32.msk $0xffff, v15  }
0x203: {  	v15 =	vmul.f32 v55, v21;
	v14 =	vmul.f32 v57, v23;
	[tilespmem:v40+s15+$0x0] =	vst.idx.add.f32.msk $0xffff, v11  }
0x204: {  	s8 =	simm.s32 $0x0;
	s9 =	simm.s32 $0x3E;
	v11 =	vmul.f32 v61, v28;
	[tilespmem:v60+s15+$0x0] =	vst.idx.add.f32.msk $0xffff, v13;
	v13 =	vmul.f32 v59, v32  }
.LBB2_21:
0x205: {  	s10 =	sadd.s32 $0xFFFFFFE4, s9;
	s11 =	sadd.s32 $0xFFFFFFFE, s9;
	v16 =	vmov s9;
	s8 =	sadd.s32 $0x10, s8;
	[tilespmem:v7+s15+$0x0] =	vst.idx.add.f32.msk $0xffff, v15  }
0x206: {  	s12 =	sadd.s32 $0xFFFFFFE8, s9;
	v7 =	vmov s10;
	s10 =	sadd.s32 $0xFFFFFFE6, s9;
	v15 =	vmov s11;
	v16 =	vshll.u32 v16, $0x3;
	p1 =	slt.u32 s8, $0x180;
	[tilespmem:v6+s15+$0x0] =	vst.idx.add.f32.msk $0xffff, v14  }
0x207: {  	v14 =	vmov s12;
	s11 =	sadd.s32 $0xFFFFFFEC, s9;
	s12 =	sadd.s32 $0xFFFFFFEE, s9;
	v6 =	vmov s10;
	s10 =	sadd.s32 $0xFFFFFFEA, s9;
	v15 =	vshll.u32 v15, $0x3;
	[tilespmem:v5+s15+$0x0] =	vst.idx.add.f32.msk $0xffff, v13  }
0x208: {  	s13 =	sadd.s32 $0xFFFFFFF4, s9;
	v13 =	vmov s11;
	s11 =	sadd.s32 $0xFFFFFFF2, s9;
	v5 =	vmov s10;
	s10 =	sadd.s32 $0xFFFFFFF0, s9;
	v15 =	vor.u32 v1, v15;
	[tilespmem:v4+s15+$0x0] =	vst.idx.add.f32.msk $0xffff, v12  }
0x209: {  	s14 =	sadd.s32 $0xFFFFFFFA, s9;
	v4 =	vmov s12;
	s12 =	sadd.s32 $0xFFFFFFF8, s9;
	v12 =	vmov s10;
	s10 =	sadd.s32 $0xFFFFFFF6, s9;
	v15 =	vor.u32 v2, v15;
	[tilespmem:v8+s15+$0x0] =	vst.idx.add.f32.msk $0xffff, v11  }
0x20a: {  	s24 =	sadd.s32 $0xFFFFFFE2, s9;
	s0 =	sadd.s32 $0x100, s0;
	v8 =	vmov s11;
	v11 =	vmov s13;
	v17 =	vmov s10;
	s10 =	sadd.s32 $0xFFFFFFFC, s9;
	[tilespmem:v9+s15+$0x0] =	vst.idx.add.f32.msk $0xffff, v10  }
0x20b: {  	v18 =	vmov s14;
	v9 =	vmov s24;
	v10 =	vmov s12;
	v19 =	vld [tilespmem:s0+$0xFFFFFFF0]  }
0x20c: {  	v7 =	vshll.u32 v7, $0x3;
	v9 =	vshll.u32 v9, $0x3;
	v21 =	vmov s10;
	v20 =	vld [tilespmem:s0+$0xFFFFFF10]  }
0x20d: {  	v14 =	vshll.u32 v14, $0x3;
	v6 =	vshll.u32 v6, $0x3;
	v5 =	vshll.u32 v5, $0x3;
	v22 =	vld [tilespmem:s0+$0xFFFFFF20]  }
0x20e: {  	s2 =	sadd.s32 $0x100, s2;
	v13 =	vshll.u32 v13, $0x3;
	v4 =	vshll.u32 v4, $0x3;
	v12 =	vshll.u32 v12, $0x3;
	v15 =	vld.idx.msk [tilespmem:v15+s23+$0x0], $0xffff  }
0x20f: {  	v8 =	vshll.u32 v8, $0x3;
	v11 =	vshll.u32 v11, $0x3;
	v17 =	vshll.u32 v17, $0x3;
	v23 =	vld [tilespmem:s2+$0xFFFFFFF0]  }
0x210: {  	v18 =	vshll.u32 v18, $0x3;
	v10 =	vshll.u32 v10, $0x3;
	v24 =	vld [tilespmem:s0+$0xFFFFFF30];
	v19 =	vshll.u32 v19, $0x3  }
0x211: {  	v9 =	vor.u32 v1, v9;
	v21 =	vshll.u32 v21, $0x3;
	v25 =	vld [tilespmem:s0+$0xFFFFFF40];
	v19 =	vor.u32 v2, v19  }
0x212: {  	v7 =	vor.u32 v1, v7;
	v14 =	vor.u32 v1, v14;
	v6 =	vor.u32 v1, v6;
	v26 =	vld [tilespmem:s0+$0xFFFFFF50]  }
0x213: {  	v13 =	vor.u32 v1, v13;
	v5 =	vor.u32 v1, v5;
	v4 =	vor.u32 v1, v4;
	v27 =	vld [tilespmem:s0+$0xFFFFFF60]  }
0x214: {  	v12 =	vor.u32 v1, v12;
	v8 =	vor.u32 v1, v8;
	v28 =	vld [tilespmem:s0+$0xFFFFFF70];
	v15 =	vmul.f32 v23, v15  }
0x215: {  	v11 =	vor.u32 v1, v11;
	v17 =	vor.u32 v1, v17;
	v10 =	vor.u32 v1, v10;
	v23 =	vld [tilespmem:s0+$0xFFFFFF80]  }
0x216: {  	v18 =	vor.u32 v1, v18;
	v21 =	vor.u32 v1, v21;
	v20 =	vshll.u32 v20, $0x3;
	[tilespmem:v19+s15+$0x0] =	vst.idx.add.f32.msk $0xffff, v15  }
0x217: {  	v16 =	vor.u32 v1, v16;
	v7 =	vor.u32 v2, v7;
	v9 =	vor.u32 v2, v9;
	v15 =	vld [tilespmem:s0+$0xFFFFFF90]  }
0x218: {  	v14 =	vor.u32 v2, v14;
	v6 =	vor.u32 v2, v6;
	v5 =	vor.u32 v2, v5;
	v19 =	vld [tilespmem:s0+$0xFFFFFFA0]  }
0x219: {  	v13 =	vor.u32 v2, v13;
	v4 =	vor.u32 v2, v4;
	v12 =	vor.u32 v2, v12;
	v29 =	vld [tilespmem:s0+$0xFFFFFFB0]  }
0x21a: {  	v8 =	vor.u32 v2, v8;
	v11 =	vor.u32 v2, v11;
	v17 =	vor.u32 v2, v17;
	v30 =	vld [tilespmem:s0+$0xFFFFFFC0]  }
0x21b: {  	v18 =	vor.u32 v2, v18;
	v10 =	vor.u32 v2, v10;
	v21 =	vor.u32 v2, v21;
	v31 =	vld [tilespmem:s0+$0xFFFFFFD0]  }
0x21c: {  	v16 =	vor.u32 v2, v16;
	v22 =	vshll.u32 v22, $0x3;
	v24 =	vshll.u32 v24, $0x3;
	v9 =	vld.idx.msk [tilespmem:v9+s23+$0x0], $0xffff  }
0x21d: {  	v32 =	vld.idx.msk [tilespmem:v7+s23+$0x0], $0xffff;
	v7 =	vshll.u32 v25, $0x3;
	v25 =	vshll.u32 v26, $0x3;
	v26 =	vshll.u32 v27, $0x3  }
0x21e: {  	v23 =	vshll.u32 v23, $0x3;
	v15 =	vshll.u32 v15, $0x3;
	v27 =	vld.idx.msk [tilespmem:v6+s23+$0x0], $0xffff;
	v6 =	vshll.u32 v28, $0x3  }
0x21f: {  	v19 =	vshll.u32 v19, $0x3;
	v28 =	vshll.u32 v29, $0x3;
	v14 =	vld.idx.msk [tilespmem:v14+s23+$0x0], $0xffff;
	v29 =	vshll.u32 v30, $0x3  }
0x220: {  	v20 =	vor.u32 v2, v20;
	v22 =	vor.u32 v2, v22;
	v30 =	vld.idx.msk [tilespmem:v5+s23+$0x0], $0xffff;
	v31 =	vshll.u32 v31, $0x3  }
0x221: {  	v24 =	vor.u32 v2, v24;
	v33 =	vor.u32 v2, v7;
	v25 =	vor.u32 v2, v25;
	v13 =	vld.idx.msk [tilespmem:v13+s23+$0x0], $0xffff  }
0x222: {  	v23 =	vor.u32 v2, v23;
	v26 =	vor.u32 v2, v26;
	v35 =	vor.u32 v2, v6;
	v34 =	vld.idx.msk [tilespmem:v4+s23+$0x0], $0xffff  }
0x223: {  	v36 =	vor.u32 v2, v15;
	v7 =	vor.u32 v2, v19;
	v6 =	vor.u32 v2, v28;
	v12 =	vld.idx.msk [tilespmem:v12+s23+$0x0], $0xffff  }
0x224: {  	v5 =	vor.u32 v2, v29;
	v4 =	vor.u32 v2, v31;
	v15 =	vld.idx.msk [tilespmem:v8+s23+$0x0], $0xffff  }
0x225: {  	v11 =	vld.idx.msk [tilespmem:v11+s23+$0x0], $0xffff  }
0x226: {  	v17 =	vld.idx.msk [tilespmem:v17+s23+$0x0], $0xffff  }
0x227: {  	v10 =	vld.idx.msk [tilespmem:v10+s23+$0x0], $0xffff  }
0x228: {  	v18 =	vld.idx.msk [tilespmem:v18+s23+$0x0], $0xffff  }
0x229: {  	v19 =	vld.idx.msk [tilespmem:v21+s23+$0x0], $0xffff  }
0x22a: {  	v16 =	vld.idx.msk [tilespmem:v16+s23+$0x0], $0xffff  }
0x22b: {  	v8 =	vld [tilespmem:s0+$0xFFFFFFE0]  }
0x22c: {  	v21 =	vld [tilespmem:s0+$0x0]  }
0x22d: {  	v28 =	vld [tilespmem:s2+$0xFFFFFF10]  }
0x22e: {  	v29 =	vld [tilespmem:s2+$0xFFFFFF20]  }
0x22f: {  	v31 =	vld [tilespmem:s2+$0xFFFFFF30]  }
0x230: {  	v37 =	vld [tilespmem:s2+$0xFFFFFF40];
	v8 =	vshll.u32 v8, $0x3  }
0x231: {  	v38 =	vld [tilespmem:s2+$0xFFFFFF50];
	v8 =	vor.u32 v2, v8;
	v21 =	vshll.u32 v21, $0x3  }
0x232: {  	v28 =	vmul.f32 v28, v9;
	v39 =	vld [tilespmem:s2+$0xFFFFFF60];
	v9 =	vor.u32 v2, v21  }
0x233: {  	v21 =	vmul.f32 v29, v32;
	v29 =	vld [tilespmem:s2+$0xFFFFFF70]  }
0x234: {  	v27 =	vmul.f32 v31, v27;
	v31 =	vld [tilespmem:s2+$0xFFFFFF80]  }
0x235: {  	v32 =	vmul.f32 v37, v14;
	v14 =	vld [tilespmem:s2+$0xFFFFFF90]  }
0x236: {  	v30 =	vmul.f32 v38, v30;
	v37 =	vld [tilespmem:s2+$0xFFFFFFA0]  }
0x237: {  	v38 =	vmul.f32 v39, v13;
	v13 =	vld [tilespmem:s2+$0xFFFFFFB0]  }
0x238: {  	v29 =	vmul.f32 v29, v34;
	v34 =	vld [tilespmem:s2+$0xFFFFFFC0]  }
0x239: {  	v31 =	vmul.f32 v31, v12;
	v12 =	vld [tilespmem:s2+$0xFFFFFFD0]  }
0x23a: {  	v39 =	vmul.f32 v14, v15;
	v40 =	vld [tilespmem:s2+$0xFFFFFFE0]  }
0x23b: {  	v15 =	vmul.f32 v37, v11;
	v37 =	vld [tilespmem:s2+$0x0]  }
0x23c: {  	[tilespmem:v20+s15+$0x0] =	vst.idx.add.f32.msk $0xffff, v28;
	v14 =	vmul.f32 v13, v17  }
0x23d: {  	[tilespmem:v22+s15+$0x0] =	vst.idx.add.f32.msk $0xffff, v21;
	v13 =	vmul.f32 v34, v10  }
0x23e: {  	[tilespmem:v24+s15+$0x0] =	vst.idx.add.f32.msk $0xffff, v27;
	v12 =	vmul.f32 v12, v18  }
0x23f: {  	[tilespmem:v33+s15+$0x0] =	vst.idx.add.f32.msk $0xffff, v32;
	v11 =	vmul.f32 v40, v19  }
.Ltmp11:
0x240: {  	[tilespmem:v25+s15+$0x0] =	vst.idx.add.f32.msk $0xffff, v30;
	v10 =	vmul.f32 v37, v16;
	(pc) =	sbr.rel @p1 .LBB2_21-.Ltmp11, $4  }
0x241: {  	[tilespmem:v26+s15+$0x0] =	vst.idx.add.f32.msk $0xffff, v38  }
0x242: {  	[tilespmem:v35+s15+$0x0] =	vst.idx.add.f32.msk $0xffff, v29  }
0x243: {  	[tilespmem:v23+s15+$0x0] =	vst.idx.add.f32.msk $0xffff, v31  }
0x244: {  	s9 =	sadd.s32 $0x20, s9;
	[tilespmem:v36+s15+$0x0] =	vst.idx.add.f32.msk $0xffff, v39  }
0x245: {  	_ =	sdelay $0x3  }
0x246: {  	[tilespmem:v7+s15+$0x0] =	vst.idx.add.f32.msk $0xffff, v15  }
.Ltmp12:
0x247: {  	[tilespmem:v6+s15+$0x0] =	vst.idx.add.f32.msk $0xffff, v14;
	(pc) =	sbr.rel @p0 .LBB2_24-.Ltmp12, $4  }
0x248: {  	[tilespmem:v5+s15+$0x0] =	vst.idx.add.f32.msk $0xffff, v13  }
0x249: {  	[tilespmem:v4+s15+$0x0] =	vst.idx.add.f32.msk $0xffff, v12  }
0x24a: {  	[tilespmem:v8+s15+$0x0] =	vst.idx.add.f32.msk $0xffff, v11  }
0x24b: {  	[tilespmem:v9+s15+$0x0] =	vst.idx.add.f32.msk $0xffff, v10  }
0x24c: {  	s0 =	smul.u32 $0x320, s30;
	_ =	sdelay $0x1  }
.Ltmp13:
0x24d: {  	s0 =	sadd.s32 s7, s0;
	(pc) =	sbr.rel .LBB2_8-.Ltmp13, $4  }
0x24e: {  	s8 =	simm.s32 $0x5780;
	s2 =	sadd.s32 s5, s0  }
0x24f: {  	[tilespmem:s8], [sflag:$0x4] =	stream.linear.gather [hbm4b:s2+s3], $0x1900, $0x38;
	[tilespmem:$0x1DB00] =	vst v63  }
0x250: {  	s31 =	simm.s32 $0x8980;
	s29 =	sadd.s32 $0x1, s29;
	s0 =	sadd.s32 s6, s0  }
0x251: {  	[tilespmem:s31], [sflag:$0x4] =	stream.linear.gather [hbm4b:s0+s3], $0x1900, $0x38;
	[tilespmem:$0x1DB00] =	vst v63  }
.LBB2_25:
0x252: {  	_ =	sfence.sel $0x180000  }
0x253: {  	[bflag:$0x0] =	sbarrier.arrive $0xFFFF  }
0x254: {  	_ =	strace $0x9000004A  }
0x255: {  	s0 =	stileid.u32;
	[bflag:$0x2] =	sbarrier.arrive $0xFFFF  }
0x256: {  	p0 =	sne.s32 s0, $0x0;
	s0 =	rddreg [dreg:$0x2]  }
0x257: {  	s0 =	sadd.s32 @!p0 $0x100000, s0  }
0x258: {  	[sflag:s0] =	ssyncadd.tile.s32 @!p0 $0x1;
	_ =	shalt  }
.Lfunc_end2:
_tile_overlayer_lowered:
.L_overlay_start_2:
0x259: {  	(tag) =	ssettag $0x2  }
0x25a: {  	s0 =	rddreg [dreg:$0x0];
	s2 =	stileid.u32  }
0x25b: {  	s1 =	rddreg [dreg:$0x1];
	p0 =	sne.s32 s2, $0x0  }
0x25c: {  	s3 =	rddreg [dreg:$0x2];
	[bflag:$0x3] =	sbarrier.arrive $0xFFFF;
	s2 =	simm.s32 @!p0 $0x1C07  }
0x25d: {  	[timem:s3], [sflag:s2] =	dma.local @!p0 [hbm:s0], s1  }
0x25e: {  	s0 =	simm.s32 @!p0 $0x7  }
0x25f: {  	_ =	swait.ge @!p0 [sflag:s0], s1  }
0x260: {  	s1 =	ssub.s32 @!p0 $0x0, s1;
	[sflag:s0] =	ssyncset.done @!p0 $0x0  }
0x261: {  	[sflag:s0] =	ssyncadd.s32 @!p0 s1  }
0x262: {  	[bflag:$0x3] =	sbarrier.arrive $0xFFFF  }
0x263: {  	_ =	shalt  }

// kernel: kernel.8.cloned.1.call-start
scs
__scs_entry_jumppad:
0x0: {  	(pc) =	sbr.rel $0x88, $3  }
0x1: {  	(tag) =	ssettag $0x0;
	lr =	simm.s32 $0x1  }
0x2: {  	[smem:$0x3F9C] =	sst lr;
	_ =	strace $0xD0000000  }
0x3: {  	_ = 	snop  }
0x4: {  	_ = 	snop  }
0x5: {  	_ = 	snop  }
0x6: {  	_ = 	snop  }
0x7: {  	_ = 	snop  }
__scs_overlays_trampoline_lowered:
0x8: {  	[smem:$0x3FAB] =	sst s0  }
0x9: {  	[smem:$0x3FAC] =	sst s1  }
0xa: {  	[smem:$0x3FAD] =	sst s2  }
0xb: {  	[smem:$0x3FAE] =	sst s3  }
0xc: {  	[smem:$0x3FAF] =	sst s4  }
0xd: {  	[smem:$0x3FB0] =	sst s5  }
0xe: {  	[smem:$0x3FB1] =	sst s6  }
0xf: {  	[smem:$0x3FB2] =	sst s7  }
0x10: {  	[smem:$0x3FB3] =	sst s8  }
0x11: {  	[smem:$0x3FB4] =	sst s9;
	s0 =	simm.s32 @!p0 $0x0  }
0x12: {  	s1 =	sld [smem:$0x3F9A];
	s0 =	simm.s32 @p0 $0x1  }
0x13: {  	[smem:$0x3FB5] =	sst s0;
	s0 =	simm.s32 @!p1 $0x0  }
0x14: {  	s2 =	sld [smem:$0x3F99];
	s0 =	simm.s32 @p1 $0x1  }
0x15: {  	[smem:$0x3FB6] =	sst s0;
	s0 =	simm.s32 @!p2 $0x0  }
0x16: {  	s3 =	sld [smem:$0x3FDB];
	s0 =	simm.s32 @p2 $0x1  }
0x17: {  	s4 =	simm.s32 $0x1BF5;
	[smem:$0x3FB8] =	sst s0  }
0x18: {  	s0 =	sld [smem:$0x3F9B];
	_ =	swait.ge [sflag:s4], $0x0  }
0x19: {  	s7 =	sld [smem:$0x3F9C]  }
0x1a: {  	s8 =	sadd.s32 $0xFFFFE003, lr  }
0x1b: {  	s9 =	sadd.s32 $0xFFFFFEF7, lr;
	s5 =	simm.s32 $0xFFFFFFFF;
	p2 =	slt.u32 s8, $0xFFFFF086  }
0x1c: {  	p1 =	slt.u32 s9, $0xF7A;
	s5 =	simm.s32 @!p2 $0x0  }
0x1d: {  	s5 =	simm.s32 @p1 $0x1;
	p0 =	seq.s32 s7, s2  }
0x1e: {  	s7 =	smul.u32 @!p0 $0xF7A, s2;
	p2 =	seq.s32 @!p0 s5, $0x0  }
0x1f: {  	s9 =	smul.u32 $0xF7A, s1;
	s8 =	simm.s32 @!p0 $0x1BF5;
	p2 =	por !p2, p0  }
0x20: {  	[sflag:s8] =	ssyncset.s32 @!p0 $0xFFFFF086;
	s6 =	sadd.s32 @!p0 s3, s7;
	s7 =	simm.s32 @!p0 $0x108  }
0x21: {  	s3 =	sadd.s32 s3, s9;
	s6 =	sadd.s32 @!p0 $0x88, s6;
	s7 =	simm.s32 @p2 $0x1082  }
0x22: {  	[simem:s7], [sflag:s8] =	dma.local @!p0 [hbm:s6], $0xF7A  }
0x23: {  	s9 =	sor.u32 $0xD0000000, s2;
	s6 =	simm.s32 $0x108;
	_ =	swait.ge @!p0 [sflag:s8], $0x0  }
0x24: {  	s3 =	sadd.s32 $0x88, s3;
	s6 =	simm.s32 @!p1 $0x1082;
	[sflag:s4] =	ssyncset.s32 $0xFFFFF086  }
0x25: {  	[simem:s6], [sflag:s4] =	dma.local [hbm:s3], $0xF7A  }
0x26: {  	[smem:$0x3F9C] =	sst s1;
	(tag) =	ssettag s2;
	_ =	strace s9  }
0x27: {  	s1 =	sld [smem:$0x3FAC]  }
0x28: {  	s2 =	sld [smem:$0x3FAD]  }
0x29: {  	s4 =	sld [smem:$0x3FAF]  }
0x2a: {  	p0 =	seq.s32 s5, $0x0;
	s5 =	sld [smem:$0x3FB0]  }
0x2b: {  	s6 =	sld [smem:$0x3FB1]  }
0x2c: {  	s7 =	sld [smem:$0x3FB2]  }
0x2d: {  	s3 =	simm.s32 $0x108;
	s8 =	sld [smem:$0x3FB3]  }
0x2e: {  	s3 =	simm.s32 @!p0 $0x1082;
	s9 =	sld [smem:$0x3FB4]  }
0x2f: {  	lr =	sadd.s32 s0, s3;
	s0 =	sld [smem:$0x3FAB]  }
0x30: {  	s3 =	sld [smem:$0x3FAE]  }
0x31: {  	[smem:$0x3FB7] =	sst s10  }
0x32: {  	s10 =	sld [smem:$0x3FB5];
	_ =	sdelay $0x3  }
0x33: {  	p0 =	seq.s32 s10, $0x1;
	s10 =	sld [smem:$0x3FB7];
	_ =	sdelay $0x3  }
0x34: {  	[smem:$0x3FB7] =	sst s10  }
0x35: {  	s10 =	sld [smem:$0x3FB6];
	_ =	sdelay $0x3  }
0x36: {  	p1 =	seq.s32 s10, $0x1;
	s10 =	sld [smem:$0x3FB7];
	_ =	sdelay $0x3  }
0x37: {  	[smem:$0x3FB7] =	sst s10  }
0x38: {  	s10 =	sld [smem:$0x3FB8]  }
0x39: {  	_ = 	snop;
	(pc) =	sbr.ind lr, $3  }
0x3a: {  	_ = 	snop  }
0x3b: {  	_ = 	snop  }
0x3c: {  	p2 =	seq.s32 s10, $0x1;
	s10 =	sld [smem:$0x3FB7]  }
0x3d: {  	_ =	shalt  }
0x3e: {  	_ =	shalt  }
0x3f: {  	_ =	shalt  }
0x40: {  	_ =	shalt  }
0x41: {  	_ =	shalt  }
0x42: {  	_ =	shalt  }
0x43: {  	_ =	shalt  }
0x44: {  	_ =	shalt  }
0x45: {  	_ =	shalt  }
0x46: {  	_ =	shalt  }
0x47: {  	_ =	shalt  }
0x48: {  	_ =	shalt  }
0x49: {  	_ =	shalt  }
0x4a: {  	_ =	shalt  }
0x4b: {  	_ =	shalt  }
0x4c: {  	_ =	shalt  }
0x4d: {  	_ =	shalt  }
0x4e: {  	_ =	shalt  }
0x4f: {  	_ =	shalt  }
0x50: {  	_ =	shalt  }
0x51: {  	_ =	shalt  }
0x52: {  	_ =	shalt  }
0x53: {  	_ =	shalt  }
0x54: {  	_ =	shalt  }
0x55: {  	_ =	shalt  }
0x56: {  	_ =	shalt  }
0x57: {  	_ =	shalt  }
0x58: {  	_ =	shalt  }
0x59: {  	_ =	shalt  }
0x5a: {  	_ =	shalt  }
0x5b: {  	_ =	shalt  }
0x5c: {  	_ =	shalt  }
0x5d: {  	_ =	shalt  }
0x5e: {  	_ =	shalt  }
0x5f: {  	_ =	shalt  }
0x60: {  	_ =	shalt  }
0x61: {  	_ =	shalt  }
0x62: {  	_ =	shalt  }
0x63: {  	_ =	shalt  }
0x64: {  	_ =	shalt  }
0x65: {  	_ =	shalt  }
0x66: {  	_ =	shalt  }
0x67: {  	_ =	shalt  }
0x68: {  	_ =	shalt  }
0x69: {  	_ =	shalt  }
0x6a: {  	_ =	shalt  }
0x6b: {  	_ =	shalt  }
0x6c: {  	_ =	shalt  }
0x6d: {  	_ =	shalt  }
0x6e: {  	_ =	shalt  }
0x6f: {  	_ =	shalt  }
0x70: {  	_ =	shalt  }
0x71: {  	_ =	shalt  }
0x72: {  	_ =	shalt  }
0x73: {  	_ =	shalt  }
0x74: {  	_ =	shalt  }
0x75: {  	_ =	shalt  }
0x76: {  	_ =	shalt  }
0x77: {  	_ =	shalt  }
0x78: {  	_ =	shalt  }
0x79: {  	_ =	shalt  }
0x7a: {  	_ =	shalt  }
0x7b: {  	_ =	shalt  }
0x7c: {  	_ =	shalt  }
0x7d: {  	_ =	shalt  }
0x7e: {  	_ =	shalt  }
0x7f: {  	_ =	shalt  }
0x80: {  	_ =	shalt  }
0x81: {  	_ =	shalt  }
0x82: {  	_ =	shalt  }
0x83: {  	_ =	shalt  }
0x84: {  	_ =	shalt  }
0x85: {  	_ =	shalt  }
0x86: {  	_ =	shalt  }
0x87: {  	_ =	shalt  }
.Lfunc_end0:
.L_simem_size_0:
called_computation_lowered:
.L_overlay_start_0:
0x88: {  	s2 =	sld [smem:$0x3FD9]  }
0x89: {  	s3 =	sld [smem:$0x3FFE];
	_ =	sdelay $0x1  }
0x8a: {  	s1 =	srdreg.scid  }
0x8b: {  	s0 =	sand.u32 $0x1, s1  }
0x8c: {  	s17 =	sshll.u32 s0, $0xA;
	s2 =	sadd.s32 s3, s2  }
0x8d: {  	s2 =	sadd.s32 s2, s17  }
0x8e: {  	[smem:$0x3FC3] =	sst s2  }
0x8f: {  	_ = 	snop  }
0x90: {  	s2 =	sld [smem:$0x3FD0];
	(tm) =	ssettm $0x1  }
0x91: {  	s18 =	sld [smem:$0x3FFB];
	_ =	sdelay $0x3  }
0x92: {  	_ =	strace s18  }
0x93: {  	s3 =	sld [smem:$0x3FFC];
	_ =	sdelay $0x3  }
0x94: {  	_ =	strace s3  }
0x95: {  	s3 =	sld [smem:$0x3FFD];
	_ =	sdelay $0x3  }
0x96: {  	_ =	strace s3  }
0x97: {  	_ =	strace $0x8FFFFFFF  }
0x98: {  	s19 =	sld [smem:$0x3FDB];
	_ =	sdelay $0x1  }
0x99: {  	s4 =	simm.s32 $_scs_section_size  }
0x9a: {  	s5 =	simm.s32 $_size__tile_overlayer_lowered;
	s6 =	simm.s32 $_tile_overlayer_lowered  }
0x9b: {  	s22 =	simm.s32 $0x1BFF;
	s21 =	sshll.u32 s6, $0x1;
	s3 =	sadd.s32 s4, s19  }
0x9c: {  	s7 =	simm.s32 $0x0;
	s20 =	sshll.u32 s5, $0x1;
	s5 =	sadd.s32 s21, s3  }
0x9d: {  	[timem:s7], [sflag:s22] =	dma.local [hbm:s5], s20  }
0x9e: {  	_ =	swait.ge [sflag:s22], s20  }
0x9f: {  	s4 =	ssub.s32 $0x0, s20;
	[sflag:s22] =	ssyncset.done $0x0  }
0xa0: {  	[sflag:s22] =	ssyncadd.s32 s4;
	_ =	sdelay $0x1  }
0xa1: {  	s23 =	simm.s32 $0x1B8B  }
0xa2: {  	_ =	swait.ge [sflag:s23], $0x1  }
0xa3: {  	[sflag:s23] =	ssyncset.done $0x0  }
0xa4: {  	s25 =	simm.s32 $0x1B8E;
	s24 =	sld [smem:$0x3FFE];
	[sflag:s23] =	ssyncadd.s32 $0xFFFFFFFF  }
0xa5: {  	s26 =	simm.s32 $execute0_lowered;
	[smem:$0x3FD2] =	sst s25  }
0xa6: {  	s5 =	sshll.u32 s26, $0x1;
	_ =	strace $0x80000046;
	[dreg:$0x1] =	wrdreg $0xFFFFFFFF  }
0xa7: {  	s28 =	simm.s32 $_size_execute0_lowered;
	s3 =	sadd.s32 s3, s5;
	[dreg:$0x0] =	wrdreg $0x0  }
0xa8: {  	s5 =	sshll.u32 s28, $0x1;
	[dreg:$0x2] =	wrdreg s3  }
0xa9: {  	[dreg:$0x3] =	wrdreg s5  }
0xaa: {  	[dreg:$0x4] =	wrdreg $0xC0  }
0xab: {  	_ =	task [dreg:s7], $0x5FFFF  }
0xac: {  	[dreg:$0x1] =	wrdreg $0xFFFFFFFF  }
0xad: {  	[dreg:$0x0] =	wrdreg $0x60  }
0xae: {  	[dreg:$0x2] =	wrdreg s24  }
0xaf: {  	[dreg:$0x3] =	wrdreg s2  }
0xb0: {  	[dreg:$0x4] =	wrdreg $0x9  }
0xb1: {  	_ =	task.clear_ibuf [dreg:s7], $0x5FFFF;
	_ =	strace $0x90000046  }
0xb2: {  	s29 =	simm.s32 $0x9;
	_ =	strace $0x80000048  }
0xb3: {  	_ =	swait.ge [sflag:s29], $0x1  }
0xb4: {  	[sflag:s29] =	ssyncadd.s32 $0xFFFFFFFF  }
0xb5: {  	_ =	strace $0x90000048  }
0xb6: {  	_ =	sfence  }
0xb7: {  	s30 =	sld [smem:$0x0];
	_ =	sdelay $0x2  }
0xb8: {  	s31 =	sshll.u32 s1, $0xD;
	s1 =	sshrl.u32 s1, $0x2  }
0xb9: {  	s3 =	sand.u32 $0x4000, s31;
	s1 =	sadd.s32 s1, s30  }
0xba: {  	s0 =	sor.u32 s3, s0;
	s1 =	sshll.u32 s1, $0x11  }
0xbb: {  	s0 =	sor.u32 s1, s0  }
0xbc: {  	s0 =	sadd.s32 $0x8F2B, s0  }
0xbd: {  	[sflag:s0] =	ssyncadd.remote.s32 $0x1  }
0xbe: {  	_ =	sfence.sel $0xFFFF  }
0xbf: {  	[dreg:$0x0] =	wrdreg $0xFFFFFFFF;
	(pc) =	sbr.abs _section_cstart, $3  }
0xc0: {  	[dreg:$0x1] =	wrdreg $0xFFFFFFFF  }
0xc1: {  	_ =	task.clear_ibuf [dreg:s7], $0x2FFFF;
	_ =	strace $0x9FFFFFFF  }
0xc2: {  	(tm) =	ssettm $0x7FFFFFFF  }
0xc3: {  	_ =	shalt  }
tec
execute0_lowered:
.L_overlay_start_1:
0x0: {  	(tag) =	ssettag $0x1  }
0x1: {  	s0 =	rddreg [dreg:$0x0]  }
0x2: {  	s2 =	rddreg [dreg:$0x1];
	s1 =	simm.s32 $0x0  }
0x3: {  	s3 =	srdreg.scid;
	s10 =	stileid.u32;
	s11 =	simm.s32 $0xA280  }
0x4: {  	s14 =	simm.s32 $0x1;
	s15 =	simm.s32 $0x50;
	s17 =	simm.s32 $0xC80  }
0x5: {  	s13 =	simm.s32 $0x2;
	s18 =	simm.s32 $0x2580;
	s24 =	simm.s32 $0x3C00  }
0x6: {  	s12 =	simm.s32 $0x5;
	s16 =	simm.s32 $0x3;
	s20 =	simm.s32 $0x4  }
0x7: {  	[smem:$0x7FF] =	sst s1;
	s7 =	sand.u32 $0x1, s3;
	s3 =	sadd.s32 $0xA400, s0  }
0x8: {  	s4 =	sadd.s32 $0x400, s0;
	s5 =	sadd.s32 $0x58600, s0;
	s6 =	sadd.s32 $0x7F800, s0  }
0x9: {  	s26 =	sshll.u32 s10, $0x1;
	s28 =	sadd.s32 $0x464, s0;
	s29 =	sadd.s32 $0x58920, s0  }
0xa: {  	s0 =	sadd.s32 $0x7FB20, s0;
	s10 =	simm.s32 $0xC30;
	_ =	strace $0x80000047  }
.Ltmp0:
0xb: {  	s8 =	ssub.s32 $0x2, s7;
	[dreg:$0x3] =	wrdreg s28;
	(pc) =	sbr.rel .LBB2_1-.Ltmp0, $4  }
0xc: {  	s19 =	sor.u32 s7, s26;
	[dreg:$0x4] =	wrdreg s29;
	s9 =	sshrl.u32 s8, $0x1  }
0xd: {  	v2 =	vlaneseq.u32;
	[dreg:$0x5] =	wrdreg s0;
	s31 =	sadd.s32 s19, s2;
	s8 =	ssub.s32 s8, s9  }
0xe: {  	v3 =	vimm.f32 $0.0e+00;
	v1 =	vshrl.u32 v2, $0x3;
	s7 =	simm.s32 $0x0;
	[dreg:$0x7] =	wrdreg s31;
	s30 =	smax.u32 s8, $0x1  }
0xf: {  	v2 =	vand.u32 $0x7, v2;
	v1 =	vmul.u32 $0x8, v1;
	v0 =	vmov s19;
	s19 =	simm.s32 $0x6;
	s9 =	simm.s32 $0x3980;
	[dreg:$0x6] =	wrdreg s30  }
.LBB2_24:
0x10: {  	s0 =	rddreg [dreg:$0x7]  }
0x11: {  	s2 =	simm.s32 $0x8;
	s7 =	simm.s32 $0x100;
	s29 =	simm.s32 $0x7  }
0x12: {  	[hbm4b:s0+s2] =	stream.strided.scatter [tilespmem:s11], [sflag:$0x7], $0x13880, s7, s2, $0x38;
	[tilespmem:$0x1DB00] =	vst v63  }
0x13: {  	_ =	swait.ge [sflag:s29], $0x13880  }
0x14: {  	s30 =	rddreg [dreg:$0x8]  }
0x15: {  	s31 =	rddreg [dreg:$0x6];
	s7 =	sadd.s32 $0x1, s30  }
0x16: {  	p0 =	sne.s32 s7, s31  }
.Ltmp1:
0x17: {  	_ = 	snop;
	(pc) =	sbr.rel @!p0 .LBB2_25-.Ltmp1, $3  }
0x18: {  	_ =	sdelay $0x1  }
0x19: {  	[sflag:s29] =	ssyncset.done $0x0  }
0x1a: {  	[sflag:s29] =	ssyncadd.s32 $0xFFFEC780  }
.LBB2_1:
0x1b: {  	[dreg:$0x8] =	wrdreg s7  }
0x1c: {  	s21 =	simm.s32 $0xE;
	s22 =	simm.s32 $0x2;
	s23 =	simm.s32 $0xC  }
0x1d: {  	s31 =	simm.s32 $0x4;
	s0 =	simm.s32 $0x6;
	s2 =	simm.s32 $0x0;
	v4 =	vmov s21;
	v5 =	vmov s22;
	v6 =	vmov s23  }
0x1e: {  	s7 =	simm.s32 $0x8;
	s8 =	simm.s32 $0xA;
	s28 =	simm.s32 $0x16;
	v7 =	vmov s31;
	v8 =	vmov s0;
	v9 =	vmov s2  }
0x1f: {  	s29 =	simm.s32 $0x10;
	s30 =	simm.s32 $0x18;
	v10 =	vmov s7;
	v11 =	vmov s8;
	v15 =	vmov s28  }
0x20: {  	v16 =	vmov s29;
	v17 =	vmov s30;
	v4 =	vshll.u32 v4, $0x3  }
0x21: {  	s31 =	simm.s32 $0x1A;
	v6 =	vshll.u32 v6, $0x3;
	v9 =	vshll.u32 v9, $0x3;
	v5 =	vshll.u32 v5, $0x3  }
0x22: {  	v62 =	vmov s31;
	v6 =	vor.u32 v1, v6;
	v5 =	vor.u32 v1, v5  }
0x23: {  	v12 =	vor.u32 v2, v6;
	v6 =	vshll.u32 v7, $0x3;
	v7 =	vshll.u32 v8, $0x3  }
0x24: {  	v8 =	vor.u32 v1, v9;
	v9 =	vshll.u32 v10, $0x3;
	v10 =	vshll.u32 v11, $0x3  }
0x25: {  	v11 =	vor.u32 v1, v4;
	v13 =	vor.u32 v2, v5;
	v6 =	vor.u32 v1, v6  }
0x26: {  	v7 =	vor.u32 v1, v7;
	v9 =	vor.u32 v1, v9;
	v10 =	vor.u32 v1, v10  }
0x27: {  	s25 =	simm.s32 $0x1C;
	v8 =	vor.u32 v2, v8;
	v14 =	vor.u32 v2, v6;
	v7 =	vor.u32 v2, v7  }
0x28: {  	s22 =	simm.s32 $0x1E;
	v4 =	vor.u32 v2, v9;
	v6 =	vor.u32 v2, v11;
	v11 =	vmov s25  }
0x29: {  	s23 =	simm.s32 $0x12;
	v9 =	vmov s22;
	v5 =	vor.u32 v2, v10;
	v11 =	vshll.u32 v11, $0x3  }
0x2a: {  	s26 =	simm.s32 $0x14;
	v10 =	vmov s23;
	v9 =	vshll.u32 v9, $0x3;
	v11 =	vor.u32 v1, v11;
	[tilespmem:v12+s11+$0x0] =	vst.idx.msk $0xffff, v3  }
0x2b: {  	v10 =	vshll.u32 v10, $0x3;
	v12 =	vmov s26;
	v18 =	vor.u32 v2, v11;
	[tilespmem:v13+s11+$0x0] =	vst.idx.msk $0xffff, v3  }
0x2c: {  	v13 =	vshll.u32 v17, $0x3;
	[tilespmem:v8+s11+$0x0] =	vst.idx.msk $0xffff, v3;
	v8 =	vshll.u32 v16, $0x3;
	v11 =	vshll.u32 v12, $0x3  }
0x2d: {  	v12 =	vshll.u32 v15, $0x3;
	v13 =	vor.u32 v1, v13;
	[tilespmem:v14+s11+$0x0] =	vst.idx.msk $0xffff, v3;
	v8 =	vor.u32 v1, v8  }
0x2e: {  	v14 =	vshll.u32 v62, $0x3;
	[tilespmem:v7+s11+$0x0] =	vst.idx.msk $0xffff, v3;
	v7 =	vor.u32 v1, v10;
	v15 =	vor.u32 v1, v11  }
0x2f: {  	v63 =	vor.u32 v1, v12;
	v11 =	vor.u32 v1, v9;
	v13 =	vor.u32 v2, v13  }
0x30: {  	v12 =	vor.u32 v1, v14;
	v10 =	vor.u32 v2, v8;
	v8 =	vor.u32 v2, v7  }
0x31: {  	s21 =	simm.s32 $0x8;
	s22 =	simm.s32 $0x2E;
	v9 =	vor.u32 v2, v15;
	v7 =	vor.u32 v2, v63;
	[tilespmem:v18+s11+$0x0] =	vst.idx.msk $0xffff, v3  }
.LBB2_2:
0x32: {  	s23 =	sadd.s32 $0xFFFFFFF4, s22;
	s25 =	sadd.s32 $0xFFFFFFFE, s22;
	v14 =	vmov s22;
	s21 =	sadd.s32 $0x8, s21;
	v12 =	vor.u32 v2, v12;
	v11 =	vor.u32 v2, v11;
	[tilespmem:v4+s11+$0x0] =	vst.idx.msk $0xffff, v3;
	v4 =	vmovc v13  }
0x33: {  	s26 =	sadd.s32 $0xFFFFFFF8, s22;
	v13 =	vmov s23;
	s23 =	sadd.s32 $0xFFFFFFF6, s22;
	v15 =	vmov s25;
	v14 =	vshll.u32 v14, $0x3;
	p0 =	slt.u32 s21, $0x1380;
	[tilespmem:v5+s11+$0x0] =	vst.idx.msk $0xffff, v3;
	v5 =	vmovc v12  }
0x34: {  	s25 =	sadd.s32 $0xFFFFFFF2, s22;
	v16 =	vmov s26;
	s26 =	sadd.s32 $0xFFFFFFFC, s22;
	v12 =	vmov s23;
	s23 =	sadd.s32 $0xFFFFFFFA, s22;
	v15 =	vshll.u32 v15, $0x3;
	[tilespmem:v6+s11+$0x0] =	vst.idx.msk $0xffff, v3;
	v6 =	vmovc v11  }
0x35: {  	v11 =	vmov s25;
	v17 =	vmov s23;
	v15 =	vor.u32 v1, v15;
	[tilespmem:v10+s11+$0x0] =	vst.idx.msk $0xffff, v3  }
0x36: {  	v10 =	vshll.u32 v11, $0x3;
	v11 =	vmov s26;
	v15 =	vor.u32 v2, v15;
	[tilespmem:v8+s11+$0x0] =	vst.idx.msk $0xffff, v3  }
0x37: {  	v12 =	vshll.u32 v12, $0x3;
	v8 =	vshll.u32 v13, $0x3;
	v13 =	vshll.u32 v16, $0x3;
	[tilespmem:v9+s11+$0x0] =	vst.idx.msk $0xffff, v3  }
.Ltmp2:
0x38: {  	v11 =	vshll.u32 v11, $0x3;
	v9 =	vor.u32 v1, v10;
	v10 =	vshll.u32 v17, $0x3;
	[tilespmem:v7+s11+$0x0] =	vst.idx.msk $0xffff, v3;
	(pc) =	sbr.rel @p0 .LBB2_2-.Ltmp2, $4  }
0x39: {  	v16 =	vor.u32 v1, v12;
	v13 =	vor.u32 v1, v13;
	v7 =	vor.u32 v1, v8  }
0x3a: {  	v12 =	vor.u32 v1, v11;
	v11 =	vor.u32 v1, v14;
	v17 =	vor.u32 v1, v10  }
0x3b: {  	v10 =	vor.u32 v2, v9;
	v8 =	vor.u32 v2, v7;
	[tilespmem:v15+s11+$0x0] =	vst.idx.msk $0xffff, v3  }
0x3c: {  	s22 =	sadd.s32 $0x10, s22;
	v9 =	vor.u32 v2, v16;
	v7 =	vor.u32 v2, v13;
	v13 =	vor.u32 v2, v17  }
0x3d: {  	_ =	sdelay $0x3  }
0x3e: {  	[tilespmem:v4+s11+$0x0] =	vst.idx.msk $0xffff, v3  }
0x3f: {  	[tilespmem:v5+s11+$0x0] =	vst.idx.msk $0xffff, v3  }
0x40: {  	[tilespmem:v6+s11+$0x0] =	vst.idx.msk $0xffff, v3  }
0x41: {  	v4 =	vor.u32 v2, v12;
	[tilespmem:v10+s11+$0x0] =	vst.idx.msk $0xffff, v3  }
0x42: {  	v5 =	vor.u32 v2, v11;
	[tilespmem:v8+s11+$0x0] =	vst.idx.msk $0xffff, v3  }
0x43: {  	[tilespmem:v9+s11+$0x0] =	vst.idx.msk $0xffff, v3  }
0x44: {  	[tilespmem:v7+s11+$0x0] =	vst.idx.msk $0xffff, v3  }
0x45: {  	[tilespmem:v13+s11+$0x0] =	vst.idx.msk $0xffff, v3  }
0x46: {  	[tilespmem:v4+s11+$0x0] =	vst.idx.msk $0xffff, v3  }
0x47: {  	[tilespmem:v5+s11+$0x0] =	vst.idx.msk $0xffff, v3  }
0x48: {  	[tilespmem:s1], [sflag:$0x1] =	stream.linear.gather [hbm4b:s4+s1], $0x320, $0x38;
	[tilespmem:$0x1DB00] =	vst v63  }
0x49: {  	s0 =	simm.s32 $0x3E80  }
0x4a: {  	[tilespmem:s0], [sflag:$0x3] =	stream.linear.gather [hbm4b:s5+s1], $0x1900, $0x38;
	[tilespmem:$0x1DB00] =	vst v63  }
0x4b: {  	s31 =	simm.s32 $0x7080  }
0x4c: {  	[tilespmem:s31], [sflag:$0x3] =	stream.linear.gather [hbm4b:s6+s1], $0x1900, $0x38;
	[tilespmem:$0x1DB00] =	vst v63  }
0x4d: {  	_ =	swait.ge [sflag:s14], $0x320  }
0x4e: {  	[sflag:s14] =	ssyncset.done $0x0  }
0x4f: {  	s23 =	simm.s32 $0x40;
	[sflag:s14] =	ssyncadd.s32 $0xFFFFFCE0  }
0x50: {  	v7 =	vld [tilespmem:s23+$0x30]  }
0x51: {  	v8 =	vld [tilespmem:s23+$0xFFFFFFD0]  }
0x52: {  	v9 =	vld [tilespmem:s23+$0xFFFFFFE0]  }
0x53: {  	v6 =	vld [tilespmem:s23+$0xFFFFFFF0]  }
0x54: {  	v4 =	vld [tilespmem:s23+$0x0]  }
0x55: {  	s21 =	simm.s32 $0x680;
	v5 =	vld [tilespmem:s23+$0x10];
	v10 =	vadd.s32 v0, v7  }
0x56: {  	v11 =	vadd.s32 v0, v8;
	v7 =	vld [tilespmem:s23+$0x20];
	[tilespmem:s21+$0x30] =	vst v10  }
0x57: {  	s22 =	simm.s32 $0x0;
	v8 =	vld [tilespmem:s23+$0xFFFFFFC0];
	v9 =	vadd.s32 v0, v9;
	s23 =	simm.s32 $0xC0;
	[tilespmem:s21+$0xFFFFFFD0] =	vst v11  }
.LBB2_4:
0x58: {  	v10 =	vld [tilespmem:s23+$0x30];
	s22 =	sadd.s32 $0x8, s22;
	[tilespmem:s21+$0xFFFFFFE0] =	vst v9;
	v6 =	vadd.s32 v0, v6  }
0x59: {  	v9 =	vld [tilespmem:s23+$0xFFFFFFD0];
	p0 =	slt.u32 s22, $0x28;
	[tilespmem:s21+$0xFFFFFFF0] =	vst v6;
	v4 =	vadd.s32 v0, v4  }
0x5a: {  	v11 =	vld [tilespmem:s23+$0xFFFFFFE0];
	[tilespmem:s21+$0x0] =	vst v4;
	v4 =	vadd.s32 v0, v5  }
.Ltmp3:
0x5b: {  	v6 =	vld [tilespmem:s23+$0xFFFFFFF0];
	[tilespmem:s21+$0x10] =	vst v4;
	v5 =	vadd.s32 v0, v7;
	(pc) =	sbr.rel @p0 .LBB2_4-.Ltmp3, $4  }
0x5c: {  	v4 =	vld [tilespmem:s23+$0x0];
	v7 =	vadd.s32 v0, v8;
	[tilespmem:s21+$0x20] =	vst v5  }
0x5d: {  	v5 =	vld [tilespmem:s23+$0x10];
	v8 =	vadd.s32 v0, v10;
	[tilespmem:s21+$0xFFFFFFC0] =	vst v7;
	s21 =	sadd.s32 $0x80, s21  }
0x5e: {  	s25 =	simm.s32 $0x0;
	v9 =	vadd.s32 v0, v9;
	v7 =	vld [tilespmem:s23+$0x20];
	[tilespmem:s21+$0x30] =	vst v8  }
0x5f: {  	v8 =	vld [tilespmem:s23+$0xFFFFFFC0];
	[tilespmem:s21+$0xFFFFFFD0] =	vst v9;
	v9 =	vadd.s32 v0, v11;
	s23 =	sadd.s32 $0x80, s23  }
0x60: {  	[tilespmem:s21+$0xFFFFFFE0] =	vst v9;
	v6 =	vadd.s32 v0, v6  }
0x61: {  	[tilespmem:s21+$0xFFFFFFF0] =	vst v6;
	v4 =	vadd.s32 v0, v4  }
0x62: {  	[tilespmem:s21+$0x0] =	vst v4;
	v4 =	vadd.s32 v0, v5  }
0x63: {  	[tilespmem:s21+$0x10] =	vst v4;
	v4 =	vadd.s32 v0, v7  }
0x64: {  	v5 =	vadd.s32 v0, v8;
	[tilespmem:s21+$0x20] =	vst v4  }
0x65: {  	[tilespmem:s21+$0xFFFFFFC0] =	vst v5  }
.LBB2_6:
0x66: {  	s21 =	sshra.s32 s25, $0x2  }
0x67: {  	v4 =	vld [tilespmem:s21+$0x300]  }
0x68: {  	p0 =	sne.s32 s25, $0x40  }
.Ltmp4:
0x69: {  	_ = 	snop;
	(pc) =	sbr.rel @p0 .LBB2_6-.Ltmp4, $3  }
0x6a: {  	_ =	sdelay $0x1  }
0x6b: {  	v4 =	vadd.s32 v0, v4  }
0x6c: {  	s25 =	sadd.s32 $0x40, s25;
	[tilespmem:s21+$0x940] =	vst v4  }
0x6d: {  	s0 =	simm.s32 $0x640  }
0x6e: {  	[tilespmem:s17], [sflag:$0x5] =	stream.indirect.gather [hbm4b:s3+s15], $0x8, s0, s15, $0xb8;
	[tilespmem:$0x1DB00] =	vst v63  }
0x6f: {  	s7 =	simm.s32 $0x690;
	s2 =	simm.s32 $0xF00  }
0x70: {  	[tilespmem:s2], [sflag:$0x5] =	stream.indirect.gather [hbm4b:s3+s15], $0x8, s7, s15, $0xb8;
	[tilespmem:$0x1DB00] =	vst v63  }
0x71: {  	s8 =	simm.s32 $0x6E0;
	s21 =	simm.s32 $0x1180  }
0x72: {  	[tilespmem:s21], [sflag:$0x5] =	stream.indirect.gather [hbm4b:s3+s15], $0x8, s8, s15, $0xb8;
	[tilespmem:$0x1DB00] =	vst v63  }
0x73: {  	s22 =	simm.s32 $0x730;
	s23 =	simm.s32 $0x1400  }
0x74: {  	[tilespmem:s23], [sflag:$0x5] =	stream.indirect.gather [hbm4b:s3+s15], $0x8, s22, s15, $0xb8;
	[tilespmem:$0x1DB00] =	vst v63  }
0x75: {  	s25 =	simm.s32 $0x780;
	s26 =	simm.s32 $0x1680  }
0x76: {  	[tilespmem:s26], [sflag:$0x5] =	stream.indirect.gather [hbm4b:s3+s15], $0x8, s25, s15, $0xb8;
	[tilespmem:$0x1DB00] =	vst v63  }
0x77: {  	s28 =	simm.s32 $0x7D0;
	s29 =	simm.s32 $0x1900  }
0x78: {  	[tilespmem:s29], [sflag:$0x5] =	stream.indirect.gather [hbm4b:s3+s15], $0x8, s28, s15, $0xb8;
	[tilespmem:$0x1DB00] =	vst v63  }
0x79: {  	s30 =	simm.s32 $0x820;
	s31 =	simm.s32 $0x1B80  }
0x7a: {  	[tilespmem:s31], [sflag:$0x5] =	stream.indirect.gather [hbm4b:s3+s15], $0x8, s30, s15, $0xb8;
	[tilespmem:$0x1DB00] =	vst v63  }
0x7b: {  	s2 =	simm.s32 $0x870;
	s7 =	simm.s32 $0x1E00  }
0x7c: {  	[tilespmem:s7], [sflag:$0x5] =	stream.indirect.gather [hbm4b:s3+s15], $0x8, s2, s15, $0xb8;
	[tilespmem:$0x1DB00] =	vst v63  }
0x7d: {  	s8 =	simm.s32 $0x8C0;
	s21 =	simm.s32 $0x2080  }
0x7e: {  	[tilespmem:s21], [sflag:$0x5] =	stream.indirect.gather [hbm4b:s3+s15], $0x8, s8, s15, $0xb8;
	[tilespmem:$0x1DB00] =	vst v63  }
0x7f: {  	s22 =	simm.s32 $0x910;
	s23 =	simm.s32 $0x2300  }
0x80: {  	[tilespmem:s23], [sflag:$0x5] =	stream.indirect.gather [hbm4b:s3+s15], $0x8, s22, s15, $0xb8;
	[tilespmem:$0x1DB00] =	vst v63  }
0x81: {  	s25 =	rddreg [dreg:$0x3];
	s26 =	simm.s32 $0x320;
	s21 =	simm.s32 $0x0  }
0x82: {  	[tilespmem:s26], [sflag:$0x2] =	stream.linear.gather [hbm4b:s25+s21], $0x320, $0x38;
	[tilespmem:$0x1DB00] =	vst v63  }
0x83: {  	s28 =	rddreg [dreg:$0x4];
	s29 =	simm.s32 $0x5780  }
0x84: {  	[tilespmem:s29], [sflag:$0x4] =	stream.linear.gather [hbm4b:s28+s21], $0x1900, $0x38;
	[tilespmem:$0x1DB00] =	vst v63  }
0x85: {  	s30 =	rddreg [dreg:$0x5];
	s31 =	simm.s32 $0x8980  }
0x86: {  	[tilespmem:s31], [sflag:$0x4] =	stream.linear.gather [hbm4b:s30+s21], $0x1900, $0x38;
	[tilespmem:$0x1DB00] =	vst v63  }
.LBB2_8:
0x87: {  	s22 =	sshll.u32 s21, $0x1  }
0x88: {  	p0 =	seq.s32 s21, $0x63;
	s23 =	sadd.s32 $0x2, s22  }
0x89: {  	s25 =	smul.u32 @!p0 $0x64, s23;
	_ =	sdelay $0x1  }
0x8a: {  	s26 =	simm.s32 @!p0 $0x0;
	s25 =	sadd.s32 @!p0 s4, s25  }
0x8b: {  	[tilespmem:s26], [sflag:$0x1] =	stream.linear.gather @!p0 [hbm4b:s25+s26], $0x320, $0x38;
	[tilespmem:$0x1DB00] =	vst v63  }
0x8c: {  	_ =	swait.ge [sflag:s13], $0x320  }
0x8d: {  	[sflag:s13] =	ssyncset.done $0x0  }
0x8e: {  	s28 =	simm.s32 $0x390;
	[sflag:s13] =	ssyncadd.s32 $0xFFFFFCE0  }
0x8f: {  	v7 =	vld [tilespmem:s28+$0x0]  }
0x90: {  	v8 =	vld [tilespmem:s28+$0xFFFFFFA0]  }
0x91: {  	v9 =	vld [tilespmem:s28+$0xFFFFFFB0]  }
0x92: {  	v6 =	vld [tilespmem:s28+$0xFFFFFFC0]  }
0x93: {  	v4 =	vld [tilespmem:s28+$0xFFFFFFD0]  }
0x94: {  	s25 =	simm.s32 $0x9D0;
	v5 =	vld [tilespmem:s28+$0xFFFFFFE0];
	v10 =	vadd.s32 v0, v7  }
0x95: {  	v11 =	vadd.s32 v0, v8;
	v7 =	vld [tilespmem:s28+$0xFFFFFFF0];
	[tilespmem:s25+$0x0] =	vst v10  }
0x96: {  	s26 =	simm.s32 $0x0;
	v8 =	vld [tilespmem:s28+$0xFFFFFF90];
	v9 =	vadd.s32 v0, v9;
	s28 =	simm.s32 $0x410;
	[tilespmem:s25+$0xFFFFFFA0] =	vst v11  }
.LBB2_9:
0x97: {  	v10 =	vld [tilespmem:s28+$0x0];
	s26 =	sadd.s32 $0x8, s26;
	[tilespmem:s25+$0xFFFFFFB0] =	vst v9;
	v6 =	vadd.s32 v0, v6  }
0x98: {  	v9 =	vld [tilespmem:s28+$0xFFFFFFA0];
	p1 =	slt.u32 s26, $0x28;
	[tilespmem:s25+$0xFFFFFFC0] =	vst v6;
	v4 =	vadd.s32 v0, v4  }
0x99: {  	v11 =	vld [tilespmem:s28+$0xFFFFFFB0];
	[tilespmem:s25+$0xFFFFFFD0] =	vst v4;
	v4 =	vadd.s32 v0, v5  }
.Ltmp5:
0x9a: {  	v6 =	vld [tilespmem:s28+$0xFFFFFFC0];
	[tilespmem:s25+$0xFFFFFFE0] =	vst v4;
	v5 =	vadd.s32 v0, v7;
	(pc) =	sbr.rel @p1 .LBB2_9-.Ltmp5, $4  }
0x9b: {  	v4 =	vld [tilespmem:s28+$0xFFFFFFD0];
	v7 =	vadd.s32 v0, v8;
	[tilespmem:s25+$0xFFFFFFF0] =	vst v5  }
0x9c: {  	v5 =	vld [tilespmem:s28+$0xFFFFFFE0];
	v8 =	vadd.s32 v0, v10;
	[tilespmem:s25+$0xFFFFFF90] =	vst v7;
	s25 =	sadd.s32 $0x80, s25  }
0x9d: {  	s29 =	simm.s32 $0x0;
	v9 =	vadd.s32 v0, v9;
	v7 =	vld [tilespmem:s28+$0xFFFFFFF0];
	[tilespmem:s25+$0x0] =	vst v8  }
0x9e: {  	v8 =	vld [tilespmem:s28+$0xFFFFFF90];
	[tilespmem:s25+$0xFFFFFFA0] =	vst v9;
	v9 =	vadd.s32 v0, v11;
	s28 =	sadd.s32 $0x80, s28  }
0x9f: {  	[tilespmem:s25+$0xFFFFFFB0] =	vst v9;
	v6 =	vadd.s32 v0, v6  }
0xa0: {  	[tilespmem:s25+$0xFFFFFFC0] =	vst v6;
	v4 =	vadd.s32 v0, v4  }
0xa1: {  	[tilespmem:s25+$0xFFFFFFD0] =	vst v4;
	v4 =	vadd.s32 v0, v5  }
0xa2: {  	[tilespmem:s25+$0xFFFFFFE0] =	vst v4;
	v4 =	vadd.s32 v0, v7  }
0xa3: {  	v5 =	vadd.s32 v0, v8;
	[tilespmem:s25+$0xFFFFFFF0] =	vst v4  }
0xa4: {  	[tilespmem:s25+$0xFFFFFF90] =	vst v5  }
.LBB2_11:
0xa5: {  	s25 =	sshra.s32 s29, $0x2  }
0xa6: {  	v4 =	vld [tilespmem:s25+$0x620]  }
0xa7: {  	p1 =	sne.s32 s29, $0x40  }
.Ltmp6:
0xa8: {  	_ = 	snop;
	(pc) =	sbr.rel @p1 .LBB2_11-.Ltmp6, $3  }
0xa9: {  	_ =	sdelay $0x1  }
0xaa: {  	v4 =	vadd.s32 v0, v4  }
0xab: {  	s29 =	sadd.s32 $0x40, s29;
	[tilespmem:s25+$0xC60] =	vst v4  }
0xac: {  	s0 =	simm.s32 $0x960  }
0xad: {  	[tilespmem:s18], [sflag:$0x6] =	stream.indirect.gather [hbm4b:s3+s15], $0x8, s0, s15, $0xb8;
	[tilespmem:$0x1DB00] =	vst v63  }
0xae: {  	s26 =	simm.s32 $0x9B0;
	s2 =	simm.s32 $0x2800  }
0xaf: {  	[tilespmem:s2], [sflag:$0x6] =	stream.indirect.gather [hbm4b:s3+s15], $0x8, s26, s15, $0xb8;
	[tilespmem:$0x1DB00] =	vst v63  }
0xb0: {  	s30 =	simm.s32 $0xA00;
	s31 =	simm.s32 $0x2A80  }
0xb1: {  	[tilespmem:s31], [sflag:$0x6] =	stream.indirect.gather [hbm4b:s3+s15], $0x8, s30, s15, $0xb8;
	[tilespmem:$0x1DB00] =	vst v63  }
0xb2: {  	s7 =	simm.s32 $0xA50;
	s8 =	simm.s32 $0x2D00  }
0xb3: {  	[tilespmem:s8], [sflag:$0x6] =	stream.indirect.gather [hbm4b:s3+s15], $0x8, s7, s15, $0xb8;
	[tilespmem:$0x1DB00] =	vst v63  }
0xb4: {  	s25 =	simm.s32 $0xAA0;
	s26 =	simm.s32 $0x2F80  }
0xb5: {  	[tilespmem:s26], [sflag:$0x6] =	stream.indirect.gather [hbm4b:s3+s15], $0x8, s25, s15, $0xb8;
	[tilespmem:$0x1DB00] =	vst v63  }
0xb6: {  	s30 =	simm.s32 $0xAF0;
	s31 =	simm.s32 $0x3200  }
0xb7: {  	[tilespmem:s31], [sflag:$0x6] =	stream.indirect.gather [hbm4b:s3+s15], $0x8, s30, s15, $0xb8;
	[tilespmem:$0x1DB00] =	vst v63  }
0xb8: {  	s2 =	simm.s32 $0xB40;
	s7 =	simm.s32 $0x3480  }
0xb9: {  	[tilespmem:s7], [sflag:$0x6] =	stream.indirect.gather [hbm4b:s3+s15], $0x8, s2, s15, $0xb8;
	[tilespmem:$0x1DB00] =	vst v63  }
0xba: {  	s8 =	simm.s32 $0xB90;
	s25 =	simm.s32 $0x3700  }
0xbb: {  	[tilespmem:s25], [sflag:$0x6] =	stream.indirect.gather [hbm4b:s3+s15], $0x8, s8, s15, $0xb8;
	[tilespmem:$0x1DB00] =	vst v63  }
0xbc: {  	s22 =	sadd.s32 $0x3, s22;
	s26 =	simm.s32 $0xBE0  }
0xbd: {  	[tilespmem:s9], [sflag:$0x6] =	stream.indirect.gather [hbm4b:s3+s15], $0x8, s26, s15, $0xb8;
	[tilespmem:$0x1DB00] =	vst v63  }
0xbe: {  	s25 =	smul.u32 @!p0 $0x64, s22  }
0xbf: {  	[tilespmem:s24], [sflag:$0x6] =	stream.indirect.gather [hbm4b:s3+s15], $0x8, s10, s15, $0xb8;
	[tilespmem:$0x1DB00] =	vst v63  }
0xc0: {  	s28 =	simm.s32 @!p0 $0x320;
	s25 =	sadd.s32 @!p0 s4, s25;
	s26 =	simm.s32 @!p0 $0x0  }
0xc1: {  	[tilespmem:s28], [sflag:$0x2] =	stream.linear.gather @!p0 [hbm4b:s25+s26], $0x320, $0x38;
	[tilespmem:$0x1DB00] =	vst v63  }
0xc2: {  	_ =	swait.ge [sflag:s12], $0x280  }
0xc3: {  	[sflag:s12] =	ssyncset.done $0x0  }
0xc4: {  	[sflag:s12] =	ssyncadd.s32 $0xFFFFFD80  }
0xc5: {  	_ =	swait.ge [sflag:s12], $0x280  }
0xc6: {  	[sflag:s12] =	ssyncset.done $0x0  }
0xc7: {  	[sflag:s12] =	ssyncadd.s32 $0xFFFFFD80  }
0xc8: {  	_ =	swait.ge [sflag:s12], $0x280  }
0xc9: {  	[sflag:s12] =	ssyncset.done $0x0  }
0xca: {  	[sflag:s12] =	ssyncadd.s32 $0xFFFFFD80  }
0xcb: {  	_ =	swait.ge [sflag:s12], $0x280  }
0xcc: {  	[sflag:s12] =	ssyncset.done $0x0  }
0xcd: {  	[sflag:s12] =	ssyncadd.s32 $0xFFFFFD80  }
0xce: {  	_ =	swait.ge [sflag:s12], $0x280  }
0xcf: {  	[sflag:s12] =	ssyncset.done $0x0  }
0xd0: {  	[sflag:s12] =	ssyncadd.s32 $0xFFFFFD80  }
0xd1: {  	_ =	swait.ge [sflag:s12], $0x280  }
0xd2: {  	[sflag:s12] =	ssyncset.done $0x0  }
0xd3: {  	[sflag:s12] =	ssyncadd.s32 $0xFFFFFD80  }
0xd4: {  	_ =	swait.ge [sflag:s12], $0x280  }
0xd5: {  	[sflag:s12] =	ssyncset.done $0x0  }
0xd6: {  	[sflag:s12] =	ssyncadd.s32 $0xFFFFFD80  }
0xd7: {  	_ =	swait.ge [sflag:s12], $0x280  }
0xd8: {  	[sflag:s12] =	ssyncset.done $0x0  }
0xd9: {  	[sflag:s12] =	ssyncadd.s32 $0xFFFFFD80  }
0xda: {  	_ =	swait.ge [sflag:s12], $0x280  }
0xdb: {  	[sflag:s12] =	ssyncset.done $0x0  }
0xdc: {  	[sflag:s12] =	ssyncadd.s32 $0xFFFFFD80  }
0xdd: {  	_ =	swait.ge [sflag:s12], $0x280  }
0xde: {  	[sflag:s12] =	ssyncset.done $0x0  }
0xdf: {  	[sflag:s12] =	ssyncadd.s32 $0xFFFFFD80  }
0xe0: {  	s30 =	simm.s32 $0x1C;
	_ =	swait.ge [sflag:s16], $0x1900  }
0xe1: {  	v4 =	vmov s30;
	[sflag:s16] =	ssyncset.done $0x0  }
0xe2: {  	v4 =	vshll.u32 v4, $0x3;
	[sflag:s16] =	ssyncadd.s32 $0xFFFFE700  }
0xe3: {  	v4 =	vor.u32 v1, v4;
	_ =	swait.ge [sflag:s16], $0x1900  }
0xe4: {  	v4 =	vor.u32 v2, v4;
	[sflag:s16] =	ssyncset.done $0x0  }
0xe5: {  	s25 =	simm.s32 $0x3F00;
	[sflag:s16] =	ssyncadd.s32 $0xFFFFE700  }
0xe6: {  	v5 =	vld [tilespmem:s25+$0x60]  }
0xe7: {  	v6 =	vld [tilespmem:s25+$0xFFFFFF80]  }
0xe8: {  	s29 =	simm.s32 $0x2;
	v7 =	vld [tilespmem:s25+$0xFFFFFF90]  }
0xe9: {  	v10 =	vmov s29;
	s29 =	simm.s32 $0x6;
	s26 =	simm.s32 $0x7100;
	v4 =	vld.idx.msk [tilespmem:v4+s17+$0x0], $0xffff  }
0xea: {  	v13 =	vmov s29;
	s29 =	simm.s32 $0xA;
	v8 =	vld [tilespmem:s26+$0x60]  }
0xeb: {  	v16 =	vmov s29;
	s29 =	simm.s32 $0x10;
	v13 =	vshll.u32 v13, $0x3;
	s28 =	simm.s32 $0x1E;
	v11 =	vld [tilespmem:s25+$0xFFFFFFA0]  }
0xec: {  	v20 =	vmov s29;
	s29 =	simm.s32 $0x0;
	v13 =	vor.u32 v1, v13;
	v9 =	vmov s28;
	s28 =	simm.s32 $0x4;
	v14 =	vld [tilespmem:s25+$0xFFFFFFB0]  }
0xed: {  	v16 =	vshll.u32 v16, $0x3;
	v24 =	vmov s29;
	v12 =	vmov s28;
	s28 =	simm.s32 $0x8;
	v18 =	vld [tilespmem:s25+$0xFFFFFFC0]  }
0xee: {  	s29 =	simm.s32 $0x18;
	v13 =	vor.u32 v2, v13;
	v16 =	vor.u32 v1, v16;
	v15 =	vmov s28;
	v22 =	vld [tilespmem:s25+$0xFFFFFFD0]  }
0xef: {  	v20 =	vshll.u32 v20, $0x3;
	v26 =	vmov s29;
	s30 =	simm.s32 $0xC;
	v15 =	vshll.u32 v15, $0x3;
	v25 =	vld [tilespmem:s25+$0xFFFFFFE0]  }
0xf0: {  	v16 =	vor.u32 v2, v16;
	v17 =	vmov s30;
	s28 =	simm.s32 $0xE;
	v15 =	vor.u32 v1, v15;
	v27 =	vld [tilespmem:s25+$0xFFFFFFF0]  }
0xf1: {  	v17 =	vshll.u32 v17, $0x3;
	v19 =	vmov s28;
	v15 =	vor.u32 v2, v15;
	v52 =	vld [tilespmem:s25+$0x10]  }
0xf2: {  	v20 =	vor.u32 v1, v20;
	s31 =	simm.s32 $0x12;
	v17 =	vor.u32 v1, v17;
	v19 =	vshll.u32 v19, $0x3;
	v29 =	vld [tilespmem:s25+$0x20]  }
0xf3: {  	v21 =	vmov s31;
	v17 =	vor.u32 v2, v17;
	s28 =	simm.s32 $0x14;
	v19 =	vor.u32 v1, v19;
	v30 =	vld [tilespmem:s25+$0x30]  }
0xf4: {  	v21 =	vshll.u32 v21, $0x3;
	v23 =	vmov s28;
	v19 =	vor.u32 v2, v19;
	v31 =	vld [tilespmem:s25+$0x40]  }
0xf5: {  	v20 =	vor.u32 v2, v20;
	v21 =	vor.u32 v1, v21;
	v23 =	vshll.u32 v23, $0x3;
	v13 =	vld.idx.msk [tilespmem:v13+s17+$0x0], $0xffff  }
0xf6: {  	v26 =	vshll.u32 v26, $0x3;
	v21 =	vor.u32 v2, v21;
	v23 =	vor.u32 v1, v23;
	v15 =	vld.idx.msk [tilespmem:v15+s17+$0x0], $0xffff  }
0xf7: {  	v26 =	vor.u32 v1, v26;
	v9 =	vshll.u32 v9, $0x3;
	v23 =	vor.u32 v2, v23;
	v16 =	vld.idx.msk [tilespmem:v16+s17+$0x0], $0xffff  }
0xf8: {  	v26 =	vor.u32 v2, v26;
	v9 =	vor.u32 v1, v9;
	v17 =	vld.idx.msk [tilespmem:v17+s17+$0x0], $0xffff  }
0xf9: {  	v9 =	vor.u32 v2, v9;
	v19 =	vld.idx.msk [tilespmem:v19+s17+$0x0], $0xffff  }
0xfa: {  	v20 =	vld.idx.msk [tilespmem:v20+s17+$0x0], $0xffff  }
0xfb: {  	v21 =	vld.idx.msk [tilespmem:v21+s17+$0x0], $0xffff  }
0xfc: {  	v23 =	vld.idx.msk [tilespmem:v23+s17+$0x0], $0xffff  }
0xfd: {  	v26 =	vld.idx.msk [tilespmem:v26+s17+$0x0], $0xffff  }
0xfe: {  	v33 =	vld.idx.msk [tilespmem:v9+s17+$0x0], $0xffff  }
0xff: {  	v9 =	vld [tilespmem:s26+$0xFFFFFF80]  }
0x100: {  	v34 =	vld [tilespmem:s25+$0x70]  }
0x101: {  	v35 =	vld [tilespmem:s26+$0xFFFFFF90]  }
0x102: {  	v36 =	vld [tilespmem:s26+$0xFFFFFFA0];
	v5 =	vshll.u32 v5, $0x3  }
0x103: {  	s28 =	simm.s32 $0x16;
	v37 =	vld [tilespmem:s26+$0xFFFFFFB0];
	v5 =	vor.u32 v2, v5  }
0x104: {  	v38 =	vld [tilespmem:s26+$0xFFFFFFC0];
	v4 =	vmul.f32 v8, v4;
	v8 =	vmov s28  }
0x105: {  	v39 =	vld [tilespmem:s26+$0xFFFFFFE0];
	v8 =	vshll.u32 v8, $0x3  }
0x106: {  	v24 =	vshll.u32 v24, $0x3;
	v53 =	vld [tilespmem:s26+$0x0];
	v8 =	vor.u32 v1, v8  }
0x107: {  	v10 =	vshll.u32 v10, $0x3;
	v24 =	vor.u32 v1, v24;
	v55 =	vld [tilespmem:s26+$0x10];
	v8 =	vor.u32 v2, v8  }
0x108: {  	[tilespmem:v5+s11+$0x0] =	vst.idx.add.f32.msk $0xffff, v4;
	v5 =	vor.u32 v1, v10;
	v10 =	vor.u32 v2, v24  }
0x109: {  	v57 =	vld [tilespmem:s26+$0x20]  }
0x10a: {  	v4 =	vshll.u32 v12, $0x3;
	v12 =	vld [tilespmem:s25+$0x0];
	v5 =	vor.u32 v2, v5  }
0x10b: {  	v59 =	vld [tilespmem:s26+$0x30];
	v4 =	vor.u32 v1, v4  }
0x10c: {  	v4 =	vor.u32 v2, v4;
	v32 =	vld.idx.msk [tilespmem:v8+s17+$0x0], $0xffff  }
0x10d: {  	v10 =	vld.idx.msk [tilespmem:v10+s17+$0x0], $0xffff  }
0x10e: {  	v6 =	vshll.u32 v6, $0x3;
	v8 =	vld [tilespmem:s25+$0x50]  }
0x10f: {  	s28 =	simm.s32 $0x1A;
	v7 =	vshll.u32 v7, $0x3;
	v6 =	vor.u32 v2, v6;
	v12 =	vshll.u32 v12, $0x3;
	v5 =	vld.idx.msk [tilespmem:v5+s17+$0x0], $0xffff  }
0x110: {  	v54 =	vshll.u32 v22, $0x3;
	v28 =	vmov s28;
	v41 =	vor.u32 v2, v12;
	v12 =	vld [tilespmem:s26+$0x40]  }
0x111: {  	v58 =	vshll.u32 v30, $0x3;
	v13 =	vmul.f32 v37, v13;
	v28 =	vshll.u32 v28, $0x3;
	v4 =	vld.idx.msk [tilespmem:v4+s17+$0x0], $0xffff  }
0x112: {  	v7 =	vor.u32 v2, v7;
	v28 =	vor.u32 v1, v28;
	v9 =	vmul.f32 v9, v10;
	v10 =	vld [tilespmem:s26+$0xFFFFFFD0]  }
0x113: {  	v61 =	vld [tilespmem:s26+$0x50];
	v15 =	vmul.f32 v38, v15;
	v28 =	vor.u32 v2, v28;
	v8 =	vshll.u32 v8, $0x3  }
0x114: {  	[tilespmem:v6+s11+$0x0] =	vst.idx.add.f32.msk $0xffff, v9;
	v9 =	vshll.u32 v14, $0x3;
	v14 =	vshll.u32 v18, $0x3;
	v18 =	vor.u32 v2, v54  }
0x115: {  	v62 =	vld [tilespmem:s26+$0x70];
	v8 =	vor.u32 v2, v8;
	v5 =	vmul.f32 v35, v5;
	v6 =	vshll.u32 v11, $0x3  }
0x116: {  	v12 =	vmul.f32 v12, v26;
	v11 =	vld [tilespmem:s26+$0xFFFFFFF0];
	v4 =	vmul.f32 v36, v4;
	v6 =	vor.u32 v2, v6  }
0x117: {  	[tilespmem:v7+s11+$0x0] =	vst.idx.add.f32.msk $0xffff, v5;
	v5 =	vshll.u32 v25, $0x3;
	v9 =	vor.u32 v2, v9;
	v10 =	vmul.f32 v10, v16  }
0x118: {  	v28 =	vld.idx.msk [tilespmem:v28+s17+$0x0], $0xffff;
	v7 =	vshll.u32 v27, $0x3;
	v14 =	vor.u32 v2, v14;
	v16 =	vmul.f32 v53, v20  }
0x119: {  	v24 =	vshll.u32 v52, $0x3;
	v60 =	vor.u32 v2, v5;
	v40 =	vor.u32 v2, v7;
	[tilespmem:v18+s11+$0x0] =	vst.idx.add.f32.msk $0xffff, v10  }
0x11a: {  	v56 =	vshll.u32 v29, $0x3;
	v7 =	vor.u32 v2, v24;
	v5 =	vor.u32 v2, v58;
	[tilespmem:v41+s11+$0x0] =	vst.idx.add.f32.msk $0xffff, v16  }
0x11b: {  	v31 =	vshll.u32 v31, $0x3;
	v11 =	vmul.f32 v11, v19;
	v10 =	vmul.f32 v62, v33;
	[tilespmem:v6+s11+$0x0] =	vst.idx.add.f32.msk $0xffff, v4  }
0x11c: {  	v63 =	vshll.u32 v34, $0x3;
	v6 =	vor.u32 v2, v56;
	v4 =	vor.u32 v2, v31;
	[tilespmem:v9+s11+$0x0] =	vst.idx.add.f32.msk $0xffff, v13  }
0x11d: {  	v9 =	vor.u32 v2, v63;
	v13 =	vmul.f32 v39, v17;
	[tilespmem:v14+s11+$0x0] =	vst.idx.add.f32.msk $0xffff, v15  }
0x11e: {  	v15 =	vmul.f32 v55, v21;
	v14 =	vmul.f32 v57, v23;
	[tilespmem:v40+s11+$0x0] =	vst.idx.add.f32.msk $0xffff, v11  }
0x11f: {  	s29 =	simm.s32 $0x3E;
	s28 =	simm.s32 $0x0;
	v11 =	vmul.f32 v61, v28;
	[tilespmem:v60+s11+$0x0] =	vst.idx.add.f32.msk $0xffff, v13;
	v13 =	vmul.f32 v59, v32  }
.LBB2_13:
0x120: {  	s30 =	sadd.s32 $0xFFFFFFE4, s29;
	s31 =	sadd.s32 $0xFFFFFFFE, s29;
	v16 =	vmov s29;
	s28 =	sadd.s32 $0x10, s28;
	[tilespmem:v7+s11+$0x0] =	vst.idx.add.f32.msk $0xffff, v15  }
0x121: {  	s0 =	sadd.s32 $0xFFFFFFE8, s29;
	v7 =	vmov s30;
	s30 =	sadd.s32 $0xFFFFFFE6, s29;
	v15 =	vmov s31;
	v16 =	vshll.u32 v16, $0x3;
	p1 =	slt.u32 s28, $0x180;
	[tilespmem:v6+s11+$0x0] =	vst.idx.add.f32.msk $0xffff, v14  }
0x122: {  	v14 =	vmov s0;
	s0 =	sadd.s32 $0xFFFFFFEA, s29;
	s31 =	sadd.s32 $0xFFFFFFEE, s29;
	v6 =	vmov s30;
	s30 =	sadd.s32 $0xFFFFFFEC, s29;
	v15 =	vshll.u32 v15, $0x3;
	[tilespmem:v5+s11+$0x0] =	vst.idx.add.f32.msk $0xffff, v13  }
0x123: {  	s2 =	sadd.s32 $0xFFFFFFF4, s29;
	v5 =	vmov s0;
	s0 =	sadd.s32 $0xFFFFFFF0, s29;
	v13 =	vmov s30;
	s30 =	sadd.s32 $0xFFFFFFF2, s29;
	v15 =	vor.u32 v1, v15;
	[tilespmem:v4+s11+$0x0] =	vst.idx.add.f32.msk $0xffff, v12  }
0x124: {  	s7 =	sadd.s32 $0xFFFFFFFA, s29;
	v4 =	vmov s31;
	v12 =	vmov s0;
	s0 =	sadd.s32 $0xFFFFFFF6, s29;
	s31 =	sadd.s32 $0xFFFFFFF8, s29;
	v15 =	vor.u32 v2, v15;
	[tilespmem:v8+s11+$0x0] =	vst.idx.add.f32.msk $0xffff, v11  }
0x125: {  	s8 =	sadd.s32 $0xFFFFFFE2, s29;
	s25 =	sadd.s32 $0x100, s25;
	v8 =	vmov s30;
	v11 =	vmov s2;
	v17 =	vmov s0;
	s0 =	sadd.s32 $0xFFFFFFFC, s29;
	[tilespmem:v9+s11+$0x0] =	vst.idx.add.f32.msk $0xffff, v10  }
0x126: {  	v18 =	vmov s7;
	v9 =	vmov s8;
	v10 =	vmov s31;
	v19 =	vld [tilespmem:s25+$0x60]  }
0x127: {  	v7 =	vshll.u32 v7, $0x3;
	v21 =	vmov s0;
	v9 =	vshll.u32 v9, $0x3;
	v20 =	vld [tilespmem:s25+$0xFFFFFF80]  }
0x128: {  	v14 =	vshll.u32 v14, $0x3;
	v6 =	vshll.u32 v6, $0x3;
	v5 =	vshll.u32 v5, $0x3;
	v22 =	vld [tilespmem:s25+$0xFFFFFF90]  }
0x129: {  	s26 =	sadd.s32 $0x100, s26;
	v13 =	vshll.u32 v13, $0x3;
	v4 =	vshll.u32 v4, $0x3;
	v12 =	vshll.u32 v12, $0x3;
	v15 =	vld.idx.msk [tilespmem:v15+s17+$0x0], $0xffff  }
0x12a: {  	v8 =	vshll.u32 v8, $0x3;
	v11 =	vshll.u32 v11, $0x3;
	v17 =	vshll.u32 v17, $0x3;
	v23 =	vld [tilespmem:s26+$0x60]  }
0x12b: {  	v18 =	vshll.u32 v18, $0x3;
	v10 =	vshll.u32 v10, $0x3;
	v24 =	vld [tilespmem:s25+$0xFFFFFFA0];
	v19 =	vshll.u32 v19, $0x3  }
0x12c: {  	v21 =	vshll.u32 v21, $0x3;
	v9 =	vor.u32 v1, v9;
	v25 =	vld [tilespmem:s25+$0xFFFFFFB0];
	v19 =	vor.u32 v2, v19  }
0x12d: {  	v7 =	vor.u32 v1, v7;
	v14 =	vor.u32 v1, v14;
	v6 =	vor.u32 v1, v6;
	v26 =	vld [tilespmem:s25+$0xFFFFFFC0]  }
0x12e: {  	v5 =	vor.u32 v1, v5;
	v13 =	vor.u32 v1, v13;
	v4 =	vor.u32 v1, v4;
	v27 =	vld [tilespmem:s25+$0xFFFFFFD0]  }
0x12f: {  	v12 =	vor.u32 v1, v12;
	v8 =	vor.u32 v1, v8;
	v28 =	vld [tilespmem:s25+$0xFFFFFFE0];
	v15 =	vmul.f32 v23, v15  }
0x130: {  	v11 =	vor.u32 v1, v11;
	v17 =	vor.u32 v1, v17;
	v10 =	vor.u32 v1, v10;
	v23 =	vld [tilespmem:s25+$0xFFFFFFF0]  }
0x131: {  	v18 =	vor.u32 v1, v18;
	v21 =	vor.u32 v1, v21;
	v20 =	vshll.u32 v20, $0x3;
	[tilespmem:v19+s11+$0x0] =	vst.idx.add.f32.msk $0xffff, v15  }
0x132: {  	v16 =	vor.u32 v1, v16;
	v7 =	vor.u32 v2, v7;
	v9 =	vor.u32 v2, v9;
	v15 =	vld [tilespmem:s25+$0x0]  }
0x133: {  	v14 =	vor.u32 v2, v14;
	v6 =	vor.u32 v2, v6;
	v5 =	vor.u32 v2, v5;
	v19 =	vld [tilespmem:s25+$0x10]  }
0x134: {  	v13 =	vor.u32 v2, v13;
	v4 =	vor.u32 v2, v4;
	v12 =	vor.u32 v2, v12;
	v29 =	vld [tilespmem:s25+$0x20]  }
0x135: {  	v8 =	vor.u32 v2, v8;
	v11 =	vor.u32 v2, v11;
	v17 =	vor.u32 v2, v17;
	v30 =	vld [tilespmem:s25+$0x30]  }
0x136: {  	v18 =	vor.u32 v2, v18;
	v10 =	vor.u32 v2, v10;
	v21 =	vor.u32 v2, v21;
	v31 =	vld [tilespmem:s25+$0x40]  }
0x137: {  	v16 =	vor.u32 v2, v16;
	v22 =	vshll.u32 v22, $0x3;
	v24 =	vshll.u32 v24, $0x3;
	v9 =	vld.idx.msk [tilespmem:v9+s17+$0x0], $0xffff  }
0x138: {  	v32 =	vld.idx.msk [tilespmem:v7+s17+$0x0], $0xffff;
	v7 =	vshll.u32 v25, $0x3;
	v25 =	vshll.u32 v26, $0x3;
	v26 =	vshll.u32 v27, $0x3  }
0x139: {  	v23 =	vshll.u32 v23, $0x3;
	v15 =	vshll.u32 v15, $0x3;
	v27 =	vld.idx.msk [tilespmem:v6+s17+$0x0], $0xffff;
	v6 =	vshll.u32 v28, $0x3  }
0x13a: {  	v19 =	vshll.u32 v19, $0x3;
	v28 =	vshll.u32 v29, $0x3;
	v14 =	vld.idx.msk [tilespmem:v14+s17+$0x0], $0xffff;
	v29 =	vshll.u32 v30, $0x3  }
0x13b: {  	v20 =	vor.u32 v2, v20;
	v22 =	vor.u32 v2, v22;
	v30 =	vld.idx.msk [tilespmem:v5+s17+$0x0], $0xffff;
	v31 =	vshll.u32 v31, $0x3  }
0x13c: {  	v24 =	vor.u32 v2, v24;
	v33 =	vor.u32 v2, v7;
	v25 =	vor.u32 v2, v25;
	v13 =	vld.idx.msk [tilespmem:v13+s17+$0x0], $0xffff  }
0x13d: {  	v23 =	vor.u32 v2, v23;
	v26 =	vor.u32 v2, v26;
	v35 =	vor.u32 v2, v6;
	v34 =	vld.idx.msk [tilespmem:v4+s17+$0x0], $0xffff  }
0x13e: {  	v36 =	vor.u32 v2, v15;
	v7 =	vor.u32 v2, v19;
	v6 =	vor.u32 v2, v28;
	v12 =	vld.idx.msk [tilespmem:v12+s17+$0x0], $0xffff  }
0x13f: {  	v5 =	vor.u32 v2, v29;
	v4 =	vor.u32 v2, v31;
	v15 =	vld.idx.msk [tilespmem:v8+s17+$0x0], $0xffff  }
0x140: {  	v11 =	vld.idx.msk [tilespmem:v11+s17+$0x0], $0xffff  }
0x141: {  	v17 =	vld.idx.msk [tilespmem:v17+s17+$0x0], $0xffff  }
0x142: {  	v10 =	vld.idx.msk [tilespmem:v10+s17+$0x0], $0xffff  }
0x143: {  	v18 =	vld.idx.msk [tilespmem:v18+s17+$0x0], $0xffff  }
0x144: {  	v19 =	vld.idx.msk [tilespmem:v21+s17+$0x0], $0xffff  }
0x145: {  	v16 =	vld.idx.msk [tilespmem:v16+s17+$0x0], $0xffff  }
0x146: {  	v8 =	vld [tilespmem:s25+$0x50]  }
0x147: {  	v21 =	vld [tilespmem:s25+$0x70]  }
0x148: {  	v28 =	vld [tilespmem:s26+$0xFFFFFF80]  }
0x149: {  	v29 =	vld [tilespmem:s26+$0xFFFFFF90]  }
0x14a: {  	v31 =	vld [tilespmem:s26+$0xFFFFFFA0]  }
0x14b: {  	v37 =	vld [tilespmem:s26+$0xFFFFFFB0];
	v8 =	vshll.u32 v8, $0x3  }
0x14c: {  	v38 =	vld [tilespmem:s26+$0xFFFFFFC0];
	v8 =	vor.u32 v2, v8;
	v21 =	vshll.u32 v21, $0x3  }
0x14d: {  	v28 =	vmul.f32 v28, v9;
	v39 =	vld [tilespmem:s26+$0xFFFFFFD0];
	v9 =	vor.u32 v2, v21  }
0x14e: {  	v21 =	vmul.f32 v29, v32;
	v29 =	vld [tilespmem:s26+$0xFFFFFFE0]  }
0x14f: {  	v27 =	vmul.f32 v31, v27;
	v31 =	vld [tilespmem:s26+$0xFFFFFFF0]  }
0x150: {  	v32 =	vmul.f32 v37, v14;
	v14 =	vld [tilespmem:s26+$0x0]  }
0x151: {  	v30 =	vmul.f32 v38, v30;
	v37 =	vld [tilespmem:s26+$0x10]  }
0x152: {  	v38 =	vmul.f32 v39, v13;
	v13 =	vld [tilespmem:s26+$0x20]  }
0x153: {  	v29 =	vmul.f32 v29, v34;
	v34 =	vld [tilespmem:s26+$0x30]  }
0x154: {  	v31 =	vmul.f32 v31, v12;
	v12 =	vld [tilespmem:s26+$0x40]  }
0x155: {  	v39 =	vmul.f32 v14, v15;
	v40 =	vld [tilespmem:s26+$0x50]  }
0x156: {  	v15 =	vmul.f32 v37, v11;
	v37 =	vld [tilespmem:s26+$0x70]  }
0x157: {  	[tilespmem:v20+s11+$0x0] =	vst.idx.add.f32.msk $0xffff, v28;
	v14 =	vmul.f32 v13, v17  }
0x158: {  	[tilespmem:v22+s11+$0x0] =	vst.idx.add.f32.msk $0xffff, v21;
	v13 =	vmul.f32 v34, v10  }
0x159: {  	[tilespmem:v24+s11+$0x0] =	vst.idx.add.f32.msk $0xffff, v27;
	v12 =	vmul.f32 v12, v18  }
0x15a: {  	[tilespmem:v33+s11+$0x0] =	vst.idx.add.f32.msk $0xffff, v32;
	v11 =	vmul.f32 v40, v19  }
.Ltmp7:
0x15b: {  	[tilespmem:v25+s11+$0x0] =	vst.idx.add.f32.msk $0xffff, v30;
	v10 =	vmul.f32 v37, v16;
	(pc) =	sbr.rel @p1 .LBB2_13-.Ltmp7, $4  }
0x15c: {  	[tilespmem:v26+s11+$0x0] =	vst.idx.add.f32.msk $0xffff, v38  }
0x15d: {  	[tilespmem:v35+s11+$0x0] =	vst.idx.add.f32.msk $0xffff, v29  }
0x15e: {  	[tilespmem:v23+s11+$0x0] =	vst.idx.add.f32.msk $0xffff, v31  }
0x15f: {  	s29 =	sadd.s32 $0x20, s29;
	[tilespmem:v36+s11+$0x0] =	vst.idx.add.f32.msk $0xffff, v39  }
0x160: {  	_ =	sdelay $0x3  }
0x161: {  	[tilespmem:v7+s11+$0x0] =	vst.idx.add.f32.msk $0xffff, v15  }
.Ltmp8:
0x162: {  	[tilespmem:v6+s11+$0x0] =	vst.idx.add.f32.msk $0xffff, v14;
	(pc) =	sbr.rel @p0 .LBB2_20-.Ltmp8, $4  }
0x163: {  	[tilespmem:v5+s11+$0x0] =	vst.idx.add.f32.msk $0xffff, v13  }
0x164: {  	[tilespmem:v4+s11+$0x0] =	vst.idx.add.f32.msk $0xffff, v12  }
0x165: {  	[tilespmem:v8+s11+$0x0] =	vst.idx.add.f32.msk $0xffff, v11  }
0x166: {  	[tilespmem:v9+s11+$0x0] =	vst.idx.add.f32.msk $0xffff, v10  }
0x167: {  	s0 =	smul.u32 $0x320, s23;
	_ =	sdelay $0x1  }
0x168: {  	s7 =	simm.s32 $0x3E80;
	s2 =	sadd.s32 s5, s0  }
0x169: {  	[tilespmem:s7], [sflag:$0x3] =	stream.linear.gather [hbm4b:s2+s1], $0x1900, $0x38;
	[tilespmem:$0x1DB00] =	vst v63  }
0x16a: {  	s30 =	simm.s32 $0x7080;
	s0 =	sadd.s32 s6, s0  }
0x16b: {  	[tilespmem:s30], [sflag:$0x3] =	stream.linear.gather [hbm4b:s0+s1], $0x1900, $0x38;
	[tilespmem:$0x1DB00] =	vst v63  }
0x16c: {  	_ =	swait.ge [sflag:s14], $0x320  }
0x16d: {  	[sflag:s14] =	ssyncset.done $0x0  }
0x16e: {  	s31 =	simm.s32 $0x40;
	[sflag:s14] =	ssyncadd.s32 $0xFFFFFCE0  }
0x16f: {  	v7 =	vld [tilespmem:s31+$0x30]  }
0x170: {  	v8 =	vld [tilespmem:s31+$0xFFFFFFD0]  }
0x171: {  	v9 =	vld [tilespmem:s31+$0xFFFFFFE0]  }
0x172: {  	v6 =	vld [tilespmem:s31+$0xFFFFFFF0]  }
0x173: {  	v4 =	vld [tilespmem:s31+$0x0]  }
0x174: {  	s23 =	simm.s32 $0x680;
	v5 =	vld [tilespmem:s31+$0x10];
	v10 =	vadd.s32 v0, v7  }
0x175: {  	v11 =	vadd.s32 v0, v8;
	v7 =	vld [tilespmem:s31+$0x20];
	[tilespmem:s23+$0x30] =	vst v10  }
0x176: {  	s25 =	simm.s32 $0x0;
	s26 =	simm.s32 $0xC0;
	v8 =	vld [tilespmem:s31+$0xFFFFFFC0];
	v9 =	vadd.s32 v0, v9;
	[tilespmem:s23+$0xFFFFFFD0] =	vst v11  }
.LBB2_16:
0x177: {  	v10 =	vld [tilespmem:s26+$0x30];
	s25 =	sadd.s32 $0x8, s25;
	[tilespmem:s23+$0xFFFFFFE0] =	vst v9;
	v6 =	vadd.s32 v0, v6  }
0x178: {  	v9 =	vld [tilespmem:s26+$0xFFFFFFD0];
	p1 =	slt.u32 s25, $0x28;
	[tilespmem:s23+$0xFFFFFFF0] =	vst v6;
	v4 =	vadd.s32 v0, v4  }
0x179: {  	v11 =	vld [tilespmem:s26+$0xFFFFFFE0];
	[tilespmem:s23+$0x0] =	vst v4;
	v4 =	vadd.s32 v0, v5  }
.Ltmp9:
0x17a: {  	v6 =	vld [tilespmem:s26+$0xFFFFFFF0];
	[tilespmem:s23+$0x10] =	vst v4;
	v5 =	vadd.s32 v0, v7;
	(pc) =	sbr.rel @p1 .LBB2_16-.Ltmp9, $4  }
0x17b: {  	v4 =	vld [tilespmem:s26+$0x0];
	v7 =	vadd.s32 v0, v8;
	[tilespmem:s23+$0x20] =	vst v5  }
0x17c: {  	v5 =	vld [tilespmem:s26+$0x10];
	v8 =	vadd.s32 v0, v10;
	[tilespmem:s23+$0xFFFFFFC0] =	vst v7;
	s23 =	sadd.s32 $0x80, s23  }
0x17d: {  	s28 =	simm.s32 $0x0;
	v9 =	vadd.s32 v0, v9;
	v7 =	vld [tilespmem:s26+$0x20];
	[tilespmem:s23+$0x30] =	vst v8  }
0x17e: {  	v8 =	vld [tilespmem:s26+$0xFFFFFFC0];
	[tilespmem:s23+$0xFFFFFFD0] =	vst v9;
	v9 =	vadd.s32 v0, v11;
	s26 =	sadd.s32 $0x80, s26  }
0x17f: {  	[tilespmem:s23+$0xFFFFFFE0] =	vst v9;
	v6 =	vadd.s32 v0, v6  }
0x180: {  	[tilespmem:s23+$0xFFFFFFF0] =	vst v6;
	v4 =	vadd.s32 v0, v4  }
0x181: {  	[tilespmem:s23+$0x0] =	vst v4;
	v4 =	vadd.s32 v0, v5  }
0x182: {  	[tilespmem:s23+$0x10] =	vst v4;
	v4 =	vadd.s32 v0, v7  }
0x183: {  	v5 =	vadd.s32 v0, v8;
	[tilespmem:s23+$0x20] =	vst v4  }
0x184: {  	[tilespmem:s23+$0xFFFFFFC0] =	vst v5  }
.LBB2_18:
0x185: {  	s0 =	sshra.s32 s28, $0x2  }
0x186: {  	v4 =	vld [tilespmem:s0+$0x300]  }
0x187: {  	p1 =	sne.s32 s28, $0x40  }
.Ltmp10:
0x188: {  	_ = 	snop;
	(pc) =	sbr.rel @p1 .LBB2_18-.Ltmp10, $3  }
0x189: {  	_ =	sdelay $0x1  }
0x18a: {  	v4 =	vadd.s32 v0, v4  }
0x18b: {  	s28 =	sadd.s32 $0x40, s28;
	[tilespmem:s0+$0x940] =	vst v4  }
0x18c: {  	s0 =	simm.s32 $0x640  }
0x18d: {  	[tilespmem:s17], [sflag:$0x5] =	stream.indirect.gather [hbm4b:s3+s15], $0x8, s0, s15, $0xb8;
	[tilespmem:$0x1DB00] =	vst v63  }
0x18e: {  	s23 =	simm.s32 $0x690;
	s2 =	simm.s32 $0xF00  }
0x18f: {  	[tilespmem:s2], [sflag:$0x5] =	stream.indirect.gather [hbm4b:s3+s15], $0x8, s23, s15, $0xb8;
	[tilespmem:$0x1DB00] =	vst v63  }
0x190: {  	s25 =	simm.s32 $0x6E0;
	s26 =	simm.s32 $0x1180  }
0x191: {  	[tilespmem:s26], [sflag:$0x5] =	stream.indirect.gather [hbm4b:s3+s15], $0x8, s25, s15, $0xb8;
	[tilespmem:$0x1DB00] =	vst v63  }
0x192: {  	s28 =	simm.s32 $0x730;
	s29 =	simm.s32 $0x1400  }
0x193: {  	[tilespmem:s29], [sflag:$0x5] =	stream.indirect.gather [hbm4b:s3+s15], $0x8, s28, s15, $0xb8;
	[tilespmem:$0x1DB00] =	vst v63  }
0x194: {  	s30 =	simm.s32 $0x780;
	s31 =	simm.s32 $0x1680  }
0x195: {  	[tilespmem:s31], [sflag:$0x5] =	stream.indirect.gather [hbm4b:s3+s15], $0x8, s30, s15, $0xb8;
	[tilespmem:$0x1DB00] =	vst v63  }
0x196: {  	s7 =	simm.s32 $0x1900;
	s2 =	simm.s32 $0x7D0  }
0x197: {  	[tilespmem:s7], [sflag:$0x5] =	stream.indirect.gather [hbm4b:s3+s15], $0x8, s2, s15, $0xb8;
	[tilespmem:$0x1DB00] =	vst v63  }
0x198: {  	s8 =	simm.s32 $0x820;
	s23 =	simm.s32 $0x1B80  }
0x199: {  	[tilespmem:s23], [sflag:$0x5] =	stream.indirect.gather [hbm4b:s3+s15], $0x8, s8, s15, $0xb8;
	[tilespmem:$0x1DB00] =	vst v63  }
0x19a: {  	s25 =	simm.s32 $0x870;
	s26 =	simm.s32 $0x1E00  }
0x19b: {  	[tilespmem:s26], [sflag:$0x5] =	stream.indirect.gather [hbm4b:s3+s15], $0x8, s25, s15, $0xb8;
	[tilespmem:$0x1DB00] =	vst v63  }
0x19c: {  	s28 =	simm.s32 $0x8C0;
	s29 =	simm.s32 $0x2080  }
0x19d: {  	[tilespmem:s29], [sflag:$0x5] =	stream.indirect.gather [hbm4b:s3+s15], $0x8, s28, s15, $0xb8;
	[tilespmem:$0x1DB00] =	vst v63  }
0x19e: {  	s30 =	simm.s32 $0x910;
	s31 =	simm.s32 $0x2300  }
0x19f: {  	[tilespmem:s31], [sflag:$0x5] =	stream.indirect.gather [hbm4b:s3+s15], $0x8, s30, s15, $0xb8;
	[tilespmem:$0x1DB00] =	vst v63  }
.LBB2_20:
0x1a0: {  	_ =	swait.ge [sflag:s19], $0x280  }
0x1a1: {  	[sflag:s19] =	ssyncset.done $0x0  }
0x1a2: {  	[sflag:s19] =	ssyncadd.s32 $0xFFFFFD80  }
0x1a3: {  	_ =	swait.ge [sflag:s19], $0x280  }
0x1a4: {  	[sflag:s19] =	ssyncset.done $0x0  }
0x1a5: {  	[sflag:s19] =	ssyncadd.s32 $0xFFFFFD80  }
0x1a6: {  	_ =	swait.ge [sflag:s19], $0x280  }
0x1a7: {  	[sflag:s19] =	ssyncset.done $0x0  }
0x1a8: {  	[sflag:s19] =	ssyncadd.s32 $0xFFFFFD80  }
0x1a9: {  	_ =	swait.ge [sflag:s19], $0x280  }
0x1aa: {  	[sflag:s19] =	ssyncset.done $0x0  }
0x1ab: {  	[sflag:s19] =	ssyncadd.s32 $0xFFFFFD80  }
0x1ac: {  	_ =	swait.ge [sflag:s19], $0x280  }
0x1ad: {  	[sflag:s19] =	ssyncset.done $0x0  }
0x1ae: {  	[sflag:s19] =	ssyncadd.s32 $0xFFFFFD80  }
0x1af: {  	_ =	swait.ge [sflag:s19], $0x280  }
0x1b0: {  	[sflag:s19] =	ssyncset.done $0x0  }
0x1b1: {  	[sflag:s19] =	ssyncadd.s32 $0xFFFFFD80  }
0x1b2: {  	_ =	swait.ge [sflag:s19], $0x280  }
0x1b3: {  	[sflag:s19] =	ssyncset.done $0x0  }
0x1b4: {  	[sflag:s19] =	ssyncadd.s32 $0xFFFFFD80  }
0x1b5: {  	_ =	swait.ge [sflag:s19], $0x280  }
0x1b6: {  	[sflag:s19] =	ssyncset.done $0x0  }
0x1b7: {  	[sflag:s19] =	ssyncadd.s32 $0xFFFFFD80  }
0x1b8: {  	_ =	swait.ge [sflag:s19], $0x280  }
0x1b9: {  	[sflag:s19] =	ssyncset.done $0x0  }
0x1ba: {  	[sflag:s19] =	ssyncadd.s32 $0xFFFFFD80  }
0x1bb: {  	_ =	swait.ge [sflag:s19], $0x280  }
0x1bc: {  	[sflag:s19] =	ssyncset.done $0x0  }
0x1bd: {  	[sflag:s19] =	ssyncadd.s32 $0xFFFFFD80  }
0x1be: {  	s0 =	simm.s32 $0x1C;
	_ =	swait.ge [sflag:s20], $0x1900  }
0x1bf: {  	v4 =	vmov s0;
	[sflag:s20] =	ssyncset.done $0x0  }
0x1c0: {  	v4 =	vshll.u32 v4, $0x3;
	[sflag:s20] =	ssyncadd.s32 $0xFFFFE700  }
0x1c1: {  	v4 =	vor.u32 v1, v4;
	_ =	swait.ge [sflag:s20], $0x1900  }
0x1c2: {  	v4 =	vor.u32 v2, v4;
	[sflag:s20] =	ssyncset.done $0x0  }
0x1c3: {  	s23 =	simm.s32 $0x5870;
	[sflag:s20] =	ssyncadd.s32 $0xFFFFE700  }
0x1c4: {  	v5 =	vld [tilespmem:s23+$0xFFFFFFF0]  }
0x1c5: {  	v6 =	vld [tilespmem:s23+$0xFFFFFF10]  }
0x1c6: {  	v7 =	vld [tilespmem:s23+$0xFFFFFF20]  }
0x1c7: {  	s25 =	simm.s32 $0x8A70;
	v4 =	vld.idx.msk [tilespmem:v4+s18+$0x0], $0xffff  }
0x1c8: {  	s31 =	simm.s32 $0x1E;
	s7 =	simm.s32 $0x4;
	s8 =	simm.s32 $0x6;
	v8 =	vld [tilespmem:s25+$0xFFFFFFF0]  }
0x1c9: {  	s26 =	simm.s32 $0x8;
	s29 =	simm.s32 $0xA;
	s30 =	simm.s32 $0xE;
	v9 =	vmov s31;
	v12 =	vmov s7;
	v13 =	vmov s8;
	v11 =	vld [tilespmem:s23+$0xFFFFFF30]  }
0x1ca: {  	s7 =	simm.s32 $0xC;
	v15 =	vmov s26;
	v16 =	vmov s29;
	s31 =	simm.s32 $0x10;
	s8 =	simm.s32 $0x12;
	v19 =	vmov s30;
	v14 =	vld [tilespmem:s23+$0xFFFFFF40]  }
0x1cb: {  	s30 =	simm.s32 $0x18;
	v17 =	vmov s7;
	v20 =	vmov s31;
	v21 =	vmov s8;
	v18 =	vld [tilespmem:s23+$0xFFFFFF50]  }
0x1cc: {  	v26 =	vmov s30;
	v13 =	vshll.u32 v13, $0x3;
	v15 =	vshll.u32 v15, $0x3;
	v22 =	vld [tilespmem:s23+$0xFFFFFF60]  }
0x1cd: {  	s7 =	simm.s32 $0x14;
	v16 =	vshll.u32 v16, $0x3;
	v19 =	vshll.u32 v19, $0x3;
	v13 =	vor.u32 v1, v13;
	v25 =	vld [tilespmem:s23+$0xFFFFFF70]  }
0x1ce: {  	v23 =	vmov s7;
	v15 =	vor.u32 v1, v15;
	v13 =	vor.u32 v2, v13;
	v27 =	vld [tilespmem:s23+$0xFFFFFF80]  }
0x1cf: {  	s31 =	simm.s32 $0x1A;
	v17 =	vshll.u32 v17, $0x3;
	v16 =	vor.u32 v1, v16;
	v15 =	vor.u32 v2, v15;
	v52 =	vld [tilespmem:s23+$0xFFFFFFA0]  }
0x1d0: {  	v28 =	vmov s31;
	v17 =	vor.u32 v1, v17;
	v16 =	vor.u32 v2, v16;
	v29 =	vld [tilespmem:s23+$0xFFFFFFB0]  }
0x1d1: {  	v20 =	vshll.u32 v20, $0x3;
	v19 =	vor.u32 v1, v19;
	v17 =	vor.u32 v2, v17;
	v30 =	vld [tilespmem:s23+$0xFFFFFFC0]  }
0x1d2: {  	v21 =	vshll.u32 v21, $0x3;
	v20 =	vor.u32 v1, v20;
	v19 =	vor.u32 v2, v19;
	v31 =	vld [tilespmem:s23+$0xFFFFFFD0]  }
0x1d3: {  	v23 =	vshll.u32 v23, $0x3;
	v21 =	vor.u32 v1, v21;
	v20 =	vor.u32 v2, v20;
	v13 =	vld.idx.msk [tilespmem:v13+s18+$0x0], $0xffff  }
0x1d4: {  	v26 =	vshll.u32 v26, $0x3;
	v23 =	vor.u32 v1, v23;
	v21 =	vor.u32 v2, v21;
	v15 =	vld.idx.msk [tilespmem:v15+s18+$0x0], $0xffff  }
0x1d5: {  	v28 =	vshll.u32 v28, $0x3;
	v26 =	vor.u32 v1, v26;
	v23 =	vor.u32 v2, v23;
	v16 =	vld.idx.msk [tilespmem:v16+s18+$0x0], $0xffff  }
0x1d6: {  	v9 =	vshll.u32 v9, $0x3;
	v28 =	vor.u32 v1, v28;
	v26 =	vor.u32 v2, v26;
	v17 =	vld.idx.msk [tilespmem:v17+s18+$0x0], $0xffff  }
0x1d7: {  	v9 =	vor.u32 v1, v9;
	v28 =	vor.u32 v2, v28;
	v19 =	vld.idx.msk [tilespmem:v19+s18+$0x0], $0xffff  }
0x1d8: {  	v9 =	vor.u32 v2, v9;
	v20 =	vld.idx.msk [tilespmem:v20+s18+$0x0], $0xffff  }
0x1d9: {  	v21 =	vld.idx.msk [tilespmem:v21+s18+$0x0], $0xffff  }
0x1da: {  	v23 =	vld.idx.msk [tilespmem:v23+s18+$0x0], $0xffff  }
0x1db: {  	v26 =	vld.idx.msk [tilespmem:v26+s18+$0x0], $0xffff  }
0x1dc: {  	v28 =	vld.idx.msk [tilespmem:v28+s18+$0x0], $0xffff  }
0x1dd: {  	v33 =	vld.idx.msk [tilespmem:v9+s18+$0x0], $0xffff  }
0x1de: {  	v9 =	vld [tilespmem:s25+$0xFFFFFF10]  }
0x1df: {  	v34 =	vld [tilespmem:s23+$0x0]  }
0x1e0: {  	v35 =	vld [tilespmem:s25+$0xFFFFFF20];
	v5 =	vshll.u32 v5, $0x3  }
0x1e1: {  	s29 =	simm.s32 $0x16;
	v36 =	vld [tilespmem:s25+$0xFFFFFF30];
	v5 =	vor.u32 v2, v5  }
0x1e2: {  	s26 =	simm.s32 $0x0;
	v37 =	vld [tilespmem:s25+$0xFFFFFF40];
	v4 =	vmul.f32 v8, v4;
	v8 =	vmov s29  }
0x1e3: {  	s2 =	simm.s32 $0x2;
	v24 =	vmov s26;
	v38 =	vld [tilespmem:s25+$0xFFFFFF50];
	v8 =	vshll.u32 v8, $0x3  }
0x1e4: {  	v10 =	vmov s2;
	v24 =	vshll.u32 v24, $0x3;
	v39 =	vld [tilespmem:s25+$0xFFFFFF70];
	v8 =	vor.u32 v1, v8  }
0x1e5: {  	v10 =	vshll.u32 v10, $0x3;
	v24 =	vor.u32 v1, v24;
	v53 =	vld [tilespmem:s25+$0xFFFFFF90];
	v8 =	vor.u32 v2, v8  }
0x1e6: {  	[tilespmem:v5+s11+$0x0] =	vst.idx.add.f32.msk $0xffff, v4;
	v5 =	vor.u32 v1, v10;
	v10 =	vor.u32 v2, v24  }
0x1e7: {  	v55 =	vld [tilespmem:s25+$0xFFFFFFA0]  }
0x1e8: {  	v4 =	vshll.u32 v12, $0x3;
	v12 =	vld [tilespmem:s23+$0xFFFFFF90];
	v5 =	vor.u32 v2, v5  }
0x1e9: {  	v57 =	vld [tilespmem:s25+$0xFFFFFFB0];
	v4 =	vor.u32 v1, v4  }
0x1ea: {  	v4 =	vor.u32 v2, v4;
	v32 =	vld.idx.msk [tilespmem:v8+s18+$0x0], $0xffff  }
0x1eb: {  	v10 =	vld.idx.msk [tilespmem:v10+s18+$0x0], $0xffff  }
0x1ec: {  	v6 =	vshll.u32 v6, $0x3;
	v8 =	vld [tilespmem:s23+$0xFFFFFFE0]  }
0x1ed: {  	v6 =	vor.u32 v2, v6;
	v12 =	vshll.u32 v12, $0x3;
	v5 =	vld.idx.msk [tilespmem:v5+s18+$0x0], $0xffff  }
0x1ee: {  	v41 =	vor.u32 v2, v12;
	v12 =	vld [tilespmem:s25+$0xFFFFFFD0]  }
0x1ef: {  	v7 =	vshll.u32 v7, $0x3;
	v54 =	vshll.u32 v22, $0x3;
	v4 =	vld.idx.msk [tilespmem:v4+s18+$0x0], $0xffff  }
0x1f0: {  	v58 =	vshll.u32 v30, $0x3;
	v7 =	vor.u32 v2, v7;
	v9 =	vmul.f32 v9, v10;
	v10 =	vld [tilespmem:s25+$0xFFFFFF60]  }
0x1f1: {  	v59 =	vld [tilespmem:s25+$0xFFFFFFC0];
	v13 =	vmul.f32 v37, v13;
	v15 =	vmul.f32 v38, v15;
	v8 =	vshll.u32 v8, $0x3  }
0x1f2: {  	[tilespmem:v6+s11+$0x0] =	vst.idx.add.f32.msk $0xffff, v9;
	v9 =	vshll.u32 v14, $0x3;
	v14 =	vshll.u32 v18, $0x3;
	v18 =	vor.u32 v2, v54  }
0x1f3: {  	v62 =	vld [tilespmem:s25+$0x0];
	v8 =	vor.u32 v2, v8;
	v5 =	vmul.f32 v35, v5;
	v6 =	vshll.u32 v11, $0x3  }
0x1f4: {  	v12 =	vmul.f32 v12, v26;
	v11 =	vld [tilespmem:s25+$0xFFFFFF80];
	v4 =	vmul.f32 v36, v4;
	v6 =	vor.u32 v2, v6  }
0x1f5: {  	[tilespmem:v7+s11+$0x0] =	vst.idx.add.f32.msk $0xffff, v5;
	v5 =	vshll.u32 v25, $0x3;
	v9 =	vor.u32 v2, v9;
	v10 =	vmul.f32 v10, v16  }
0x1f6: {  	v61 =	vld [tilespmem:s25+$0xFFFFFFE0];
	v7 =	vshll.u32 v27, $0x3;
	v14 =	vor.u32 v2, v14;
	v16 =	vmul.f32 v53, v20  }
0x1f7: {  	v24 =	vshll.u32 v52, $0x3;
	v60 =	vor.u32 v2, v5;
	v40 =	vor.u32 v2, v7;
	[tilespmem:v18+s11+$0x0] =	vst.idx.add.f32.msk $0xffff, v10  }
0x1f8: {  	v56 =	vshll.u32 v29, $0x3;
	v7 =	vor.u32 v2, v24;
	v5 =	vor.u32 v2, v58;
	[tilespmem:v41+s11+$0x0] =	vst.idx.add.f32.msk $0xffff, v16  }
0x1f9: {  	v31 =	vshll.u32 v31, $0x3;
	v11 =	vmul.f32 v11, v19;
	v10 =	vmul.f32 v62, v33;
	[tilespmem:v6+s11+$0x0] =	vst.idx.add.f32.msk $0xffff, v4  }
0x1fa: {  	v63 =	vshll.u32 v34, $0x3;
	v6 =	vor.u32 v2, v56;
	v4 =	vor.u32 v2, v31;
	[tilespmem:v9+s11+$0x0] =	vst.idx.add.f32.msk $0xffff, v13  }
0x1fb: {  	v9 =	vor.u32 v2, v63;
	v13 =	vmul.f32 v39, v17;
	[tilespmem:v14+s11+$0x0] =	vst.idx.add.f32.msk $0xffff, v15  }
0x1fc: {  	v15 =	vmul.f32 v55, v21;
	v14 =	vmul.f32 v57, v23;
	[tilespmem:v40+s11+$0x0] =	vst.idx.add.f32.msk $0xffff, v11  }
0x1fd: {  	s28 =	simm.s32 $0x3E;
	s26 =	simm.s32 $0x0;
	v11 =	vmul.f32 v61, v28;
	[tilespmem:v60+s11+$0x0] =	vst.idx.add.f32.msk $0xffff, v13;
	v13 =	vmul.f32 v59, v32  }
.LBB2_21:
0x1fe: {  	s0 =	sadd.s32 $0xFFFFFFE4, s28;
	s2 =	sadd.s32 $0xFFFFFFFE, s28;
	v16 =	vmov s28;
	s26 =	sadd.s32 $0x10, s26;
	[tilespmem:v7+s11+$0x0] =	vst.idx.add.f32.msk $0xffff, v15  }
0x1ff: {  	s7 =	sadd.s32 $0xFFFFFFE8, s28;
	v7 =	vmov s0;
	s0 =	sadd.s32 $0xFFFFFFE6, s28;
	v15 =	vmov s2;
	v16 =	vshll.u32 v16, $0x3;
	p1 =	slt.u32 s26, $0x180;
	[tilespmem:v6+s11+$0x0] =	vst.idx.add.f32.msk $0xffff, v14  }
0x200: {  	v14 =	vmov s7;
	s2 =	sadd.s32 $0xFFFFFFEC, s28;
	s7 =	sadd.s32 $0xFFFFFFEE, s28;
	v6 =	vmov s0;
	s0 =	sadd.s32 $0xFFFFFFEA, s28;
	v15 =	vshll.u32 v15, $0x3;
	[tilespmem:v5+s11+$0x0] =	vst.idx.add.f32.msk $0xffff, v13  }
0x201: {  	s8 =	sadd.s32 $0xFFFFFFF4, s28;
	v13 =	vmov s2;
	s2 =	sadd.s32 $0xFFFFFFF2, s28;
	v5 =	vmov s0;
	s0 =	sadd.s32 $0xFFFFFFF0, s28;
	v15 =	vor.u32 v1, v15;
	[tilespmem:v4+s11+$0x0] =	vst.idx.add.f32.msk $0xffff, v12  }
0x202: {  	s29 =	sadd.s32 $0xFFFFFFFA, s28;
	v4 =	vmov s7;
	s7 =	sadd.s32 $0xFFFFFFF8, s28;
	v12 =	vmov s0;
	s0 =	sadd.s32 $0xFFFFFFF6, s28;
	v15 =	vor.u32 v2, v15;
	[tilespmem:v8+s11+$0x0] =	vst.idx.add.f32.msk $0xffff, v11  }
0x203: {  	s30 =	sadd.s32 $0xFFFFFFE2, s28;
	s23 =	sadd.s32 $0x100, s23;
	v8 =	vmov s2;
	v11 =	vmov s8;
	v17 =	vmov s0;
	s0 =	sadd.s32 $0xFFFFFFFC, s28;
	[tilespmem:v9+s11+$0x0] =	vst.idx.add.f32.msk $0xffff, v10  }
0x204: {  	v18 =	vmov s29;
	v9 =	vmov s30;
	v10 =	vmov s7;
	v19 =	vld [tilespmem:s23+$0xFFFFFFF0]  }
0x205: {  	v7 =	vshll.u32 v7, $0x3;
	v9 =	vshll.u32 v9, $0x3;
	v21 =	vmov s0;
	v20 =	vld [tilespmem:s23+$0xFFFFFF10]  }
0x206: {  	v14 =	vshll.u32 v14, $0x3;
	v6 =	vshll.u32 v6, $0x3;
	v5 =	vshll.u32 v5, $0x3;
	v22 =	vld [tilespmem:s23+$0xFFFFFF20]  }
0x207: {  	s25 =	sadd.s32 $0x100, s25;
	v13 =	vshll.u32 v13, $0x3;
	v4 =	vshll.u32 v4, $0x3;
	v12 =	vshll.u32 v12, $0x3;
	v15 =	vld.idx.msk [tilespmem:v15+s18+$0x0], $0xffff  }
0x208: {  	v8 =	vshll.u32 v8, $0x3;
	v11 =	vshll.u32 v11, $0x3;
	v17 =	vshll.u32 v17, $0x3;
	v23 =	vld [tilespmem:s25+$0xFFFFFFF0]  }
0x209: {  	v18 =	vshll.u32 v18, $0x3;
	v10 =	vshll.u32 v10, $0x3;
	v24 =	vld [tilespmem:s23+$0xFFFFFF30];
	v19 =	vshll.u32 v19, $0x3  }
0x20a: {  	v9 =	vor.u32 v1, v9;
	v21 =	vshll.u32 v21, $0x3;
	v25 =	vld [tilespmem:s23+$0xFFFFFF40];
	v19 =	vor.u32 v2, v19  }
0x20b: {  	v7 =	vor.u32 v1, v7;
	v14 =	vor.u32 v1, v14;
	v6 =	vor.u32 v1, v6;
	v26 =	vld [tilespmem:s23+$0xFFFFFF50]  }
0x20c: {  	v13 =	vor.u32 v1, v13;
	v5 =	vor.u32 v1, v5;
	v4 =	vor.u32 v1, v4;
	v27 =	vld [tilespmem:s23+$0xFFFFFF60]  }
0x20d: {  	v12 =	vor.u32 v1, v12;
	v8 =	vor.u32 v1, v8;
	v28 =	vld [tilespmem:s23+$0xFFFFFF70];
	v15 =	vmul.f32 v23, v15  }
0x20e: {  	v11 =	vor.u32 v1, v11;
	v17 =	vor.u32 v1, v17;
	v10 =	vor.u32 v1, v10;
	v23 =	vld [tilespmem:s23+$0xFFFFFF80]  }
0x20f: {  	v18 =	vor.u32 v1, v18;
	v21 =	vor.u32 v1, v21;
	v20 =	vshll.u32 v20, $0x3;
	[tilespmem:v19+s11+$0x0] =	vst.idx.add.f32.msk $0xffff, v15  }
0x210: {  	v16 =	vor.u32 v1, v16;
	v7 =	vor.u32 v2, v7;
	v9 =	vor.u32 v2, v9;
	v15 =	vld [tilespmem:s23+$0xFFFFFF90]  }
0x211: {  	v14 =	vor.u32 v2, v14;
	v6 =	vor.u32 v2, v6;
	v5 =	vor.u32 v2, v5;
	v19 =	vld [tilespmem:s23+$0xFFFFFFA0]  }
0x212: {  	v13 =	vor.u32 v2, v13;
	v4 =	vor.u32 v2, v4;
	v12 =	vor.u32 v2, v12;
	v29 =	vld [tilespmem:s23+$0xFFFFFFB0]  }
0x213: {  	v8 =	vor.u32 v2, v8;
	v11 =	vor.u32 v2, v11;
	v17 =	vor.u32 v2, v17;
	v30 =	vld [tilespmem:s23+$0xFFFFFFC0]  }
0x214: {  	v18 =	vor.u32 v2, v18;
	v10 =	vor.u32 v2, v10;
	v21 =	vor.u32 v2, v21;
	v31 =	vld [tilespmem:s23+$0xFFFFFFD0]  }
0x215: {  	v16 =	vor.u32 v2, v16;
	v22 =	vshll.u32 v22, $0x3;
	v24 =	vshll.u32 v24, $0x3;
	v9 =	vld.idx.msk [tilespmem:v9+s18+$0x0], $0xffff  }
0x216: {  	v32 =	vld.idx.msk [tilespmem:v7+s18+$0x0], $0xffff;
	v7 =	vshll.u32 v25, $0x3;
	v25 =	vshll.u32 v26, $0x3;
	v26 =	vshll.u32 v27, $0x3  }
0x217: {  	v23 =	vshll.u32 v23, $0x3;
	v15 =	vshll.u32 v15, $0x3;
	v27 =	vld.idx.msk [tilespmem:v6+s18+$0x0], $0xffff;
	v6 =	vshll.u32 v28, $0x3  }
0x218: {  	v19 =	vshll.u32 v19, $0x3;
	v28 =	vshll.u32 v29, $0x3;
	v14 =	vld.idx.msk [tilespmem:v14+s18+$0x0], $0xffff;
	v29 =	vshll.u32 v30, $0x3  }
0x219: {  	v20 =	vor.u32 v2, v20;
	v22 =	vor.u32 v2, v22;
	v30 =	vld.idx.msk [tilespmem:v5+s18+$0x0], $0xffff;
	v31 =	vshll.u32 v31, $0x3  }
0x21a: {  	v24 =	vor.u32 v2, v24;
	v33 =	vor.u32 v2, v7;
	v25 =	vor.u32 v2, v25;
	v13 =	vld.idx.msk [tilespmem:v13+s18+$0x0], $0xffff  }
0x21b: {  	v23 =	vor.u32 v2, v23;
	v26 =	vor.u32 v2, v26;
	v35 =	vor.u32 v2, v6;
	v34 =	vld.idx.msk [tilespmem:v4+s18+$0x0], $0xffff  }
0x21c: {  	v36 =	vor.u32 v2, v15;
	v7 =	vor.u32 v2, v19;
	v6 =	vor.u32 v2, v28;
	v12 =	vld.idx.msk [tilespmem:v12+s18+$0x0], $0xffff  }
0x21d: {  	v5 =	vor.u32 v2, v29;
	v4 =	vor.u32 v2, v31;
	v15 =	vld.idx.msk [tilespmem:v8+s18+$0x0], $0xffff  }
0x21e: {  	v11 =	vld.idx.msk [tilespmem:v11+s18+$0x0], $0xffff  }
0x21f: {  	v17 =	vld.idx.msk [tilespmem:v17+s18+$0x0], $0xffff  }
0x220: {  	v10 =	vld.idx.msk [tilespmem:v10+s18+$0x0], $0xffff  }
0x221: {  	v18 =	vld.idx.msk [tilespmem:v18+s18+$0x0], $0xffff  }
0x222: {  	v19 =	vld.idx.msk [tilespmem:v21+s18+$0x0], $0xffff  }
0x223: {  	v16 =	vld.idx.msk [tilespmem:v16+s18+$0x0], $0xffff  }
0x224: {  	v8 =	vld [tilespmem:s23+$0xFFFFFFE0]  }
0x225: {  	v21 =	vld [tilespmem:s23+$0x0]  }
0x226: {  	v28 =	vld [tilespmem:s25+$0xFFFFFF10]  }
0x227: {  	v29 =	vld [tilespmem:s25+$0xFFFFFF20]  }
0x228: {  	v31 =	vld [tilespmem:s25+$0xFFFFFF30]  }
0x229: {  	v37 =	vld [tilespmem:s25+$0xFFFFFF40];
	v8 =	vshll.u32 v8, $0x3  }
0x22a: {  	v38 =	vld [tilespmem:s25+$0xFFFFFF50];
	v8 =	vor.u32 v2, v8;
	v21 =	vshll.u32 v21, $0x3  }
0x22b: {  	v28 =	vmul.f32 v28, v9;
	v39 =	vld [tilespmem:s25+$0xFFFFFF60];
	v9 =	vor.u32 v2, v21  }
0x22c: {  	v21 =	vmul.f32 v29, v32;
	v29 =	vld [tilespmem:s25+$0xFFFFFF70]  }
0x22d: {  	v27 =	vmul.f32 v31, v27;
	v31 =	vld [tilespmem:s25+$0xFFFFFF80]  }
0x22e: {  	v32 =	vmul.f32 v37, v14;
	v14 =	vld [tilespmem:s25+$0xFFFFFF90]  }
0x22f: {  	v30 =	vmul.f32 v38, v30;
	v37 =	vld [tilespmem:s25+$0xFFFFFFA0]  }
0x230: {  	v38 =	vmul.f32 v39, v13;
	v13 =	vld [tilespmem:s25+$0xFFFFFFB0]  }
0x231: {  	v29 =	vmul.f32 v29, v34;
	v34 =	vld [tilespmem:s25+$0xFFFFFFC0]  }
0x232: {  	v31 =	vmul.f32 v31, v12;
	v12 =	vld [tilespmem:s25+$0xFFFFFFD0]  }
0x233: {  	v39 =	vmul.f32 v14, v15;
	v40 =	vld [tilespmem:s25+$0xFFFFFFE0]  }
0x234: {  	v15 =	vmul.f32 v37, v11;
	v37 =	vld [tilespmem:s25+$0x0]  }
0x235: {  	[tilespmem:v20+s11+$0x0] =	vst.idx.add.f32.msk $0xffff, v28;
	v14 =	vmul.f32 v13, v17  }
0x236: {  	[tilespmem:v22+s11+$0x0] =	vst.idx.add.f32.msk $0xffff, v21;
	v13 =	vmul.f32 v34, v10  }
0x237: {  	[tilespmem:v24+s11+$0x0] =	vst.idx.add.f32.msk $0xffff, v27;
	v12 =	vmul.f32 v12, v18  }
0x238: {  	[tilespmem:v33+s11+$0x0] =	vst.idx.add.f32.msk $0xffff, v32;
	v11 =	vmul.f32 v40, v19  }
.Ltmp11:
0x239: {  	[tilespmem:v25+s11+$0x0] =	vst.idx.add.f32.msk $0xffff, v30;
	v10 =	vmul.f32 v37, v16;
	(pc) =	sbr.rel @p1 .LBB2_21-.Ltmp11, $4  }
0x23a: {  	[tilespmem:v26+s11+$0x0] =	vst.idx.add.f32.msk $0xffff, v38  }
0x23b: {  	[tilespmem:v35+s11+$0x0] =	vst.idx.add.f32.msk $0xffff, v29  }
0x23c: {  	[tilespmem:v23+s11+$0x0] =	vst.idx.add.f32.msk $0xffff, v31  }
0x23d: {  	s28 =	sadd.s32 $0x20, s28;
	[tilespmem:v36+s11+$0x0] =	vst.idx.add.f32.msk $0xffff, v39  }
0x23e: {  	_ =	sdelay $0x3  }
0x23f: {  	[tilespmem:v7+s11+$0x0] =	vst.idx.add.f32.msk $0xffff, v15  }
.Ltmp12:
0x240: {  	[tilespmem:v6+s11+$0x0] =	vst.idx.add.f32.msk $0xffff, v14;
	(pc) =	sbr.rel @p0 .LBB2_24-.Ltmp12, $4  }
0x241: {  	[tilespmem:v5+s11+$0x0] =	vst.idx.add.f32.msk $0xffff, v13  }
0x242: {  	[tilespmem:v4+s11+$0x0] =	vst.idx.add.f32.msk $0xffff, v12  }
0x243: {  	[tilespmem:v8+s11+$0x0] =	vst.idx.add.f32.msk $0xffff, v11  }
0x244: {  	[tilespmem:v9+s11+$0x0] =	vst.idx.add.f32.msk $0xffff, v10  }
0x245: {  	s0 =	smul.u32 $0x320, s22  }
.Ltmp13:
0x246: {  	_ = 	snop;
	(pc) =	sbr.rel .LBB2_8-.Ltmp13, $4  }
0x247: {  	s7 =	simm.s32 $0x5780;
	s2 =	sadd.s32 s5, s0  }
0x248: {  	[tilespmem:s7], [sflag:$0x4] =	stream.linear.gather [hbm4b:s2+s1], $0x1900, $0x38;
	[tilespmem:$0x1DB00] =	vst v63  }
0x249: {  	s31 =	simm.s32 $0x8980;
	s21 =	sadd.s32 $0x1, s21;
	s0 =	sadd.s32 s6, s0  }
0x24a: {  	[tilespmem:s31], [sflag:$0x4] =	stream.linear.gather [hbm4b:s0+s1], $0x1900, $0x38;
	[tilespmem:$0x1DB00] =	vst v63  }
.LBB2_25:
0x24b: {  	_ =	sfence.sel $0x180000  }
0x24c: {  	[bflag:$0x0] =	sbarrier.arrive $0xFFFF  }
0x24d: {  	_ =	strace $0x90000047  }
0x24e: {  	s0 =	stileid.u32;
	[bflag:$0x2] =	sbarrier.arrive $0xFFFF  }
0x24f: {  	p0 =	sne.s32 s0, $0x0;
	s0 =	rddreg [dreg:$0x2]  }
0x250: {  	s0 =	sadd.s32 @!p0 $0x100000, s0  }
0x251: {  	[sflag:s0] =	ssyncadd.tile.s32 @!p0 $0x1;
	_ =	shalt  }
.Lfunc_end2:
_tile_overlayer_lowered:
.L_overlay_start_2:
0x252: {  	(tag) =	ssettag $0x2  }
0x253: {  	s0 =	rddreg [dreg:$0x0];
	s2 =	stileid.u32  }
0x254: {  	s1 =	rddreg [dreg:$0x1];
	p0 =	sne.s32 s2, $0x0  }
0x255: {  	s3 =	rddreg [dreg:$0x2];
	[bflag:$0x3] =	sbarrier.arrive $0xFFFF;
	s2 =	simm.s32 @!p0 $0x1C07  }
0x256: {  	[timem:s3], [sflag:s2] =	dma.local @!p0 [hbm:s0], s1  }
0x257: {  	s0 =	simm.s32 @!p0 $0x7  }
0x258: {  	_ =	swait.ge @!p0 [sflag:s0], s1  }
0x259: {  	s1 =	ssub.s32 @!p0 $0x0, s1;
	[sflag:s0] =	ssyncset.done @!p0 $0x0  }
0x25a: {  	[sflag:s0] =	ssyncadd.s32 @!p0 s1  }
0x25b: {  	[bflag:$0x3] =	sbarrier.arrive $0xFFFF  }
0x25c: {  	_ =	shalt  }

</sc_bundles>
